<compile_context>
chip_gen: v7x
topology: tpu7x:2x2x1
jax: 0.10.2.dev20260603
libtpu: 0.0.44.dev20260713+nightly
codegen_flags: <defaults>
</compile_context>

<pallas_src>
import functools

import jax
import jax.numpy as jnp
from jax import lax
from jax.experimental import pallas as pl
from jax.experimental.pallas import tpu as pltpu
from jax.experimental.pallas import tpu_sc as plsc

N = 10000
E = 320000
D = 128
H = 128

_INTERPRET = False

_NC = 2
_NS = 16
_NW = _NC * _NS

_K = 128
_G = 8
_NCH = 80
E_PAD = _NW * _K * _NCH
_NCHT = E_PAD // _K
N_PAD = 10112
_RPT = N_PAD // _NS

_mesh = plsc.VectorSubcoreMesh(core_axis_name="c", subcore_axis_name="s",
                               num_cores=_NC, num_subcores=_NS)


def _dot(a, b):
    return jnp.dot(a, b, preferred_element_type=jnp.float32)



def _deg_body(dst2_hbm, z128_hbm, ones_hbm, out0, out1, idx_d8, ones_v, dacc):
    cid = lax.axis_index("c")
    sid = lax.axis_index("s")
    wid = sid * _NC + cid
    r0 = sid * _RPT
    pltpu.sync_copy(z128_hbm.at[pl.ds(r0, _RPT)], dacc.at[pl.ds(r0, _RPT)])
    pltpu.sync_copy(ones_hbm, ones_v)
    plsc.subcore_barrier()
    cb = wid * _NCH

    def group(g, carry):
        ch = cb + g * _G
        pltpu.sync_copy(dst2_hbm.at[pl.ds(ch, _G)], idx_d8)
        for q in range(_G):
            pltpu.sync_copy(ones_v, dacc.at[idx_d8.at[q]], add=True)
        return carry

    lax.fori_loop(0, _NCH // _G, group, 0)
    plsc.subcore_barrier()

    @pl.when(cid == 0)
    def _():
        pltpu.sync_copy(dacc.at[pl.ds(r0, _RPT)], out0.at[pl.ds(r0, _RPT)])

    @pl.when(cid == 1)
    def _():
        pltpu.sync_copy(dacc.at[pl.ds(r0, _RPT)], out1.at[pl.ds(r0, _RPT)])


_deg_kernel = pl.kernel(
    _deg_body,
    out_type=(
        jax.ShapeDtypeStruct((N_PAD, H), jnp.float32),
        jax.ShapeDtypeStruct((N_PAD, H), jnp.float32),
    ),
    mesh=_mesh,
    scratch_types=[
        pltpu.VMEM((_G, _K), jnp.int32),
        pltpu.VMEM((_K, H), jnp.float32),
        pltpu.VMEM_SHARED((N_PAD, H), jnp.float32),
    ],
)



def _seg_body(hw_hbm, src2_hbm, dst1_hbm, z128_hbm, out0, out1,
              idx_s8, dst_a, dst_b, rows_a, rows_b, acc, sem_a, sem_b):
    cid = lax.axis_index("c")
    sid = lax.axis_index("s")
    wid = sid * _NC + cid
    r0 = sid * _RPT
    pltpu.sync_copy(z128_hbm.at[pl.ds(r0, _RPT)], acc.at[pl.ds(r0, _RPT)])
    plsc.subcore_barrier()
    cb = wid * _NCH
    rows = (rows_a, rows_b)
    dsts = (dst_a, dst_b)
    sems = (sem_a, sem_b)

    def group(g, carry):
        ch = cb + g * _G
        pltpu.sync_copy(src2_hbm.at[pl.ds(ch, _G)], idx_s8)
        descs = [None, None]
        descs[0] = pltpu.async_copy(hw_hbm.at[idx_s8.at[0]], rows[0], sems[0])
        for q in range(_G):
            cur = q & 1
            if q + 1 < _G:
                descs[1 - cur] = pltpu.async_copy(
                    hw_hbm.at[idx_s8.at[q + 1]], rows[1 - cur], sems[1 - cur])
            pltpu.sync_copy(dst1_hbm.at[pl.ds((ch + q) * _K, _K)], dsts[cur])
            descs[cur].wait()
            pltpu.sync_copy(rows[cur], acc.at[dsts[cur]], add=True)
        return carry

    lax.fori_loop(0, _NCH // _G, group, 0)
    plsc.subcore_barrier()

    @pl.when(cid == 0)
    def _():
        pltpu.sync_copy(acc.at[pl.ds(r0, _RPT)], out0.at[pl.ds(r0, _RPT)])

    @pl.when(cid == 1)
    def _():
        pltpu.sync_copy(acc.at[pl.ds(r0, _RPT)], out1.at[pl.ds(r0, _RPT)])


_seg_kernel = pl.kernel(
    _seg_body,
    out_type=(
        jax.ShapeDtypeStruct((N_PAD, H), jnp.float32),
        jax.ShapeDtypeStruct((N_PAD, H), jnp.float32),
    ),
    mesh=_mesh,
    scratch_types=[
        pltpu.VMEM((_G, _K), jnp.int32),
        pltpu.VMEM((_K,), jnp.int32),
        pltpu.VMEM((_K,), jnp.int32),
        pltpu.VMEM((_K, H), jnp.float32),
        pltpu.VMEM((_K, H), jnp.float32),
        pltpu.VMEM_SHARED((N_PAD, H), jnp.float32),
        pltpu.SemaphoreType.DMA,
        pltpu.SemaphoreType.DMA,
    ],
)



def _egather_body(t_hbm, i2_hbm, j2_hbm, ti_out, tj_out,
                  idx_i8, idx_j8, bi_a, bj_a, bi_b, bj_b, sem_a, sem_b):
    cid = lax.axis_index("c")
    sid = lax.axis_index("s")
    wid = sid * _NC + cid
    cb = wid * _NCH
    bi = (bi_a, bi_b)
    bj = (bj_a, bj_b)
    sems = (sem_a, sem_b)

    def group(g, carry):
        ch = cb + g * _G
        pltpu.sync_copy(i2_hbm.at[pl.ds(ch, _G)], idx_i8)
        pltpu.sync_copy(j2_hbm.at[pl.ds(ch, _G)], idx_j8)
        descs = [[None, None], [None, None]]
        descs[0][0] = pltpu.async_copy(t_hbm.at[idx_i8.at[0]], bi[0], sems[0])
        descs[0][1] = pltpu.async_copy(t_hbm.at[idx_j8.at[0]], bj[0], sems[0])
        for q in range(_G):
            cur = q & 1
            if q + 1 < _G:
                descs[1 - cur][0] = pltpu.async_copy(
                    t_hbm.at[idx_i8.at[q + 1]], bi[1 - cur], sems[1 - cur])
                descs[1 - cur][1] = pltpu.async_copy(
                    t_hbm.at[idx_j8.at[q + 1]], bj[1 - cur], sems[1 - cur])
            descs[cur][0].wait()
            descs[cur][1].wait()
            b = (ch + q) * _K
            pltpu.sync_copy(bi[cur], ti_out.at[pl.ds(b, _K)])
            pltpu.sync_copy(bj[cur], tj_out.at[pl.ds(b, _K)])
        return carry

    lax.fori_loop(0, _NCH // _G, group, 0)


_egather_kernel = pl.kernel(
    _egather_body,
    out_type=(
        jax.ShapeDtypeStruct((E_PAD, H), jnp.uint32),
        jax.ShapeDtypeStruct((E_PAD, H), jnp.uint32),
    ),
    mesh=_mesh,
    scratch_types=[
        pltpu.VMEM((_G, _K), jnp.int32),
        pltpu.VMEM((_G, _K), jnp.int32),
        pltpu.VMEM((_K, H), jnp.uint32),
        pltpu.VMEM((_K, H), jnp.uint32),
        pltpu.VMEM((_K, H), jnp.uint32),
        pltpu.VMEM((_K, H), jnp.uint32),
        pltpu.SemaphoreType.DMA,
        pltpu.SemaphoreType.DMA,
    ],
)



def _node_body(f_ref, wp1_ref, bp1_ref, wp2_ref, bp2_ref, winc_ref, winp_ref,
               bin_ref, ws_ref, bsn_ref, wn_ref,
               czp_ref, hs_ref, hw_ref):
    x = f_ref[...]
    n = x.shape[0]
    col = lax.broadcasted_iota(jnp.int32, (1, D), 1)
    mask = col < 3
    s1 = jnp.sum(x, axis=0, keepdims=True)
    s2 = jnp.sum(x * x, axis=0, keepdims=True)
    m = s1 / n
    var = (s2 - n * m * m) / (n - 1)
    std = jnp.sqrt(jnp.maximum(var, 0.0))
    rs = jnp.where(mask, 1.0 / (std + 1e-6), 0.0)
    mm = jnp.where(mask, m, 0.0)
    czf = (x - mm) * rs
    p1 = jax.nn.relu(_dot(x, wp1_ref[...]) + bp1_ref[...])
    p2 = jax.nn.relu(_dot(p1, wp2_ref[...]) + bp2_ref[...])
    h0 = jax.nn.relu(_dot(czf, winc_ref[...]) + _dot(p2, winp_ref[...])
                     + bin_ref[...])
    czp_ref[...] = czf[:, :16]
    hs_ref[...] = _dot(h0, ws_ref[...]) + bsn_ref[...]
    hw_ref[...] = _dot(h0, wn_ref[...])


def _node_stage(F_all, Wp1e, bp1, Wp2, bp2, Wince, Winp, b_in, Ws, bsn, Wn):
    return pl.pallas_call(
        _node_body,
        out_shape=(
            jax.ShapeDtypeStruct((N, 16), jnp.float32),
            jax.ShapeDtypeStruct((N, H), jnp.float32),
            jax.ShapeDtypeStruct((N, H), jnp.float32),
        ),
        interpret=_INTERPRET,
    )(F_all, Wp1e, bp1[None, :], Wp2, bp2[None, :], Wince, Winp,
      b_in[None, :], Ws, bsn[None, :], Wn)



def _comb_body(hs_ref, sega_ref, segb_ref, dega_ref, degb_ref,
               ws_ref, bsn_ref, wn_ref, hs2_ref, hw2_ref):
    d = dega_ref[:N] + degb_ref[:N]
    inv = 1.0 / jnp.maximum(d, 1.0)
    seg = sega_ref[:N] + segb_ref[:N]
    h = jax.nn.relu(hs_ref[...] + seg * inv)
    hs2_ref[...] = _dot(h, ws_ref[...]) + bsn_ref[...]
    hw2_ref[...] = _dot(h, wn_ref[...])


def _comb_stage(hs, sega, segb, dega, degb, Ws, bsn, Wn):
    return pl.pallas_call(
        _comb_body,
        out_shape=(
            jax.ShapeDtypeStruct((N, H), jnp.float32),
            jax.ShapeDtypeStruct((N, H), jnp.float32),
        ),
        interpret=_INTERPRET,
    )(hs, sega, segb, dega, degb, Ws, bsn[None, :], Wn)


def _comb_final_body(hs_ref, sega_ref, segb_ref, dega_ref, degb_ref,
                     czp_ref, t_ref):
    d = dega_ref[:N] + degb_ref[:N]
    inv = 1.0 / jnp.maximum(d, 1.0)
    seg = sega_ref[:N] + segb_ref[:N]
    h = jax.nn.relu(hs_ref[...] + seg * inv)
    hb = lax.bitcast_convert_type(h.astype(jnp.bfloat16), jnp.uint16)
    czx = jnp.concatenate(
        [czp_ref[...], jnp.zeros((N, H - 16), jnp.float32)], axis=1)
    cb = lax.bitcast_convert_type(czx.astype(jnp.bfloat16), jnp.uint16)
    t_ref[...] = hb.astype(jnp.uint32) | (cb.astype(jnp.uint32) << 16)


def _comb_final(hs, sega, segb, dega, degb, czp):
    return pl.pallas_call(
        _comb_final_body,
        out_shape=jax.ShapeDtypeStruct((N, H), jnp.uint32),
        interpret=_INTERPRET,
    )(hs, sega, segb, dega, degb, czp)



_EB = 2000


def _unpack(t):
    lo = lax.bitcast_convert_type(t << 16, jnp.float32)
    hi = lax.bitcast_convert_type(t & jnp.uint32(0xFFFF0000), jnp.float32)
    return lo, hi


def _edge_body(ti_ref, tj_ref, w1a_ref, w1b_ref, w1c_ref, w1d_ref,
               be1_ref, w2_ref, be2_ref, w3_ref, be3_ref, out_ref):
    bf16 = jnp.bfloat16
    hi, czi = _unpack(ti_ref[...])
    hj, czj = _unpack(tj_ref[...])
    ab = jnp.abs(hi - hj).astype(bf16)
    dz = (czi - czj).astype(bf16)
    x = (_dot(hi.astype(bf16), w1a_ref[...]) + _dot(hj.astype(bf16), w1b_ref[...])
         + _dot(ab, w1c_ref[...]) + _dot(dz, w1d_ref[...]))
    x = jax.nn.relu(x + be1_ref[...])
    x = jax.nn.relu(_dot(x.astype(bf16), w2_ref[...]) + be2_ref[...])
    out_ref[...] = jnp.sum(x * w3_ref[...], axis=1, keepdims=True) + be3_ref[...]


def _edge_stage(TI, TJ, W1a, W1b, W1c, W1de, be1, We2, be2, w3r, be3):
    grid = (E // _EB,)
    full = lambda shape: pl.BlockSpec(shape, lambda i: (0, 0))
    out = pl.pallas_call(
        _edge_body,
        grid=grid,
        in_specs=[
            pl.BlockSpec((_EB, H), lambda i: (i, 0)),
            pl.BlockSpec((_EB, H), lambda i: (i, 0)),
            full((H, 256)), full((H, 256)), full((H, 256)), full((H, 256)),
            full((1, 256)), full((256, 256)), full((1, 256)), full((1, 256)),
            full((1, 1)),
        ],
        out_specs=pl.BlockSpec((_EB, 1), lambda i: (i, 0)),
        out_shape=jax.ShapeDtypeStruct((E, 1), jnp.float32),
        interpret=_INTERPRET,
    )(TI, TJ, W1a, W1b, W1c, W1de, be1[None, :], We2, be2[None, :],
      w3r, be3.reshape(1, 1))
    return out



def kernel(F_all, edge_und, edge_dir, Wp1, bp1, Wp2, bp2, Win, b_in,
           Ws0, bs0, Wn0, bn0, Ws1, bs1, Wn1, bn1, Ws2, bs2, Wn2, bn2,
           We1, be1, We2, be2, We3, be3):
    f32 = jnp.float32
    bf16 = jnp.bfloat16
    Wp1e = jnp.pad(Wp1, ((3, 0), (0, 0)))
    Wince = jnp.pad(Win[:3], ((0, D - 3), (0, 0)))
    Winp = Win[3:]
    W1a = We1[:H].astype(bf16)
    W1b = We1[H:2 * H].astype(bf16)
    W1c = We1[2 * H:3 * H].astype(bf16)
    W1de = jnp.pad(We1[3 * H:], ((0, H - 3), (0, 0))).astype(bf16)
    We2b = We2.astype(bf16)
    w3r = We3[:, 0][None, :]

    src, dst = edge_dir[0], edge_dir[1]
    i, j = edge_und[0], edge_und[1]
    padz = jnp.zeros((E_PAD - E,), jnp.int32)
    srcp = jnp.concatenate([src, padz]).reshape(_NCHT, _K)
    dstp1 = jnp.concatenate([dst, jnp.full((E_PAD - E,), N, jnp.int32)])
    dstp = dstp1.reshape(_NCHT, _K)
    ip = jnp.concatenate([i, padz]).reshape(_NCHT, _K)
    jp = jnp.concatenate([j, padz]).reshape(_NCHT, _K)
    z128 = jnp.zeros((N_PAD, H), f32)
    ones128 = jnp.ones((_K, H), f32)

    czp, hs, hw = _node_stage(F_all, Wp1e, bp1, Wp2, bp2, Wince, Winp, b_in,
                              Ws0, bs0 + bn0, Wn0)

    dega, degb = _deg_kernel(dstp, z128, ones128)
    sega, segb = _seg_kernel(hw, srcp, dstp1, z128)
    hs, hw = _comb_stage(hs, sega, segb, dega, degb, Ws1, bs1 + bn1, Wn1)
    sega, segb = _seg_kernel(hw, srcp, dstp1, z128)
    hs, hw = _comb_stage(hs, sega, segb, dega, degb, Ws2, bs2 + bn2, Wn2)
    sega, segb = _seg_kernel(hw, srcp, dstp1, z128)
    T = _comb_final(hs, sega, segb, dega, degb, czp)

    TI, TJ = _egather_kernel(T, ip, jp)
    logits = _edge_stage(TI, TJ, W1a, W1b, W1c, W1de, be1, We2b, be2, w3r, be3)
    return logits.reshape(-1)

# --- scband reference (transcript-rebuilt; emitter-appended) ---
"""Pipeline reference for scband-simple-adj-gnn-69071664054876 (READ-ONLY COPY).

The authoritative reference and input builder live on the scoring server;
editing this copy changes nothing except your own understanding.
"""

import jax, jax.numpy as jnp
import numpy as np

N, E, D, H = 10000, 320000, 128, 128
PATCH = 125


def setup_inputs(seed: int = 0):
    key = jax.random.key(seed)
    ks = jax.random.split(key, 32)

    def w(k, shape):
        return jax.random.normal(k, shape, dtype=jnp.float32) * 0.02

    inp = {}
    inp["F_all"] = jax.random.normal(ks[0], (N, D), dtype=jnp.float32)
    inp["edge_und"] = jax.random.randint(ks[1], (2, E), 0, N, dtype=jnp.int32)
    inp["edge_dir"] = jax.random.randint(ks[2], (2, E), 0, N, dtype=jnp.int32)
    # PatchMLP: Linear(125,256) -> ReLU -> Linear(256,64) -> ReLU
    inp["Wp1"] = w(ks[3], (PATCH, 256)); inp["bp1"] = jnp.zeros((256,), jnp.float32)
    inp["Wp2"] = w(ks[4], (256, 64)); inp["bp2"] = jnp.zeros((64,), jnp.float32)
    # in_proj: Linear(3+64, H) -> ReLU
    inp["Win"] = w(ks[5], (67, H)); inp["b_in"] = jnp.zeros((H,), jnp.float32)
    # 3 GraphSAGE layers: lin_self, lin_nei each Linear(H,H)
    inp["Ws0"] = w(ks[6], (H, H)); inp["bs0"] = jnp.zeros((H,), jnp.float32)
    inp["Wn0"] = w(ks[7], (H, H)); inp["bn0"] = jnp.zeros((H,), jnp.float32)
    inp["Ws1"] = w(ks[8], (H, H)); inp["bs1"] = jnp.zeros((H,), jnp.float32)
    inp["Wn1"] = w(ks[9], (H, H)); inp["bn1"] = jnp.zeros((H,), jnp.float32)
    inp["Ws2"] = w(ks[10], (H, H)); inp["bs2"] = jnp.zeros((H,), jnp.float32)
    inp["Wn2"] = w(ks[11], (H, H)); inp["bn2"] = jnp.zeros((H,), jnp.float32)
    # EdgeMLP: Linear(3H+3,256) -> ReLU -> Linear(256,256) -> ReLU -> Linear(256,1)
    inp["We1"] = w(ks[12], (3 * H + 3, 256)); inp["be1"] = jnp.zeros((256,), jnp.float32)
    inp["We2"] = w(ks[13], (256, 256)); inp["be2"] = jnp.zeros((256,), jnp.float32)
    inp["We3"] = w(ks[14], (256, 1)); inp["be3"] = jnp.zeros((1,), jnp.float32)
    return inp


def _zscore(coords, eps=1e-6):
    m = jnp.mean(coords, axis=0, keepdims=True)
    s = jnp.std(coords, axis=0, keepdims=True, ddof=1)
    return (coords - m) / (s + eps)


def _sage(h, src, dst, Ws, bs, Wn, bn):
    n = h.shape[0]
    msg = h[src]
    agg = jnp.zeros_like(h).at[dst].add(msg)
    deg = jnp.zeros((n,), h.dtype).at[dst].add(jnp.ones((dst.shape[0],), h.dtype))
    agg = agg / jnp.maximum(deg, 1.0)[:, None]
    return jax.nn.relu(h @ Ws + bs + agg @ Wn + bn)


def reference(F_all, edge_und, edge_dir, Wp1, bp1, Wp2, bp2, Win, b_in,
              Ws0, bs0, Wn0, bn0, Ws1, bs1, Wn1, bn1, Ws2, bs2, Wn2, bn2,
              We1, be1, We2, be2, We3, be3):
    coords = F_all[:, :3]
    coords_z = _zscore(coords)
    patch = jax.nn.relu(F_all[:, 3:] @ Wp1 + bp1)
    patch = jax.nn.relu(patch @ Wp2 + bp2)
    h = jax.nn.relu(jnp.concatenate([coords_z, patch], axis=1) @ Win + b_in)
    src, dst = edge_dir[0], edge_dir[1]
    h = _sage(h, src, dst, Ws0, bs0, Wn0, bn0)
    h = _sage(h, src, dst, Ws1, bs1, Wn1, bn1)
    h = _sage(h, src, dst, Ws2, bs2, Wn2, bn2)
    i, j = edge_und[0], edge_und[1]
    hi, hj = h[i], h[j]
    delta = coords_z[i] - coords_z[j]
    feats = jnp.concatenate([hi, hj, jnp.abs(hi - hj), delta], axis=1)
    x = jax.nn.relu(feats @ We1 + be1)
    x = jax.nn.relu(x @ We2 + be2)
    logits = (x @ We3 + be3).reshape(-1)
    return logits

if __name__ == "__main__":
    import jax
    _d = setup_inputs()
    print(jax.jit(kernel)(*tuple(_d.values())))

</pallas_src>

<mosaic_0001>
#map = affine_map<(d0, d1) -> (0, 0)>
#map1 = affine_map<(d0, d1) -> (0)>
module attributes {stable_mosaic.version = 14 : i64} {
  func.func @_seg_body(%arg0: i32, %arg1: i32, %arg2: memref<10000x128xf32, #tpu.memory_space<hbm>>, %arg3: memref<2560x128xi32, #tpu.memory_space<hbm>>, %arg4: memref<327680xi32, #tpu.memory_space<hbm>>, %arg5: memref<10112x128xf32, #tpu.memory_space<hbm>>, %arg6: memref<10112x128xf32, #tpu.memory_space<hbm>>, %arg7: memref<10112x128xf32, #tpu.memory_space<hbm>>, %arg8: memref<8x128xi32, #tpu.memory_space<vmem>>, %arg9: memref<128xi32, #tpu.memory_space<vmem>>, %arg10: memref<128xi32, #tpu.memory_space<vmem>>, %arg11: memref<128x128xf32, #tpu.memory_space<vmem>>, %arg12: memref<128x128xf32, #tpu.memory_space<vmem>>, %arg13: memref<10112x128xf32, #tpu.memory_space<vmem_shared>>, %arg14: memref<!tpu.dma_semaphore, #tpu.memory_space<semaphore_mem>>, %arg15: memref<!tpu.dma_semaphore, #tpu.memory_space<semaphore_mem>>) attributes {dimension_semantics = [#tpu.dimension_semantics<core_parallel>, #tpu.dimension_semantics<subcore_parallel>], iteration_bounds = array<i64: 2, 16>, scalar_prefetch = 0 : i64, scratch_operands = 8 : i64, tpu.core_type = #tpu.core_type<sc_vector_subcore>, window_params = [{transform_indices = #map}, {transform_indices = #map}, {transform_indices = #map1}, {transform_indices = #map}, {transform_indices = #map}, {transform_indices = #map}]} {
    %mul3A = arith.constant 2 : i32
    %mul3A_0 = arith.muli %arg1, %mul3A : i32
    %add3A = arith.addi %mul3A_0, %arg0 : i32
    %mul3A_1 = arith.constant 632 : i32
    %mul3A_2 = arith.muli %arg1, %mul3A_1 : i32
    "tpu.region"() ({
      %run_scoped3A = tpu.sem_alloc : memref<!tpu.dma_semaphore, #tpu.memory_space<semaphore_mem>>
      %dma_start3A = arith.constant 0 : i32
      %dma_start3A_18 = tpu.memref_slice %arg13[%mul3A_2, %dma_start3A] : memref<10112x128xf32, #tpu.memory_space<vmem_shared>> -> memref<632x128xf32, #tpu.memory_space<vmem_shared>>
      %dma_start3A_19 = arith.constant 0 : i32
      %dma_start3A_20 = tpu.memref_slice %arg5[%mul3A_2, %dma_start3A_19] : memref<10112x128xf32, #tpu.memory_space<hbm>> -> memref<632x128xf32, #tpu.memory_space<hbm>>
      tpu.enqueue_dma source(%dma_start3A_20 : memref<632x128xf32, #tpu.memory_space<hbm>>) target(%dma_start3A_18 : memref<632x128xf32, #tpu.memory_space<vmem_shared>>) target_semaphore(%run_scoped3A : memref<!tpu.dma_semaphore, #tpu.memory_space<semaphore_mem>>)
      %dma_wait3A = arith.constant 0 : i32
      %dma_wait3A_21 = tpu.memref_slice %arg13[%mul3A_2, %dma_wait3A] : memref<10112x128xf32, #tpu.memory_space<vmem_shared>> -> memref<632x128xf32, #tpu.memory_space<vmem_shared>>
      %dma_wait3A_22 = arith.constant 0 : i32
      %dma_wait3A_23 = tpu.memref_slice %arg5[%mul3A_2, %dma_wait3A_22] : memref<10112x128xf32, #tpu.memory_space<hbm>> -> memref<632x128xf32, #tpu.memory_space<hbm>>
      tpu.wait_dma2 semaphore(%run_scoped3A : memref<!tpu.dma_semaphore, #tpu.memory_space<semaphore_mem>>) src(%dma_wait3A_23 : memref<632x128xf32, #tpu.memory_space<hbm>>) dst(%dma_wait3A_21 : memref<632x128xf32, #tpu.memory_space<vmem_shared>>)
      tpu.yield
    }) : () -> ()
    %barrier3A = arith.constant 0 : index
    tpu.barrier barrier_id(%barrier3A)
    %mul3A_3 = arith.constant 80 : i32
    %mul3A_4 = arith.muli %add3A, %mul3A_3 : i32
    %scan3A = arith.constant 0 : i32
    %scan3A_5 = arith.constant 0 : i32
    %scan3A_6 = arith.constant 10 : i32
    %scan3A_7 = arith.addi %scan3A_5, %scan3A_6 : i32
    %scan3A_8 = arith.constant 1 : i32
    scf.for %scan3A_18 = %scan3A_5 to %scan3A_7 step %scan3A_8  : i32 {
      %mul3A_19 = arith.constant 8 : i32
      %mul3A_20 = arith.muli %scan3A_18, %mul3A_19 : i32
      %add3A_21 = arith.addi %mul3A_4, %mul3A_20 : i32
      "tpu.region"() ({
        %run_scoped3A = tpu.sem_alloc : memref<!tpu.dma_semaphore, #tpu.memory_space<semaphore_mem>>
        %dma_start3A_164 = arith.constant 0 : i32
        %dma_start3A_165 = tpu.memref_slice %arg3[%add3A_21, %dma_start3A_164] : memref<2560x128xi32, #tpu.memory_space<hbm>> -> memref<8x128xi32, #tpu.memory_space<hbm>>
        %dma_start3A_166 = arith.constant 0 : i32
        %dma_start3A_167 = tpu.memref_slice %arg3[%add3A_21, %dma_start3A_166] : memref<2560x128xi32, #tpu.memory_space<hbm>> -> memref<8x128xi32, #tpu.memory_space<hbm>>
        tpu.enqueue_dma source(%dma_start3A_167 : memref<8x128xi32, #tpu.memory_space<hbm>>) target(%arg8 : memref<8x128xi32, #tpu.memory_space<vmem>>) target_semaphore(%run_scoped3A : memref<!tpu.dma_semaphore, #tpu.memory_space<semaphore_mem>>)
        %dma_wait3A_168 = arith.constant 0 : i32
        %dma_wait3A_169 = tpu.memref_slice %arg3[%add3A_21, %dma_wait3A_168] : memref<2560x128xi32, #tpu.memory_space<hbm>> -> memref<8x128xi32, #tpu.memory_space<hbm>>
        %dma_wait3A_170 = arith.constant 0 : i32
        %dma_wait3A_171 = tpu.memref_slice %arg3[%add3A_21, %dma_wait3A_170] : memref<2560x128xi32, #tpu.memory_space<hbm>> -> memref<8x128xi32, #tpu.memory_space<hbm>>
        tpu.wait_dma2 semaphore(%run_scoped3A : memref<!tpu.dma_semaphore, #tpu.memory_space<semaphore_mem>>) src(%dma_wait3A_171 : memref<8x128xi32, #tpu.memory_space<hbm>>) dst(%arg8 : memref<8x128xi32, #tpu.memory_space<vmem>>)
        tpu.yield
      }) : () -> ()
      %dma_start3A = arith.constant 0 : i32
      %dma_start3A_22 = arith.constant 0 : i32
      %dma_start3A_23 = tpu.memref_slice %arg8[%dma_start3A, %dma_start3A_22] : memref<8x128xi32, #tpu.memory_space<vmem>> -> memref<1x128xi32, #tpu.memory_space<vmem>>
      %dma_start3A_24 = tpu.memref_squeeze %dma_start3A_23 : memref<1x128xi32, #tpu.memory_space<vmem>> -> memref<128xi32, #tpu.memory_space<vmem>>
      %dma_start3A_25 = arith.constant 0 : i32
      %dma_start3A_26 = arith.constant 0 : i32
      %dma_start3A_27 = tpu.memref_slice %arg2[%dma_start3A_25, %dma_start3A_26] : memref<10000x128xf32, #tpu.memory_space<hbm>> -> memref<10000x128xf32, #tpu.memory_space<hbm>>
      tpu.enqueue_indirect_dma source(%dma_start3A_27 : memref<10000x128xf32, #tpu.memory_space<hbm>>) target(%arg11 : memref<128x128xf32, #tpu.memory_space<vmem>>) offsets(%dma_start3A_24 : memref<128xi32, #tpu.memory_space<vmem>>) semaphore(%arg14 : memref<!tpu.dma_semaphore, #tpu.memory_space<semaphore_mem>>)
      %dma_start3A_28 = arith.constant 1 : i32
      %dma_start3A_29 = arith.constant 0 : i32
      %dma_start3A_30 = tpu.memref_slice %arg8[%dma_start3A_28, %dma_start3A_29] : memref<8x128xi32, #tpu.memory_space<vmem>> -> memref<1x128xi32, #tpu.memory_space<vmem>>
      %dma_start3A_31 = tpu.memref_squeeze %dma_start3A_30 : memref<1x128xi32, #tpu.memory_space<vmem>> -> memref<128xi32, #tpu.memory_space<vmem>>
      %dma_start3A_32 = arith.constant 0 : i32
      %dma_start3A_33 = arith.constant 0 : i32
      %dma_start3A_34 = tpu.memref_slice %arg2[%dma_start3A_32, %dma_start3A_33] : memref<10000x128xf32, #tpu.memory_space<hbm>> -> memref<10000x128xf32, #tpu.memory_space<hbm>>
      tpu.enqueue_indirect_dma source(%dma_start3A_34 : memref<10000x128xf32, #tpu.memory_space<hbm>>) target(%arg12 : memref<128x128xf32, #tpu.memory_space<vmem>>) offsets(%dma_start3A_31 : memref<128xi32, #tpu.memory_space<vmem>>) semaphore(%arg15 : memref<!tpu.dma_semaphore, #tpu.memory_space<semaphore_mem>>)
      %add3A_35 = arith.constant 0 : i32
      %add3A_36 = arith.addi %add3A_21, %add3A_35 : i32
      %mul3A_37 = arith.constant 128 : i32
      %mul3A_38 = arith.muli %add3A_36, %mul3A_37 : i32
      "tpu.region"() ({
        %run_scoped3A = tpu.sem_alloc : memref<!tpu.dma_semaphore, #tpu.memory_space<semaphore_mem>>
        %dma_start3A_164 = tpu.memref_slice %arg4[%mul3A_38] : memref<327680xi32, #tpu.memory_space<hbm>> -> memref<128xi32, #tpu.memory_space<hbm>>
        %dma_start3A_165 = tpu.memref_slice %arg4[%mul3A_38] : memref<327680xi32, #tpu.memory_space<hbm>> -> memref<128xi32, #tpu.memory_space<hbm>>
        tpu.enqueue_dma source(%dma_start3A_165 : memref<128xi32, #tpu.memory_space<hbm>>) target(%arg9 : memref<128xi32, #tpu.memory_space<vmem>>) target_semaphore(%run_scoped3A : memref<!tpu.dma_semaphore, #tpu.memory_space<semaphore_mem>>)
        %dma_wait3A_166 = tpu.memref_slice %arg4[%mul3A_38] : memref<327680xi32, #tpu.memory_space<hbm>> -> memref<128xi32, #tpu.memory_space<hbm>>
        %dma_wait3A_167 = tpu.memref_slice %arg4[%mul3A_38] : memref<327680xi32, #tpu.memory_space<hbm>> -> memref<128xi32, #tpu.memory_space<hbm>>
        tpu.wait_dma2 semaphore(%run_scoped3A : memref<!tpu.dma_semaphore, #tpu.memory_space<semaphore_mem>>) src(%dma_wait3A_167 : memref<128xi32, #tpu.memory_space<hbm>>) dst(%arg9 : memref<128xi32, #tpu.memory_space<vmem>>)
        tpu.yield
      }) : () -> ()
      %dma_wait3A = arith.constant 0 : i32
      %dma_wait3A_39 = arith.constant 0 : i32
      %dma_wait3A_40 = tpu.memref_slice %arg8[%dma_wait3A, %dma_wait3A_39] : memref<8x128xi32, #tpu.memory_space<vmem>> -> memref<1x128xi32, #tpu.memory_space<vmem>>
      %dma_wait3A_41 = tpu.memref_squeeze %dma_wait3A_40 : memref<1x128xi32, #tpu.memory_space<vmem>> -> memref<128xi32, #tpu.memory_space<vmem>>
      %dma_wait3A_42 = arith.constant 0 : i32
      %dma_wait3A_43 = arith.constant 0 : i32
      %dma_wait3A_44 = tpu.memref_slice %arg2[%dma_wait3A_42, %dma_wait3A_43] : memref<10000x128xf32, #tpu.memory_space<hbm>> -> memref<10000x128xf32, #tpu.memory_space<hbm>>
      tpu.wait_indirect_dma semaphore(%arg14 : memref<!tpu.dma_semaphore, #tpu.memory_space<semaphore_mem>>) src(%dma_wait3A_44 : memref<10000x128xf32, #tpu.memory_space<hbm>>) dst(%arg11 : memref<128x128xf32, #tpu.memory_space<vmem>>)
      "tpu.region"() ({
        %run_scoped3A = tpu.sem_alloc : memref<!tpu.dma_semaphore, #tpu.memory_space<semaphore_mem>>
        %dma_start3A_164 = arith.constant 0 : i32
        %dma_start3A_165 = arith.constant 0 : i32
        %dma_start3A_166 = tpu.memref_slice %arg13[%dma_start3A_164, %dma_start3A_165] : memref<10112x128xf32, #tpu.memory_space<vmem_shared>> -> memref<10112x128xf32, #tpu.memory_space<vmem_shared>>
        tpu.enqueue_indirect_dma source(%arg11 : memref<128x128xf32, #tpu.memory_space<vmem>>) target(%dma_start3A_166 : memref<10112x128xf32, #tpu.memory_space<vmem_shared>>) offsets(%arg9 : memref<128xi32, #tpu.memory_space<vmem>>) semaphore(%run_scoped3A : memref<!tpu.dma_semaphore, #tpu.memory_space<semaphore_mem>>) {add = true}
        %dma_wait3A_167 = arith.constant 0 : i32
        %dma_wait3A_168 = arith.constant 0 : i32
        %dma_wait3A_169 = tpu.memref_slice %arg13[%dma_wait3A_167, %dma_wait3A_168] : memref<10112x128xf32, #tpu.memory_space<vmem_shared>> -> memref<10112x128xf32, #tpu.memory_space<vmem_shared>>
        tpu.wait_indirect_dma semaphore(%run_scoped3A : memref<!tpu.dma_semaphore, #tpu.memory_space<semaphore_mem>>) src(%arg11 : memref<128x128xf32, #tpu.memory_space<vmem>>) dst(%dma_wait3A_169 : memref<10112x128xf32, #tpu.memory_space<vmem_shared>>)
        tpu.yield
      }) : () -> ()
      %dma_start3A_45 = arith.constant 2 : i32
      %dma_start3A_46 = arith.constant 0 : i32
      %dma_start3A_47 = tpu.memref_slice %arg8[%dma_start3A_45, %dma_start3A_46] : memref<8x128xi32, #tpu.memory_space<vmem>> -> memref<1x128xi32, #tpu.memory_space<vmem>>
      %dma_start3A_48 = tpu.memref_squeeze %dma_start3A_47 : memref<1x128xi32, #tpu.memory_space<vmem>> -> memref<128xi32, #tpu.memory_space<vmem>>
      %dma_start3A_49 = arith.constant 0 : i32
      %dma_start3A_50 = arith.constant 0 : i32
      %dma_start3A_51 = tpu.memref_slice %arg2[%dma_start3A_49, %dma_start3A_50] : memref<10000x128xf32, #tpu.memory_space<hbm>> -> memref<10000x128xf32, #tpu.memory_space<hbm>>
      tpu.enqueue_indirect_dma source(%dma_start3A_51 : memref<10000x128xf32, #tpu.memory_space<hbm>>) target(%arg11 : memref<128x128xf32, #tpu.memory_space<vmem>>) offsets(%dma_start3A_48 : memref<128xi32, #tpu.memory_space<vmem>>) semaphore(%arg14 : memref<!tpu.dma_semaphore, #tpu.memory_space<semaphore_mem>>)
      %add3A_52 = arith.constant 1 : i32
      %add3A_53 = arith.addi %add3A_21, %add3A_52 : i32
      %mul3A_54 = arith.constant 128 : i32
      %mul3A_55 = arith.muli %add3A_53, %mul3A_54 : i32
      "tpu.region"() ({
        %run_scoped3A = tpu.sem_alloc : memref<!tpu.dma_semaphore, #tpu.memory_space<semaphore_mem>>
        %dma_start3A_164 = tpu.memref_slice %arg4[%mul3A_55] : memref<327680xi32, #tpu.memory_space<hbm>> -> memref<128xi32, #tpu.memory_space<hbm>>
        %dma_start3A_165 = tpu.memref_slice %arg4[%mul3A_55] : memref<327680xi32, #tpu.memory_space<hbm>> -> memref<128xi32, #tpu.memory_space<hbm>>
        tpu.enqueue_dma source(%dma_start3A_165 : memref<128xi32, #tpu.memory_space<hbm>>) target(%arg10 : memref<128xi32, #tpu.memory_space<vmem>>) target_semaphore(%run_scoped3A : memref<!tpu.dma_semaphore, #tpu.memory_space<semaphore_mem>>)
        %dma_wait3A_166 = tpu.memref_slice %arg4[%mul3A_55] : memref<327680xi32, #tpu.memory_space<hbm>> -> memref<128xi32, #tpu.memory_space<hbm>>
        %dma_wait3A_167 = tpu.memref_slice %arg4[%mul3A_55] : memref<327680xi32, #tpu.memory_space<hbm>> -> memref<128xi32, #tpu.memory_space<hbm>>
        tpu.wait_dma2 semaphore(%run_scoped3A : memref<!tpu.dma_semaphore, #tpu.memory_space<semaphore_mem>>) src(%dma_wait3A_167 : memref<128xi32, #tpu.memory_space<hbm>>) dst(%arg10 : memref<128xi32, #tpu.memory_space<vmem>>)
        tpu.yield
      }) : () -> ()
      %dma_wait3A_56 = arith.constant 1 : i32
      %dma_wait3A_57 = arith.constant 0 : i32
      %dma_wait3A_58 = tpu.memref_slice %arg8[%dma_wait3A_56, %dma_wait3A_57] : memref<8x128xi32, #tpu.memory_space<vmem>> -> memref<1x128xi32, #tpu.memory_space<vmem>>
      %dma_wait3A_59 = tpu.memref_squeeze %dma_wait3A_58 : memref<1x128xi32, #tpu.memory_space<vmem>> -> memref<128xi32, #tpu.memory_space<vmem>>
      %dma_wait3A_60 = arith.constant 0 : i32
      %dma_wait3A_61 = arith.constant 0 : i32
      %dma_wait3A_62 = tpu.memref_slice %arg2[%dma_wait3A_60, %dma_wait3A_61] : memref<10000x128xf32, #tpu.memory_space<hbm>> -> memref<10000x128xf32, #tpu.memory_space<hbm>>
      tpu.wait_indirect_dma semaphore(%arg15 : memref<!tpu.dma_semaphore, #tpu.memory_space<semaphore_mem>>) src(%dma_wait3A_62 : memref<10000x128xf32, #tpu.memory_space<hbm>>) dst(%arg12 : memref<128x128xf32, #tpu.memory_space<vmem>>)
      "tpu.region"() ({
        %run_scoped3A = tpu.sem_alloc : memref<!tpu.dma_semaphore, #tpu.memory_space<semaphore_mem>>
        %dma_start3A_164 = arith.constant 0 : i32
        %dma_start3A_165 = arith.constant 0 : i32
        %dma_start3A_166 = tpu.memref_slice %arg13[%dma_start3A_164, %dma_start3A_165] : memref<10112x128xf32, #tpu.memory_space<vmem_shared>> -> memref<10112x128xf32, #tpu.memory_space<vmem_shared>>
        tpu.enqueue_indirect_dma source(%arg12 : memref<128x128xf32, #tpu.memory_space<vmem>>) target(%dma_start3A_166 : memref<10112x128xf32, #tpu.memory_space<vmem_shared>>) offsets(%arg10 : memref<128xi32, #tpu.memory_space<vmem>>) semaphore(%run_scoped3A : memref<!tpu.dma_semaphore, #tpu.memory_space<semaphore_mem>>) {add = true}
        %dma_wait3A_167 = arith.constant 0 : i32
        %dma_wait3A_168 = arith.constant 0 : i32
        %dma_wait3A_169 = tpu.memref_slice %arg13[%dma_wait3A_167, %dma_wait3A_168] : memref<10112x128xf32, #tpu.memory_space<vmem_shared>> -> memref<10112x128xf32, #tpu.memory_space<vmem_shared>>
        tpu.wait_indirect_dma semaphore(%run_scoped3A : memref<!tpu.dma_semaphore, #tpu.memory_space<semaphore_mem>>) src(%arg12 : memref<128x128xf32, #tpu.memory_space<vmem>>) dst(%dma_wait3A_169 : memref<10112x128xf32, #tpu.memory_space<vmem_shared>>)
        tpu.yield
      }) : () -> ()
      %dma_start3A_63 = arith.constant 3 : i32
      %dma_start3A_64 = arith.constant 0 : i32
      %dma_start3A_65 = tpu.memref_slice %arg8[%dma_start3A_63, %dma_start3A_64] : memref<8x128xi32, #tpu.memory_space<vmem>> -> memref<1x128xi32, #tpu.memory_space<vmem>>
      %dma_start3A_66 = tpu.memref_squeeze %dma_start3A_65 : memref<1x128xi32, #tpu.memory_space<vmem>> -> memref<128xi32, #tpu.memory_space<vmem>>
      %dma_start3A_67 = arith.constant 0 : i32
      %dma_start3A_68 = arith.constant 0 : i32
      %dma_start3A_69 = tpu.memref_slice %arg2[%dma_start3A_67, %dma_start3A_68] : memref<10000x128xf32, #tpu.memory_space<hbm>> -> memref<10000x128xf32, #tpu.memory_space<hbm>>
      tpu.enqueue_indirect_dma source(%dma_start3A_69 : memref<10000x128xf32, #tpu.memory_space<hbm>>) target(%arg12 : memref<128x128xf32, #tpu.memory_space<vmem>>) offsets(%dma_start3A_66 : memref<128xi32, #tpu.memory_space<vmem>>) semaphore(%arg15 : memref<!tpu.dma_semaphore, #tpu.memory_space<semaphore_mem>>)
      %add3A_70 = arith.constant 2 : i32
      %add3A_71 = arith.addi %add3A_21, %add3A_70 : i32
      %mul3A_72 = arith.constant 128 : i32
      %mul3A_73 = arith.muli %add3A_71, %mul3A_72 : i32
      "tpu.region"() ({
        %run_scoped3A = tpu.sem_alloc : memref<!tpu.dma_semaphore, #tpu.memory_space<semaphore_mem>>
        %dma_start3A_164 = tpu.memref_slice %arg4[%mul3A_73] : memref<327680xi32, #tpu.memory_space<hbm>> -> memref<128xi32, #tpu.memory_space<hbm>>
        %dma_start3A_165 = tpu.memref_slice %arg4[%mul3A_73] : memref<327680xi32, #tpu.memory_space<hbm>> -> memref<128xi32, #tpu.memory_space<hbm>>
        tpu.enqueue_dma source(%dma_start3A_165 : memref<128xi32, #tpu.memory_space<hbm>>) target(%arg9 : memref<128xi32, #tpu.memory_space<vmem>>) target_semaphore(%run_scoped3A : memref<!tpu.dma_semaphore, #tpu.memory_space<semaphore_mem>>)
        %dma_wait3A_166 = tpu.memref_slice %arg4[%mul3A_73] : memref<327680xi32, #tpu.memory_space<hbm>> -> memref<128xi32, #tpu.memory_space<hbm>>
        %dma_wait3A_167 = tpu.memref_slice %arg4[%mul3A_73] : memref<327680xi32, #tpu.memory_space<hbm>> -> memref<128xi32, #tpu.memory_space<hbm>>
        tpu.wait_dma2 semaphore(%run_scoped3A : memref<!tpu.dma_semaphore, #tpu.memory_space<semaphore_mem>>) src(%dma_wait3A_167 : memref<128xi32, #tpu.memory_space<hbm>>) dst(%arg9 : memref<128xi32, #tpu.memory_space<vmem>>)
        tpu.yield
      }) : () -> ()
      %dma_wait3A_74 = arith.constant 2 : i32
      %dma_wait3A_75 = arith.constant 0 : i32
      %dma_wait3A_76 = tpu.memref_slice %arg8[%dma_wait3A_74, %dma_wait3A_75] : memref<8x128xi32, #tpu.memory_space<vmem>> -> memref<1x128xi32, #tpu.memory_space<vmem>>
      %dma_wait3A_77 = tpu.memref_squeeze %dma_wait3A_76 : memref<1x128xi32, #tpu.memory_space<vmem>> -> memref<128xi32, #tpu.memory_space<vmem>>
      %dma_wait3A_78 = arith.constant 0 : i32
      %dma_wait3A_79 = arith.constant 0 : i32
      %dma_wait3A_80 = tpu.memref_slice %arg2[%dma_wait3A_78, %dma_wait3A_79] : memref<10000x128xf32, #tpu.memory_space<hbm>> -> memref<10000x128xf32, #tpu.memory_space<hbm>>
      tpu.wait_indirect_dma semaphore(%arg14 : memref<!tpu.dma_semaphore, #tpu.memory_space<semaphore_mem>>) src(%dma_wait3A_80 : memref<10000x128xf32, #tpu.memory_space<hbm>>) dst(%arg11 : memref<128x128xf32, #tpu.memory_space<vmem>>)
      "tpu.region"() ({
        %run_scoped3A = tpu.sem_alloc : memref<!tpu.dma_semaphore, #tpu.memory_space<semaphore_mem>>
        %dma_start3A_164 = arith.constant 0 : i32
        %dma_start3A_165 = arith.constant 0 : i32
        %dma_start3A_166 = tpu.memref_slice %arg13[%dma_start3A_164, %dma_start3A_165] : memref<10112x128xf32, #tpu.memory_space<vmem_shared>> -> memref<10112x128xf32, #tpu.memory_space<vmem_shared>>
        tpu.enqueue_indirect_dma source(%arg11 : memref<128x128xf32, #tpu.memory_space<vmem>>) target(%dma_start3A_166 : memref<10112x128xf32, #tpu.memory_space<vmem_shared>>) offsets(%arg9 : memref<128xi32, #tpu.memory_space<vmem>>) semaphore(%run_scoped3A : memref<!tpu.dma_semaphore, #tpu.memory_space<semaphore_mem>>) {add = true}
        %dma_wait3A_167 = arith.constant 0 : i32
        %dma_wait3A_168 = arith.constant 0 : i32
        %dma_wait3A_169 = tpu.memref_slice %arg13[%dma_wait3A_167, %dma_wait3A_168] : memref<10112x128xf32, #tpu.memory_space<vmem_shared>> -> memref<10112x128xf32, #tpu.memory_space<vmem_shared>>
        tpu.wait_indirect_dma semaphore(%run_scoped3A : memref<!tpu.dma_semaphore, #tpu.memory_space<semaphore_mem>>) src(%arg11 : memref<128x128xf32, #tpu.memory_space<vmem>>) dst(%dma_wait3A_169 : memref<10112x128xf32, #tpu.memory_space<vmem_shared>>)
        tpu.yield
      }) : () -> ()
      %dma_start3A_81 = arith.constant 4 : i32
      %dma_start3A_82 = arith.constant 0 : i32
      %dma_start3A_83 = tpu.memref_slice %arg8[%dma_start3A_81, %dma_start3A_82] : memref<8x128xi32, #tpu.memory_space<vmem>> -> memref<1x128xi32, #tpu.memory_space<vmem>>
      %dma_start3A_84 = tpu.memref_squeeze %dma_start3A_83 : memref<1x128xi32, #tpu.memory_space<vmem>> -> memref<128xi32, #tpu.memory_space<vmem>>
      %dma_start3A_85 = arith.constant 0 : i32
      %dma_start3A_86 = arith.constant 0 : i32
      %dma_start3A_87 = tpu.memref_slice %arg2[%dma_start3A_85, %dma_start3A_86] : memref<10000x128xf32, #tpu.memory_space<hbm>> -> memref<10000x128xf32, #tpu.memory_space<hbm>>
      tpu.enqueue_indirect_dma source(%dma_start3A_87 : memref<10000x128xf32, #tpu.memory_space<hbm>>) target(%arg11 : memref<128x128xf32, #tpu.memory_space<vmem>>) offsets(%dma_start3A_84 : memref<128xi32, #tpu.memory_space<vmem>>) semaphore(%arg14 : memref<!tpu.dma_semaphore, #tpu.memory_space<semaphore_mem>>)
      %add3A_88 = arith.constant 3 : i32
      %add3A_89 = arith.addi %add3A_21, %add3A_88 : i32
      %mul3A_90 = arith.constant 128 : i32
      %mul3A_91 = arith.muli %add3A_89, %mul3A_90 : i32
      "tpu.region"() ({
        %run_scoped3A = tpu.sem_alloc : memref<!tpu.dma_semaphore, #tpu.memory_space<semaphore_mem>>
        %dma_start3A_164 = tpu.memref_slice %arg4[%mul3A_91] : memref<327680xi32, #tpu.memory_space<hbm>> -> memref<128xi32, #tpu.memory_space<hbm>>
        %dma_start3A_165 = tpu.memref_slice %arg4[%mul3A_91] : memref<327680xi32, #tpu.memory_space<hbm>> -> memref<128xi32, #tpu.memory_space<hbm>>
        tpu.enqueue_dma source(%dma_start3A_165 : memref<128xi32, #tpu.memory_space<hbm>>) target(%arg10 : memref<128xi32, #tpu.memory_space<vmem>>) target_semaphore(%run_scoped3A : memref<!tpu.dma_semaphore, #tpu.memory_space<semaphore_mem>>)
        %dma_wait3A_166 = tpu.memref_slice %arg4[%mul3A_91] : memref<327680xi32, #tpu.memory_space<hbm>> -> memref<128xi32, #tpu.memory_space<hbm>>
        %dma_wait3A_167 = tpu.memref_slice %arg4[%mul3A_91] : memref<327680xi32, #tpu.memory_space<hbm>> -> memref<128xi32, #tpu.memory_space<hbm>>
        tpu.wait_dma2 semaphore(%run_scoped3A : memref<!tpu.dma_semaphore, #tpu.memory_space<semaphore_mem>>) src(%dma_wait3A_167 : memref<128xi32, #tpu.memory_space<hbm>>) dst(%arg10 : memref<128xi32, #tpu.memory_space<vmem>>)
        tpu.yield
      }) : () -> ()
      %dma_wait3A_92 = arith.constant 3 : i32
      %dma_wait3A_93 = arith.constant 0 : i32
      %dma_wait3A_94 = tpu.memref_slice %arg8[%dma_wait3A_92, %dma_wait3A_93] : memref<8x128xi32, #tpu.memory_space<vmem>> -> memref<1x128xi32, #tpu.memory_space<vmem>>
      %dma_wait3A_95 = tpu.memref_squeeze %dma_wait3A_94 : memref<1x128xi32, #tpu.memory_space<vmem>> -> memref<128xi32, #tpu.memory_space<vmem>>
      %dma_wait3A_96 = arith.constant 0 : i32
      %dma_wait3A_97 = arith.constant 0 : i32
      %dma_wait3A_98 = tpu.memref_slice %arg2[%dma_wait3A_96, %dma_wait3A_97] : memref<10000x128xf32, #tpu.memory_space<hbm>> -> memref<10000x128xf32, #tpu.memory_space<hbm>>
      tpu.wait_indirect_dma semaphore(%arg15 : memref<!tpu.dma_semaphore, #tpu.memory_space<semaphore_mem>>) src(%dma_wait3A_98 : memref<10000x128xf32, #tpu.memory_space<hbm>>) dst(%arg12 : memref<128x128xf32, #tpu.memory_space<vmem>>)
      "tpu.region"() ({
        %run_scoped3A = tpu.sem_alloc : memref<!tpu.dma_semaphore, #tpu.memory_space<semaphore_mem>>
        %dma_start3A_164 = arith.constant 0 : i32
        %dma_start3A_165 = arith.constant 0 : i32
        %dma_start3A_166 = tpu.memref_slice %arg13[%dma_start3A_164, %dma_start3A_165] : memref<10112x128xf32, #tpu.memory_space<vmem_shared>> -> memref<10112x128xf32, #tpu.memory_space<vmem_shared>>
        tpu.enqueue_indirect_dma source(%arg12 : memref<128x128xf32, #tpu.memory_space<vmem>>) target(%dma_start3A_166 : memref<10112x128xf32, #tpu.memory_space<vmem_shared>>) offsets(%arg10 : memref<128xi32, #tpu.memory_space<vmem>>) semaphore(%run_scoped3A : memref<!tpu.dma_semaphore, #tpu.memory_space<semaphore_mem>>) {add = true}
        %dma_wait3A_167 = arith.constant 0 : i32
        %dma_wait3A_168 = arith.constant 0 : i32
        %dma_wait3A_169 = tpu.memref_slice %arg13[%dma_wait3A_167, %dma_wait3A_168] : memref<10112x128xf32, #tpu.memory_space<vmem_shared>> -> memref<10112x128xf32, #tpu.memory_space<vmem_shared>>
        tpu.wait_indirect_dma semaphore(%run_scoped3A : memref<!tpu.dma_semaphore, #tpu.memory_space<semaphore_mem>>) src(%arg12 : memref<128x128xf32, #tpu.memory_space<vmem>>) dst(%dma_wait3A_169 : memref<10112x128xf32, #tpu.memory_space<vmem_shared>>)
        tpu.yield
      }) : () -> ()
      %dma_start3A_99 = arith.constant 5 : i32
      %dma_start3A_100 = arith.constant 0 : i32
      %dma_start3A_101 = tpu.memref_slice %arg8[%dma_start3A_99, %dma_start3A_100] : memref<8x128xi32, #tpu.memory_space<vmem>> -> memref<1x128xi32, #tpu.memory_space<vmem>>
      %dma_start3A_102 = tpu.memref_squeeze %dma_start3A_101 : memref<1x128xi32, #tpu.memory_space<vmem>> -> memref<128xi32, #tpu.memory_space<vmem>>
      %dma_start3A_103 = arith.constant 0 : i32
      %dma_start3A_104 = arith.constant 0 : i32
      %dma_start3A_105 = tpu.memref_slice %arg2[%dma_start3A_103, %dma_start3A_104] : memref<10000x128xf32, #tpu.memory_space<hbm>> -> memref<10000x128xf32, #tpu.memory_space<hbm>>
      tpu.enqueue_indirect_dma source(%dma_start3A_105 : memref<10000x128xf32, #tpu.memory_space<hbm>>) target(%arg12 : memref<128x128xf32, #tpu.memory_space<vmem>>) offsets(%dma_start3A_102 : memref<128xi32, #tpu.memory_space<vmem>>) semaphore(%arg15 : memref<!tpu.dma_semaphore, #tpu.memory_space<semaphore_mem>>)
      %add3A_106 = arith.constant 4 : i32
      %add3A_107 = arith.addi %add3A_21, %add3A_106 : i32
      %mul3A_108 = arith.constant 128 : i32
      %mul3A_109 = arith.muli %add3A_107, %mul3A_108 : i32
      "tpu.region"() ({
        %run_scoped3A = tpu.sem_alloc : memref<!tpu.dma_semaphore, #tpu.memory_space<semaphore_mem>>
        %dma_start3A_164 = tpu.memref_slice %arg4[%mul3A_109] : memref<327680xi32, #tpu.memory_space<hbm>> -> memref<128xi32, #tpu.memory_space<hbm>>
        %dma_start3A_165 = tpu.memref_slice %arg4[%mul3A_109] : memref<327680xi32, #tpu.memory_space<hbm>> -> memref<128xi32, #tpu.memory_space<hbm>>
        tpu.enqueue_dma source(%dma_start3A_165 : memref<128xi32, #tpu.memory_space<hbm>>) target(%arg9 : memref<128xi32, #tpu.memory_space<vmem>>) target_semaphore(%run_scoped3A : memref<!tpu.dma_semaphore, #tpu.memory_space<semaphore_mem>>)
        %dma_wait3A_166 = tpu.memref_slice %arg4[%mul3A_109] : memref<327680xi32, #tpu.memory_space<hbm>> -> memref<128xi32, #tpu.memory_space<hbm>>
        %dma_wait3A_167 = tpu.memref_slice %arg4[%mul3A_109] : memref<327680xi32, #tpu.memory_space<hbm>> -> memref<128xi32, #tpu.memory_space<hbm>>
        tpu.wait_dma2 semaphore(%run_scoped3A : memref<!tpu.dma_semaphore, #tpu.memory_space<semaphore_mem>>) src(%dma_wait3A_167 : memref<128xi32, #tpu.memory_space<hbm>>) dst(%arg9 : memref<128xi32, #tpu.memory_space<vmem>>)
        tpu.yield
      }) : () -> ()
      %dma_wait3A_110 = arith.constant 4 : i32
      %dma_wait3A_111 = arith.constant 0 : i32
      %dma_wait3A_112 = tpu.memref_slice %arg8[%dma_wait3A_110, %dma_wait3A_111] : memref<8x128xi32, #tpu.memory_space<vmem>> -> memref<1x128xi32, #tpu.memory_space<vmem>>
      %dma_wait3A_113 = tpu.memref_squeeze %dma_wait3A_112 : memref<1x128xi32, #tpu.memory_space<vmem>> -> memref<128xi32, #tpu.memory_space<vmem>>
      %dma_wait3A_114 = arith.constant 0 : i32
      %dma_wait3A_115 = arith.constant 0 : i32
      %dma_wait3A_116 = tpu.memref_slice %arg2[%dma_wait3A_114, %dma_wait3A_115] : memref<10000x128xf32, #tpu.memory_space<hbm>> -> memref<10000x128xf32, #tpu.memory_space<hbm>>
      tpu.wait_indirect_dma semaphore(%arg14 : memref<!tpu.dma_semaphore, #tpu.memory_space<semaphore_mem>>) src(%dma_wait3A_116 : memref<10000x128xf32, #tpu.memory_space<hbm>>) dst(%arg11 : memref<128x128xf32, #tpu.memory_space<vmem>>)
      "tpu.region"() ({
        %run_scoped3A = tpu.sem_alloc : memref<!tpu.dma_semaphore, #tpu.memory_space<semaphore_mem>>
        %dma_start3A_164 = arith.constant 0 : i32
        %dma_start3A_165 = arith.constant 0 : i32
        %dma_start3A_166 = tpu.memref_slice %arg13[%dma_start3A_164, %dma_start3A_165] : memref<10112x128xf32, #tpu.memory_space<vmem_shared>> -> memref<10112x128xf32, #tpu.memory_space<vmem_shared>>
        tpu.enqueue_indirect_dma source(%arg11 : memref<128x128xf32, #tpu.memory_space<vmem>>) target(%dma_start3A_166 : memref<10112x128xf32, #tpu.memory_space<vmem_shared>>) offsets(%arg9 : memref<128xi32, #tpu.memory_space<vmem>>) semaphore(%run_scoped3A : memref<!tpu.dma_semaphore, #tpu.memory_space<semaphore_mem>>) {add = true}
        %dma_wait3A_167 = arith.constant 0 : i32
        %dma_wait3A_168 = arith.constant 0 : i32
        %dma_wait3A_169 = tpu.memref_slice %arg13[%dma_wait3A_167, %dma_wait3A_168] : memref<10112x128xf32, #tpu.memory_space<vmem_shared>> -> memref<10112x128xf32, #tpu.memory_space<vmem_shared>>
        tpu.wait_indirect_dma semaphore(%run_scoped3A : memref<!tpu.dma_semaphore, #tpu.memory_space<semaphore_mem>>) src(%arg11 : memref<128x128xf32, #tpu.memory_space<vmem>>) dst(%dma_wait3A_169 : memref<10112x128xf32, #tpu.memory_space<vmem_shared>>)
        tpu.yield
      }) : () -> ()
      %dma_start3A_117 = arith.constant 6 : i32
      %dma_start3A_118 = arith.constant 0 : i32
      %dma_start3A_119 = tpu.memref_slice %arg8[%dma_start3A_117, %dma_start3A_118] : memref<8x128xi32, #tpu.memory_space<vmem>> -> memref<1x128xi32, #tpu.memory_space<vmem>>
      %dma_start3A_120 = tpu.memref_squeeze %dma_start3A_119 : memref<1x128xi32, #tpu.memory_space<vmem>> -> memref<128xi32, #tpu.memory_space<vmem>>
      %dma_start3A_121 = arith.constant 0 : i32
      %dma_start3A_122 = arith.constant 0 : i32
      %dma_start3A_123 = tpu.memref_slice %arg2[%dma_start3A_121, %dma_start3A_122] : memref<10000x128xf32, #tpu.memory_space<hbm>> -> memref<10000x128xf32, #tpu.memory_space<hbm>>
      tpu.enqueue_indirect_dma source(%dma_start3A_123 : memref<10000x128xf32, #tpu.memory_space<hbm>>) target(%arg11 : memref<128x128xf32, #tpu.memory_space<vmem>>) offsets(%dma_start3A_120 : memref<128xi32, #tpu.memory_space<vmem>>) semaphore(%arg14 : memref<!tpu.dma_semaphore, #tpu.memory_space<semaphore_mem>>)
      %add3A_124 = arith.constant 5 : i32
      %add3A_125 = arith.addi %add3A_21, %add3A_124 : i32
      %mul3A_126 = arith.constant 128 : i32
      %mul3A_127 = arith.muli %add3A_125, %mul3A_126 : i32
      "tpu.region"() ({
        %run_scoped3A = tpu.sem_alloc : memref<!tpu.dma_semaphore, #tpu.memory_space<semaphore_mem>>
        %dma_start3A_164 = tpu.memref_slice %arg4[%mul3A_127] : memref<327680xi32, #tpu.memory_space<hbm>> -> memref<128xi32, #tpu.memory_space<hbm>>
        %dma_start3A_165 = tpu.memref_slice %arg4[%mul3A_127] : memref<327680xi32, #tpu.memory_space<hbm>> -> memref<128xi32, #tpu.memory_space<hbm>>
        tpu.enqueue_dma source(%dma_start3A_165 : memref<128xi32, #tpu.memory_space<hbm>>) target(%arg10 : memref<128xi32, #tpu.memory_space<vmem>>) target_semaphore(%run_scoped3A : memref<!tpu.dma_semaphore, #tpu.memory_space<semaphore_mem>>)
        %dma_wait3A_166 = tpu.memref_slice %arg4[%mul3A_127] : memref<327680xi32, #tpu.memory_space<hbm>> -> memref<128xi32, #tpu.memory_space<hbm>>
        %dma_wait3A_167 = tpu.memref_slice %arg4[%mul3A_127] : memref<327680xi32, #tpu.memory_space<hbm>> -> memref<128xi32, #tpu.memory_space<hbm>>
        tpu.wait_dma2 semaphore(%run_scoped3A : memref<!tpu.dma_semaphore, #tpu.memory_space<semaphore_mem>>) src(%dma_wait3A_167 : memref<128xi32, #tpu.memory_space<hbm>>) dst(%arg10 : memref<128xi32, #tpu.memory_space<vmem>>)
        tpu.yield
      }) : () -> ()
      %dma_wait3A_128 = arith.constant 5 : i32
      %dma_wait3A_129 = arith.constant 0 : i32
      %dma_wait3A_130 = tpu.memref_slice %arg8[%dma_wait3A_128, %dma_wait3A_129] : memref<8x128xi32, #tpu.memory_space<vmem>> -> memref<1x128xi32, #tpu.memory_space<vmem>>
      %dma_wait3A_131 = tpu.memref_squeeze %dma_wait3A_130 : memref<1x128xi32, #tpu.memory_space<vmem>> -> memref<128xi32, #tpu.memory_space<vmem>>
      %dma_wait3A_132 = arith.constant 0 : i32
      %dma_wait3A_133 = arith.constant 0 : i32
      %dma_wait3A_134 = tpu.memref_slice %arg2[%dma_wait3A_132, %dma_wait3A_133] : memref<10000x128xf32, #tpu.memory_space<hbm>> -> memref<10000x128xf32, #tpu.memory_space<hbm>>
      tpu.wait_indirect_dma semaphore(%arg15 : memref<!tpu.dma_semaphore, #tpu.memory_space<semaphore_mem>>) src(%dma_wait3A_134 : memref<10000x128xf32, #tpu.memory_space<hbm>>) dst(%arg12 : memref<128x128xf32, #tpu.memory_space<vmem>>)
      "tpu.region"() ({
        %run_scoped3A = tpu.sem_alloc : memref<!tpu.dma_semaphore, #tpu.memory_space<semaphore_mem>>
        %dma_start3A_164 = arith.constant 0 : i32
        %dma_start3A_165 = arith.constant 0 : i32
        %dma_start3A_166 = tpu.memref_slice %arg13[%dma_start3A_164, %dma_start3A_165] : memref<10112x128xf32, #tpu.memory_space<vmem_shared>> -> memref<10112x128xf32, #tpu.memory_space<vmem_shared>>
        tpu.enqueue_indirect_dma source(%arg12 : memref<128x128xf32, #tpu.memory_space<vmem>>) target(%dma_start3A_166 : memref<10112x128xf32, #tpu.memory_space<vmem_shared>>) offsets(%arg10 : memref<128xi32, #tpu.memory_space<vmem>>) semaphore(%run_scoped3A : memref<!tpu.dma_semaphore, #tpu.memory_space<semaphore_mem>>) {add = true}
        %dma_wait3A_167 = arith.constant 0 : i32
        %dma_wait3A_168 = arith.constant 0 : i32
        %dma_wait3A_169 = tpu.memref_slice %arg13[%dma_wait3A_167, %dma_wait3A_168] : memref<10112x128xf32, #tpu.memory_space<vmem_shared>> -> memref<10112x128xf32, #tpu.memory_space<vmem_shared>>
        tpu.wait_indirect_dma semaphore(%run_scoped3A : memref<!tpu.dma_semaphore, #tpu.memory_space<semaphore_mem>>) src(%arg12 : memref<128x128xf32, #tpu.memory_space<vmem>>) dst(%dma_wait3A_169 : memref<10112x128xf32, #tpu.memory_space<vmem_shared>>)
        tpu.yield
      }) : () -> ()
      %dma_start3A_135 = arith.constant 7 : i32
      %dma_start3A_136 = arith.constant 0 : i32
      %dma_start3A_137 = tpu.memref_slice %arg8[%dma_start3A_135, %dma_start3A_136] : memref<8x128xi32, #tpu.memory_space<vmem>> -> memref<1x128xi32, #tpu.memory_space<vmem>>
      %dma_start3A_138 = tpu.memref_squeeze %dma_start3A_137 : memref<1x128xi32, #tpu.memory_space<vmem>> -> memref<128xi32, #tpu.memory_space<vmem>>
      %dma_start3A_139 = arith.constant 0 : i32
      %dma_start3A_140 = arith.constant 0 : i32
      %dma_start3A_141 = tpu.memref_slice %arg2[%dma_start3A_139, %dma_start3A_140] : memref<10000x128xf32, #tpu.memory_space<hbm>> -> memref<10000x128xf32, #tpu.memory_space<hbm>>
      tpu.enqueue_indirect_dma source(%dma_start3A_141 : memref<10000x128xf32, #tpu.memory_space<hbm>>) target(%arg12 : memref<128x128xf32, #tpu.memory_space<vmem>>) offsets(%dma_start3A_138 : memref<128xi32, #tpu.memory_space<vmem>>) semaphore(%arg15 : memref<!tpu.dma_semaphore, #tpu.memory_space<semaphore_mem>>)
      %add3A_142 = arith.constant 6 : i32
      %add3A_143 = arith.addi %add3A_21, %add3A_142 : i32
      %mul3A_144 = arith.constant 128 : i32
      %mul3A_145 = arith.muli %add3A_143, %mul3A_144 : i32
      "tpu.region"() ({
        %run_scoped3A = tpu.sem_alloc : memref<!tpu.dma_semaphore, #tpu.memory_space<semaphore_mem>>
        %dma_start3A_164 = tpu.memref_slice %arg4[%mul3A_145] : memref<327680xi32, #tpu.memory_space<hbm>> -> memref<128xi32, #tpu.memory_space<hbm>>
        %dma_start3A_165 = tpu.memref_slice %arg4[%mul3A_145] : memref<327680xi32, #tpu.memory_space<hbm>> -> memref<128xi32, #tpu.memory_space<hbm>>
        tpu.enqueue_dma source(%dma_start3A_165 : memref<128xi32, #tpu.memory_space<hbm>>) target(%arg9 : memref<128xi32, #tpu.memory_space<vmem>>) target_semaphore(%run_scoped3A : memref<!tpu.dma_semaphore, #tpu.memory_space<semaphore_mem>>)
        %dma_wait3A_166 = tpu.memref_slice %arg4[%mul3A_145] : memref<327680xi32, #tpu.memory_space<hbm>> -> memref<128xi32, #tpu.memory_space<hbm>>
        %dma_wait3A_167 = tpu.memref_slice %arg4[%mul3A_145] : memref<327680xi32, #tpu.memory_space<hbm>> -> memref<128xi32, #tpu.memory_space<hbm>>
        tpu.wait_dma2 semaphore(%run_scoped3A : memref<!tpu.dma_semaphore, #tpu.memory_space<semaphore_mem>>) src(%dma_wait3A_167 : memref<128xi32, #tpu.memory_space<hbm>>) dst(%arg9 : memref<128xi32, #tpu.memory_space<vmem>>)
        tpu.yield
      }) : () -> ()
      %dma_wait3A_146 = arith.constant 6 : i32
      %dma_wait3A_147 = arith.constant 0 : i32
      %dma_wait3A_148 = tpu.memref_slice %arg8[%dma_wait3A_146, %dma_wait3A_147] : memref<8x128xi32, #tpu.memory_space<vmem>> -> memref<1x128xi32, #tpu.memory_space<vmem>>
      %dma_wait3A_149 = tpu.memref_squeeze %dma_wait3A_148 : memref<1x128xi32, #tpu.memory_space<vmem>> -> memref<128xi32, #tpu.memory_space<vmem>>
      %dma_wait3A_150 = arith.constant 0 : i32
      %dma_wait3A_151 = arith.constant 0 : i32
      %dma_wait3A_152 = tpu.memref_slice %arg2[%dma_wait3A_150, %dma_wait3A_151] : memref<10000x128xf32, #tpu.memory_space<hbm>> -> memref<10000x128xf32, #tpu.memory_space<hbm>>
      tpu.wait_indirect_dma semaphore(%arg14 : memref<!tpu.dma_semaphore, #tpu.memory_space<semaphore_mem>>) src(%dma_wait3A_152 : memref<10000x128xf32, #tpu.memory_space<hbm>>) dst(%arg11 : memref<128x128xf32, #tpu.memory_space<vmem>>)
      "tpu.region"() ({
        %run_scoped3A = tpu.sem_alloc : memref<!tpu.dma_semaphore, #tpu.memory_space<semaphore_mem>>
        %dma_start3A_164 = arith.constant 0 : i32
        %dma_start3A_165 = arith.constant 0 : i32
        %dma_start3A_166 = tpu.memref_slice %arg13[%dma_start3A_164, %dma_start3A_165] : memref<10112x128xf32, #tpu.memory_space<vmem_shared>> -> memref<10112x128xf32, #tpu.memory_space<vmem_shared>>
        tpu.enqueue_indirect_dma source(%arg11 : memref<128x128xf32, #tpu.memory_space<vmem>>) target(%dma_start3A_166 : memref<10112x128xf32, #tpu.memory_space<vmem_shared>>) offsets(%arg9 : memref<128xi32, #tpu.memory_space<vmem>>) semaphore(%run_scoped3A : memref<!tpu.dma_semaphore, #tpu.memory_space<semaphore_mem>>) {add = true}
        %dma_wait3A_167 = arith.constant 0 : i32
        %dma_wait3A_168 = arith.constant 0 : i32
        %dma_wait3A_169 = tpu.memref_slice %arg13[%dma_wait3A_167, %dma_wait3A_168] : memref<10112x128xf32, #tpu.memory_space<vmem_shared>> -> memref<10112x128xf32, #tpu.memory_space<vmem_shared>>
        tpu.wait_indirect_dma semaphore(%run_scoped3A : memref<!tpu.dma_semaphore, #tpu.memory_space<semaphore_mem>>) src(%arg11 : memref<128x128xf32, #tpu.memory_space<vmem>>) dst(%dma_wait3A_169 : memref<10112x128xf32, #tpu.memory_space<vmem_shared>>)
        tpu.yield
      }) : () -> ()
      %add3A_153 = arith.constant 7 : i32
      %add3A_154 = arith.addi %add3A_21, %add3A_153 : i32
      %mul3A_155 = arith.constant 128 : i32
      %mul3A_156 = arith.muli %add3A_154, %mul3A_155 : i32
      "tpu.region"() ({
        %run_scoped3A = tpu.sem_alloc : memref<!tpu.dma_semaphore, #tpu.memory_space<semaphore_mem>>
        %dma_start3A_164 = tpu.memref_slice %arg4[%mul3A_156] : memref<327680xi32, #tpu.memory_space<hbm>> -> memref<128xi32, #tpu.memory_space<hbm>>
        %dma_start3A_165 = tpu.memref_slice %arg4[%mul3A_156] : memref<327680xi32, #tpu.memory_space<hbm>> -> memref<128xi32, #tpu.memory_space<hbm>>
        tpu.enqueue_dma source(%dma_start3A_165 : memref<128xi32, #tpu.memory_space<hbm>>) target(%arg10 : memref<128xi32, #tpu.memory_space<vmem>>) target_semaphore(%run_scoped3A : memref<!tpu.dma_semaphore, #tpu.memory_space<semaphore_mem>>)
        %dma_wait3A_166 = tpu.memref_slice %arg4[%mul3A_156] : memref<327680xi32, #tpu.memory_space<hbm>> -> memref<128xi32, #tpu.memory_space<hbm>>
        %dma_wait3A_167 = tpu.memref_slice %arg4[%mul3A_156] : memref<327680xi32, #tpu.memory_space<hbm>> -> memref<128xi32, #tpu.memory_space<hbm>>
        tpu.wait_dma2 semaphore(%run_scoped3A : memref<!tpu.dma_semaphore, #tpu.memory_space<semaphore_mem>>) src(%dma_wait3A_167 : memref<128xi32, #tpu.memory_space<hbm>>) dst(%arg10 : memref<128xi32, #tpu.memory_space<vmem>>)
        tpu.yield
      }) : () -> ()
      %dma_wait3A_157 = arith.constant 7 : i32
      %dma_wait3A_158 = arith.constant 0 : i32
      %dma_wait3A_159 = tpu.memref_slice %arg8[%dma_wait3A_157, %dma_wait3A_158] : memref<8x128xi32, #tpu.memory_space<vmem>> -> memref<1x128xi32, #tpu.memory_space<vmem>>
      %dma_wait3A_160 = tpu.memref_squeeze %dma_wait3A_159 : memref<1x128xi32, #tpu.memory_space<vmem>> -> memref<128xi32, #tpu.memory_space<vmem>>
      %dma_wait3A_161 = arith.constant 0 : i32
      %dma_wait3A_162 = arith.constant 0 : i32
      %dma_wait3A_163 = tpu.memref_slice %arg2[%dma_wait3A_161, %dma_wait3A_162] : memref<10000x128xf32, #tpu.memory_space<hbm>> -> memref<10000x128xf32, #tpu.memory_space<hbm>>
      tpu.wait_indirect_dma semaphore(%arg15 : memref<!tpu.dma_semaphore, #tpu.memory_space<semaphore_mem>>) src(%dma_wait3A_163 : memref<10000x128xf32, #tpu.memory_space<hbm>>) dst(%arg12 : memref<128x128xf32, #tpu.memory_space<vmem>>)
      "tpu.region"() ({
        %run_scoped3A = tpu.sem_alloc : memref<!tpu.dma_semaphore, #tpu.memory_space<semaphore_mem>>
        %dma_start3A_164 = arith.constant 0 : i32
        %dma_start3A_165 = arith.constant 0 : i32
        %dma_start3A_166 = tpu.memref_slice %arg13[%dma_start3A_164, %dma_start3A_165] : memref<10112x128xf32, #tpu.memory_space<vmem_shared>> -> memref<10112x128xf32, #tpu.memory_space<vmem_shared>>
        tpu.enqueue_indirect_dma source(%arg12 : memref<128x128xf32, #tpu.memory_space<vmem>>) target(%dma_start3A_166 : memref<10112x128xf32, #tpu.memory_space<vmem_shared>>) offsets(%arg10 : memref<128xi32, #tpu.memory_space<vmem>>) semaphore(%run_scoped3A : memref<!tpu.dma_semaphore, #tpu.memory_space<semaphore_mem>>) {add = true}
        %dma_wait3A_167 = arith.constant 0 : i32
        %dma_wait3A_168 = arith.constant 0 : i32
        %dma_wait3A_169 = tpu.memref_slice %arg13[%dma_wait3A_167, %dma_wait3A_168] : memref<10112x128xf32, #tpu.memory_space<vmem_shared>> -> memref<10112x128xf32, #tpu.memory_space<vmem_shared>>
        tpu.wait_indirect_dma semaphore(%run_scoped3A : memref<!tpu.dma_semaphore, #tpu.memory_space<semaphore_mem>>) src(%arg12 : memref<128x128xf32, #tpu.memory_space<vmem>>) dst(%dma_wait3A_169 : memref<10112x128xf32, #tpu.memory_space<vmem_shared>>)
        tpu.yield
      }) : () -> ()
    }
    %scan3A_9 = arith.constant 10 : i32
    %barrier3A_10 = arith.constant 0 : index
    tpu.barrier barrier_id(%barrier3A_10)
    %eq3A = arith.constant 0 : i32
    %eq3A_11 = arith.cmpi eq, %arg0, %eq3A : i32
    %convert_element_type3A = arith.extui %eq3A_11 : i1 to i32
    %cond3A = arith.constant 0 : i32
    %cond3A_12 = arith.cmpi ne, %convert_element_type3A, %cond3A : i32
    scf.if %cond3A_12 {
      "tpu.region"() ({
        %run_scoped3A = tpu.sem_alloc : memref<!tpu.dma_semaphore, #tpu.memory_space<semaphore_mem>>
        %dma_start3A = arith.constant 0 : i32
        %dma_start3A_18 = tpu.memref_slice %arg6[%mul3A_2, %dma_start3A] : memref<10112x128xf32, #tpu.memory_space<hbm>> -> memref<632x128xf32, #tpu.memory_space<hbm>>
        %dma_start3A_19 = arith.constant 0 : i32
        %dma_start3A_20 = tpu.memref_slice %arg13[%mul3A_2, %dma_start3A_19] : memref<10112x128xf32, #tpu.memory_space<vmem_shared>> -> memref<632x128xf32, #tpu.memory_space<vmem_shared>>
        tpu.enqueue_dma source(%dma_start3A_20 : memref<632x128xf32, #tpu.memory_space<vmem_shared>>) target(%dma_start3A_18 : memref<632x128xf32, #tpu.memory_space<hbm>>) target_semaphore(%run_scoped3A : memref<!tpu.dma_semaphore, #tpu.memory_space<semaphore_mem>>)
        %dma_wait3A = arith.constant 0 : i32
        %dma_wait3A_21 = tpu.memref_slice %arg6[%mul3A_2, %dma_wait3A] : memref<10112x128xf32, #tpu.memory_space<hbm>> -> memref<632x128xf32, #tpu.memory_space<hbm>>
        %dma_wait3A_22 = arith.constant 0 : i32
        %dma_wait3A_23 = tpu.memref_slice %arg13[%mul3A_2, %dma_wait3A_22] : memref<10112x128xf32, #tpu.memory_space<vmem_shared>> -> memref<632x128xf32, #tpu.memory_space<vmem_shared>>
        tpu.wait_dma2 semaphore(%run_scoped3A : memref<!tpu.dma_semaphore, #tpu.memory_space<semaphore_mem>>) src(%dma_wait3A_23 : memref<632x128xf32, #tpu.memory_space<vmem_shared>>) dst(%dma_wait3A_21 : memref<632x128xf32, #tpu.memory_space<hbm>>)
        tpu.yield
      }) : () -> ()
    } else {
    }
    %eq3A_13 = arith.constant 1 : i32
    %eq3A_14 = arith.cmpi eq, %arg0, %eq3A_13 : i32
    %convert_element_type3A_15 = arith.extui %eq3A_14 : i1 to i32
    %cond3A_16 = arith.constant 0 : i32
    %cond3A_17 = arith.cmpi ne, %convert_element_type3A_15, %cond3A_16 : i32
    scf.if %cond3A_17 {
      "tpu.region"() ({
        %run_scoped3A = tpu.sem_alloc : memref<!tpu.dma_semaphore, #tpu.memory_space<semaphore_mem>>
        %dma_start3A = arith.constant 0 : i32
        %dma_start3A_18 = tpu.memref_slice %arg7[%mul3A_2, %dma_start3A] : memref<10112x128xf32, #tpu.memory_space<hbm>> -> memref<632x128xf32, #tpu.memory_space<hbm>>
        %dma_start3A_19 = arith.constant 0 : i32
        %dma_start3A_20 = tpu.memref_slice %arg13[%mul3A_2, %dma_start3A_19] : memref<10112x128xf32, #tpu.memory_space<vmem_shared>> -> memref<632x128xf32, #tpu.memory_space<vmem_shared>>
        tpu.enqueue_dma source(%dma_start3A_20 : memref<632x128xf32, #tpu.memory_space<vmem_shared>>) target(%dma_start3A_18 : memref<632x128xf32, #tpu.memory_space<hbm>>) target_semaphore(%run_scoped3A : memref<!tpu.dma_semaphore, #tpu.memory_space<semaphore_mem>>)
        %dma_wait3A = arith.constant 0 : i32
        %dma_wait3A_21 = tpu.memref_slice %arg7[%mul3A_2, %dma_wait3A] : memref<10112x128xf32, #tpu.memory_space<hbm>> -> memref<632x128xf32, #tpu.memory_space<hbm>>
        %dma_wait3A_22 = arith.constant 0 : i32
        %dma_wait3A_23 = tpu.memref_slice %arg13[%mul3A_2, %dma_wait3A_22] : memref<10112x128xf32, #tpu.memory_space<vmem_shared>> -> memref<632x128xf32, #tpu.memory_space<vmem_shared>>
        tpu.wait_dma2 semaphore(%run_scoped3A : memref<!tpu.dma_semaphore, #tpu.memory_space<semaphore_mem>>) src(%dma_wait3A_23 : memref<632x128xf32, #tpu.memory_space<vmem_shared>>) dst(%dma_wait3A_21 : memref<632x128xf32, #tpu.memory_space<hbm>>)
        tpu.yield
      }) : () -> ()
    } else {
    }
    return
  }
}

#map = affine_map<(d0, d1) -> (0, 0)>
module attributes {stable_mosaic.version = 14 : i64} {
  func.func @_deg_body(%arg0: i32, %arg1: i32, %arg2: memref<2560x128xi32, #tpu.memory_space<hbm>>, %arg3: memref<10112x128xf32, #tpu.memory_space<hbm>>, %arg4: memref<128x128xf32, #tpu.memory_space<hbm>>, %arg5: memref<10112x128xf32, #tpu.memory_space<hbm>>, %arg6: memref<10112x128xf32, #tpu.memory_space<hbm>>, %arg7: memref<8x128xi32, #tpu.memory_space<vmem>>, %arg8: memref<128x128xf32, #tpu.memory_space<vmem>>, %arg9: memref<10112x128xf32, #tpu.memory_space<vmem_shared>>) attributes {dimension_semantics = [#tpu.dimension_semantics<core_parallel>, #tpu.dimension_semantics<subcore_parallel>], iteration_bounds = array<i64: 2, 16>, scalar_prefetch = 0 : i64, scratch_operands = 3 : i64, tpu.core_type = #tpu.core_type<sc_vector_subcore>, window_params = [{transform_indices = #map}, {transform_indices = #map}, {transform_indices = #map}, {transform_indices = #map}, {transform_indices = #map}]} {
    %mul3A = arith.constant 2 : i32
    %mul3A_0 = arith.muli %arg1, %mul3A : i32
    %add3A = arith.addi %mul3A_0, %arg0 : i32
    %mul3A_1 = arith.constant 632 : i32
    %mul3A_2 = arith.muli %arg1, %mul3A_1 : i32
    "tpu.region"() ({
      %run_scoped3A = tpu.sem_alloc : memref<!tpu.dma_semaphore, #tpu.memory_space<semaphore_mem>>
      %dma_start3A = arith.constant 0 : i32
      %dma_start3A_18 = tpu.memref_slice %arg9[%mul3A_2, %dma_start3A] : memref<10112x128xf32, #tpu.memory_space<vmem_shared>> -> memref<632x128xf32, #tpu.memory_space<vmem_shared>>
      %dma_start3A_19 = arith.constant 0 : i32
      %dma_start3A_20 = tpu.memref_slice %arg3[%mul3A_2, %dma_start3A_19] : memref<10112x128xf32, #tpu.memory_space<hbm>> -> memref<632x128xf32, #tpu.memory_space<hbm>>
      tpu.enqueue_dma source(%dma_start3A_20 : memref<632x128xf32, #tpu.memory_space<hbm>>) target(%dma_start3A_18 : memref<632x128xf32, #tpu.memory_space<vmem_shared>>) target_semaphore(%run_scoped3A : memref<!tpu.dma_semaphore, #tpu.memory_space<semaphore_mem>>)
      %dma_wait3A = arith.constant 0 : i32
      %dma_wait3A_21 = tpu.memref_slice %arg9[%mul3A_2, %dma_wait3A] : memref<10112x128xf32, #tpu.memory_space<vmem_shared>> -> memref<632x128xf32, #tpu.memory_space<vmem_shared>>
      %dma_wait3A_22 = arith.constant 0 : i32
      %dma_wait3A_23 = tpu.memref_slice %arg3[%mul3A_2, %dma_wait3A_22] : memref<10112x128xf32, #tpu.memory_space<hbm>> -> memref<632x128xf32, #tpu.memory_space<hbm>>
      tpu.wait_dma2 semaphore(%run_scoped3A : memref<!tpu.dma_semaphore, #tpu.memory_space<semaphore_mem>>) src(%dma_wait3A_23 : memref<632x128xf32, #tpu.memory_space<hbm>>) dst(%dma_wait3A_21 : memref<632x128xf32, #tpu.memory_space<vmem_shared>>)
      tpu.yield
    }) : () -> ()
    "tpu.region"() ({
      %run_scoped3A = tpu.sem_alloc : memref<!tpu.dma_semaphore, #tpu.memory_space<semaphore_mem>>
      tpu.enqueue_dma source(%arg4 : memref<128x128xf32, #tpu.memory_space<hbm>>) target(%arg8 : memref<128x128xf32, #tpu.memory_space<vmem>>) target_semaphore(%run_scoped3A : memref<!tpu.dma_semaphore, #tpu.memory_space<semaphore_mem>>)
      tpu.wait_dma2 semaphore(%run_scoped3A : memref<!tpu.dma_semaphore, #tpu.memory_space<semaphore_mem>>) src(%arg4 : memref<128x128xf32, #tpu.memory_space<hbm>>) dst(%arg8 : memref<128x128xf32, #tpu.memory_space<vmem>>)
      tpu.yield
    }) : () -> ()
    %barrier3A = arith.constant 0 : index
    tpu.barrier barrier_id(%barrier3A)
    %mul3A_3 = arith.constant 80 : i32
    %mul3A_4 = arith.muli %add3A, %mul3A_3 : i32
    %scan3A = arith.constant 0 : i32
    %scan3A_5 = arith.constant 0 : i32
    %scan3A_6 = arith.constant 10 : i32
    %scan3A_7 = arith.addi %scan3A_5, %scan3A_6 : i32
    %scan3A_8 = arith.constant 1 : i32
    scf.for %scan3A_18 = %scan3A_5 to %scan3A_7 step %scan3A_8  : i32 {
      %mul3A_19 = arith.constant 8 : i32
      %mul3A_20 = arith.muli %scan3A_18, %mul3A_19 : i32
      %add3A_21 = arith.addi %mul3A_4, %mul3A_20 : i32
      "tpu.region"() ({
        %run_scoped3A_29 = tpu.sem_alloc : memref<!tpu.dma_semaphore, #tpu.memory_space<semaphore_mem>>
        %dma_start3A = arith.constant 0 : i32
        %dma_start3A_30 = tpu.memref_slice %arg2[%add3A_21, %dma_start3A] : memref<2560x128xi32, #tpu.memory_space<hbm>> -> memref<8x128xi32, #tpu.memory_space<hbm>>
        %dma_start3A_31 = arith.constant 0 : i32
        %dma_start3A_32 = tpu.memref_slice %arg2[%add3A_21, %dma_start3A_31] : memref<2560x128xi32, #tpu.memory_space<hbm>> -> memref<8x128xi32, #tpu.memory_space<hbm>>
        tpu.enqueue_dma source(%dma_start3A_32 : memref<8x128xi32, #tpu.memory_space<hbm>>) target(%arg7 : memref<8x128xi32, #tpu.memory_space<vmem>>) target_semaphore(%run_scoped3A_29 : memref<!tpu.dma_semaphore, #tpu.memory_space<semaphore_mem>>)
        %dma_wait3A = arith.constant 0 : i32
        %dma_wait3A_33 = tpu.memref_slice %arg2[%add3A_21, %dma_wait3A] : memref<2560x128xi32, #tpu.memory_space<hbm>> -> memref<8x128xi32, #tpu.memory_space<hbm>>
        %dma_wait3A_34 = arith.constant 0 : i32
        %dma_wait3A_35 = tpu.memref_slice %arg2[%add3A_21, %dma_wait3A_34] : memref<2560x128xi32, #tpu.memory_space<hbm>> -> memref<8x128xi32, #tpu.memory_space<hbm>>
        tpu.wait_dma2 semaphore(%run_scoped3A_29 : memref<!tpu.dma_semaphore, #tpu.memory_space<semaphore_mem>>) src(%dma_wait3A_35 : memref<8x128xi32, #tpu.memory_space<hbm>>) dst(%arg7 : memref<8x128xi32, #tpu.memory_space<vmem>>)
        tpu.yield
      }) : () -> ()
      %run_scoped3A = arith.constant 0 : i32
      "tpu.region"() ({
        %run_scoped3A_29 = tpu.sem_alloc : memref<!tpu.dma_semaphore, #tpu.memory_space<semaphore_mem>>
        %dma_start3A = arith.constant 0 : i32
        %dma_start3A_30 = tpu.memref_slice %arg7[%run_scoped3A, %dma_start3A] : memref<8x128xi32, #tpu.memory_space<vmem>> -> memref<1x128xi32, #tpu.memory_space<vmem>>
        %dma_start3A_31 = tpu.memref_squeeze %dma_start3A_30 : memref<1x128xi32, #tpu.memory_space<vmem>> -> memref<128xi32, #tpu.memory_space<vmem>>
        %dma_start3A_32 = arith.constant 0 : i32
        %dma_start3A_33 = arith.constant 0 : i32
        %dma_start3A_34 = tpu.memref_slice %arg9[%dma_start3A_32, %dma_start3A_33] : memref<10112x128xf32, #tpu.memory_space<vmem_shared>> -> memref<10112x128xf32, #tpu.memory_space<vmem_shared>>
        tpu.enqueue_indirect_dma source(%arg8 : memref<128x128xf32, #tpu.memory_space<vmem>>) target(%dma_start3A_34 : memref<10112x128xf32, #tpu.memory_space<vmem_shared>>) offsets(%dma_start3A_31 : memref<128xi32, #tpu.memory_space<vmem>>) semaphore(%run_scoped3A_29 : memref<!tpu.dma_semaphore, #tpu.memory_space<semaphore_mem>>) {add = true}
        %dma_wait3A = arith.constant 0 : i32
        %dma_wait3A_35 = tpu.memref_slice %arg7[%run_scoped3A, %dma_wait3A] : memref<8x128xi32, #tpu.memory_space<vmem>> -> memref<1x128xi32, #tpu.memory_space<vmem>>
        %dma_wait3A_36 = tpu.memref_squeeze %dma_wait3A_35 : memref<1x128xi32, #tpu.memory_space<vmem>> -> memref<128xi32, #tpu.memory_space<vmem>>
        %dma_wait3A_37 = arith.constant 0 : i32
        %dma_wait3A_38 = arith.constant 0 : i32
        %dma_wait3A_39 = tpu.memref_slice %arg9[%dma_wait3A_37, %dma_wait3A_38] : memref<10112x128xf32, #tpu.memory_space<vmem_shared>> -> memref<10112x128xf32, #tpu.memory_space<vmem_shared>>
        tpu.wait_indirect_dma semaphore(%run_scoped3A_29 : memref<!tpu.dma_semaphore, #tpu.memory_space<semaphore_mem>>) src(%arg8 : memref<128x128xf32, #tpu.memory_space<vmem>>) dst(%dma_wait3A_39 : memref<10112x128xf32, #tpu.memory_space<vmem_shared>>)
        tpu.yield
      }) : () -> ()
      %run_scoped3A_22 = arith.constant 1 : i32
      "tpu.region"() ({
        %run_scoped3A_29 = tpu.sem_alloc : memref<!tpu.dma_semaphore, #tpu.memory_space<semaphore_mem>>
        %dma_start3A = arith.constant 0 : i32
        %dma_start3A_30 = tpu.memref_slice %arg7[%run_scoped3A_22, %dma_start3A] : memref<8x128xi32, #tpu.memory_space<vmem>> -> memref<1x128xi32, #tpu.memory_space<vmem>>
        %dma_start3A_31 = tpu.memref_squeeze %dma_start3A_30 : memref<1x128xi32, #tpu.memory_space<vmem>> -> memref<128xi32, #tpu.memory_space<vmem>>
        %dma_start3A_32 = arith.constant 0 : i32
        %dma_start3A_33 = arith.constant 0 : i32
        %dma_start3A_34 = tpu.memref_slice %arg9[%dma_start3A_32, %dma_start3A_33] : memref<10112x128xf32, #tpu.memory_space<vmem_shared>> -> memref<10112x128xf32, #tpu.memory_space<vmem_shared>>
        tpu.enqueue_indirect_dma source(%arg8 : memref<128x128xf32, #tpu.memory_space<vmem>>) target(%dma_start3A_34 : memref<10112x128xf32, #tpu.memory_space<vmem_shared>>) offsets(%dma_start3A_31 : memref<128xi32, #tpu.memory_space<vmem>>) semaphore(%run_scoped3A_29 : memref<!tpu.dma_semaphore, #tpu.memory_space<semaphore_mem>>) {add = true}
        %dma_wait3A = arith.constant 0 : i32
        %dma_wait3A_35 = tpu.memref_slice %arg7[%run_scoped3A_22, %dma_wait3A] : memref<8x128xi32, #tpu.memory_space<vmem>> -> memref<1x128xi32, #tpu.memory_space<vmem>>
        %dma_wait3A_36 = tpu.memref_squeeze %dma_wait3A_35 : memref<1x128xi32, #tpu.memory_space<vmem>> -> memref<128xi32, #tpu.memory_space<vmem>>
        %dma_wait3A_37 = arith.constant 0 : i32
        %dma_wait3A_38 = arith.constant 0 : i32
        %dma_wait3A_39 = tpu.memref_slice %arg9[%dma_wait3A_37, %dma_wait3A_38] : memref<10112x128xf32, #tpu.memory_space<vmem_shared>> -> memref<10112x128xf32, #tpu.memory_space<vmem_shared>>
        tpu.wait_indirect_dma semaphore(%run_scoped3A_29 : memref<!tpu.dma_semaphore, #tpu.memory_space<semaphore_mem>>) src(%arg8 : memref<128x128xf32, #tpu.memory_space<vmem>>) dst(%dma_wait3A_39 : memref<10112x128xf32, #tpu.memory_space<vmem_shared>>)
        tpu.yield
      }) : () -> ()
      %run_scoped3A_23 = arith.constant 2 : i32
      "tpu.region"() ({
        %run_scoped3A_29 = tpu.sem_alloc : memref<!tpu.dma_semaphore, #tpu.memory_space<semaphore_mem>>
        %dma_start3A = arith.constant 0 : i32
        %dma_start3A_30 = tpu.memref_slice %arg7[%run_scoped3A_23, %dma_start3A] : memref<8x128xi32, #tpu.memory_space<vmem>> -> memref<1x128xi32, #tpu.memory_space<vmem>>
        %dma_start3A_31 = tpu.memref_squeeze %dma_start3A_30 : memref<1x128xi32, #tpu.memory_space<vmem>> -> memref<128xi32, #tpu.memory_space<vmem>>
        %dma_start3A_32 = arith.constant 0 : i32
        %dma_start3A_33 = arith.constant 0 : i32
        %dma_start3A_34 = tpu.memref_slice %arg9[%dma_start3A_32, %dma_start3A_33] : memref<10112x128xf32, #tpu.memory_space<vmem_shared>> -> memref<10112x128xf32, #tpu.memory_space<vmem_shared>>
        tpu.enqueue_indirect_dma source(%arg8 : memref<128x128xf32, #tpu.memory_space<vmem>>) target(%dma_start3A_34 : memref<10112x128xf32, #tpu.memory_space<vmem_shared>>) offsets(%dma_start3A_31 : memref<128xi32, #tpu.memory_space<vmem>>) semaphore(%run_scoped3A_29 : memref<!tpu.dma_semaphore, #tpu.memory_space<semaphore_mem>>) {add = true}
        %dma_wait3A = arith.constant 0 : i32
        %dma_wait3A_35 = tpu.memref_slice %arg7[%run_scoped3A_23, %dma_wait3A] : memref<8x128xi32, #tpu.memory_space<vmem>> -> memref<1x128xi32, #tpu.memory_space<vmem>>
        %dma_wait3A_36 = tpu.memref_squeeze %dma_wait3A_35 : memref<1x128xi32, #tpu.memory_space<vmem>> -> memref<128xi32, #tpu.memory_space<vmem>>
        %dma_wait3A_37 = arith.constant 0 : i32
        %dma_wait3A_38 = arith.constant 0 : i32
        %dma_wait3A_39 = tpu.memref_slice %arg9[%dma_wait3A_37, %dma_wait3A_38] : memref<10112x128xf32, #tpu.memory_space<vmem_shared>> -> memref<10112x128xf32, #tpu.memory_space<vmem_shared>>
        tpu.wait_indirect_dma semaphore(%run_scoped3A_29 : memref<!tpu.dma_semaphore, #tpu.memory_space<semaphore_mem>>) src(%arg8 : memref<128x128xf32, #tpu.memory_space<vmem>>) dst(%dma_wait3A_39 : memref<10112x128xf32, #tpu.memory_space<vmem_shared>>)
        tpu.yield
      }) : () -> ()
      %run_scoped3A_24 = arith.constant 3 : i32
      "tpu.region"() ({
        %run_scoped3A_29 = tpu.sem_alloc : memref<!tpu.dma_semaphore, #tpu.memory_space<semaphore_mem>>
        %dma_start3A = arith.constant 0 : i32
        %dma_start3A_30 = tpu.memref_slice %arg7[%run_scoped3A_24, %dma_start3A] : memref<8x128xi32, #tpu.memory_space<vmem>> -> memref<1x128xi32, #tpu.memory_space<vmem>>
        %dma_start3A_31 = tpu.memref_squeeze %dma_start3A_30 : memref<1x128xi32, #tpu.memory_space<vmem>> -> memref<128xi32, #tpu.memory_space<vmem>>
        %dma_start3A_32 = arith.constant 0 : i32
        %dma_start3A_33 = arith.constant 0 : i32
        %dma_start3A_34 = tpu.memref_slice %arg9[%dma_start3A_32, %dma_start3A_33] : memref<10112x128xf32, #tpu.memory_space<vmem_shared>> -> memref<10112x128xf32, #tpu.memory_space<vmem_shared>>
        tpu.enqueue_indirect_dma source(%arg8 : memref<128x128xf32, #tpu.memory_space<vmem>>) target(%dma_start3A_34 : memref<10112x128xf32, #tpu.memory_space<vmem_shared>>) offsets(%dma_start3A_31 : memref<128xi32, #tpu.memory_space<vmem>>) semaphore(%run_scoped3A_29 : memref<!tpu.dma_semaphore, #tpu.memory_space<semaphore_mem>>) {add = true}
        %dma_wait3A = arith.constant 0 : i32
        %dma_wait3A_35 = tpu.memref_slice %arg7[%run_scoped3A_24, %dma_wait3A] : memref<8x128xi32, #tpu.memory_space<vmem>> -> memref<1x128xi32, #tpu.memory_space<vmem>>
        %dma_wait3A_36 = tpu.memref_squeeze %dma_wait3A_35 : memref<1x128xi32, #tpu.memory_space<vmem>> -> memref<128xi32, #tpu.memory_space<vmem>>
        %dma_wait3A_37 = arith.constant 0 : i32
        %dma_wait3A_38 = arith.constant 0 : i32
        %dma_wait3A_39 = tpu.memref_slice %arg9[%dma_wait3A_37, %dma_wait3A_38] : memref<10112x128xf32, #tpu.memory_space<vmem_shared>> -> memref<10112x128xf32, #tpu.memory_space<vmem_shared>>
        tpu.wait_indirect_dma semaphore(%run_scoped3A_29 : memref<!tpu.dma_semaphore, #tpu.memory_space<semaphore_mem>>) src(%arg8 : memref<128x128xf32, #tpu.memory_space<vmem>>) dst(%dma_wait3A_39 : memref<10112x128xf32, #tpu.memory_space<vmem_shared>>)
        tpu.yield
      }) : () -> ()
      %run_scoped3A_25 = arith.constant 4 : i32
      "tpu.region"() ({
        %run_scoped3A_29 = tpu.sem_alloc : memref<!tpu.dma_semaphore, #tpu.memory_space<semaphore_mem>>
        %dma_start3A = arith.constant 0 : i32
        %dma_start3A_30 = tpu.memref_slice %arg7[%run_scoped3A_25, %dma_start3A] : memref<8x128xi32, #tpu.memory_space<vmem>> -> memref<1x128xi32, #tpu.memory_space<vmem>>
        %dma_start3A_31 = tpu.memref_squeeze %dma_start3A_30 : memref<1x128xi32, #tpu.memory_space<vmem>> -> memref<128xi32, #tpu.memory_space<vmem>>
        %dma_start3A_32 = arith.constant 0 : i32
        %dma_start3A_33 = arith.constant 0 : i32
        %dma_start3A_34 = tpu.memref_slice %arg9[%dma_start3A_32, %dma_start3A_33] : memref<10112x128xf32, #tpu.memory_space<vmem_shared>> -> memref<10112x128xf32, #tpu.memory_space<vmem_shared>>
        tpu.enqueue_indirect_dma source(%arg8 : memref<128x128xf32, #tpu.memory_space<vmem>>) target(%dma_start3A_34 : memref<10112x128xf32, #tpu.memory_space<vmem_shared>>) offsets(%dma_start3A_31 : memref<128xi32, #tpu.memory_space<vmem>>) semaphore(%run_scoped3A_29 : memref<!tpu.dma_semaphore, #tpu.memory_space<semaphore_mem>>) {add = true}
        %dma_wait3A = arith.constant 0 : i32
        %dma_wait3A_35 = tpu.memref_slice %arg7[%run_scoped3A_25, %dma_wait3A] : memref<8x128xi32, #tpu.memory_space<vmem>> -> memref<1x128xi32, #tpu.memory_space<vmem>>
        %dma_wait3A_36 = tpu.memref_squeeze %dma_wait3A_35 : memref<1x128xi32, #tpu.memory_space<vmem>> -> memref<128xi32, #tpu.memory_space<vmem>>
        %dma_wait3A_37 = arith.constant 0 : i32
        %dma_wait3A_38 = arith.constant 0 : i32
        %dma_wait3A_39 = tpu.memref_slice %arg9[%dma_wait3A_37, %dma_wait3A_38] : memref<10112x128xf32, #tpu.memory_space<vmem_shared>> -> memref<10112x128xf32, #tpu.memory_space<vmem_shared>>
        tpu.wait_indirect_dma semaphore(%run_scoped3A_29 : memref<!tpu.dma_semaphore, #tpu.memory_space<semaphore_mem>>) src(%arg8 : memref<128x128xf32, #tpu.memory_space<vmem>>) dst(%dma_wait3A_39 : memref<10112x128xf32, #tpu.memory_space<vmem_shared>>)
        tpu.yield
      }) : () -> ()
      %run_scoped3A_26 = arith.constant 5 : i32
      "tpu.region"() ({
        %run_scoped3A_29 = tpu.sem_alloc : memref<!tpu.dma_semaphore, #tpu.memory_space<semaphore_mem>>
        %dma_start3A = arith.constant 0 : i32
        %dma_start3A_30 = tpu.memref_slice %arg7[%run_scoped3A_26, %dma_start3A] : memref<8x128xi32, #tpu.memory_space<vmem>> -> memref<1x128xi32, #tpu.memory_space<vmem>>
        %dma_start3A_31 = tpu.memref_squeeze %dma_start3A_30 : memref<1x128xi32, #tpu.memory_space<vmem>> -> memref<128xi32, #tpu.memory_space<vmem>>
        %dma_start3A_32 = arith.constant 0 : i32
        %dma_start3A_33 = arith.constant 0 : i32
        %dma_start3A_34 = tpu.memref_slice %arg9[%dma_start3A_32, %dma_start3A_33] : memref<10112x128xf32, #tpu.memory_space<vmem_shared>> -> memref<10112x128xf32, #tpu.memory_space<vmem_shared>>
        tpu.enqueue_indirect_dma source(%arg8 : memref<128x128xf32, #tpu.memory_space<vmem>>) target(%dma_start3A_34 : memref<10112x128xf32, #tpu.memory_space<vmem_shared>>) offsets(%dma_start3A_31 : memref<128xi32, #tpu.memory_space<vmem>>) semaphore(%run_scoped3A_29 : memref<!tpu.dma_semaphore, #tpu.memory_space<semaphore_mem>>) {add = true}
        %dma_wait3A = arith.constant 0 : i32
        %dma_wait3A_35 = tpu.memref_slice %arg7[%run_scoped3A_26, %dma_wait3A] : memref<8x128xi32, #tpu.memory_space<vmem>> -> memref<1x128xi32, #tpu.memory_space<vmem>>
        %dma_wait3A_36 = tpu.memref_squeeze %dma_wait3A_35 : memref<1x128xi32, #tpu.memory_space<vmem>> -> memref<128xi32, #tpu.memory_space<vmem>>
        %dma_wait3A_37 = arith.constant 0 : i32
        %dma_wait3A_38 = arith.constant 0 : i32
        %dma_wait3A_39 = tpu.memref_slice %arg9[%dma_wait3A_37, %dma_wait3A_38] : memref<10112x128xf32, #tpu.memory_space<vmem_shared>> -> memref<10112x128xf32, #tpu.memory_space<vmem_shared>>
        tpu.wait_indirect_dma semaphore(%run_scoped3A_29 : memref<!tpu.dma_semaphore, #tpu.memory_space<semaphore_mem>>) src(%arg8 : memref<128x128xf32, #tpu.memory_space<vmem>>) dst(%dma_wait3A_39 : memref<10112x128xf32, #tpu.memory_space<vmem_shared>>)
        tpu.yield
      }) : () -> ()
      %run_scoped3A_27 = arith.constant 6 : i32
      "tpu.region"() ({
        %run_scoped3A_29 = tpu.sem_alloc : memref<!tpu.dma_semaphore, #tpu.memory_space<semaphore_mem>>
        %dma_start3A = arith.constant 0 : i32
        %dma_start3A_30 = tpu.memref_slice %arg7[%run_scoped3A_27, %dma_start3A] : memref<8x128xi32, #tpu.memory_space<vmem>> -> memref<1x128xi32, #tpu.memory_space<vmem>>
        %dma_start3A_31 = tpu.memref_squeeze %dma_start3A_30 : memref<1x128xi32, #tpu.memory_space<vmem>> -> memref<128xi32, #tpu.memory_space<vmem>>
        %dma_start3A_32 = arith.constant 0 : i32
        %dma_start3A_33 = arith.constant 0 : i32
        %dma_start3A_34 = tpu.memref_slice %arg9[%dma_start3A_32, %dma_start3A_33] : memref<10112x128xf32, #tpu.memory_space<vmem_shared>> -> memref<10112x128xf32, #tpu.memory_space<vmem_shared>>
        tpu.enqueue_indirect_dma source(%arg8 : memref<128x128xf32, #tpu.memory_space<vmem>>) target(%dma_start3A_34 : memref<10112x128xf32, #tpu.memory_space<vmem_shared>>) offsets(%dma_start3A_31 : memref<128xi32, #tpu.memory_space<vmem>>) semaphore(%run_scoped3A_29 : memref<!tpu.dma_semaphore, #tpu.memory_space<semaphore_mem>>) {add = true}
        %dma_wait3A = arith.constant 0 : i32
        %dma_wait3A_35 = tpu.memref_slice %arg7[%run_scoped3A_27, %dma_wait3A] : memref<8x128xi32, #tpu.memory_space<vmem>> -> memref<1x128xi32, #tpu.memory_space<vmem>>
        %dma_wait3A_36 = tpu.memref_squeeze %dma_wait3A_35 : memref<1x128xi32, #tpu.memory_space<vmem>> -> memref<128xi32, #tpu.memory_space<vmem>>
        %dma_wait3A_37 = arith.constant 0 : i32
        %dma_wait3A_38 = arith.constant 0 : i32
        %dma_wait3A_39 = tpu.memref_slice %arg9[%dma_wait3A_37, %dma_wait3A_38] : memref<10112x128xf32, #tpu.memory_space<vmem_shared>> -> memref<10112x128xf32, #tpu.memory_space<vmem_shared>>
        tpu.wait_indirect_dma semaphore(%run_scoped3A_29 : memref<!tpu.dma_semaphore, #tpu.memory_space<semaphore_mem>>) src(%arg8 : memref<128x128xf32, #tpu.memory_space<vmem>>) dst(%dma_wait3A_39 : memref<10112x128xf32, #tpu.memory_space<vmem_shared>>)
        tpu.yield
      }) : () -> ()
      %run_scoped3A_28 = arith.constant 7 : i32
      "tpu.region"() ({
        %run_scoped3A_29 = tpu.sem_alloc : memref<!tpu.dma_semaphore, #tpu.memory_space<semaphore_mem>>
        %dma_start3A = arith.constant 0 : i32
        %dma_start3A_30 = tpu.memref_slice %arg7[%run_scoped3A_28, %dma_start3A] : memref<8x128xi32, #tpu.memory_space<vmem>> -> memref<1x128xi32, #tpu.memory_space<vmem>>
        %dma_start3A_31 = tpu.memref_squeeze %dma_start3A_30 : memref<1x128xi32, #tpu.memory_space<vmem>> -> memref<128xi32, #tpu.memory_space<vmem>>
        %dma_start3A_32 = arith.constant 0 : i32
        %dma_start3A_33 = arith.constant 0 : i32
        %dma_start3A_34 = tpu.memref_slice %arg9[%dma_start3A_32, %dma_start3A_33] : memref<10112x128xf32, #tpu.memory_space<vmem_shared>> -> memref<10112x128xf32, #tpu.memory_space<vmem_shared>>
        tpu.enqueue_indirect_dma source(%arg8 : memref<128x128xf32, #tpu.memory_space<vmem>>) target(%dma_start3A_34 : memref<10112x128xf32, #tpu.memory_space<vmem_shared>>) offsets(%dma_start3A_31 : memref<128xi32, #tpu.memory_space<vmem>>) semaphore(%run_scoped3A_29 : memref<!tpu.dma_semaphore, #tpu.memory_space<semaphore_mem>>) {add = true}
        %dma_wait3A = arith.constant 0 : i32
        %dma_wait3A_35 = tpu.memref_slice %arg7[%run_scoped3A_28, %dma_wait3A] : memref<8x128xi32, #tpu.memory_space<vmem>> -> memref<1x128xi32, #tpu.memory_space<vmem>>
        %dma_wait3A_36 = tpu.memref_squeeze %dma_wait3A_35 : memref<1x128xi32, #tpu.memory_space<vmem>> -> memref<128xi32, #tpu.memory_space<vmem>>
        %dma_wait3A_37 = arith.constant 0 : i32
        %dma_wait3A_38 = arith.constant 0 : i32
        %dma_wait3A_39 = tpu.memref_slice %arg9[%dma_wait3A_37, %dma_wait3A_38] : memref<10112x128xf32, #tpu.memory_space<vmem_shared>> -> memref<10112x128xf32, #tpu.memory_space<vmem_shared>>
        tpu.wait_indirect_dma semaphore(%run_scoped3A_29 : memref<!tpu.dma_semaphore, #tpu.memory_space<semaphore_mem>>) src(%arg8 : memref<128x128xf32, #tpu.memory_space<vmem>>) dst(%dma_wait3A_39 : memref<10112x128xf32, #tpu.memory_space<vmem_shared>>)
        tpu.yield
      }) : () -> ()
    }
    %scan3A_9 = arith.constant 10 : i32
    %barrier3A_10 = arith.constant 0 : index
    tpu.barrier barrier_id(%barrier3A_10)
    %eq3A = arith.constant 0 : i32
    %eq3A_11 = arith.cmpi eq, %arg0, %eq3A : i32
    %convert_element_type3A = arith.extui %eq3A_11 : i1 to i32
    %cond3A = arith.constant 0 : i32
    %cond3A_12 = arith.cmpi ne, %convert_element_type3A, %cond3A : i32
    scf.if %cond3A_12 {
      "tpu.region"() ({
        %run_scoped3A = tpu.sem_alloc : memref<!tpu.dma_semaphore, #tpu.memory_space<semaphore_mem>>
        %dma_start3A = arith.constant 0 : i32
        %dma_start3A_18 = tpu.memref_slice %arg5[%mul3A_2, %dma_start3A] : memref<10112x128xf32, #tpu.memory_space<hbm>> -> memref<632x128xf32, #tpu.memory_space<hbm>>
        %dma_start3A_19 = arith.constant 0 : i32
        %dma_start3A_20 = tpu.memref_slice %arg9[%mul3A_2, %dma_start3A_19] : memref<10112x128xf32, #tpu.memory_space<vmem_shared>> -> memref<632x128xf32, #tpu.memory_space<vmem_shared>>
        tpu.enqueue_dma source(%dma_start3A_20 : memref<632x128xf32, #tpu.memory_space<vmem_shared>>) target(%dma_start3A_18 : memref<632x128xf32, #tpu.memory_space<hbm>>) target_semaphore(%run_scoped3A : memref<!tpu.dma_semaphore, #tpu.memory_space<semaphore_mem>>)
        %dma_wait3A = arith.constant 0 : i32
        %dma_wait3A_21 = tpu.memref_slice %arg5[%mul3A_2, %dma_wait3A] : memref<10112x128xf32, #tpu.memory_space<hbm>> -> memref<632x128xf32, #tpu.memory_space<hbm>>
        %dma_wait3A_22 = arith.constant 0 : i32
        %dma_wait3A_23 = tpu.memref_slice %arg9[%mul3A_2, %dma_wait3A_22] : memref<10112x128xf32, #tpu.memory_space<vmem_shared>> -> memref<632x128xf32, #tpu.memory_space<vmem_shared>>
        tpu.wait_dma2 semaphore(%run_scoped3A : memref<!tpu.dma_semaphore, #tpu.memory_space<semaphore_mem>>) src(%dma_wait3A_23 : memref<632x128xf32, #tpu.memory_space<vmem_shared>>) dst(%dma_wait3A_21 : memref<632x128xf32, #tpu.memory_space<hbm>>)
        tpu.yield
      }) : () -> ()
    } else {
    }
    %eq3A_13 = arith.constant 1 : i32
    %eq3A_14 = arith.cmpi eq, %arg0, %eq3A_13 : i32
    %convert_element_type3A_15 = arith.extui %eq3A_14 : i1 to i32
    %cond3A_16 = arith.constant 0 : i32
    %cond3A_17 = arith.cmpi ne, %convert_element_type3A_15, %cond3A_16 : i32
    scf.if %cond3A_17 {
      "tpu.region"() ({
        %run_scoped3A = tpu.sem_alloc : memref<!tpu.dma_semaphore, #tpu.memory_space<semaphore_mem>>
        %dma_start3A = arith.constant 0 : i32
        %dma_start3A_18 = tpu.memref_slice %arg6[%mul3A_2, %dma_start3A] : memref<10112x128xf32, #tpu.memory_space<hbm>> -> memref<632x128xf32, #tpu.memory_space<hbm>>
        %dma_start3A_19 = arith.constant 0 : i32
        %dma_start3A_20 = tpu.memref_slice %arg9[%mul3A_2, %dma_start3A_19] : memref<10112x128xf32, #tpu.memory_space<vmem_shared>> -> memref<632x128xf32, #tpu.memory_space<vmem_shared>>
        tpu.enqueue_dma source(%dma_start3A_20 : memref<632x128xf32, #tpu.memory_space<vmem_shared>>) target(%dma_start3A_18 : memref<632x128xf32, #tpu.memory_space<hbm>>) target_semaphore(%run_scoped3A : memref<!tpu.dma_semaphore, #tpu.memory_space<semaphore_mem>>)
        %dma_wait3A = arith.constant 0 : i32
        %dma_wait3A_21 = tpu.memref_slice %arg6[%mul3A_2, %dma_wait3A] : memref<10112x128xf32, #tpu.memory_space<hbm>> -> memref<632x128xf32, #tpu.memory_space<hbm>>
        %dma_wait3A_22 = arith.constant 0 : i32
        %dma_wait3A_23 = tpu.memref_slice %arg9[%mul3A_2, %dma_wait3A_22] : memref<10112x128xf32, #tpu.memory_space<vmem_shared>> -> memref<632x128xf32, #tpu.memory_space<vmem_shared>>
        tpu.wait_dma2 semaphore(%run_scoped3A : memref<!tpu.dma_semaphore, #tpu.memory_space<semaphore_mem>>) src(%dma_wait3A_23 : memref<632x128xf32, #tpu.memory_space<vmem_shared>>) dst(%dma_wait3A_21 : memref<632x128xf32, #tpu.memory_space<hbm>>)
        tpu.yield
      }) : () -> ()
    } else {
    }
    return
  }
}

#map = affine_map<(d0, d1) -> (0, 0)>
#map1 = affine_map<(d0, d1) -> (0)>
module attributes {stable_mosaic.version = 14 : i64} {
  func.func @_seg_body(%arg0: i32, %arg1: i32, %arg2: memref<10000x128xf32, #tpu.memory_space<hbm>>, %arg3: memref<2560x128xi32, #tpu.memory_space<hbm>>, %arg4: memref<327680xi32, #tpu.memory_space<hbm>>, %arg5: memref<10112x128xf32, #tpu.memory_space<hbm>>, %arg6: memref<10112x128xf32, #tpu.memory_space<hbm>>, %arg7: memref<10112x128xf32, #tpu.memory_space<hbm>>, %arg8: memref<8x128xi32, #tpu.memory_space<vmem>>, %arg9: memref<128xi32, #tpu.memory_space<vmem>>, %arg10: memref<128xi32, #tpu.memory_space<vmem>>, %arg11: memref<128x128xf32, #tpu.memory_space<vmem>>, %arg12: memref<128x128xf32, #tpu.memory_space<vmem>>, %arg13: memref<10112x128xf32, #tpu.memory_space<vmem_shared>>, %arg14: memref<!tpu.dma_semaphore, #tpu.memory_space<semaphore_mem>>, %arg15: memref<!tpu.dma_semaphore, #tpu.memory_space<semaphore_mem>>) attributes {dimension_semantics = [#tpu.dimension_semantics<core_parallel>, #tpu.dimension_semantics<subcore_parallel>], iteration_bounds = array<i64: 2, 16>, scalar_prefetch = 0 : i64, scratch_operands = 8 : i64, tpu.core_type = #tpu.core_type<sc_vector_subcore>, window_params = [{transform_indices = #map}, {transform_indices = #map}, {transform_indices = #map1}, {transform_indices = #map}, {transform_indices = #map}, {transform_indices = #map}]} {
    %mul3A = arith.constant 2 : i32
    %mul3A_0 = arith.muli %arg1, %mul3A : i32
    %add3A = arith.addi %mul3A_0, %arg0 : i32
    %mul3A_1 = arith.constant 632 : i32
    %mul3A_2 = arith.muli %arg1, %mul3A_1 : i32
    "tpu.region"() ({
      %run_scoped3A = tpu.sem_alloc : memref<!tpu.dma_semaphore, #tpu.memory_space<semaphore_mem>>
      %dma_start3A = arith.constant 0 : i32
      %dma_start3A_18 = tpu.memref_slice %arg13[%mul3A_2, %dma_start3A] : memref<10112x128xf32, #tpu.memory_space<vmem_shared>> -> memref<632x128xf32, #tpu.memory_space<vmem_shared>>
      %dma_start3A_19 = arith.constant 0 : i32
      %dma_start3A_20 = tpu.memref_slice %arg5[%mul3A_2, %dma_start3A_19] : memref<10112x128xf32, #tpu.memory_space<hbm>> -> memref<632x128xf32, #tpu.memory_space<hbm>>
      tpu.enqueue_dma source(%dma_start3A_20 : memref<632x128xf32, #tpu.memory_space<hbm>>) target(%dma_start3A_18 : memref<632x128xf32, #tpu.memory_space<vmem_shared>>) target_semaphore(%run_scoped3A : memref<!tpu.dma_semaphore, #tpu.memory_space<semaphore_mem>>)
      %dma_wait3A = arith.constant 0 : i32
      %dma_wait3A_21 = tpu.memref_slice %arg13[%mul3A_2, %dma_wait3A] : memref<10112x128xf32, #tpu.memory_space<vmem_shared>> -> memref<632x128xf32, #tpu.memory_space<vmem_shared>>
      %dma_wait3A_22 = arith.constant 0 : i32
      %dma_wait3A_23 = tpu.memref_slice %arg5[%mul3A_2, %dma_wait3A_22] : memref<10112x128xf32, #tpu.memory_space<hbm>> -> memref<632x128xf32, #tpu.memory_space<hbm>>
      tpu.wait_dma2 semaphore(%run_scoped3A : memref<!tpu.dma_semaphore, #tpu.memory_space<semaphore_mem>>) src(%dma_wait3A_23 : memref<632x128xf32, #tpu.memory_space<hbm>>) dst(%dma_wait3A_21 : memref<632x128xf32, #tpu.memory_space<vmem_shared>>)
      tpu.yield
    }) : () -> ()
    %barrier3A = arith.constant 0 : index
    tpu.barrier barrier_id(%barrier3A)
    %mul3A_3 = arith.constant 80 : i32
    %mul3A_4 = arith.muli %add3A, %mul3A_3 : i32
    %scan3A = arith.constant 0 : i32
    %scan3A_5 = arith.constant 0 : i32
    %scan3A_6 = arith.constant 10 : i32
    %scan3A_7 = arith.addi %scan3A_5, %scan3A_6 : i32
    %scan3A_8 = arith.constant 1 : i32
    scf.for %scan3A_18 = %scan3A_5 to %scan3A_7 step %scan3A_8  : i32 {
      %mul3A_19 = arith.constant 8 : i32
      %mul3A_20 = arith.muli %scan3A_18, %mul3A_19 : i32
      %add3A_21 = arith.addi %mul3A_4, %mul3A_20 : i32
      "tpu.region"() ({
        %run_scoped3A = tpu.sem_alloc : memref<!tpu.dma_semaphore, #tpu.memory_space<semaphore_mem>>
        %dma_start3A_164 = arith.constant 0 : i32
        %dma_start3A_165 = tpu.memref_slice %arg3[%add3A_21, %dma_start3A_164] : memref<2560x128xi32, #tpu.memory_space<hbm>> -> memref<8x128xi32, #tpu.memory_space<hbm>>
        %dma_start3A_166 = arith.constant 0 : i32
        %dma_start3A_167 = tpu.memref_slice %arg3[%add3A_21, %dma_start3A_166] : memref<2560x128xi32, #tpu.memory_space<hbm>> -> memref<8x128xi32, #tpu.memory_space<hbm>>
        tpu.enqueue_dma source(%dma_start3A_167 : memref<8x128xi32, #tpu.memory_space<hbm>>) target(%arg8 : memref<8x128xi32, #tpu.memory_space<vmem>>) target_semaphore(%run_scoped3A : memref<!tpu.dma_semaphore, #tpu.memory_space<semaphore_mem>>)
        %dma_wait3A_168 = arith.constant 0 : i32
        %dma_wait3A_169 = tpu.memref_slice %arg3[%add3A_21, %dma_wait3A_168] : memref<2560x128xi32, #tpu.memory_space<hbm>> -> memref<8x128xi32, #tpu.memory_space<hbm>>
        %dma_wait3A_170 = arith.constant 0 : i32
        %dma_wait3A_171 = tpu.memref_slice %arg3[%add3A_21, %dma_wait3A_170] : memref<2560x128xi32, #tpu.memory_space<hbm>> -> memref<8x128xi32, #tpu.memory_space<hbm>>
        tpu.wait_dma2 semaphore(%run_scoped3A : memref<!tpu.dma_semaphore, #tpu.memory_space<semaphore_mem>>) src(%dma_wait3A_171 : memref<8x128xi32, #tpu.memory_space<hbm>>) dst(%arg8 : memref<8x128xi32, #tpu.memory_space<vmem>>)
        tpu.yield
      }) : () -> ()
      %dma_start3A = arith.constant 0 : i32
      %dma_start3A_22 = arith.constant 0 : i32
      %dma_start3A_23 = tpu.memref_slice %arg8[%dma_start3A, %dma_start3A_22] : memref<8x128xi32, #tpu.memory_space<vmem>> -> memref<1x128xi32, #tpu.memory_space<vmem>>
      %dma_start3A_24 = tpu.memref_squeeze %dma_start3A_23 : memref<1x128xi32, #tpu.memory_space<vmem>> -> memref<128xi32, #tpu.memory_space<vmem>>
      %dma_start3A_25 = arith.constant 0 : i32
      %dma_start3A_26 = arith.constant 0 : i32
      %dma_start3A_27 = tpu.memref_slice %arg2[%dma_start3A_25, %dma_start3A_26] : memref<10000x128xf32, #tpu.memory_space<hbm>> -> memref<10000x128xf32, #tpu.memory_space<hbm>>
      tpu.enqueue_indirect_dma source(%dma_start3A_27 : memref<10000x128xf32, #tpu.memory_space<hbm>>) target(%arg11 : memref<128x128xf32, #tpu.memory_space<vmem>>) offsets(%dma_start3A_24 : memref<128xi32, #tpu.memory_space<vmem>>) semaphore(%arg14 : memref<!tpu.dma_semaphore, #tpu.memory_space<semaphore_mem>>)
      %dma_start3A_28 = arith.constant 1 : i32
      %dma_start3A_29 = arith.constant 0 : i32
      %dma_start3A_30 = tpu.memref_slice %arg8[%dma_start3A_28, %dma_start3A_29] : memref<8x128xi32, #tpu.memory_space<vmem>> -> memref<1x128xi32, #tpu.memory_space<vmem>>
      %dma_start3A_31 = tpu.memref_squeeze %dma_start3A_30 : memref<1x128xi32, #tpu.memory_space<vmem>> -> memref<128xi32, #tpu.memory_space<vmem>>
      %dma_start3A_32 = arith.constant 0 : i32
      %dma_start3A_33 = arith.constant 0 : i32
      %dma_start3A_34 = tpu.memref_slice %arg2[%dma_start3A_32, %dma_start3A_33] : memref<10000x128xf32, #tpu.memory_space<hbm>> -> memref<10000x128xf32, #tpu.memory_space<hbm>>
      tpu.enqueue_indirect_dma source(%dma_start3A_34 : memref<10000x128xf32, #tpu.memory_space<hbm>>) target(%arg12 : memref<128x128xf32, #tpu.memory_space<vmem>>) offsets(%dma_start3A_31 : memref<128xi32, #tpu.memory_space<vmem>>) semaphore(%arg15 : memref<!tpu.dma_semaphore, #tpu.memory_space<semaphore_mem>>)
      %add3A_35 = arith.constant 0 : i32
      %add3A_36 = arith.addi %add3A_21, %add3A_35 : i32
      %mul3A_37 = arith.constant 128 : i32
      %mul3A_38 = arith.muli %add3A_36, %mul3A_37 : i32
      "tpu.region"() ({
        %run_scoped3A = tpu.sem_alloc : memref<!tpu.dma_semaphore, #tpu.memory_space<semaphore_mem>>
        %dma_start3A_164 = tpu.memref_slice %arg4[%mul3A_38] : memref<327680xi32, #tpu.memory_space<hbm>> -> memref<128xi32, #tpu.memory_space<hbm>>
        %dma_start3A_165 = tpu.memref_slice %arg4[%mul3A_38] : memref<327680xi32, #tpu.memory_space<hbm>> -> memref<128xi32, #tpu.memory_space<hbm>>
        tpu.enqueue_dma source(%dma_start3A_165 : memref<128xi32, #tpu.memory_space<hbm>>) target(%arg9 : memref<128xi32, #tpu.memory_space<vmem>>) target_semaphore(%run_scoped3A : memref<!tpu.dma_semaphore, #tpu.memory_space<semaphore_mem>>)
        %dma_wait3A_166 = tpu.memref_slice %arg4[%mul3A_38] : memref<327680xi32, #tpu.memory_space<hbm>> -> memref<128xi32, #tpu.memory_space<hbm>>
        %dma_wait3A_167 = tpu.memref_slice %arg4[%mul3A_38] : memref<327680xi32, #tpu.memory_space<hbm>> -> memref<128xi32, #tpu.memory_space<hbm>>
        tpu.wait_dma2 semaphore(%run_scoped3A : memref<!tpu.dma_semaphore, #tpu.memory_space<semaphore_mem>>) src(%dma_wait3A_167 : memref<128xi32, #tpu.memory_space<hbm>>) dst(%arg9 : memref<128xi32, #tpu.memory_space<vmem>>)
        tpu.yield
      }) : () -> ()
      %dma_wait3A = arith.constant 0 : i32
      %dma_wait3A_39 = arith.constant 0 : i32
      %dma_wait3A_40 = tpu.memref_slice %arg8[%dma_wait3A, %dma_wait3A_39] : memref<8x128xi32, #tpu.memory_space<vmem>> -> memref<1x128xi32, #tpu.memory_space<vmem>>
      %dma_wait3A_41 = tpu.memref_squeeze %dma_wait3A_40 : memref<1x128xi32, #tpu.memory_space<vmem>> -> memref<128xi32, #tpu.memory_space<vmem>>
      %dma_wait3A_42 = arith.constant 0 : i32
      %dma_wait3A_43 = arith.constant 0 : i32
      %dma_wait3A_44 = tpu.memref_slice %arg2[%dma_wait3A_42, %dma_wait3A_43] : memref<10000x128xf32, #tpu.memory_space<hbm>> -> memref<10000x128xf32, #tpu.memory_space<hbm>>
      tpu.wait_indirect_dma semaphore(%arg14 : memref<!tpu.dma_semaphore, #tpu.memory_space<semaphore_mem>>) src(%dma_wait3A_44 : memref<10000x128xf32, #tpu.memory_space<hbm>>) dst(%arg11 : memref<128x128xf32, #tpu.memory_space<vmem>>)
      "tpu.region"() ({
        %run_scoped3A = tpu.sem_alloc : memref<!tpu.dma_semaphore, #tpu.memory_space<semaphore_mem>>
        %dma_start3A_164 = arith.constant 0 : i32
        %dma_start3A_165 = arith.constant 0 : i32
        %dma_start3A_166 = tpu.memref_slice %arg13[%dma_start3A_164, %dma_start3A_165] : memref<10112x128xf32, #tpu.memory_space<vmem_shared>> -> memref<10112x128xf32, #tpu.memory_space<vmem_shared>>
        tpu.enqueue_indirect_dma source(%arg11 : memref<128x128xf32, #tpu.memory_space<vmem>>) target(%dma_start3A_166 : memref<10112x128xf32, #tpu.memory_space<vmem_shared>>) offsets(%arg9 : memref<128xi32, #tpu.memory_space<vmem>>) semaphore(%run_scoped3A : memref<!tpu.dma_semaphore, #tpu.memory_space<semaphore_mem>>) {add = true}
        %dma_wait3A_167 = arith.constant 0 : i32
        %dma_wait3A_168 = arith.constant 0 : i32
        %dma_wait3A_169 = tpu.memref_slice %arg13[%dma_wait3A_167, %dma_wait3A_168] : memref<10112x128xf32, #tpu.memory_space<vmem_shared>> -> memref<10112x128xf32, #tpu.memory_space<vmem_shared>>
        tpu.wait_indirect_dma semaphore(%run_scoped3A : memref<!tpu.dma_semaphore, #tpu.memory_space<semaphore_mem>>) src(%arg11 : memref<128x128xf32, #tpu.memory_space<vmem>>) dst(%dma_wait3A_169 : memref<10112x128xf32, #tpu.memory_space<vmem_shared>>)
        tpu.yield
      }) : () -> ()
      %dma_start3A_45 = arith.constant 2 : i32
      %dma_start3A_46 = arith.constant 0 : i32
      %dma_start3A_47 = tpu.memref_slice %arg8[%dma_start3A_45, %dma_start3A_46] : memref<8x128xi32, #tpu.memory_space<vmem>> -> memref<1x128xi32, #tpu.memory_space<vmem>>
      %dma_start3A_48 = tpu.memref_squeeze %dma_start3A_47 : memref<1x128xi32, #tpu.memory_space<vmem>> -> memref<128xi32, #tpu.memory_space<vmem>>
      %dma_start3A_49 = arith.constant 0 : i32
      %dma_start3A_50 = arith.constant 0 : i32
      %dma_start3A_51 = tpu.memref_slice %arg2[%dma_start3A_49, %dma_start3A_50] : memref<10000x128xf32, #tpu.memory_space<hbm>> -> memref<10000x128xf32, #tpu.memory_space<hbm>>
      tpu.enqueue_indirect_dma source(%dma_start3A_51 : memref<10000x128xf32, #tpu.memory_space<hbm>>) target(%arg11 : memref<128x128xf32, #tpu.memory_space<vmem>>) offsets(%dma_start3A_48 : memref<128xi32, #tpu.memory_space<vmem>>) semaphore(%arg14 : memref<!tpu.dma_semaphore, #tpu.memory_space<semaphore_mem>>)
      %add3A_52 = arith.constant 1 : i32
      %add3A_53 = arith.addi %add3A_21, %add3A_52 : i32
      %mul3A_54 = arith.constant 128 : i32
      %mul3A_55 = arith.muli %add3A_53, %mul3A_54 : i32
      "tpu.region"() ({
        %run_scoped3A = tpu.sem_alloc : memref<!tpu.dma_semaphore, #tpu.memory_space<semaphore_mem>>
        %dma_start3A_164 = tpu.memref_slice %arg4[%mul3A_55] : memref<327680xi32, #tpu.memory_space<hbm>> -> memref<128xi32, #tpu.memory_space<hbm>>
        %dma_start3A_165 = tpu.memref_slice %arg4[%mul3A_55] : memref<327680xi32, #tpu.memory_space<hbm>> -> memref<128xi32, #tpu.memory_space<hbm>>
        tpu.enqueue_dma source(%dma_start3A_165 : memref<128xi32, #tpu.memory_space<hbm>>) target(%arg10 : memref<128xi32, #tpu.memory_space<vmem>>) target_semaphore(%run_scoped3A : memref<!tpu.dma_semaphore, #tpu.memory_space<semaphore_mem>>)
        %dma_wait3A_166 = tpu.memref_slice %arg4[%mul3A_55] : memref<327680xi32, #tpu.memory_space<hbm>> -> memref<128xi32, #tpu.memory_space<hbm>>
        %dma_wait3A_167 = tpu.memref_slice %arg4[%mul3A_55] : memref<327680xi32, #tpu.memory_space<hbm>> -> memref<128xi32, #tpu.memory_space<hbm>>
        tpu.wait_dma2 semaphore(%run_scoped3A : memref<!tpu.dma_semaphore, #tpu.memory_space<semaphore_mem>>) src(%dma_wait3A_167 : memref<128xi32, #tpu.memory_space<hbm>>) dst(%arg10 : memref<128xi32, #tpu.memory_space<vmem>>)
        tpu.yield
      }) : () -> ()
      %dma_wait3A_56 = arith.constant 1 : i32
      %dma_wait3A_57 = arith.constant 0 : i32
      %dma_wait3A_58 = tpu.memref_slice %arg8[%dma_wait3A_56, %dma_wait3A_57] : memref<8x128xi32, #tpu.memory_space<vmem>> -> memref<1x128xi32, #tpu.memory_space<vmem>>
      %dma_wait3A_59 = tpu.memref_squeeze %dma_wait3A_58 : memref<1x128xi32, #tpu.memory_space<vmem>> -> memref<128xi32, #tpu.memory_space<vmem>>
      %dma_wait3A_60 = arith.constant 0 : i32
      %dma_wait3A_61 = arith.constant 0 : i32
      %dma_wait3A_62 = tpu.memref_slice %arg2[%dma_wait3A_60, %dma_wait3A_61] : memref<10000x128xf32, #tpu.memory_space<hbm>> -> memref<10000x128xf32, #tpu.memory_space<hbm>>
      tpu.wait_indirect_dma semaphore(%arg15 : memref<!tpu.dma_semaphore, #tpu.memory_space<semaphore_mem>>) src(%dma_wait3A_62 : memref<10000x128xf32, #tpu.memory_space<hbm>>) dst(%arg12 : memref<128x128xf32, #tpu.memory_space<vmem>>)
      "tpu.region"() ({
        %run_scoped3A = tpu.sem_alloc : memref<!tpu.dma_semaphore, #tpu.memory_space<semaphore_mem>>
        %dma_start3A_164 = arith.constant 0 : i32
        %dma_start3A_165 = arith.constant 0 : i32
        %dma_start3A_166 = tpu.memref_slice %arg13[%dma_start3A_164, %dma_start3A_165] : memref<10112x128xf32, #tpu.memory_space<vmem_shared>> -> memref<10112x128xf32, #tpu.memory_space<vmem_shared>>
        tpu.enqueue_indirect_dma source(%arg12 : memref<128x128xf32, #tpu.memory_space<vmem>>) target(%dma_start3A_166 : memref<10112x128xf32, #tpu.memory_space<vmem_shared>>) offsets(%arg10 : memref<128xi32, #tpu.memory_space<vmem>>) semaphore(%run_scoped3A : memref<!tpu.dma_semaphore, #tpu.memory_space<semaphore_mem>>) {add = true}
        %dma_wait3A_167 = arith.constant 0 : i32
        %dma_wait3A_168 = arith.constant 0 : i32
        %dma_wait3A_169 = tpu.memref_slice %arg13[%dma_wait3A_167, %dma_wait3A_168] : memref<10112x128xf32, #tpu.memory_space<vmem_shared>> -> memref<10112x128xf32, #tpu.memory_space<vmem_shared>>
        tpu.wait_indirect_dma semaphore(%run_scoped3A : memref<!tpu.dma_semaphore, #tpu.memory_space<semaphore_mem>>) src(%arg12 : memref<128x128xf32, #tpu.memory_space<vmem>>) dst(%dma_wait3A_169 : memref<10112x128xf32, #tpu.memory_space<vmem_shared>>)
        tpu.yield
      }) : () -> ()
      %dma_start3A_63 = arith.constant 3 : i32
      %dma_start3A_64 = arith.constant 0 : i32
      %dma_start3A_65 = tpu.memref_slice %arg8[%dma_start3A_63, %dma_start3A_64] : memref<8x128xi32, #tpu.memory_space<vmem>> -> memref<1x128xi32, #tpu.memory_space<vmem>>
      %dma_start3A_66 = tpu.memref_squeeze %dma_start3A_65 : memref<1x128xi32, #tpu.memory_space<vmem>> -> memref<128xi32, #tpu.memory_space<vmem>>
      %dma_start3A_67 = arith.constant 0 : i32
      %dma_start3A_68 = arith.constant 0 : i32
      %dma_start3A_69 = tpu.memref_slice %arg2[%dma_start3A_67, %dma_start3A_68] : memref<10000x128xf32, #tpu.memory_space<hbm>> -> memref<10000x128xf32, #tpu.memory_space<hbm>>
      tpu.enqueue_indirect_dma source(%dma_start3A_69 : memref<10000x128xf32, #tpu.memory_space<hbm>>) target(%arg12 : memref<128x128xf32, #tpu.memory_space<vmem>>) offsets(%dma_start3A_66 : memref<128xi32, #tpu.memory_space<vmem>>) semaphore(%arg15 : memref<!tpu.dma_semaphore, #tpu.memory_space<semaphore_mem>>)
      %add3A_70 = arith.constant 2 : i32
      %add3A_71 = arith.addi %add3A_21, %add3A_70 : i32
      %mul3A_72 = arith.constant 128 : i32
      %mul3A_73 = arith.muli %add3A_71, %mul3A_72 : i32
      "tpu.region"() ({
        %run_scoped3A = tpu.sem_alloc : memref<!tpu.dma_semaphore, #tpu.memory_space<semaphore_mem>>
        %dma_start3A_164 = tpu.memref_slice %arg4[%mul3A_73] : memref<327680xi32, #tpu.memory_space<hbm>> -> memref<128xi32, #tpu.memory_space<hbm>>
        %dma_start3A_165 = tpu.memref_slice %arg4[%mul3A_73] : memref<327680xi32, #tpu.memory_space<hbm>> -> memref<128xi32, #tpu.memory_space<hbm>>
        tpu.enqueue_dma source(%dma_start3A_165 : memref<128xi32, #tpu.memory_space<hbm>>) target(%arg9 : memref<128xi32, #tpu.memory_space<vmem>>) target_semaphore(%run_scoped3A : memref<!tpu.dma_semaphore, #tpu.memory_space<semaphore_mem>>)
        %dma_wait3A_166 = tpu.memref_slice %arg4[%mul3A_73] : memref<327680xi32, #tpu.memory_space<hbm>> -> memref<128xi32, #tpu.memory_space<hbm>>
        %dma_wait3A_167 = tpu.memref_slice %arg4[%mul3A_73] : memref<327680xi32, #tpu.memory_space<hbm>> -> memref<128xi32, #tpu.memory_space<hbm>>
        tpu.wait_dma2 semaphore(%run_scoped3A : memref<!tpu.dma_semaphore, #tpu.memory_space<semaphore_mem>>) src(%dma_wait3A_167 : memref<128xi32, #tpu.memory_space<hbm>>) dst(%arg9 : memref<128xi32, #tpu.memory_space<vmem>>)
        tpu.yield
      }) : () -> ()
      %dma_wait3A_74 = arith.constant 2 : i32
      %dma_wait3A_75 = arith.constant 0 : i32
      %dma_wait3A_76 = tpu.memref_slice %arg8[%dma_wait3A_74, %dma_wait3A_75] : memref<8x128xi32, #tpu.memory_space<vmem>> -> memref<1x128xi32, #tpu.memory_space<vmem>>
      %dma_wait3A_77 = tpu.memref_squeeze %dma_wait3A_76 : memref<1x128xi32, #tpu.memory_space<vmem>> -> memref<128xi32, #tpu.memory_space<vmem>>
      %dma_wait3A_78 = arith.constant 0 : i32
      %dma_wait3A_79 = arith.constant 0 : i32
      %dma_wait3A_80 = tpu.memref_slice %arg2[%dma_wait3A_78, %dma_wait3A_79] : memref<10000x128xf32, #tpu.memory_space<hbm>> -> memref<10000x128xf32, #tpu.memory_space<hbm>>
      tpu.wait_indirect_dma semaphore(%arg14 : memref<!tpu.dma_semaphore, #tpu.memory_space<semaphore_mem>>) src(%dma_wait3A_80 : memref<10000x128xf32, #tpu.memory_space<hbm>>) dst(%arg11 : memref<128x128xf32, #tpu.memory_space<vmem>>)
      "tpu.region"() ({
        %run_scoped3A = tpu.sem_alloc : memref<!tpu.dma_semaphore, #tpu.memory_space<semaphore_mem>>
        %dma_start3A_164 = arith.constant 0 : i32
        %dma_start3A_165 = arith.constant 0 : i32
        %dma_start3A_166 = tpu.memref_slice %arg13[%dma_start3A_164, %dma_start3A_165] : memref<10112x128xf32, #tpu.memory_space<vmem_shared>> -> memref<10112x128xf32, #tpu.memory_space<vmem_shared>>
        tpu.enqueue_indirect_dma source(%arg11 : memref<128x128xf32, #tpu.memory_space<vmem>>) target(%dma_start3A_166 : memref<10112x128xf32, #tpu.memory_space<vmem_shared>>) offsets(%arg9 : memref<128xi32, #tpu.memory_space<vmem>>) semaphore(%run_scoped3A : memref<!tpu.dma_semaphore, #tpu.memory_space<semaphore_mem>>) {add = true}
        %dma_wait3A_167 = arith.constant 0 : i32
        %dma_wait3A_168 = arith.constant 0 : i32
        %dma_wait3A_169 = tpu.memref_slice %arg13[%dma_wait3A_167, %dma_wait3A_168] : memref<10112x128xf32, #tpu.memory_space<vmem_shared>> -> memref<10112x128xf32, #tpu.memory_space<vmem_shared>>
        tpu.wait_indirect_dma semaphore(%run_scoped3A : memref<!tpu.dma_semaphore, #tpu.memory_space<semaphore_mem>>) src(%arg11 : memref<128x128xf32, #tpu.memory_space<vmem>>) dst(%dma_wait3A_169 : memref<10112x128xf32, #tpu.memory_space<vmem_shared>>)
        tpu.yield
      }) : () -> ()
      %dma_start3A_81 = arith.constant 4 : i32
      %dma_start3A_82 = arith.constant 0 : i32
      %dma_start3A_83 = tpu.memref_slice %arg8[%dma_start3A_81, %dma_start3A_82] : memref<8x128xi32, #tpu.memory_space<vmem>> -> memref<1x128xi32, #tpu.memory_space<vmem>>
      %dma_start3A_84 = tpu.memref_squeeze %dma_start3A_83 : memref<1x128xi32, #tpu.memory_space<vmem>> -> memref<128xi32, #tpu.memory_space<vmem>>
      %dma_start3A_85 = arith.constant 0 : i32
      %dma_start3A_86 = arith.constant 0 : i32
      %dma_start3A_87 = tpu.memref_slice %arg2[%dma_start3A_85, %dma_start3A_86] : memref<10000x128xf32, #tpu.memory_space<hbm>> -> memref<10000x128xf32, #tpu.memory_space<hbm>>
      tpu.enqueue_indirect_dma source(%dma_start3A_87 : memref<10000x128xf32, #tpu.memory_space<hbm>>) target(%arg11 : memref<128x128xf32, #tpu.memory_space<vmem>>) offsets(%dma_start3A_84 : memref<128xi32, #tpu.memory_space<vmem>>) semaphore(%arg14 : memref<!tpu.dma_semaphore, #tpu.memory_space<semaphore_mem>>)
      %add3A_88 = arith.constant 3 : i32
      %add3A_89 = arith.addi %add3A_21, %add3A_88 : i32
      %mul3A_90 = arith.constant 128 : i32
      %mul3A_91 = arith.muli %add3A_89, %mul3A_90 : i32
      "tpu.region"() ({
        %run_scoped3A = tpu.sem_alloc : memref<!tpu.dma_semaphore, #tpu.memory_space<semaphore_mem>>
        %dma_start3A_164 = tpu.memref_slice %arg4[%mul3A_91] : memref<327680xi32, #tpu.memory_space<hbm>> -> memref<128xi32, #tpu.memory_space<hbm>>
        %dma_start3A_165 = tpu.memref_slice %arg4[%mul3A_91] : memref<327680xi32, #tpu.memory_space<hbm>> -> memref<128xi32, #tpu.memory_space<hbm>>
        tpu.enqueue_dma source(%dma_start3A_165 : memref<128xi32, #tpu.memory_space<hbm>>) target(%arg10 : memref<128xi32, #tpu.memory_space<vmem>>) target_semaphore(%run_scoped3A : memref<!tpu.dma_semaphore, #tpu.memory_space<semaphore_mem>>)
        %dma_wait3A_166 = tpu.memref_slice %arg4[%mul3A_91] : memref<327680xi32, #tpu.memory_space<hbm>> -> memref<128xi32, #tpu.memory_space<hbm>>
        %dma_wait3A_167 = tpu.memref_slice %arg4[%mul3A_91] : memref<327680xi32, #tpu.memory_space<hbm>> -> memref<128xi32, #tpu.memory_space<hbm>>
        tpu.wait_dma2 semaphore(%run_scoped3A : memref<!tpu.dma_semaphore, #tpu.memory_space<semaphore_mem>>) src(%dma_wait3A_167 : memref<128xi32, #tpu.memory_space<hbm>>) dst(%arg10 : memref<128xi32, #tpu.memory_space<vmem>>)
        tpu.yield
      }) : () -> ()
      %dma_wait3A_92 = arith.constant 3 : i32
      %dma_wait3A_93 = arith.constant 0 : i32
      %dma_wait3A_94 = tpu.memref_slice %arg8[%dma_wait3A_92, %dma_wait3A_93] : memref<8x128xi32, #tpu.memory_space<vmem>> -> memref<1x128xi32, #tpu.memory_space<vmem>>
      %dma_wait3A_95 = tpu.memref_squeeze %dma_wait3A_94 : memref<1x128xi32, #tpu.memory_space<vmem>> -> memref<128xi32, #tpu.memory_space<vmem>>
      %dma_wait3A_96 = arith.constant 0 : i32
      %dma_wait3A_97 = arith.constant 0 : i32
      %dma_wait3A_98 = tpu.memref_slice %arg2[%dma_wait3A_96, %dma_wait3A_97] : memref<10000x128xf32, #tpu.memory_space<hbm>> -> memref<10000x128xf32, #tpu.memory_space<hbm>>
      tpu.wait_indirect_dma semaphore(%arg15 : memref<!tpu.dma_semaphore, #tpu.memory_space<semaphore_mem>>) src(%dma_wait3A_98 : memref<10000x128xf32, #tpu.memory_space<hbm>>) dst(%arg12 : memref<128x128xf32, #tpu.memory_space<vmem>>)
      "tpu.region"() ({
        %run_scoped3A = tpu.sem_alloc : memref<!tpu.dma_semaphore, #tpu.memory_space<semaphore_mem>>
        %dma_start3A_164 = arith.constant 0 : i32
        %dma_start3A_165 = arith.constant 0 : i32
        %dma_start3A_166 = tpu.memref_slice %arg13[%dma_start3A_164, %dma_start3A_165] : memref<10112x128xf32, #tpu.memory_space<vmem_shared>> -> memref<10112x128xf32, #tpu.memory_space<vmem_shared>>
        tpu.enqueue_indirect_dma source(%arg12 : memref<128x128xf32, #tpu.memory_space<vmem>>) target(%dma_start3A_166 : memref<10112x128xf32, #tpu.memory_space<vmem_shared>>) offsets(%arg10 : memref<128xi32, #tpu.memory_space<vmem>>) semaphore(%run_scoped3A : memref<!tpu.dma_semaphore, #tpu.memory_space<semaphore_mem>>) {add = true}
        %dma_wait3A_167 = arith.constant 0 : i32
        %dma_wait3A_168 = arith.constant 0 : i32
        %dma_wait3A_169 = tpu.memref_slice %arg13[%dma_wait3A_167, %dma_wait3A_168] : memref<10112x128xf32, #tpu.memory_space<vmem_shared>> -> memref<10112x128xf32, #tpu.memory_space<vmem_shared>>
        tpu.wait_indirect_dma semaphore(%run_scoped3A : memref<!tpu.dma_semaphore, #tpu.memory_space<semaphore_mem>>) src(%arg12 : memref<128x128xf32, #tpu.memory_space<vmem>>) dst(%dma_wait3A_169 : memref<10112x128xf32, #tpu.memory_space<vmem_shared>>)
        tpu.yield
      }) : () -> ()
      %dma_start3A_99 = arith.constant 5 : i32
      %dma_start3A_100 = arith.constant 0 : i32
      %dma_start3A_101 = tpu.memref_slice %arg8[%dma_start3A_99, %dma_start3A_100] : memref<8x128xi32, #tpu.memory_space<vmem>> -> memref<1x128xi32, #tpu.memory_space<vmem>>
      %dma_start3A_102 = tpu.memref_squeeze %dma_start3A_101 : memref<1x128xi32, #tpu.memory_space<vmem>> -> memref<128xi32, #tpu.memory_space<vmem>>
      %dma_start3A_103 = arith.constant 0 : i32
      %dma_start3A_104 = arith.constant 0 : i32
      %dma_start3A_105 = tpu.memref_slice %arg2[%dma_start3A_103, %dma_start3A_104] : memref<10000x128xf32, #tpu.memory_space<hbm>> -> memref<10000x128xf32, #tpu.memory_space<hbm>>
      tpu.enqueue_indirect_dma source(%dma_start3A_105 : memref<10000x128xf32, #tpu.memory_space<hbm>>) target(%arg12 : memref<128x128xf32, #tpu.memory_space<vmem>>) offsets(%dma_start3A_102 : memref<128xi32, #tpu.memory_space<vmem>>) semaphore(%arg15 : memref<!tpu.dma_semaphore, #tpu.memory_space<semaphore_mem>>)
      %add3A_106 = arith.constant 4 : i32
      %add3A_107 = arith.addi %add3A_21, %add3A_106 : i32
      %mul3A_108 = arith.constant 128 : i32
      %mul3A_109 = arith.muli %add3A_107, %mul3A_108 : i32
      "tpu.region"() ({
        %run_scoped3A = tpu.sem_alloc : memref<!tpu.dma_semaphore, #tpu.memory_space<semaphore_mem>>
        %dma_start3A_164 = tpu.memref_slice %arg4[%mul3A_109] : memref<327680xi32, #tpu.memory_space<hbm>> -> memref<128xi32, #tpu.memory_space<hbm>>
        %dma_start3A_165 = tpu.memref_slice %arg4[%mul3A_109] : memref<327680xi32, #tpu.memory_space<hbm>> -> memref<128xi32, #tpu.memory_space<hbm>>
        tpu.enqueue_dma source(%dma_start3A_165 : memref<128xi32, #tpu.memory_space<hbm>>) target(%arg9 : memref<128xi32, #tpu.memory_space<vmem>>) target_semaphore(%run_scoped3A : memref<!tpu.dma_semaphore, #tpu.memory_space<semaphore_mem>>)
        %dma_wait3A_166 = tpu.memref_slice %arg4[%mul3A_109] : memref<327680xi32, #tpu.memory_space<hbm>> -> memref<128xi32, #tpu.memory_space<hbm>>
        %dma_wait3A_167 = tpu.memref_slice %arg4[%mul3A_109] : memref<327680xi32, #tpu.memory_space<hbm>> -> memref<128xi32, #tpu.memory_space<hbm>>
        tpu.wait_dma2 semaphore(%run_scoped3A : memref<!tpu.dma_semaphore, #tpu.memory_space<semaphore_mem>>) src(%dma_wait3A_167 : memref<128xi32, #tpu.memory_space<hbm>>) dst(%arg9 : memref<128xi32, #tpu.memory_space<vmem>>)
        tpu.yield
      }) : () -> ()
      %dma_wait3A_110 = arith.constant 4 : i32
      %dma_wait3A_111 = arith.constant 0 : i32
      %dma_wait3A_112 = tpu.memref_slice %arg8[%dma_wait3A_110, %dma_wait3A_111] : memref<8x128xi32, #tpu.memory_space<vmem>> -> memref<1x128xi32, #tpu.memory_space<vmem>>
      %dma_wait3A_113 = tpu.memref_squeeze %dma_wait3A_112 : memref<1x128xi32, #tpu.memory_space<vmem>> -> memref<128xi32, #tpu.memory_space<vmem>>
      %dma_wait3A_114 = arith.constant 0 : i32
      %dma_wait3A_115 = arith.constant 0 : i32
      %dma_wait3A_116 = tpu.memref_slice %arg2[%dma_wait3A_114, %dma_wait3A_115] : memref<10000x128xf32, #tpu.memory_space<hbm>> -> memref<10000x128xf32, #tpu.memory_space<hbm>>
      tpu.wait_indirect_dma semaphore(%arg14 : memref<!tpu.dma_semaphore, #tpu.memory_space<semaphore_mem>>) src(%dma_wait3A_116 : memref<10000x128xf32, #tpu.memory_space<hbm>>) dst(%arg11 : memref<128x128xf32, #tpu.memory_space<vmem>>)
      "tpu.region"() ({
        %run_scoped3A = tpu.sem_alloc : memref<!tpu.dma_semaphore, #tpu.memory_space<semaphore_mem>>
        %dma_start3A_164 = arith.constant 0 : i32
        %dma_start3A_165 = arith.constant 0 : i32
        %dma_start3A_166 = tpu.memref_slice %arg13[%dma_start3A_164, %dma_start3A_165] : memref<10112x128xf32, #tpu.memory_space<vmem_shared>> -> memref<10112x128xf32, #tpu.memory_space<vmem_shared>>
        tpu.enqueue_indirect_dma source(%arg11 : memref<128x128xf32, #tpu.memory_space<vmem>>) target(%dma_start3A_166 : memref<10112x128xf32, #tpu.memory_space<vmem_shared>>) offsets(%arg9 : memref<128xi32, #tpu.memory_space<vmem>>) semaphore(%run_scoped3A : memref<!tpu.dma_semaphore, #tpu.memory_space<semaphore_mem>>) {add = true}
        %dma_wait3A_167 = arith.constant 0 : i32
        %dma_wait3A_168 = arith.constant 0 : i32
        %dma_wait3A_169 = tpu.memref_slice %arg13[%dma_wait3A_167, %dma_wait3A_168] : memref<10112x128xf32, #tpu.memory_space<vmem_shared>> -> memref<10112x128xf32, #tpu.memory_space<vmem_shared>>
        tpu.wait_indirect_dma semaphore(%run_scoped3A : memref<!tpu.dma_semaphore, #tpu.memory_space<semaphore_mem>>) src(%arg11 : memref<128x128xf32, #tpu.memory_space<vmem>>) dst(%dma_wait3A_169 : memref<10112x128xf32, #tpu.memory_space<vmem_shared>>)
        tpu.yield
      }) : () -> ()
      %dma_start3A_117 = arith.constant 6 : i32
      %dma_start3A_118 = arith.constant 0 : i32
      %dma_start3A_119 = tpu.memref_slice %arg8[%dma_start3A_117, %dma_start3A_118] : memref<8x128xi32, #tpu.memory_space<vmem>> -> memref<1x128xi32, #tpu.memory_space<vmem>>
      %dma_start3A_120 = tpu.memref_squeeze %dma_start3A_119 : memref<1x128xi32, #tpu.memory_space<vmem>> -> memref<128xi32, #tpu.memory_space<vmem>>
      %dma_start3A_121 = arith.constant 0 : i32
      %dma_start3A_122 = arith.constant 0 : i32
      %dma_start3A_123 = tpu.memref_slice %arg2[%dma_start3A_121, %dma_start3A_122] : memref<10000x128xf32, #tpu.memory_space<hbm>> -> memref<10000x128xf32, #tpu.memory_space<hbm>>
      tpu.enqueue_indirect_dma source(%dma_start3A_123 : memref<10000x128xf32, #tpu.memory_space<hbm>>) target(%arg11 : memref<128x128xf32, #tpu.memory_space<vmem>>) offsets(%dma_start3A_120 : memref<128xi32, #tpu.memory_space<vmem>>) semaphore(%arg14 : memref<!tpu.dma_semaphore, #tpu.memory_space<semaphore_mem>>)
      %add3A_124 = arith.constant 5 : i32
      %add3A_125 = arith.addi %add3A_21, %add3A_124 : i32
      %mul3A_126 = arith.constant 128 : i32
      %mul3A_127 = arith.muli %add3A_125, %mul3A_126 : i32
      "tpu.region"() ({
        %run_scoped3A = tpu.sem_alloc : memref<!tpu.dma_semaphore, #tpu.memory_space<semaphore_mem>>
        %dma_start3A_164 = tpu.memref_slice %arg4[%mul3A_127] : memref<327680xi32, #tpu.memory_space<hbm>> -> memref<128xi32, #tpu.memory_space<hbm>>
        %dma_start3A_165 = tpu.memref_slice %arg4[%mul3A_127] : memref<327680xi32, #tpu.memory_space<hbm>> -> memref<128xi32, #tpu.memory_space<hbm>>
        tpu.enqueue_dma source(%dma_start3A_165 : memref<128xi32, #tpu.memory_space<hbm>>) target(%arg10 : memref<128xi32, #tpu.memory_space<vmem>>) target_semaphore(%run_scoped3A : memref<!tpu.dma_semaphore, #tpu.memory_space<semaphore_mem>>)
        %dma_wait3A_166 = tpu.memref_slice %arg4[%mul3A_127] : memref<327680xi32, #tpu.memory_space<hbm>> -> memref<128xi32, #tpu.memory_space<hbm>>
        %dma_wait3A_167 = tpu.memref_slice %arg4[%mul3A_127] : memref<327680xi32, #tpu.memory_space<hbm>> -> memref<128xi32, #tpu.memory_space<hbm>>
        tpu.wait_dma2 semaphore(%run_scoped3A : memref<!tpu.dma_semaphore, #tpu.memory_space<semaphore_mem>>) src(%dma_wait3A_167 : memref<128xi32, #tpu.memory_space<hbm>>) dst(%arg10 : memref<128xi32, #tpu.memory_space<vmem>>)
        tpu.yield
      }) : () -> ()
      %dma_wait3A_128 = arith.constant 5 : i32
      %dma_wait3A_129 = arith.constant 0 : i32
      %dma_wait3A_130 = tpu.memref_slice %arg8[%dma_wait3A_128, %dma_wait3A_129] : memref<8x128xi32, #tpu.memory_space<vmem>> -> memref<1x128xi32, #tpu.memory_space<vmem>>
      %dma_wait3A_131 = tpu.memref_squeeze %dma_wait3A_130 : memref<1x128xi32, #tpu.memory_space<vmem>> -> memref<128xi32, #tpu.memory_space<vmem>>
      %dma_wait3A_132 = arith.constant 0 : i32
      %dma_wait3A_133 = arith.constant 0 : i32
      %dma_wait3A_134 = tpu.memref_slice %arg2[%dma_wait3A_132, %dma_wait3A_133] : memref<10000x128xf32, #tpu.memory_space<hbm>> -> memref<10000x128xf32, #tpu.memory_space<hbm>>
      tpu.wait_indirect_dma semaphore(%arg15 : memref<!tpu.dma_semaphore, #tpu.memory_space<semaphore_mem>>) src(%dma_wait3A_134 : memref<10000x128xf32, #tpu.memory_space<hbm>>) dst(%arg12 : memref<128x128xf32, #tpu.memory_space<vmem>>)
      "tpu.region"() ({
        %run_scoped3A = tpu.sem_alloc : memref<!tpu.dma_semaphore, #tpu.memory_space<semaphore_mem>>
        %dma_start3A_164 = arith.constant 0 : i32
        %dma_start3A_165 = arith.constant 0 : i32
        %dma_start3A_166 = tpu.memref_slice %arg13[%dma_start3A_164, %dma_start3A_165] : memref<10112x128xf32, #tpu.memory_space<vmem_shared>> -> memref<10112x128xf32, #tpu.memory_space<vmem_shared>>
        tpu.enqueue_indirect_dma source(%arg12 : memref<128x128xf32, #tpu.memory_space<vmem>>) target(%dma_start3A_166 : memref<10112x128xf32, #tpu.memory_space<vmem_shared>>) offsets(%arg10 : memref<128xi32, #tpu.memory_space<vmem>>) semaphore(%run_scoped3A : memref<!tpu.dma_semaphore, #tpu.memory_space<semaphore_mem>>) {add = true}
        %dma_wait3A_167 = arith.constant 0 : i32
        %dma_wait3A_168 = arith.constant 0 : i32
        %dma_wait3A_169 = tpu.memref_slice %arg13[%dma_wait3A_167, %dma_wait3A_168] : memref<10112x128xf32, #tpu.memory_space<vmem_shared>> -> memref<10112x128xf32, #tpu.memory_space<vmem_shared>>
        tpu.wait_indirect_dma semaphore(%run_scoped3A : memref<!tpu.dma_semaphore, #tpu.memory_space<semaphore_mem>>) src(%arg12 : memref<128x128xf32, #tpu.memory_space<vmem>>) dst(%dma_wait3A_169 : memref<10112x128xf32, #tpu.memory_space<vmem_shared>>)
        tpu.yield
      }) : () -> ()
      %dma_start3A_135 = arith.constant 7 : i32
      %dma_start3A_136 = arith.constant 0 : i32
      %dma_start3A_137 = tpu.memref_slice %arg8[%dma_start3A_135, %dma_start3A_136] : memref<8x128xi32, #tpu.memory_space<vmem>> -> memref<1x128xi32, #tpu.memory_space<vmem>>
      %dma_start3A_138 = tpu.memref_squeeze %dma_start3A_137 : memref<1x128xi32, #tpu.memory_space<vmem>> -> memref<128xi32, #tpu.memory_space<vmem>>
      %dma_start3A_139 = arith.constant 0 : i32
      %dma_start3A_140 = arith.constant 0 : i32
      %dma_start3A_141 = tpu.memref_slice %arg2[%dma_start3A_139, %dma_start3A_140] : memref<10000x128xf32, #tpu.memory_space<hbm>> -> memref<10000x128xf32, #tpu.memory_space<hbm>>
      tpu.enqueue_indirect_dma source(%dma_start3A_141 : memref<10000x128xf32, #tpu.memory_space<hbm>>) target(%arg12 : memref<128x128xf32, #tpu.memory_space<vmem>>) offsets(%dma_start3A_138 : memref<128xi32, #tpu.memory_space<vmem>>) semaphore(%arg15 : memref<!tpu.dma_semaphore, #tpu.memory_space<semaphore_mem>>)
      %add3A_142 = arith.constant 6 : i32
      %add3A_143 = arith.addi %add3A_21, %add3A_142 : i32
      %mul3A_144 = arith.constant 128 : i32
      %mul3A_145 = arith.muli %add3A_143, %mul3A_144 : i32
      "tpu.region"() ({
        %run_scoped3A = tpu.sem_alloc : memref<!tpu.dma_semaphore, #tpu.memory_space<semaphore_mem>>
        %dma_start3A_164 = tpu.memref_slice %arg4[%mul3A_145] : memref<327680xi32, #tpu.memory_space<hbm>> -> memref<128xi32, #tpu.memory_space<hbm>>
        %dma_start3A_165 = tpu.memref_slice %arg4[%mul3A_145] : memref<327680xi32, #tpu.memory_space<hbm>> -> memref<128xi32, #tpu.memory_space<hbm>>
        tpu.enqueue_dma source(%dma_start3A_165 : memref<128xi32, #tpu.memory_space<hbm>>) target(%arg9 : memref<128xi32, #tpu.memory_space<vmem>>) target_semaphore(%run_scoped3A : memref<!tpu.dma_semaphore, #tpu.memory_space<semaphore_mem>>)
        %dma_wait3A_166 = tpu.memref_slice %arg4[%mul3A_145] : memref<327680xi32, #tpu.memory_space<hbm>> -> memref<128xi32, #tpu.memory_space<hbm>>
        %dma_wait3A_167 = tpu.memref_slice %arg4[%mul3A_145] : memref<327680xi32, #tpu.memory_space<hbm>> -> memref<128xi32, #tpu.memory_space<hbm>>
        tpu.wait_dma2 semaphore(%run_scoped3A : memref<!tpu.dma_semaphore, #tpu.memory_space<semaphore_mem>>) src(%dma_wait3A_167 : memref<128xi32, #tpu.memory_space<hbm>>) dst(%arg9 : memref<128xi32, #tpu.memory_space<vmem>>)
        tpu.yield
      }) : () -> ()
      %dma_wait3A_146 = arith.constant 6 : i32
      %dma_wait3A_147 = arith.constant 0 : i32
      %dma_wait3A_148 = tpu.memref_slice %arg8[%dma_wait3A_146, %dma_wait3A_147] : memref<8x128xi32, #tpu.memory_space<vmem>> -> memref<1x128xi32, #tpu.memory_space<vmem>>
      %dma_wait3A_149 = tpu.memref_squeeze %dma_wait3A_148 : memref<1x128xi32, #tpu.memory_space<vmem>> -> memref<128xi32, #tpu.memory_space<vmem>>
      %dma_wait3A_150 = arith.constant 0 : i32
      %dma_wait3A_151 = arith.constant 0 : i32
      %dma_wait3A_152 = tpu.memref_slice %arg2[%dma_wait3A_150, %dma_wait3A_151] : memref<10000x128xf32, #tpu.memory_space<hbm>> -> memref<10000x128xf32, #tpu.memory_space<hbm>>
      tpu.wait_indirect_dma semaphore(%arg14 : memref<!tpu.dma_semaphore, #tpu.memory_space<semaphore_mem>>) src(%dma_wait3A_152 : memref<10000x128xf32, #tpu.memory_space<hbm>>) dst(%arg11 : memref<128x128xf32, #tpu.memory_space<vmem>>)
      "tpu.region"() ({
        %run_scoped3A = tpu.sem_alloc : memref<!tpu.dma_semaphore, #tpu.memory_space<semaphore_mem>>
        %dma_start3A_164 = arith.constant 0 : i32
        %dma_start3A_165 = arith.constant 0 : i32
        %dma_start3A_166 = tpu.memref_slice %arg13[%dma_start3A_164, %dma_start3A_165] : memref<10112x128xf32, #tpu.memory_space<vmem_shared>> -> memref<10112x128xf32, #tpu.memory_space<vmem_shared>>
        tpu.enqueue_indirect_dma source(%arg11 : memref<128x128xf32, #tpu.memory_space<vmem>>) target(%dma_start3A_166 : memref<10112x128xf32, #tpu.memory_space<vmem_shared>>) offsets(%arg9 : memref<128xi32, #tpu.memory_space<vmem>>) semaphore(%run_scoped3A : memref<!tpu.dma_semaphore, #tpu.memory_space<semaphore_mem>>) {add = true}
        %dma_wait3A_167 = arith.constant 0 : i32
        %dma_wait3A_168 = arith.constant 0 : i32
        %dma_wait3A_169 = tpu.memref_slice %arg13[%dma_wait3A_167, %dma_wait3A_168] : memref<10112x128xf32, #tpu.memory_space<vmem_shared>> -> memref<10112x128xf32, #tpu.memory_space<vmem_shared>>
        tpu.wait_indirect_dma semaphore(%run_scoped3A : memref<!tpu.dma_semaphore, #tpu.memory_space<semaphore_mem>>) src(%arg11 : memref<128x128xf32, #tpu.memory_space<vmem>>) dst(%dma_wait3A_169 : memref<10112x128xf32, #tpu.memory_space<vmem_shared>>)
        tpu.yield
      }) : () -> ()
      %add3A_153 = arith.constant 7 : i32
      %add3A_154 = arith.addi %add3A_21, %add3A_153 : i32
      %mul3A_155 = arith.constant 128 : i32
      %mul3A_156 = arith.muli %add3A_154, %mul3A_155 : i32
      "tpu.region"() ({
        %run_scoped3A = tpu.sem_alloc : memref<!tpu.dma_semaphore, #tpu.memory_space<semaphore_mem>>
        %dma_start3A_164 = tpu.memref_slice %arg4[%mul3A_156] : memref<327680xi32, #tpu.memory_space<hbm>> -> memref<128xi32, #tpu.memory_space<hbm>>
        %dma_start3A_165 = tpu.memref_slice %arg4[%mul3A_156] : memref<327680xi32, #tpu.memory_space<hbm>> -> memref<128xi32, #tpu.memory_space<hbm>>
        tpu.enqueue_dma source(%dma_start3A_165 : memref<128xi32, #tpu.memory_space<hbm>>) target(%arg10 : memref<128xi32, #tpu.memory_space<vmem>>) target_semaphore(%run_scoped3A : memref<!tpu.dma_semaphore, #tpu.memory_space<semaphore_mem>>)
        %dma_wait3A_166 = tpu.memref_slice %arg4[%mul3A_156] : memref<327680xi32, #tpu.memory_space<hbm>> -> memref<128xi32, #tpu.memory_space<hbm>>
        %dma_wait3A_167 = tpu.memref_slice %arg4[%mul3A_156] : memref<327680xi32, #tpu.memory_space<hbm>> -> memref<128xi32, #tpu.memory_space<hbm>>
        tpu.wait_dma2 semaphore(%run_scoped3A : memref<!tpu.dma_semaphore, #tpu.memory_space<semaphore_mem>>) src(%dma_wait3A_167 : memref<128xi32, #tpu.memory_space<hbm>>) dst(%arg10 : memref<128xi32, #tpu.memory_space<vmem>>)
        tpu.yield
      }) : () -> ()
      %dma_wait3A_157 = arith.constant 7 : i32
      %dma_wait3A_158 = arith.constant 0 : i32
      %dma_wait3A_159 = tpu.memref_slice %arg8[%dma_wait3A_157, %dma_wait3A_158] : memref<8x128xi32, #tpu.memory_space<vmem>> -> memref<1x128xi32, #tpu.memory_space<vmem>>
      %dma_wait3A_160 = tpu.memref_squeeze %dma_wait3A_159 : memref<1x128xi32, #tpu.memory_space<vmem>> -> memref<128xi32, #tpu.memory_space<vmem>>
      %dma_wait3A_161 = arith.constant 0 : i32
      %dma_wait3A_162 = arith.constant 0 : i32
      %dma_wait3A_163 = tpu.memref_slice %arg2[%dma_wait3A_161, %dma_wait3A_162] : memref<10000x128xf32, #tpu.memory_space<hbm>> -> memref<10000x128xf32, #tpu.memory_space<hbm>>
      tpu.wait_indirect_dma semaphore(%arg15 : memref<!tpu.dma_semaphore, #tpu.memory_space<semaphore_mem>>) src(%dma_wait3A_163 : memref<10000x128xf32, #tpu.memory_space<hbm>>) dst(%arg12 : memref<128x128xf32, #tpu.memory_space<vmem>>)
      "tpu.region"() ({
        %run_scoped3A = tpu.sem_alloc : memref<!tpu.dma_semaphore, #tpu.memory_space<semaphore_mem>>
        %dma_start3A_164 = arith.constant 0 : i32
        %dma_start3A_165 = arith.constant 0 : i32
        %dma_start3A_166 = tpu.memref_slice %arg13[%dma_start3A_164, %dma_start3A_165] : memref<10112x128xf32, #tpu.memory_space<vmem_shared>> -> memref<10112x128xf32, #tpu.memory_space<vmem_shared>>
        tpu.enqueue_indirect_dma source(%arg12 : memref<128x128xf32, #tpu.memory_space<vmem>>) target(%dma_start3A_166 : memref<10112x128xf32, #tpu.memory_space<vmem_shared>>) offsets(%arg10 : memref<128xi32, #tpu.memory_space<vmem>>) semaphore(%run_scoped3A : memref<!tpu.dma_semaphore, #tpu.memory_space<semaphore_mem>>) {add = true}
        %dma_wait3A_167 = arith.constant 0 : i32
        %dma_wait3A_168 = arith.constant 0 : i32
        %dma_wait3A_169 = tpu.memref_slice %arg13[%dma_wait3A_167, %dma_wait3A_168] : memref<10112x128xf32, #tpu.memory_space<vmem_shared>> -> memref<10112x128xf32, #tpu.memory_space<vmem_shared>>
        tpu.wait_indirect_dma semaphore(%run_scoped3A : memref<!tpu.dma_semaphore, #tpu.memory_space<semaphore_mem>>) src(%arg12 : memref<128x128xf32, #tpu.memory_space<vmem>>) dst(%dma_wait3A_169 : memref<10112x128xf32, #tpu.memory_space<vmem_shared>>)
        tpu.yield
      }) : () -> ()
    }
    %scan3A_9 = arith.constant 10 : i32
    %barrier3A_10 = arith.constant 0 : index
    tpu.barrier barrier_id(%barrier3A_10)
    %eq3A = arith.constant 0 : i32
    %eq3A_11 = arith.cmpi eq, %arg0, %eq3A : i32
    %convert_element_type3A = arith.extui %eq3A_11 : i1 to i32
    %cond3A = arith.constant 0 : i32
    %cond3A_12 = arith.cmpi ne, %convert_element_type3A, %cond3A : i32
    scf.if %cond3A_12 {
      "tpu.region"() ({
        %run_scoped3A = tpu.sem_alloc : memref<!tpu.dma_semaphore, #tpu.memory_space<semaphore_mem>>
        %dma_start3A = arith.constant 0 : i32
        %dma_start3A_18 = tpu.memref_slice %arg6[%mul3A_2, %dma_start3A] : memref<10112x128xf32, #tpu.memory_space<hbm>> -> memref<632x128xf32, #tpu.memory_space<hbm>>
        %dma_start3A_19 = arith.constant 0 : i32
        %dma_start3A_20 = tpu.memref_slice %arg13[%mul3A_2, %dma_start3A_19] : memref<10112x128xf32, #tpu.memory_space<vmem_shared>> -> memref<632x128xf32, #tpu.memory_space<vmem_shared>>
        tpu.enqueue_dma source(%dma_start3A_20 : memref<632x128xf32, #tpu.memory_space<vmem_shared>>) target(%dma_start3A_18 : memref<632x128xf32, #tpu.memory_space<hbm>>) target_semaphore(%run_scoped3A : memref<!tpu.dma_semaphore, #tpu.memory_space<semaphore_mem>>)
        %dma_wait3A = arith.constant 0 : i32
        %dma_wait3A_21 = tpu.memref_slice %arg6[%mul3A_2, %dma_wait3A] : memref<10112x128xf32, #tpu.memory_space<hbm>> -> memref<632x128xf32, #tpu.memory_space<hbm>>
        %dma_wait3A_22 = arith.constant 0 : i32
        %dma_wait3A_23 = tpu.memref_slice %arg13[%mul3A_2, %dma_wait3A_22] : memref<10112x128xf32, #tpu.memory_space<vmem_shared>> -> memref<632x128xf32, #tpu.memory_space<vmem_shared>>
        tpu.wait_dma2 semaphore(%run_scoped3A : memref<!tpu.dma_semaphore, #tpu.memory_space<semaphore_mem>>) src(%dma_wait3A_23 : memref<632x128xf32, #tpu.memory_space<vmem_shared>>) dst(%dma_wait3A_21 : memref<632x128xf32, #tpu.memory_space<hbm>>)
        tpu.yield
      }) : () -> ()
    } else {
    }
    %eq3A_13 = arith.constant 1 : i32
    %eq3A_14 = arith.cmpi eq, %arg0, %eq3A_13 : i32
    %convert_element_type3A_15 = arith.extui %eq3A_14 : i1 to i32
    %cond3A_16 = arith.constant 0 : i32
    %cond3A_17 = arith.cmpi ne, %convert_element_type3A_15, %cond3A_16 : i32
    scf.if %cond3A_17 {
      "tpu.region"() ({
        %run_scoped3A = tpu.sem_alloc : memref<!tpu.dma_semaphore, #tpu.memory_space<semaphore_mem>>
        %dma_start3A = arith.constant 0 : i32
        %dma_start3A_18 = tpu.memref_slice %arg7[%mul3A_2, %dma_start3A] : memref<10112x128xf32, #tpu.memory_space<hbm>> -> memref<632x128xf32, #tpu.memory_space<hbm>>
        %dma_start3A_19 = arith.constant 0 : i32
        %dma_start3A_20 = tpu.memref_slice %arg13[%mul3A_2, %dma_start3A_19] : memref<10112x128xf32, #tpu.memory_space<vmem_shared>> -> memref<632x128xf32, #tpu.memory_space<vmem_shared>>
        tpu.enqueue_dma source(%dma_start3A_20 : memref<632x128xf32, #tpu.memory_space<vmem_shared>>) target(%dma_start3A_18 : memref<632x128xf32, #tpu.memory_space<hbm>>) target_semaphore(%run_scoped3A : memref<!tpu.dma_semaphore, #tpu.memory_space<semaphore_mem>>)
        %dma_wait3A = arith.constant 0 : i32
        %dma_wait3A_21 = tpu.memref_slice %arg7[%mul3A_2, %dma_wait3A] : memref<10112x128xf32, #tpu.memory_space<hbm>> -> memref<632x128xf32, #tpu.memory_space<hbm>>
        %dma_wait3A_22 = arith.constant 0 : i32
        %dma_wait3A_23 = tpu.memref_slice %arg13[%mul3A_2, %dma_wait3A_22] : memref<10112x128xf32, #tpu.memory_space<vmem_shared>> -> memref<632x128xf32, #tpu.memory_space<vmem_shared>>
        tpu.wait_dma2 semaphore(%run_scoped3A : memref<!tpu.dma_semaphore, #tpu.memory_space<semaphore_mem>>) src(%dma_wait3A_23 : memref<632x128xf32, #tpu.memory_space<vmem_shared>>) dst(%dma_wait3A_21 : memref<632x128xf32, #tpu.memory_space<hbm>>)
        tpu.yield
      }) : () -> ()
    } else {
    }
    return
  }
}

#map = affine_map<(d0, d1) -> (0, 0)>
#map1 = affine_map<(d0, d1) -> (0)>
module attributes {stable_mosaic.version = 14 : i64} {
  func.func @_seg_body(%arg0: i32, %arg1: i32, %arg2: memref<10000x128xf32, #tpu.memory_space<hbm>>, %arg3: memref<2560x128xi32, #tpu.memory_space<hbm>>, %arg4: memref<327680xi32, #tpu.memory_space<hbm>>, %arg5: memref<10112x128xf32, #tpu.memory_space<hbm>>, %arg6: memref<10112x128xf32, #tpu.memory_space<hbm>>, %arg7: memref<10112x128xf32, #tpu.memory_space<hbm>>, %arg8: memref<8x128xi32, #tpu.memory_space<vmem>>, %arg9: memref<128xi32, #tpu.memory_space<vmem>>, %arg10: memref<128xi32, #tpu.memory_space<vmem>>, %arg11: memref<128x128xf32, #tpu.memory_space<vmem>>, %arg12: memref<128x128xf32, #tpu.memory_space<vmem>>, %arg13: memref<10112x128xf32, #tpu.memory_space<vmem_shared>>, %arg14: memref<!tpu.dma_semaphore, #tpu.memory_space<semaphore_mem>>, %arg15: memref<!tpu.dma_semaphore, #tpu.memory_space<semaphore_mem>>) attributes {dimension_semantics = [#tpu.dimension_semantics<core_parallel>, #tpu.dimension_semantics<subcore_parallel>], iteration_bounds = array<i64: 2, 16>, scalar_prefetch = 0 : i64, scratch_operands = 8 : i64, tpu.core_type = #tpu.core_type<sc_vector_subcore>, window_params = [{transform_indices = #map}, {transform_indices = #map}, {transform_indices = #map1}, {transform_indices = #map}, {transform_indices = #map}, {transform_indices = #map}]} {
    %mul3A = arith.constant 2 : i32
    %mul3A_0 = arith.muli %arg1, %mul3A : i32
    %add3A = arith.addi %mul3A_0, %arg0 : i32
    %mul3A_1 = arith.constant 632 : i32
    %mul3A_2 = arith.muli %arg1, %mul3A_1 : i32
    "tpu.region"() ({
      %run_scoped3A = tpu.sem_alloc : memref<!tpu.dma_semaphore, #tpu.memory_space<semaphore_mem>>
      %dma_start3A = arith.constant 0 : i32
      %dma_start3A_18 = tpu.memref_slice %arg13[%mul3A_2, %dma_start3A] : memref<10112x128xf32, #tpu.memory_space<vmem_shared>> -> memref<632x128xf32, #tpu.memory_space<vmem_shared>>
      %dma_start3A_19 = arith.constant 0 : i32
      %dma_start3A_20 = tpu.memref_slice %arg5[%mul3A_2, %dma_start3A_19] : memref<10112x128xf32, #tpu.memory_space<hbm>> -> memref<632x128xf32, #tpu.memory_space<hbm>>
      tpu.enqueue_dma source(%dma_start3A_20 : memref<632x128xf32, #tpu.memory_space<hbm>>) target(%dma_start3A_18 : memref<632x128xf32, #tpu.memory_space<vmem_shared>>) target_semaphore(%run_scoped3A : memref<!tpu.dma_semaphore, #tpu.memory_space<semaphore_mem>>)
      %dma_wait3A = arith.constant 0 : i32
      %dma_wait3A_21 = tpu.memref_slice %arg13[%mul3A_2, %dma_wait3A] : memref<10112x128xf32, #tpu.memory_space<vmem_shared>> -> memref<632x128xf32, #tpu.memory_space<vmem_shared>>
      %dma_wait3A_22 = arith.constant 0 : i32
      %dma_wait3A_23 = tpu.memref_slice %arg5[%mul3A_2, %dma_wait3A_22] : memref<10112x128xf32, #tpu.memory_space<hbm>> -> memref<632x128xf32, #tpu.memory_space<hbm>>
      tpu.wait_dma2 semaphore(%run_scoped3A : memref<!tpu.dma_semaphore, #tpu.memory_space<semaphore_mem>>) src(%dma_wait3A_23 : memref<632x128xf32, #tpu.memory_space<hbm>>) dst(%dma_wait3A_21 : memref<632x128xf32, #tpu.memory_space<vmem_shared>>)
      tpu.yield
    }) : () -> ()
    %barrier3A = arith.constant 0 : index
    tpu.barrier barrier_id(%barrier3A)
    %mul3A_3 = arith.constant 80 : i32
    %mul3A_4 = arith.muli %add3A, %mul3A_3 : i32
    %scan3A = arith.constant 0 : i32
    %scan3A_5 = arith.constant 0 : i32
    %scan3A_6 = arith.constant 10 : i32
    %scan3A_7 = arith.addi %scan3A_5, %scan3A_6 : i32
    %scan3A_8 = arith.constant 1 : i32
    scf.for %scan3A_18 = %scan3A_5 to %scan3A_7 step %scan3A_8  : i32 {
      %mul3A_19 = arith.constant 8 : i32
      %mul3A_20 = arith.muli %scan3A_18, %mul3A_19 : i32
      %add3A_21 = arith.addi %mul3A_4, %mul3A_20 : i32
      "tpu.region"() ({
        %run_scoped3A = tpu.sem_alloc : memref<!tpu.dma_semaphore, #tpu.memory_space<semaphore_mem>>
        %dma_start3A_164 = arith.constant 0 : i32
        %dma_start3A_165 = tpu.memref_slice %arg3[%add3A_21, %dma_start3A_164] : memref<2560x128xi32, #tpu.memory_space<hbm>> -> memref<8x128xi32, #tpu.memory_space<hbm>>
        %dma_start3A_166 = arith.constant 0 : i32
        %dma_start3A_167 = tpu.memref_slice %arg3[%add3A_21, %dma_start3A_166] : memref<2560x128xi32, #tpu.memory_space<hbm>> -> memref<8x128xi32, #tpu.memory_space<hbm>>
        tpu.enqueue_dma source(%dma_start3A_167 : memref<8x128xi32, #tpu.memory_space<hbm>>) target(%arg8 : memref<8x128xi32, #tpu.memory_space<vmem>>) target_semaphore(%run_scoped3A : memref<!tpu.dma_semaphore, #tpu.memory_space<semaphore_mem>>)
        %dma_wait3A_168 = arith.constant 0 : i32
        %dma_wait3A_169 = tpu.memref_slice %arg3[%add3A_21, %dma_wait3A_168] : memref<2560x128xi32, #tpu.memory_space<hbm>> -> memref<8x128xi32, #tpu.memory_space<hbm>>
        %dma_wait3A_170 = arith.constant 0 : i32
        %dma_wait3A_171 = tpu.memref_slice %arg3[%add3A_21, %dma_wait3A_170] : memref<2560x128xi32, #tpu.memory_space<hbm>> -> memref<8x128xi32, #tpu.memory_space<hbm>>
        tpu.wait_dma2 semaphore(%run_scoped3A : memref<!tpu.dma_semaphore, #tpu.memory_space<semaphore_mem>>) src(%dma_wait3A_171 : memref<8x128xi32, #tpu.memory_space<hbm>>) dst(%arg8 : memref<8x128xi32, #tpu.memory_space<vmem>>)
        tpu.yield
      }) : () -> ()
      %dma_start3A = arith.constant 0 : i32
      %dma_start3A_22 = arith.constant 0 : i32
      %dma_start3A_23 = tpu.memref_slice %arg8[%dma_start3A, %dma_start3A_22] : memref<8x128xi32, #tpu.memory_space<vmem>> -> memref<1x128xi32, #tpu.memory_space<vmem>>
      %dma_start3A_24 = tpu.memref_squeeze %dma_start3A_23 : memref<1x128xi32, #tpu.memory_space<vmem>> -> memref<128xi32, #tpu.memory_space<vmem>>
      %dma_start3A_25 = arith.constant 0 : i32
      %dma_start3A_26 = arith.constant 0 : i32
      %dma_start3A_27 = tpu.memref_slice %arg2[%dma_start3A_25, %dma_start3A_26] : memref<10000x128xf32, #tpu.memory_space<hbm>> -> memref<10000x128xf32, #tpu.memory_space<hbm>>
      tpu.enqueue_indirect_dma source(%dma_start3A_27 : memref<10000x128xf32, #tpu.memory_space<hbm>>) target(%arg11 : memref<128x128xf32, #tpu.memory_space<vmem>>) offsets(%dma_start3A_24 : memref<128xi32, #tpu.memory_space<vmem>>) semaphore(%arg14 : memref<!tpu.dma_semaphore, #tpu.memory_space<semaphore_mem>>)
      %dma_start3A_28 = arith.constant 1 : i32
      %dma_start3A_29 = arith.constant 0 : i32
      %dma_start3A_30 = tpu.memref_slice %arg8[%dma_start3A_28, %dma_start3A_29] : memref<8x128xi32, #tpu.memory_space<vmem>> -> memref<1x128xi32, #tpu.memory_space<vmem>>
      %dma_start3A_31 = tpu.memref_squeeze %dma_start3A_30 : memref<1x128xi32, #tpu.memory_space<vmem>> -> memref<128xi32, #tpu.memory_space<vmem>>
      %dma_start3A_32 = arith.constant 0 : i32
      %dma_start3A_33 = arith.constant 0 : i32
      %dma_start3A_34 = tpu.memref_slice %arg2[%dma_start3A_32, %dma_start3A_33] : memref<10000x128xf32, #tpu.memory_space<hbm>> -> memref<10000x128xf32, #tpu.memory_space<hbm>>
      tpu.enqueue_indirect_dma source(%dma_start3A_34 : memref<10000x128xf32, #tpu.memory_space<hbm>>) target(%arg12 : memref<128x128xf32, #tpu.memory_space<vmem>>) offsets(%dma_start3A_31 : memref<128xi32, #tpu.memory_space<vmem>>) semaphore(%arg15 : memref<!tpu.dma_semaphore, #tpu.memory_space<semaphore_mem>>)
      %add3A_35 = arith.constant 0 : i32
      %add3A_36 = arith.addi %add3A_21, %add3A_35 : i32
      %mul3A_37 = arith.constant 128 : i32
      %mul3A_38 = arith.muli %add3A_36, %mul3A_37 : i32
      "tpu.region"() ({
        %run_scoped3A = tpu.sem_alloc : memref<!tpu.dma_semaphore, #tpu.memory_space<semaphore_mem>>
        %dma_start3A_164 = tpu.memref_slice %arg4[%mul3A_38] : memref<327680xi32, #tpu.memory_space<hbm>> -> memref<128xi32, #tpu.memory_space<hbm>>
        %dma_start3A_165 = tpu.memref_slice %arg4[%mul3A_38] : memref<327680xi32, #tpu.memory_space<hbm>> -> memref<128xi32, #tpu.memory_space<hbm>>
        tpu.enqueue_dma source(%dma_start3A_165 : memref<128xi32, #tpu.memory_space<hbm>>) target(%arg9 : memref<128xi32, #tpu.memory_space<vmem>>) target_semaphore(%run_scoped3A : memref<!tpu.dma_semaphore, #tpu.memory_space<semaphore_mem>>)
        %dma_wait3A_166 = tpu.memref_slice %arg4[%mul3A_38] : memref<327680xi32, #tpu.memory_space<hbm>> -> memref<128xi32, #tpu.memory_space<hbm>>
        %dma_wait3A_167 = tpu.memref_slice %arg4[%mul3A_38] : memref<327680xi32, #tpu.memory_space<hbm>> -> memref<128xi32, #tpu.memory_space<hbm>>
        tpu.wait_dma2 semaphore(%run_scoped3A : memref<!tpu.dma_semaphore, #tpu.memory_space<semaphore_mem>>) src(%dma_wait3A_167 : memref<128xi32, #tpu.memory_space<hbm>>) dst(%arg9 : memref<128xi32, #tpu.memory_space<vmem>>)
        tpu.yield
      }) : () -> ()
      %dma_wait3A = arith.constant 0 : i32
      %dma_wait3A_39 = arith.constant 0 : i32
      %dma_wait3A_40 = tpu.memref_slice %arg8[%dma_wait3A, %dma_wait3A_39] : memref<8x128xi32, #tpu.memory_space<vmem>> -> memref<1x128xi32, #tpu.memory_space<vmem>>
      %dma_wait3A_41 = tpu.memref_squeeze %dma_wait3A_40 : memref<1x128xi32, #tpu.memory_space<vmem>> -> memref<128xi32, #tpu.memory_space<vmem>>
      %dma_wait3A_42 = arith.constant 0 : i32
      %dma_wait3A_43 = arith.constant 0 : i32
      %dma_wait3A_44 = tpu.memref_slice %arg2[%dma_wait3A_42, %dma_wait3A_43] : memref<10000x128xf32, #tpu.memory_space<hbm>> -> memref<10000x128xf32, #tpu.memory_space<hbm>>
      tpu.wait_indirect_dma semaphore(%arg14 : memref<!tpu.dma_semaphore, #tpu.memory_space<semaphore_mem>>) src(%dma_wait3A_44 : memref<10000x128xf32, #tpu.memory_space<hbm>>) dst(%arg11 : memref<128x128xf32, #tpu.memory_space<vmem>>)
      "tpu.region"() ({
        %run_scoped3A = tpu.sem_alloc : memref<!tpu.dma_semaphore, #tpu.memory_space<semaphore_mem>>
        %dma_start3A_164 = arith.constant 0 : i32
        %dma_start3A_165 = arith.constant 0 : i32
        %dma_start3A_166 = tpu.memref_slice %arg13[%dma_start3A_164, %dma_start3A_165] : memref<10112x128xf32, #tpu.memory_space<vmem_shared>> -> memref<10112x128xf32, #tpu.memory_space<vmem_shared>>
        tpu.enqueue_indirect_dma source(%arg11 : memref<128x128xf32, #tpu.memory_space<vmem>>) target(%dma_start3A_166 : memref<10112x128xf32, #tpu.memory_space<vmem_shared>>) offsets(%arg9 : memref<128xi32, #tpu.memory_space<vmem>>) semaphore(%run_scoped3A : memref<!tpu.dma_semaphore, #tpu.memory_space<semaphore_mem>>) {add = true}
        %dma_wait3A_167 = arith.constant 0 : i32
        %dma_wait3A_168 = arith.constant 0 : i32
        %dma_wait3A_169 = tpu.memref_slice %arg13[%dma_wait3A_167, %dma_wait3A_168] : memref<10112x128xf32, #tpu.memory_space<vmem_shared>> -> memref<10112x128xf32, #tpu.memory_space<vmem_shared>>
        tpu.wait_indirect_dma semaphore(%run_scoped3A : memref<!tpu.dma_semaphore, #tpu.memory_space<semaphore_mem>>) src(%arg11 : memref<128x128xf32, #tpu.memory_space<vmem>>) dst(%dma_wait3A_169 : memref<10112x128xf32, #tpu.memory_space<vmem_shared>>)
        tpu.yield
      }) : () -> ()
      %dma_start3A_45 = arith.constant 2 : i32
      %dma_start3A_46 = arith.constant 0 : i32
      %dma_start3A_47 = tpu.memref_slice %arg8[%dma_start3A_45, %dma_start3A_46] : memref<8x128xi32, #tpu.memory_space<vmem>> -> memref<1x128xi32, #tpu.memory_space<vmem>>
      %dma_start3A_48 = tpu.memref_squeeze %dma_start3A_47 : memref<1x128xi32, #tpu.memory_space<vmem>> -> memref<128xi32, #tpu.memory_space<vmem>>
      %dma_start3A_49 = arith.constant 0 : i32
      %dma_start3A_50 = arith.constant 0 : i32
      %dma_start3A_51 = tpu.memref_slice %arg2[%dma_start3A_49, %dma_start3A_50] : memref<10000x128xf32, #tpu.memory_space<hbm>> -> memref<10000x128xf32, #tpu.memory_space<hbm>>
      tpu.enqueue_indirect_dma source(%dma_start3A_51 : memref<10000x128xf32, #tpu.memory_space<hbm>>) target(%arg11 : memref<128x128xf32, #tpu.memory_space<vmem>>) offsets(%dma_start3A_48 : memref<128xi32, #tpu.memory_space<vmem>>) semaphore(%arg14 : memref<!tpu.dma_semaphore, #tpu.memory_space<semaphore_mem>>)
      %add3A_52 = arith.constant 1 : i32
      %add3A_53 = arith.addi %add3A_21, %add3A_52 : i32
      %mul3A_54 = arith.constant 128 : i32
      %mul3A_55 = arith.muli %add3A_53, %mul3A_54 : i32
      "tpu.region"() ({
        %run_scoped3A = tpu.sem_alloc : memref<!tpu.dma_semaphore, #tpu.memory_space<semaphore_mem>>
        %dma_start3A_164 = tpu.memref_slice %arg4[%mul3A_55] : memref<327680xi32, #tpu.memory_space<hbm>> -> memref<128xi32, #tpu.memory_space<hbm>>
        %dma_start3A_165 = tpu.memref_slice %arg4[%mul3A_55] : memref<327680xi32, #tpu.memory_space<hbm>> -> memref<128xi32, #tpu.memory_space<hbm>>
        tpu.enqueue_dma source(%dma_start3A_165 : memref<128xi32, #tpu.memory_space<hbm>>) target(%arg10 : memref<128xi32, #tpu.memory_space<vmem>>) target_semaphore(%run_scoped3A : memref<!tpu.dma_semaphore, #tpu.memory_space<semaphore_mem>>)
        %dma_wait3A_166 = tpu.memref_slice %arg4[%mul3A_55] : memref<327680xi32, #tpu.memory_space<hbm>> -> memref<128xi32, #tpu.memory_space<hbm>>
        %dma_wait3A_167 = tpu.memref_slice %arg4[%mul3A_55] : memref<327680xi32, #tpu.memory_space<hbm>> -> memref<128xi32, #tpu.memory_space<hbm>>
        tpu.wait_dma2 semaphore(%run_scoped3A : memref<!tpu.dma_semaphore, #tpu.memory_space<semaphore_mem>>) src(%dma_wait3A_167 : memref<128xi32, #tpu.memory_space<hbm>>) dst(%arg10 : memref<128xi32, #tpu.memory_space<vmem>>)
        tpu.yield
      }) : () -> ()
      %dma_wait3A_56 = arith.constant 1 : i32
      %dma_wait3A_57 = arith.constant 0 : i32
      %dma_wait3A_58 = tpu.memref_slice %arg8[%dma_wait3A_56, %dma_wait3A_57] : memref<8x128xi32, #tpu.memory_space<vmem>> -> memref<1x128xi32, #tpu.memory_space<vmem>>
      %dma_wait3A_59 = tpu.memref_squeeze %dma_wait3A_58 : memref<1x128xi32, #tpu.memory_space<vmem>> -> memref<128xi32, #tpu.memory_space<vmem>>
      %dma_wait3A_60 = arith.constant 0 : i32
      %dma_wait3A_61 = arith.constant 0 : i32
      %dma_wait3A_62 = tpu.memref_slice %arg2[%dma_wait3A_60, %dma_wait3A_61] : memref<10000x128xf32, #tpu.memory_space<hbm>> -> memref<10000x128xf32, #tpu.memory_space<hbm>>
      tpu.wait_indirect_dma semaphore(%arg15 : memref<!tpu.dma_semaphore, #tpu.memory_space<semaphore_mem>>) src(%dma_wait3A_62 : memref<10000x128xf32, #tpu.memory_space<hbm>>) dst(%arg12 : memref<128x128xf32, #tpu.memory_space<vmem>>)
      "tpu.region"() ({
        %run_scoped3A = tpu.sem_alloc : memref<!tpu.dma_semaphore, #tpu.memory_space<semaphore_mem>>
        %dma_start3A_164 = arith.constant 0 : i32
        %dma_start3A_165 = arith.constant 0 : i32
        %dma_start3A_166 = tpu.memref_slice %arg13[%dma_start3A_164, %dma_start3A_165] : memref<10112x128xf32, #tpu.memory_space<vmem_shared>> -> memref<10112x128xf32, #tpu.memory_space<vmem_shared>>
        tpu.enqueue_indirect_dma source(%arg12 : memref<128x128xf32, #tpu.memory_space<vmem>>) target(%dma_start3A_166 : memref<10112x128xf32, #tpu.memory_space<vmem_shared>>) offsets(%arg10 : memref<128xi32, #tpu.memory_space<vmem>>) semaphore(%run_scoped3A : memref<!tpu.dma_semaphore, #tpu.memory_space<semaphore_mem>>) {add = true}
        %dma_wait3A_167 = arith.constant 0 : i32
        %dma_wait3A_168 = arith.constant 0 : i32
        %dma_wait3A_169 = tpu.memref_slice %arg13[%dma_wait3A_167, %dma_wait3A_168] : memref<10112x128xf32, #tpu.memory_space<vmem_shared>> -> memref<10112x128xf32, #tpu.memory_space<vmem_shared>>
        tpu.wait_indirect_dma semaphore(%run_scoped3A : memref<!tpu.dma_semaphore, #tpu.memory_space<semaphore_mem>>) src(%arg12 : memref<128x128xf32, #tpu.memory_space<vmem>>) dst(%dma_wait3A_169 : memref<10112x128xf32, #tpu.memory_space<vmem_shared>>)
        tpu.yield
      }) : () -> ()
      %dma_start3A_63 = arith.constant 3 : i32
      %dma_start3A_64 = arith.constant 0 : i32
      %dma_start3A_65 = tpu.memref_slice %arg8[%dma_start3A_63, %dma_start3A_64] : memref<8x128xi32, #tpu.memory_space<vmem>> -> memref<1x128xi32, #tpu.memory_space<vmem>>
      %dma_start3A_66 = tpu.memref_squeeze %dma_start3A_65 : memref<1x128xi32, #tpu.memory_space<vmem>> -> memref<128xi32, #tpu.memory_space<vmem>>
      %dma_start3A_67 = arith.constant 0 : i32
      %dma_start3A_68 = arith.constant 0 : i32
      %dma_start3A_69 = tpu.memref_slice %arg2[%dma_start3A_67, %dma_start3A_68] : memref<10000x128xf32, #tpu.memory_space<hbm>> -> memref<10000x128xf32, #tpu.memory_space<hbm>>
      tpu.enqueue_indirect_dma source(%dma_start3A_69 : memref<10000x128xf32, #tpu.memory_space<hbm>>) target(%arg12 : memref<128x128xf32, #tpu.memory_space<vmem>>) offsets(%dma_start3A_66 : memref<128xi32, #tpu.memory_space<vmem>>) semaphore(%arg15 : memref<!tpu.dma_semaphore, #tpu.memory_space<semaphore_mem>>)
      %add3A_70 = arith.constant 2 : i32
      %add3A_71 = arith.addi %add3A_21, %add3A_70 : i32
      %mul3A_72 = arith.constant 128 : i32
      %mul3A_73 = arith.muli %add3A_71, %mul3A_72 : i32
      "tpu.region"() ({
        %run_scoped3A = tpu.sem_alloc : memref<!tpu.dma_semaphore, #tpu.memory_space<semaphore_mem>>
        %dma_start3A_164 = tpu.memref_slice %arg4[%mul3A_73] : memref<327680xi32, #tpu.memory_space<hbm>> -> memref<128xi32, #tpu.memory_space<hbm>>
        %dma_start3A_165 = tpu.memref_slice %arg4[%mul3A_73] : memref<327680xi32, #tpu.memory_space<hbm>> -> memref<128xi32, #tpu.memory_space<hbm>>
        tpu.enqueue_dma source(%dma_start3A_165 : memref<128xi32, #tpu.memory_space<hbm>>) target(%arg9 : memref<128xi32, #tpu.memory_space<vmem>>) target_semaphore(%run_scoped3A : memref<!tpu.dma_semaphore, #tpu.memory_space<semaphore_mem>>)
        %dma_wait3A_166 = tpu.memref_slice %arg4[%mul3A_73] : memref<327680xi32, #tpu.memory_space<hbm>> -> memref<128xi32, #tpu.memory_space<hbm>>
        %dma_wait3A_167 = tpu.memref_slice %arg4[%mul3A_73] : memref<327680xi32, #tpu.memory_space<hbm>> -> memref<128xi32, #tpu.memory_space<hbm>>
        tpu.wait_dma2 semaphore(%run_scoped3A : memref<!tpu.dma_semaphore, #tpu.memory_space<semaphore_mem>>) src(%dma_wait3A_167 : memref<128xi32, #tpu.memory_space<hbm>>) dst(%arg9 : memref<128xi32, #tpu.memory_space<vmem>>)
        tpu.yield
      }) : () -> ()
      %dma_wait3A_74 = arith.constant 2 : i32
      %dma_wait3A_75 = arith.constant 0 : i32
      %dma_wait3A_76 = tpu.memref_slice %arg8[%dma_wait3A_74, %dma_wait3A_75] : memref<8x128xi32, #tpu.memory_space<vmem>> -> memref<1x128xi32, #tpu.memory_space<vmem>>
      %dma_wait3A_77 = tpu.memref_squeeze %dma_wait3A_76 : memref<1x128xi32, #tpu.memory_space<vmem>> -> memref<128xi32, #tpu.memory_space<vmem>>
      %dma_wait3A_78 = arith.constant 0 : i32
      %dma_wait3A_79 = arith.constant 0 : i32
      %dma_wait3A_80 = tpu.memref_slice %arg2[%dma_wait3A_78, %dma_wait3A_79] : memref<10000x128xf32, #tpu.memory_space<hbm>> -> memref<10000x128xf32, #tpu.memory_space<hbm>>
      tpu.wait_indirect_dma semaphore(%arg14 : memref<!tpu.dma_semaphore, #tpu.memory_space<semaphore_mem>>) src(%dma_wait3A_80 : memref<10000x128xf32, #tpu.memory_space<hbm>>) dst(%arg11 : memref<128x128xf32, #tpu.memory_space<vmem>>)
      "tpu.region"() ({
        %run_scoped3A = tpu.sem_alloc : memref<!tpu.dma_semaphore, #tpu.memory_space<semaphore_mem>>
        %dma_start3A_164 = arith.constant 0 : i32
        %dma_start3A_165 = arith.constant 0 : i32
        %dma_start3A_166 = tpu.memref_slice %arg13[%dma_start3A_164, %dma_start3A_165] : memref<10112x128xf32, #tpu.memory_space<vmem_shared>> -> memref<10112x128xf32, #tpu.memory_space<vmem_shared>>
        tpu.enqueue_indirect_dma source(%arg11 : memref<128x128xf32, #tpu.memory_space<vmem>>) target(%dma_start3A_166 : memref<10112x128xf32, #tpu.memory_space<vmem_shared>>) offsets(%arg9 : memref<128xi32, #tpu.memory_space<vmem>>) semaphore(%run_scoped3A : memref<!tpu.dma_semaphore, #tpu.memory_space<semaphore_mem>>) {add = true}
        %dma_wait3A_167 = arith.constant 0 : i32
        %dma_wait3A_168 = arith.constant 0 : i32
        %dma_wait3A_169 = tpu.memref_slice %arg13[%dma_wait3A_167, %dma_wait3A_168] : memref<10112x128xf32, #tpu.memory_space<vmem_shared>> -> memref<10112x128xf32, #tpu.memory_space<vmem_shared>>
        tpu.wait_indirect_dma semaphore(%run_scoped3A : memref<!tpu.dma_semaphore, #tpu.memory_space<semaphore_mem>>) src(%arg11 : memref<128x128xf32, #tpu.memory_space<vmem>>) dst(%dma_wait3A_169 : memref<10112x128xf32, #tpu.memory_space<vmem_shared>>)
        tpu.yield
      }) : () -> ()
      %dma_start3A_81 = arith.constant 4 : i32
      %dma_start3A_82 = arith.constant 0 : i32
      %dma_start3A_83 = tpu.memref_slice %arg8[%dma_start3A_81, %dma_start3A_82] : memref<8x128xi32, #tpu.memory_space<vmem>> -> memref<1x128xi32, #tpu.memory_space<vmem>>
      %dma_start3A_84 = tpu.memref_squeeze %dma_start3A_83 : memref<1x128xi32, #tpu.memory_space<vmem>> -> memref<128xi32, #tpu.memory_space<vmem>>
      %dma_start3A_85 = arith.constant 0 : i32
      %dma_start3A_86 = arith.constant 0 : i32
      %dma_start3A_87 = tpu.memref_slice %arg2[%dma_start3A_85, %dma_start3A_86] : memref<10000x128xf32, #tpu.memory_space<hbm>> -> memref<10000x128xf32, #tpu.memory_space<hbm>>
      tpu.enqueue_indirect_dma source(%dma_start3A_87 : memref<10000x128xf32, #tpu.memory_space<hbm>>) target(%arg11 : memref<128x128xf32, #tpu.memory_space<vmem>>) offsets(%dma_start3A_84 : memref<128xi32, #tpu.memory_space<vmem>>) semaphore(%arg14 : memref<!tpu.dma_semaphore, #tpu.memory_space<semaphore_mem>>)
      %add3A_88 = arith.constant 3 : i32
      %add3A_89 = arith.addi %add3A_21, %add3A_88 : i32
      %mul3A_90 = arith.constant 128 : i32
      %mul3A_91 = arith.muli %add3A_89, %mul3A_90 : i32
      "tpu.region"() ({
        %run_scoped3A = tpu.sem_alloc : memref<!tpu.dma_semaphore, #tpu.memory_space<semaphore_mem>>
        %dma_start3A_164 = tpu.memref_slice %arg4[%mul3A_91] : memref<327680xi32, #tpu.memory_space<hbm>> -> memref<128xi32, #tpu.memory_space<hbm>>
        %dma_start3A_165 = tpu.memref_slice %arg4[%mul3A_91] : memref<327680xi32, #tpu.memory_space<hbm>> -> memref<128xi32, #tpu.memory_space<hbm>>
        tpu.enqueue_dma source(%dma_start3A_165 : memref<128xi32, #tpu.memory_space<hbm>>) target(%arg10 : memref<128xi32, #tpu.memory_space<vmem>>) target_semaphore(%run_scoped3A : memref<!tpu.dma_semaphore, #tpu.memory_space<semaphore_mem>>)
        %dma_wait3A_166 = tpu.memref_slice %arg4[%mul3A_91] : memref<327680xi32, #tpu.memory_space<hbm>> -> memref<128xi32, #tpu.memory_space<hbm>>
        %dma_wait3A_167 = tpu.memref_slice %arg4[%mul3A_91] : memref<327680xi32, #tpu.memory_space<hbm>> -> memref<128xi32, #tpu.memory_space<hbm>>
        tpu.wait_dma2 semaphore(%run_scoped3A : memref<!tpu.dma_semaphore, #tpu.memory_space<semaphore_mem>>) src(%dma_wait3A_167 : memref<128xi32, #tpu.memory_space<hbm>>) dst(%arg10 : memref<128xi32, #tpu.memory_space<vmem>>)
        tpu.yield
      }) : () -> ()
      %dma_wait3A_92 = arith.constant 3 : i32
      %dma_wait3A_93 = arith.constant 0 : i32
      %dma_wait3A_94 = tpu.memref_slice %arg8[%dma_wait3A_92, %dma_wait3A_93] : memref<8x128xi32, #tpu.memory_space<vmem>> -> memref<1x128xi32, #tpu.memory_space<vmem>>
      %dma_wait3A_95 = tpu.memref_squeeze %dma_wait3A_94 : memref<1x128xi32, #tpu.memory_space<vmem>> -> memref<128xi32, #tpu.memory_space<vmem>>
      %dma_wait3A_96 = arith.constant 0 : i32
      %dma_wait3A_97 = arith.constant 0 : i32
      %dma_wait3A_98 = tpu.memref_slice %arg2[%dma_wait3A_96, %dma_wait3A_97] : memref<10000x128xf32, #tpu.memory_space<hbm>> -> memref<10000x128xf32, #tpu.memory_space<hbm>>
      tpu.wait_indirect_dma semaphore(%arg15 : memref<!tpu.dma_semaphore, #tpu.memory_space<semaphore_mem>>) src(%dma_wait3A_98 : memref<10000x128xf32, #tpu.memory_space<hbm>>) dst(%arg12 : memref<128x128xf32, #tpu.memory_space<vmem>>)
      "tpu.region"() ({
        %run_scoped3A = tpu.sem_alloc : memref<!tpu.dma_semaphore, #tpu.memory_space<semaphore_mem>>
        %dma_start3A_164 = arith.constant 0 : i32
        %dma_start3A_165 = arith.constant 0 : i32
        %dma_start3A_166 = tpu.memref_slice %arg13[%dma_start3A_164, %dma_start3A_165] : memref<10112x128xf32, #tpu.memory_space<vmem_shared>> -> memref<10112x128xf32, #tpu.memory_space<vmem_shared>>
        tpu.enqueue_indirect_dma source(%arg12 : memref<128x128xf32, #tpu.memory_space<vmem>>) target(%dma_start3A_166 : memref<10112x128xf32, #tpu.memory_space<vmem_shared>>) offsets(%arg10 : memref<128xi32, #tpu.memory_space<vmem>>) semaphore(%run_scoped3A : memref<!tpu.dma_semaphore, #tpu.memory_space<semaphore_mem>>) {add = true}
        %dma_wait3A_167 = arith.constant 0 : i32
        %dma_wait3A_168 = arith.constant 0 : i32
        %dma_wait3A_169 = tpu.memref_slice %arg13[%dma_wait3A_167, %dma_wait3A_168] : memref<10112x128xf32, #tpu.memory_space<vmem_shared>> -> memref<10112x128xf32, #tpu.memory_space<vmem_shared>>
        tpu.wait_indirect_dma semaphore(%run_scoped3A : memref<!tpu.dma_semaphore, #tpu.memory_space<semaphore_mem>>) src(%arg12 : memref<128x128xf32, #tpu.memory_space<vmem>>) dst(%dma_wait3A_169 : memref<10112x128xf32, #tpu.memory_space<vmem_shared>>)
        tpu.yield
      }) : () -> ()
      %dma_start3A_99 = arith.constant 5 : i32
      %dma_start3A_100 = arith.constant 0 : i32
      %dma_start3A_101 = tpu.memref_slice %arg8[%dma_start3A_99, %dma_start3A_100] : memref<8x128xi32, #tpu.memory_space<vmem>> -> memref<1x128xi32, #tpu.memory_space<vmem>>
      %dma_start3A_102 = tpu.memref_squeeze %dma_start3A_101 : memref<1x128xi32, #tpu.memory_space<vmem>> -> memref<128xi32, #tpu.memory_space<vmem>>
      %dma_start3A_103 = arith.constant 0 : i32
      %dma_start3A_104 = arith.constant 0 : i32
      %dma_start3A_105 = tpu.memref_slice %arg2[%dma_start3A_103, %dma_start3A_104] : memref<10000x128xf32, #tpu.memory_space<hbm>> -> memref<10000x128xf32, #tpu.memory_space<hbm>>
      tpu.enqueue_indirect_dma source(%dma_start3A_105 : memref<10000x128xf32, #tpu.memory_space<hbm>>) target(%arg12 : memref<128x128xf32, #tpu.memory_space<vmem>>) offsets(%dma_start3A_102 : memref<128xi32, #tpu.memory_space<vmem>>) semaphore(%arg15 : memref<!tpu.dma_semaphore, #tpu.memory_space<semaphore_mem>>)
      %add3A_106 = arith.constant 4 : i32
      %add3A_107 = arith.addi %add3A_21, %add3A_106 : i32
      %mul3A_108 = arith.constant 128 : i32
      %mul3A_109 = arith.muli %add3A_107, %mul3A_108 : i32
      "tpu.region"() ({
        %run_scoped3A = tpu.sem_alloc : memref<!tpu.dma_semaphore, #tpu.memory_space<semaphore_mem>>
        %dma_start3A_164 = tpu.memref_slice %arg4[%mul3A_109] : memref<327680xi32, #tpu.memory_space<hbm>> -> memref<128xi32, #tpu.memory_space<hbm>>
        %dma_start3A_165 = tpu.memref_slice %arg4[%mul3A_109] : memref<327680xi32, #tpu.memory_space<hbm>> -> memref<128xi32, #tpu.memory_space<hbm>>
        tpu.enqueue_dma source(%dma_start3A_165 : memref<128xi32, #tpu.memory_space<hbm>>) target(%arg9 : memref<128xi32, #tpu.memory_space<vmem>>) target_semaphore(%run_scoped3A : memref<!tpu.dma_semaphore, #tpu.memory_space<semaphore_mem>>)
        %dma_wait3A_166 = tpu.memref_slice %arg4[%mul3A_109] : memref<327680xi32, #tpu.memory_space<hbm>> -> memref<128xi32, #tpu.memory_space<hbm>>
        %dma_wait3A_167 = tpu.memref_slice %arg4[%mul3A_109] : memref<327680xi32, #tpu.memory_space<hbm>> -> memref<128xi32, #tpu.memory_space<hbm>>
        tpu.wait_dma2 semaphore(%run_scoped3A : memref<!tpu.dma_semaphore, #tpu.memory_space<semaphore_mem>>) src(%dma_wait3A_167 : memref<128xi32, #tpu.memory_space<hbm>>) dst(%arg9 : memref<128xi32, #tpu.memory_space<vmem>>)
        tpu.yield
      }) : () -> ()
      %dma_wait3A_110 = arith.constant 4 : i32
      %dma_wait3A_111 = arith.constant 0 : i32
      %dma_wait3A_112 = tpu.memref_slice %arg8[%dma_wait3A_110, %dma_wait3A_111] : memref<8x128xi32, #tpu.memory_space<vmem>> -> memref<1x128xi32, #tpu.memory_space<vmem>>
      %dma_wait3A_113 = tpu.memref_squeeze %dma_wait3A_112 : memref<1x128xi32, #tpu.memory_space<vmem>> -> memref<128xi32, #tpu.memory_space<vmem>>
      %dma_wait3A_114 = arith.constant 0 : i32
      %dma_wait3A_115 = arith.constant 0 : i32
      %dma_wait3A_116 = tpu.memref_slice %arg2[%dma_wait3A_114, %dma_wait3A_115] : memref<10000x128xf32, #tpu.memory_space<hbm>> -> memref<10000x128xf32, #tpu.memory_space<hbm>>
      tpu.wait_indirect_dma semaphore(%arg14 : memref<!tpu.dma_semaphore, #tpu.memory_space<semaphore_mem>>) src(%dma_wait3A_116 : memref<10000x128xf32, #tpu.memory_space<hbm>>) dst(%arg11 : memref<128x128xf32, #tpu.memory_space<vmem>>)
      "tpu.region"() ({
        %run_scoped3A = tpu.sem_alloc : memref<!tpu.dma_semaphore, #tpu.memory_space<semaphore_mem>>
        %dma_start3A_164 = arith.constant 0 : i32
        %dma_start3A_165 = arith.constant 0 : i32
        %dma_start3A_166 = tpu.memref_slice %arg13[%dma_start3A_164, %dma_start3A_165] : memref<10112x128xf32, #tpu.memory_space<vmem_shared>> -> memref<10112x128xf32, #tpu.memory_space<vmem_shared>>
        tpu.enqueue_indirect_dma source(%arg11 : memref<128x128xf32, #tpu.memory_space<vmem>>) target(%dma_start3A_166 : memref<10112x128xf32, #tpu.memory_space<vmem_shared>>) offsets(%arg9 : memref<128xi32, #tpu.memory_space<vmem>>) semaphore(%run_scoped3A : memref<!tpu.dma_semaphore, #tpu.memory_space<semaphore_mem>>) {add = true}
        %dma_wait3A_167 = arith.constant 0 : i32
        %dma_wait3A_168 = arith.constant 0 : i32
        %dma_wait3A_169 = tpu.memref_slice %arg13[%dma_wait3A_167, %dma_wait3A_168] : memref<10112x128xf32, #tpu.memory_space<vmem_shared>> -> memref<10112x128xf32, #tpu.memory_space<vmem_shared>>
        tpu.wait_indirect_dma semaphore(%run_scoped3A : memref<!tpu.dma_semaphore, #tpu.memory_space<semaphore_mem>>) src(%arg11 : memref<128x128xf32, #tpu.memory_space<vmem>>) dst(%dma_wait3A_169 : memref<10112x128xf32, #tpu.memory_space<vmem_shared>>)
        tpu.yield
      }) : () -> ()
      %dma_start3A_117 = arith.constant 6 : i32
      %dma_start3A_118 = arith.constant 0 : i32
      %dma_start3A_119 = tpu.memref_slice %arg8[%dma_start3A_117, %dma_start3A_118] : memref<8x128xi32, #tpu.memory_space<vmem>> -> memref<1x128xi32, #tpu.memory_space<vmem>>
      %dma_start3A_120 = tpu.memref_squeeze %dma_start3A_119 : memref<1x128xi32, #tpu.memory_space<vmem>> -> memref<128xi32, #tpu.memory_space<vmem>>
      %dma_start3A_121 = arith.constant 0 : i32
      %dma_start3A_122 = arith.constant 0 : i32
      %dma_start3A_123 = tpu.memref_slice %arg2[%dma_start3A_121, %dma_start3A_122] : memref<10000x128xf32, #tpu.memory_space<hbm>> -> memref<10000x128xf32, #tpu.memory_space<hbm>>
      tpu.enqueue_indirect_dma source(%dma_start3A_123 : memref<10000x128xf32, #tpu.memory_space<hbm>>) target(%arg11 : memref<128x128xf32, #tpu.memory_space<vmem>>) offsets(%dma_start3A_120 : memref<128xi32, #tpu.memory_space<vmem>>) semaphore(%arg14 : memref<!tpu.dma_semaphore, #tpu.memory_space<semaphore_mem>>)
      %add3A_124 = arith.constant 5 : i32
      %add3A_125 = arith.addi %add3A_21, %add3A_124 : i32
      %mul3A_126 = arith.constant 128 : i32
      %mul3A_127 = arith.muli %add3A_125, %mul3A_126 : i32
      "tpu.region"() ({
        %run_scoped3A = tpu.sem_alloc : memref<!tpu.dma_semaphore, #tpu.memory_space<semaphore_mem>>
        %dma_start3A_164 = tpu.memref_slice %arg4[%mul3A_127] : memref<327680xi32, #tpu.memory_space<hbm>> -> memref<128xi32, #tpu.memory_space<hbm>>
        %dma_start3A_165 = tpu.memref_slice %arg4[%mul3A_127] : memref<327680xi32, #tpu.memory_space<hbm>> -> memref<128xi32, #tpu.memory_space<hbm>>
        tpu.enqueue_dma source(%dma_start3A_165 : memref<128xi32, #tpu.memory_space<hbm>>) target(%arg10 : memref<128xi32, #tpu.memory_space<vmem>>) target_semaphore(%run_scoped3A : memref<!tpu.dma_semaphore, #tpu.memory_space<semaphore_mem>>)
        %dma_wait3A_166 = tpu.memref_slice %arg4[%mul3A_127] : memref<327680xi32, #tpu.memory_space<hbm>> -> memref<128xi32, #tpu.memory_space<hbm>>
        %dma_wait3A_167 = tpu.memref_slice %arg4[%mul3A_127] : memref<327680xi32, #tpu.memory_space<hbm>> -> memref<128xi32, #tpu.memory_space<hbm>>
        tpu.wait_dma2 semaphore(%run_scoped3A : memref<!tpu.dma_semaphore, #tpu.memory_space<semaphore_mem>>) src(%dma_wait3A_167 : memref<128xi32, #tpu.memory_space<hbm>>) dst(%arg10 : memref<128xi32, #tpu.memory_space<vmem>>)
        tpu.yield
      }) : () -> ()
      %dma_wait3A_128 = arith.constant 5 : i32
      %dma_wait3A_129 = arith.constant 0 : i32
      %dma_wait3A_130 = tpu.memref_slice %arg8[%dma_wait3A_128, %dma_wait3A_129] : memref<8x128xi32, #tpu.memory_space<vmem>> -> memref<1x128xi32, #tpu.memory_space<vmem>>
      %dma_wait3A_131 = tpu.memref_squeeze %dma_wait3A_130 : memref<1x128xi32, #tpu.memory_space<vmem>> -> memref<128xi32, #tpu.memory_space<vmem>>
      %dma_wait3A_132 = arith.constant 0 : i32
      %dma_wait3A_133 = arith.constant 0 : i32
      %dma_wait3A_134 = tpu.memref_slice %arg2[%dma_wait3A_132, %dma_wait3A_133] : memref<10000x128xf32, #tpu.memory_space<hbm>> -> memref<10000x128xf32, #tpu.memory_space<hbm>>
      tpu.wait_indirect_dma semaphore(%arg15 : memref<!tpu.dma_semaphore, #tpu.memory_space<semaphore_mem>>) src(%dma_wait3A_134 : memref<10000x128xf32, #tpu.memory_space<hbm>>) dst(%arg12 : memref<128x128xf32, #tpu.memory_space<vmem>>)
      "tpu.region"() ({
        %run_scoped3A = tpu.sem_alloc : memref<!tpu.dma_semaphore, #tpu.memory_space<semaphore_mem>>
        %dma_start3A_164 = arith.constant 0 : i32
        %dma_start3A_165 = arith.constant 0 : i32
        %dma_start3A_166 = tpu.memref_slice %arg13[%dma_start3A_164, %dma_start3A_165] : memref<10112x128xf32, #tpu.memory_space<vmem_shared>> -> memref<10112x128xf32, #tpu.memory_space<vmem_shared>>
        tpu.enqueue_indirect_dma source(%arg12 : memref<128x128xf32, #tpu.memory_space<vmem>>) target(%dma_start3A_166 : memref<10112x128xf32, #tpu.memory_space<vmem_shared>>) offsets(%arg10 : memref<128xi32, #tpu.memory_space<vmem>>) semaphore(%run_scoped3A : memref<!tpu.dma_semaphore, #tpu.memory_space<semaphore_mem>>) {add = true}
        %dma_wait3A_167 = arith.constant 0 : i32
        %dma_wait3A_168 = arith.constant 0 : i32
        %dma_wait3A_169 = tpu.memref_slice %arg13[%dma_wait3A_167, %dma_wait3A_168] : memref<10112x128xf32, #tpu.memory_space<vmem_shared>> -> memref<10112x128xf32, #tpu.memory_space<vmem_shared>>
        tpu.wait_indirect_dma semaphore(%run_scoped3A : memref<!tpu.dma_semaphore, #tpu.memory_space<semaphore_mem>>) src(%arg12 : memref<128x128xf32, #tpu.memory_space<vmem>>) dst(%dma_wait3A_169 : memref<10112x128xf32, #tpu.memory_space<vmem_shared>>)
        tpu.yield
      }) : () -> ()
      %dma_start3A_135 = arith.constant 7 : i32
      %dma_start3A_136 = arith.constant 0 : i32
      %dma_start3A_137 = tpu.memref_slice %arg8[%dma_start3A_135, %dma_start3A_136] : memref<8x128xi32, #tpu.memory_space<vmem>> -> memref<1x128xi32, #tpu.memory_space<vmem>>
      %dma_start3A_138 = tpu.memref_squeeze %dma_start3A_137 : memref<1x128xi32, #tpu.memory_space<vmem>> -> memref<128xi32, #tpu.memory_space<vmem>>
      %dma_start3A_139 = arith.constant 0 : i32
      %dma_start3A_140 = arith.constant 0 : i32
      %dma_start3A_141 = tpu.memref_slice %arg2[%dma_start3A_139, %dma_start3A_140] : memref<10000x128xf32, #tpu.memory_space<hbm>> -> memref<10000x128xf32, #tpu.memory_space<hbm>>
      tpu.enqueue_indirect_dma source(%dma_start3A_141 : memref<10000x128xf32, #tpu.memory_space<hbm>>) target(%arg12 : memref<128x128xf32, #tpu.memory_space<vmem>>) offsets(%dma_start3A_138 : memref<128xi32, #tpu.memory_space<vmem>>) semaphore(%arg15 : memref<!tpu.dma_semaphore, #tpu.memory_space<semaphore_mem>>)
      %add3A_142 = arith.constant 6 : i32
      %add3A_143 = arith.addi %add3A_21, %add3A_142 : i32
      %mul3A_144 = arith.constant 128 : i32
      %mul3A_145 = arith.muli %add3A_143, %mul3A_144 : i32
      "tpu.region"() ({
        %run_scoped3A = tpu.sem_alloc : memref<!tpu.dma_semaphore, #tpu.memory_space<semaphore_mem>>
        %dma_start3A_164 = tpu.memref_slice %arg4[%mul3A_145] : memref<327680xi32, #tpu.memory_space<hbm>> -> memref<128xi32, #tpu.memory_space<hbm>>
        %dma_start3A_165 = tpu.memref_slice %arg4[%mul3A_145] : memref<327680xi32, #tpu.memory_space<hbm>> -> memref<128xi32, #tpu.memory_space<hbm>>
        tpu.enqueue_dma source(%dma_start3A_165 : memref<128xi32, #tpu.memory_space<hbm>>) target(%arg9 : memref<128xi32, #tpu.memory_space<vmem>>) target_semaphore(%run_scoped3A : memref<!tpu.dma_semaphore, #tpu.memory_space<semaphore_mem>>)
        %dma_wait3A_166 = tpu.memref_slice %arg4[%mul3A_145] : memref<327680xi32, #tpu.memory_space<hbm>> -> memref<128xi32, #tpu.memory_space<hbm>>
        %dma_wait3A_167 = tpu.memref_slice %arg4[%mul3A_145] : memref<327680xi32, #tpu.memory_space<hbm>> -> memref<128xi32, #tpu.memory_space<hbm>>
        tpu.wait_dma2 semaphore(%run_scoped3A : memref<!tpu.dma_semaphore, #tpu.memory_space<semaphore_mem>>) src(%dma_wait3A_167 : memref<128xi32, #tpu.memory_space<hbm>>) dst(%arg9 : memref<128xi32, #tpu.memory_space<vmem>>)
        tpu.yield
      }) : () -> ()
      %dma_wait3A_146 = arith.constant 6 : i32
      %dma_wait3A_147 = arith.constant 0 : i32
      %dma_wait3A_148 = tpu.memref_slice %arg8[%dma_wait3A_146, %dma_wait3A_147] : memref<8x128xi32, #tpu.memory_space<vmem>> -> memref<1x128xi32, #tpu.memory_space<vmem>>
      %dma_wait3A_149 = tpu.memref_squeeze %dma_wait3A_148 : memref<1x128xi32, #tpu.memory_space<vmem>> -> memref<128xi32, #tpu.memory_space<vmem>>
      %dma_wait3A_150 = arith.constant 0 : i32
      %dma_wait3A_151 = arith.constant 0 : i32
      %dma_wait3A_152 = tpu.memref_slice %arg2[%dma_wait3A_150, %dma_wait3A_151] : memref<10000x128xf32, #tpu.memory_space<hbm>> -> memref<10000x128xf32, #tpu.memory_space<hbm>>
      tpu.wait_indirect_dma semaphore(%arg14 : memref<!tpu.dma_semaphore, #tpu.memory_space<semaphore_mem>>) src(%dma_wait3A_152 : memref<10000x128xf32, #tpu.memory_space<hbm>>) dst(%arg11 : memref<128x128xf32, #tpu.memory_space<vmem>>)
      "tpu.region"() ({
        %run_scoped3A = tpu.sem_alloc : memref<!tpu.dma_semaphore, #tpu.memory_space<semaphore_mem>>
        %dma_start3A_164 = arith.constant 0 : i32
        %dma_start3A_165 = arith.constant 0 : i32
        %dma_start3A_166 = tpu.memref_slice %arg13[%dma_start3A_164, %dma_start3A_165] : memref<10112x128xf32, #tpu.memory_space<vmem_shared>> -> memref<10112x128xf32, #tpu.memory_space<vmem_shared>>
        tpu.enqueue_indirect_dma source(%arg11 : memref<128x128xf32, #tpu.memory_space<vmem>>) target(%dma_start3A_166 : memref<10112x128xf32, #tpu.memory_space<vmem_shared>>) offsets(%arg9 : memref<128xi32, #tpu.memory_space<vmem>>) semaphore(%run_scoped3A : memref<!tpu.dma_semaphore, #tpu.memory_space<semaphore_mem>>) {add = true}
        %dma_wait3A_167 = arith.constant 0 : i32
        %dma_wait3A_168 = arith.constant 0 : i32
        %dma_wait3A_169 = tpu.memref_slice %arg13[%dma_wait3A_167, %dma_wait3A_168] : memref<10112x128xf32, #tpu.memory_space<vmem_shared>> -> memref<10112x128xf32, #tpu.memory_space<vmem_shared>>
        tpu.wait_indirect_dma semaphore(%run_scoped3A : memref<!tpu.dma_semaphore, #tpu.memory_space<semaphore_mem>>) src(%arg11 : memref<128x128xf32, #tpu.memory_space<vmem>>) dst(%dma_wait3A_169 : memref<10112x128xf32, #tpu.memory_space<vmem_shared>>)
        tpu.yield
      }) : () -> ()
      %add3A_153 = arith.constant 7 : i32
      %add3A_154 = arith.addi %add3A_21, %add3A_153 : i32
      %mul3A_155 = arith.constant 128 : i32
      %mul3A_156 = arith.muli %add3A_154, %mul3A_155 : i32
      "tpu.region"() ({
        %run_scoped3A = tpu.sem_alloc : memref<!tpu.dma_semaphore, #tpu.memory_space<semaphore_mem>>
        %dma_start3A_164 = tpu.memref_slice %arg4[%mul3A_156] : memref<327680xi32, #tpu.memory_space<hbm>> -> memref<128xi32, #tpu.memory_space<hbm>>
        %dma_start3A_165 = tpu.memref_slice %arg4[%mul3A_156] : memref<327680xi32, #tpu.memory_space<hbm>> -> memref<128xi32, #tpu.memory_space<hbm>>
        tpu.enqueue_dma source(%dma_start3A_165 : memref<128xi32, #tpu.memory_space<hbm>>) target(%arg10 : memref<128xi32, #tpu.memory_space<vmem>>) target_semaphore(%run_scoped3A : memref<!tpu.dma_semaphore, #tpu.memory_space<semaphore_mem>>)
        %dma_wait3A_166 = tpu.memref_slice %arg4[%mul3A_156] : memref<327680xi32, #tpu.memory_space<hbm>> -> memref<128xi32, #tpu.memory_space<hbm>>
        %dma_wait3A_167 = tpu.memref_slice %arg4[%mul3A_156] : memref<327680xi32, #tpu.memory_space<hbm>> -> memref<128xi32, #tpu.memory_space<hbm>>
        tpu.wait_dma2 semaphore(%run_scoped3A : memref<!tpu.dma_semaphore, #tpu.memory_space<semaphore_mem>>) src(%dma_wait3A_167 : memref<128xi32, #tpu.memory_space<hbm>>) dst(%arg10 : memref<128xi32, #tpu.memory_space<vmem>>)
        tpu.yield
      }) : () -> ()
      %dma_wait3A_157 = arith.constant 7 : i32
      %dma_wait3A_158 = arith.constant 0 : i32
      %dma_wait3A_159 = tpu.memref_slice %arg8[%dma_wait3A_157, %dma_wait3A_158] : memref<8x128xi32, #tpu.memory_space<vmem>> -> memref<1x128xi32, #tpu.memory_space<vmem>>
      %dma_wait3A_160 = tpu.memref_squeeze %dma_wait3A_159 : memref<1x128xi32, #tpu.memory_space<vmem>> -> memref<128xi32, #tpu.memory_space<vmem>>
      %dma_wait3A_161 = arith.constant 0 : i32
      %dma_wait3A_162 = arith.constant 0 : i32
      %dma_wait3A_163 = tpu.memref_slice %arg2[%dma_wait3A_161, %dma_wait3A_162] : memref<10000x128xf32, #tpu.memory_space<hbm>> -> memref<10000x128xf32, #tpu.memory_space<hbm>>
      tpu.wait_indirect_dma semaphore(%arg15 : memref<!tpu.dma_semaphore, #tpu.memory_space<semaphore_mem>>) src(%dma_wait3A_163 : memref<10000x128xf32, #tpu.memory_space<hbm>>) dst(%arg12 : memref<128x128xf32, #tpu.memory_space<vmem>>)
      "tpu.region"() ({
        %run_scoped3A = tpu.sem_alloc : memref<!tpu.dma_semaphore, #tpu.memory_space<semaphore_mem>>
        %dma_start3A_164 = arith.constant 0 : i32
        %dma_start3A_165 = arith.constant 0 : i32
        %dma_start3A_166 = tpu.memref_slice %arg13[%dma_start3A_164, %dma_start3A_165] : memref<10112x128xf32, #tpu.memory_space<vmem_shared>> -> memref<10112x128xf32, #tpu.memory_space<vmem_shared>>
        tpu.enqueue_indirect_dma source(%arg12 : memref<128x128xf32, #tpu.memory_space<vmem>>) target(%dma_start3A_166 : memref<10112x128xf32, #tpu.memory_space<vmem_shared>>) offsets(%arg10 : memref<128xi32, #tpu.memory_space<vmem>>) semaphore(%run_scoped3A : memref<!tpu.dma_semaphore, #tpu.memory_space<semaphore_mem>>) {add = true}
        %dma_wait3A_167 = arith.constant 0 : i32
        %dma_wait3A_168 = arith.constant 0 : i32
        %dma_wait3A_169 = tpu.memref_slice %arg13[%dma_wait3A_167, %dma_wait3A_168] : memref<10112x128xf32, #tpu.memory_space<vmem_shared>> -> memref<10112x128xf32, #tpu.memory_space<vmem_shared>>
        tpu.wait_indirect_dma semaphore(%run_scoped3A : memref<!tpu.dma_semaphore, #tpu.memory_space<semaphore_mem>>) src(%arg12 : memref<128x128xf32, #tpu.memory_space<vmem>>) dst(%dma_wait3A_169 : memref<10112x128xf32, #tpu.memory_space<vmem_shared>>)
        tpu.yield
      }) : () -> ()
    }
    %scan3A_9 = arith.constant 10 : i32
    %barrier3A_10 = arith.constant 0 : index
    tpu.barrier barrier_id(%barrier3A_10)
    %eq3A = arith.constant 0 : i32
    %eq3A_11 = arith.cmpi eq, %arg0, %eq3A : i32
    %convert_element_type3A = arith.extui %eq3A_11 : i1 to i32
    %cond3A = arith.constant 0 : i32
    %cond3A_12 = arith.cmpi ne, %convert_element_type3A, %cond3A : i32
    scf.if %cond3A_12 {
      "tpu.region"() ({
        %run_scoped3A = tpu.sem_alloc : memref<!tpu.dma_semaphore, #tpu.memory_space<semaphore_mem>>
        %dma_start3A = arith.constant 0 : i32
        %dma_start3A_18 = tpu.memref_slice %arg6[%mul3A_2, %dma_start3A] : memref<10112x128xf32, #tpu.memory_space<hbm>> -> memref<632x128xf32, #tpu.memory_space<hbm>>
        %dma_start3A_19 = arith.constant 0 : i32
        %dma_start3A_20 = tpu.memref_slice %arg13[%mul3A_2, %dma_start3A_19] : memref<10112x128xf32, #tpu.memory_space<vmem_shared>> -> memref<632x128xf32, #tpu.memory_space<vmem_shared>>
        tpu.enqueue_dma source(%dma_start3A_20 : memref<632x128xf32, #tpu.memory_space<vmem_shared>>) target(%dma_start3A_18 : memref<632x128xf32, #tpu.memory_space<hbm>>) target_semaphore(%run_scoped3A : memref<!tpu.dma_semaphore, #tpu.memory_space<semaphore_mem>>)
        %dma_wait3A = arith.constant 0 : i32
        %dma_wait3A_21 = tpu.memref_slice %arg6[%mul3A_2, %dma_wait3A] : memref<10112x128xf32, #tpu.memory_space<hbm>> -> memref<632x128xf32, #tpu.memory_space<hbm>>
        %dma_wait3A_22 = arith.constant 0 : i32
        %dma_wait3A_23 = tpu.memref_slice %arg13[%mul3A_2, %dma_wait3A_22] : memref<10112x128xf32, #tpu.memory_space<vmem_shared>> -> memref<632x128xf32, #tpu.memory_space<vmem_shared>>
        tpu.wait_dma2 semaphore(%run_scoped3A : memref<!tpu.dma_semaphore, #tpu.memory_space<semaphore_mem>>) src(%dma_wait3A_23 : memref<632x128xf32, #tpu.memory_space<vmem_shared>>) dst(%dma_wait3A_21 : memref<632x128xf32, #tpu.memory_space<hbm>>)
        tpu.yield
      }) : () -> ()
    } else {
    }
    %eq3A_13 = arith.constant 1 : i32
    %eq3A_14 = arith.cmpi eq, %arg0, %eq3A_13 : i32
    %convert_element_type3A_15 = arith.extui %eq3A_14 : i1 to i32
    %cond3A_16 = arith.constant 0 : i32
    %cond3A_17 = arith.cmpi ne, %convert_element_type3A_15, %cond3A_16 : i32
    scf.if %cond3A_17 {
      "tpu.region"() ({
        %run_scoped3A = tpu.sem_alloc : memref<!tpu.dma_semaphore, #tpu.memory_space<semaphore_mem>>
        %dma_start3A = arith.constant 0 : i32
        %dma_start3A_18 = tpu.memref_slice %arg7[%mul3A_2, %dma_start3A] : memref<10112x128xf32, #tpu.memory_space<hbm>> -> memref<632x128xf32, #tpu.memory_space<hbm>>
        %dma_start3A_19 = arith.constant 0 : i32
        %dma_start3A_20 = tpu.memref_slice %arg13[%mul3A_2, %dma_start3A_19] : memref<10112x128xf32, #tpu.memory_space<vmem_shared>> -> memref<632x128xf32, #tpu.memory_space<vmem_shared>>
        tpu.enqueue_dma source(%dma_start3A_20 : memref<632x128xf32, #tpu.memory_space<vmem_shared>>) target(%dma_start3A_18 : memref<632x128xf32, #tpu.memory_space<hbm>>) target_semaphore(%run_scoped3A : memref<!tpu.dma_semaphore, #tpu.memory_space<semaphore_mem>>)
        %dma_wait3A = arith.constant 0 : i32
        %dma_wait3A_21 = tpu.memref_slice %arg7[%mul3A_2, %dma_wait3A] : memref<10112x128xf32, #tpu.memory_space<hbm>> -> memref<632x128xf32, #tpu.memory_space<hbm>>
        %dma_wait3A_22 = arith.constant 0 : i32
        %dma_wait3A_23 = tpu.memref_slice %arg13[%mul3A_2, %dma_wait3A_22] : memref<10112x128xf32, #tpu.memory_space<vmem_shared>> -> memref<632x128xf32, #tpu.memory_space<vmem_shared>>
        tpu.wait_dma2 semaphore(%run_scoped3A : memref<!tpu.dma_semaphore, #tpu.memory_space<semaphore_mem>>) src(%dma_wait3A_23 : memref<632x128xf32, #tpu.memory_space<vmem_shared>>) dst(%dma_wait3A_21 : memref<632x128xf32, #tpu.memory_space<hbm>>)
        tpu.yield
      }) : () -> ()
    } else {
    }
    return
  }
}

#map = affine_map<(d0, d1) -> (0, 0)>
module attributes {stable_mosaic.version = 14 : i64} {
  func.func @_egather_body(%arg0: i32, %arg1: i32, %arg2: memref<10000x128xi32, #tpu.memory_space<hbm>>, %arg3: memref<2560x128xi32, #tpu.memory_space<hbm>>, %arg4: memref<2560x128xi32, #tpu.memory_space<hbm>>, %arg5: memref<327680x128xi32, #tpu.memory_space<hbm>>, %arg6: memref<327680x128xi32, #tpu.memory_space<hbm>>, %arg7: memref<8x128xi32, #tpu.memory_space<vmem>>, %arg8: memref<8x128xi32, #tpu.memory_space<vmem>>, %arg9: memref<128x128xi32, #tpu.memory_space<vmem>>, %arg10: memref<128x128xi32, #tpu.memory_space<vmem>>, %arg11: memref<128x128xi32, #tpu.memory_space<vmem>>, %arg12: memref<128x128xi32, #tpu.memory_space<vmem>>, %arg13: memref<!tpu.dma_semaphore, #tpu.memory_space<semaphore_mem>>, %arg14: memref<!tpu.dma_semaphore, #tpu.memory_space<semaphore_mem>>) attributes {dimension_semantics = [#tpu.dimension_semantics<core_parallel>, #tpu.dimension_semantics<subcore_parallel>], iteration_bounds = array<i64: 2, 16>, scalar_prefetch = 0 : i64, scratch_operands = 8 : i64, tpu.core_type = #tpu.core_type<sc_vector_subcore>, window_params = [{transform_indices = #map}, {transform_indices = #map}, {transform_indices = #map}, {transform_indices = #map}, {transform_indices = #map}]} {
    %mul3A = arith.constant 2 : i32
    %mul3A_0 = arith.muli %arg1, %mul3A : i32
    %add3A = arith.addi %mul3A_0, %arg0 : i32
    %mul3A_1 = arith.constant 80 : i32
    %mul3A_2 = arith.muli %add3A, %mul3A_1 : i32
    %scan3A = arith.constant 0 : i32
    %scan3A_3 = arith.constant 0 : i32
    %scan3A_4 = arith.constant 10 : i32
    %scan3A_5 = arith.addi %scan3A_3, %scan3A_4 : i32
    %scan3A_6 = arith.constant 1 : i32
    scf.for %scan3A_8 = %scan3A_3 to %scan3A_5 step %scan3A_6  : i32 {
      %mul3A_9 = arith.constant 8 : i32
      %mul3A_10 = arith.muli %scan3A_8, %mul3A_9 : i32
      %add3A_11 = arith.addi %mul3A_2, %mul3A_10 : i32
      "tpu.region"() ({
        %run_scoped3A = tpu.sem_alloc : memref<!tpu.dma_semaphore, #tpu.memory_space<semaphore_mem>>
        %dma_start3A_266 = arith.constant 0 : i32
        %dma_start3A_267 = tpu.memref_slice %arg3[%add3A_11, %dma_start3A_266] : memref<2560x128xi32, #tpu.memory_space<hbm>> -> memref<8x128xi32, #tpu.memory_space<hbm>>
        %dma_start3A_268 = arith.constant 0 : i32
        %dma_start3A_269 = tpu.memref_slice %arg3[%add3A_11, %dma_start3A_268] : memref<2560x128xi32, #tpu.memory_space<hbm>> -> memref<8x128xi32, #tpu.memory_space<hbm>>
        tpu.enqueue_dma source(%dma_start3A_269 : memref<8x128xi32, #tpu.memory_space<hbm>>) target(%arg7 : memref<8x128xi32, #tpu.memory_space<vmem>>) target_semaphore(%run_scoped3A : memref<!tpu.dma_semaphore, #tpu.memory_space<semaphore_mem>>)
        %dma_wait3A_270 = arith.constant 0 : i32
        %dma_wait3A_271 = tpu.memref_slice %arg3[%add3A_11, %dma_wait3A_270] : memref<2560x128xi32, #tpu.memory_space<hbm>> -> memref<8x128xi32, #tpu.memory_space<hbm>>
        %dma_wait3A_272 = arith.constant 0 : i32
        %dma_wait3A_273 = tpu.memref_slice %arg3[%add3A_11, %dma_wait3A_272] : memref<2560x128xi32, #tpu.memory_space<hbm>> -> memref<8x128xi32, #tpu.memory_space<hbm>>
        tpu.wait_dma2 semaphore(%run_scoped3A : memref<!tpu.dma_semaphore, #tpu.memory_space<semaphore_mem>>) src(%dma_wait3A_273 : memref<8x128xi32, #tpu.memory_space<hbm>>) dst(%arg7 : memref<8x128xi32, #tpu.memory_space<vmem>>)
        tpu.yield
      }) : () -> ()
      "tpu.region"() ({
        %run_scoped3A = tpu.sem_alloc : memref<!tpu.dma_semaphore, #tpu.memory_space<semaphore_mem>>
        %dma_start3A_266 = arith.constant 0 : i32
        %dma_start3A_267 = tpu.memref_slice %arg4[%add3A_11, %dma_start3A_266] : memref<2560x128xi32, #tpu.memory_space<hbm>> -> memref<8x128xi32, #tpu.memory_space<hbm>>
        %dma_start3A_268 = arith.constant 0 : i32
        %dma_start3A_269 = tpu.memref_slice %arg4[%add3A_11, %dma_start3A_268] : memref<2560x128xi32, #tpu.memory_space<hbm>> -> memref<8x128xi32, #tpu.memory_space<hbm>>
        tpu.enqueue_dma source(%dma_start3A_269 : memref<8x128xi32, #tpu.memory_space<hbm>>) target(%arg8 : memref<8x128xi32, #tpu.memory_space<vmem>>) target_semaphore(%run_scoped3A : memref<!tpu.dma_semaphore, #tpu.memory_space<semaphore_mem>>)
        %dma_wait3A_270 = arith.constant 0 : i32
        %dma_wait3A_271 = tpu.memref_slice %arg4[%add3A_11, %dma_wait3A_270] : memref<2560x128xi32, #tpu.memory_space<hbm>> -> memref<8x128xi32, #tpu.memory_space<hbm>>
        %dma_wait3A_272 = arith.constant 0 : i32
        %dma_wait3A_273 = tpu.memref_slice %arg4[%add3A_11, %dma_wait3A_272] : memref<2560x128xi32, #tpu.memory_space<hbm>> -> memref<8x128xi32, #tpu.memory_space<hbm>>
        tpu.wait_dma2 semaphore(%run_scoped3A : memref<!tpu.dma_semaphore, #tpu.memory_space<semaphore_mem>>) src(%dma_wait3A_273 : memref<8x128xi32, #tpu.memory_space<hbm>>) dst(%arg8 : memref<8x128xi32, #tpu.memory_space<vmem>>)
        tpu.yield
      }) : () -> ()
      %dma_start3A = arith.constant 0 : i32
      %dma_start3A_12 = arith.constant 0 : i32
      %dma_start3A_13 = tpu.memref_slice %arg7[%dma_start3A, %dma_start3A_12] : memref<8x128xi32, #tpu.memory_space<vmem>> -> memref<1x128xi32, #tpu.memory_space<vmem>>
      %dma_start3A_14 = tpu.memref_squeeze %dma_start3A_13 : memref<1x128xi32, #tpu.memory_space<vmem>> -> memref<128xi32, #tpu.memory_space<vmem>>
      %dma_start3A_15 = arith.constant 0 : i32
      %dma_start3A_16 = arith.constant 0 : i32
      %dma_start3A_17 = tpu.memref_slice %arg2[%dma_start3A_15, %dma_start3A_16] : memref<10000x128xi32, #tpu.memory_space<hbm>> -> memref<10000x128xi32, #tpu.memory_space<hbm>>
      tpu.enqueue_indirect_dma source(%dma_start3A_17 : memref<10000x128xi32, #tpu.memory_space<hbm>>) target(%arg9 : memref<128x128xi32, #tpu.memory_space<vmem>>) offsets(%dma_start3A_14 : memref<128xi32, #tpu.memory_space<vmem>>) semaphore(%arg13 : memref<!tpu.dma_semaphore, #tpu.memory_space<semaphore_mem>>)
      %dma_start3A_18 = arith.constant 0 : i32
      %dma_start3A_19 = arith.constant 0 : i32
      %dma_start3A_20 = tpu.memref_slice %arg8[%dma_start3A_18, %dma_start3A_19] : memref<8x128xi32, #tpu.memory_space<vmem>> -> memref<1x128xi32, #tpu.memory_space<vmem>>
      %dma_start3A_21 = tpu.memref_squeeze %dma_start3A_20 : memref<1x128xi32, #tpu.memory_space<vmem>> -> memref<128xi32, #tpu.memory_space<vmem>>
      %dma_start3A_22 = arith.constant 0 : i32
      %dma_start3A_23 = arith.constant 0 : i32
      %dma_start3A_24 = tpu.memref_slice %arg2[%dma_start3A_22, %dma_start3A_23] : memref<10000x128xi32, #tpu.memory_space<hbm>> -> memref<10000x128xi32, #tpu.memory_space<hbm>>
      tpu.enqueue_indirect_dma source(%dma_start3A_24 : memref<10000x128xi32, #tpu.memory_space<hbm>>) target(%arg10 : memref<128x128xi32, #tpu.memory_space<vmem>>) offsets(%dma_start3A_21 : memref<128xi32, #tpu.memory_space<vmem>>) semaphore(%arg13 : memref<!tpu.dma_semaphore, #tpu.memory_space<semaphore_mem>>)
      %dma_start3A_25 = arith.constant 1 : i32
      %dma_start3A_26 = arith.constant 0 : i32
      %dma_start3A_27 = tpu.memref_slice %arg7[%dma_start3A_25, %dma_start3A_26] : memref<8x128xi32, #tpu.memory_space<vmem>> -> memref<1x128xi32, #tpu.memory_space<vmem>>
      %dma_start3A_28 = tpu.memref_squeeze %dma_start3A_27 : memref<1x128xi32, #tpu.memory_space<vmem>> -> memref<128xi32, #tpu.memory_space<vmem>>
      %dma_start3A_29 = arith.constant 0 : i32
      %dma_start3A_30 = arith.constant 0 : i32
      %dma_start3A_31 = tpu.memref_slice %arg2[%dma_start3A_29, %dma_start3A_30] : memref<10000x128xi32, #tpu.memory_space<hbm>> -> memref<10000x128xi32, #tpu.memory_space<hbm>>
      tpu.enqueue_indirect_dma source(%dma_start3A_31 : memref<10000x128xi32, #tpu.memory_space<hbm>>) target(%arg11 : memref<128x128xi32, #tpu.memory_space<vmem>>) offsets(%dma_start3A_28 : memref<128xi32, #tpu.memory_space<vmem>>) semaphore(%arg14 : memref<!tpu.dma_semaphore, #tpu.memory_space<semaphore_mem>>)
      %dma_start3A_32 = arith.constant 1 : i32
      %dma_start3A_33 = arith.constant 0 : i32
      %dma_start3A_34 = tpu.memref_slice %arg8[%dma_start3A_32, %dma_start3A_33] : memref<8x128xi32, #tpu.memory_space<vmem>> -> memref<1x128xi32, #tpu.memory_space<vmem>>
      %dma_start3A_35 = tpu.memref_squeeze %dma_start3A_34 : memref<1x128xi32, #tpu.memory_space<vmem>> -> memref<128xi32, #tpu.memory_space<vmem>>
      %dma_start3A_36 = arith.constant 0 : i32
      %dma_start3A_37 = arith.constant 0 : i32
      %dma_start3A_38 = tpu.memref_slice %arg2[%dma_start3A_36, %dma_start3A_37] : memref<10000x128xi32, #tpu.memory_space<hbm>> -> memref<10000x128xi32, #tpu.memory_space<hbm>>
      tpu.enqueue_indirect_dma source(%dma_start3A_38 : memref<10000x128xi32, #tpu.memory_space<hbm>>) target(%arg12 : memref<128x128xi32, #tpu.memory_space<vmem>>) offsets(%dma_start3A_35 : memref<128xi32, #tpu.memory_space<vmem>>) semaphore(%arg14 : memref<!tpu.dma_semaphore, #tpu.memory_space<semaphore_mem>>)
      %dma_wait3A = arith.constant 0 : i32
      %dma_wait3A_39 = arith.constant 0 : i32
      %dma_wait3A_40 = tpu.memref_slice %arg7[%dma_wait3A, %dma_wait3A_39] : memref<8x128xi32, #tpu.memory_space<vmem>> -> memref<1x128xi32, #tpu.memory_space<vmem>>
      %dma_wait3A_41 = tpu.memref_squeeze %dma_wait3A_40 : memref<1x128xi32, #tpu.memory_space<vmem>> -> memref<128xi32, #tpu.memory_space<vmem>>
      %dma_wait3A_42 = arith.constant 0 : i32
      %dma_wait3A_43 = arith.constant 0 : i32
      %dma_wait3A_44 = tpu.memref_slice %arg2[%dma_wait3A_42, %dma_wait3A_43] : memref<10000x128xi32, #tpu.memory_space<hbm>> -> memref<10000x128xi32, #tpu.memory_space<hbm>>
      tpu.wait_indirect_dma semaphore(%arg13 : memref<!tpu.dma_semaphore, #tpu.memory_space<semaphore_mem>>) src(%dma_wait3A_44 : memref<10000x128xi32, #tpu.memory_space<hbm>>) dst(%arg9 : memref<128x128xi32, #tpu.memory_space<vmem>>)
      %dma_wait3A_45 = arith.constant 0 : i32
      %dma_wait3A_46 = arith.constant 0 : i32
      %dma_wait3A_47 = tpu.memref_slice %arg8[%dma_wait3A_45, %dma_wait3A_46] : memref<8x128xi32, #tpu.memory_space<vmem>> -> memref<1x128xi32, #tpu.memory_space<vmem>>
      %dma_wait3A_48 = tpu.memref_squeeze %dma_wait3A_47 : memref<1x128xi32, #tpu.memory_space<vmem>> -> memref<128xi32, #tpu.memory_space<vmem>>
      %dma_wait3A_49 = arith.constant 0 : i32
      %dma_wait3A_50 = arith.constant 0 : i32
      %dma_wait3A_51 = tpu.memref_slice %arg2[%dma_wait3A_49, %dma_wait3A_50] : memref<10000x128xi32, #tpu.memory_space<hbm>> -> memref<10000x128xi32, #tpu.memory_space<hbm>>
      tpu.wait_indirect_dma semaphore(%arg13 : memref<!tpu.dma_semaphore, #tpu.memory_space<semaphore_mem>>) src(%dma_wait3A_51 : memref<10000x128xi32, #tpu.memory_space<hbm>>) dst(%arg10 : memref<128x128xi32, #tpu.memory_space<vmem>>)
      %add3A_52 = arith.constant 0 : i32
      %add3A_53 = arith.addi %add3A_11, %add3A_52 : i32
      %mul3A_54 = arith.constant 128 : i32
      %mul3A_55 = arith.muli %add3A_53, %mul3A_54 : i32
      "tpu.region"() ({
        %run_scoped3A = tpu.sem_alloc : memref<!tpu.dma_semaphore, #tpu.memory_space<semaphore_mem>>
        %dma_start3A_266 = arith.constant 0 : i32
        %dma_start3A_267 = tpu.memref_slice %arg5[%mul3A_55, %dma_start3A_266] : memref<327680x128xi32, #tpu.memory_space<hbm>> -> memref<128x128xi32, #tpu.memory_space<hbm>>
        %dma_start3A_268 = arith.constant 0 : i32
        %dma_start3A_269 = tpu.memref_slice %arg5[%mul3A_55, %dma_start3A_268] : memref<327680x128xi32, #tpu.memory_space<hbm>> -> memref<128x128xi32, #tpu.memory_space<hbm>>
        tpu.enqueue_dma source(%arg9 : memref<128x128xi32, #tpu.memory_space<vmem>>) target(%dma_start3A_269 : memref<128x128xi32, #tpu.memory_space<hbm>>) target_semaphore(%run_scoped3A : memref<!tpu.dma_semaphore, #tpu.memory_space<semaphore_mem>>)
        %dma_wait3A_270 = arith.constant 0 : i32
        %dma_wait3A_271 = tpu.memref_slice %arg5[%mul3A_55, %dma_wait3A_270] : memref<327680x128xi32, #tpu.memory_space<hbm>> -> memref<128x128xi32, #tpu.memory_space<hbm>>
        %dma_wait3A_272 = arith.constant 0 : i32
        %dma_wait3A_273 = tpu.memref_slice %arg5[%mul3A_55, %dma_wait3A_272] : memref<327680x128xi32, #tpu.memory_space<hbm>> -> memref<128x128xi32, #tpu.memory_space<hbm>>
        tpu.wait_dma2 semaphore(%run_scoped3A : memref<!tpu.dma_semaphore, #tpu.memory_space<semaphore_mem>>) src(%arg9 : memref<128x128xi32, #tpu.memory_space<vmem>>) dst(%dma_wait3A_273 : memref<128x128xi32, #tpu.memory_space<hbm>>)
        tpu.yield
      }) : () -> ()
      "tpu.region"() ({
        %run_scoped3A = tpu.sem_alloc : memref<!tpu.dma_semaphore, #tpu.memory_space<semaphore_mem>>
        %dma_start3A_266 = arith.constant 0 : i32
        %dma_start3A_267 = tpu.memref_slice %arg6[%mul3A_55, %dma_start3A_266] : memref<327680x128xi32, #tpu.memory_space<hbm>> -> memref<128x128xi32, #tpu.memory_space<hbm>>
        %dma_start3A_268 = arith.constant 0 : i32
        %dma_start3A_269 = tpu.memref_slice %arg6[%mul3A_55, %dma_start3A_268] : memref<327680x128xi32, #tpu.memory_space<hbm>> -> memref<128x128xi32, #tpu.memory_space<hbm>>
        tpu.enqueue_dma source(%arg10 : memref<128x128xi32, #tpu.memory_space<vmem>>) target(%dma_start3A_269 : memref<128x128xi32, #tpu.memory_space<hbm>>) target_semaphore(%run_scoped3A : memref<!tpu.dma_semaphore, #tpu.memory_space<semaphore_mem>>)
        %dma_wait3A_270 = arith.constant 0 : i32
        %dma_wait3A_271 = tpu.memref_slice %arg6[%mul3A_55, %dma_wait3A_270] : memref<327680x128xi32, #tpu.memory_space<hbm>> -> memref<128x128xi32, #tpu.memory_space<hbm>>
        %dma_wait3A_272 = arith.constant 0 : i32
        %dma_wait3A_273 = tpu.memref_slice %arg6[%mul3A_55, %dma_wait3A_272] : memref<327680x128xi32, #tpu.memory_space<hbm>> -> memref<128x128xi32, #tpu.memory_space<hbm>>
        tpu.wait_dma2 semaphore(%run_scoped3A : memref<!tpu.dma_semaphore, #tpu.memory_space<semaphore_mem>>) src(%arg10 : memref<128x128xi32, #tpu.memory_space<vmem>>) dst(%dma_wait3A_273 : memref<128x128xi32, #tpu.memory_space<hbm>>)
        tpu.yield
      }) : () -> ()
      %dma_start3A_56 = arith.constant 2 : i32
      %dma_start3A_57 = arith.constant 0 : i32
      %dma_start3A_58 = tpu.memref_slice %arg7[%dma_start3A_56, %dma_start3A_57] : memref<8x128xi32, #tpu.memory_space<vmem>> -> memref<1x128xi32, #tpu.memory_space<vmem>>
      %dma_start3A_59 = tpu.memref_squeeze %dma_start3A_58 : memref<1x128xi32, #tpu.memory_space<vmem>> -> memref<128xi32, #tpu.memory_space<vmem>>
      %dma_start3A_60 = arith.constant 0 : i32
      %dma_start3A_61 = arith.constant 0 : i32
      %dma_start3A_62 = tpu.memref_slice %arg2[%dma_start3A_60, %dma_start3A_61] : memref<10000x128xi32, #tpu.memory_space<hbm>> -> memref<10000x128xi32, #tpu.memory_space<hbm>>
      tpu.enqueue_indirect_dma source(%dma_start3A_62 : memref<10000x128xi32, #tpu.memory_space<hbm>>) target(%arg9 : memref<128x128xi32, #tpu.memory_space<vmem>>) offsets(%dma_start3A_59 : memref<128xi32, #tpu.memory_space<vmem>>) semaphore(%arg13 : memref<!tpu.dma_semaphore, #tpu.memory_space<semaphore_mem>>)
      %dma_start3A_63 = arith.constant 2 : i32
      %dma_start3A_64 = arith.constant 0 : i32
      %dma_start3A_65 = tpu.memref_slice %arg8[%dma_start3A_63, %dma_start3A_64] : memref<8x128xi32, #tpu.memory_space<vmem>> -> memref<1x128xi32, #tpu.memory_space<vmem>>
      %dma_start3A_66 = tpu.memref_squeeze %dma_start3A_65 : memref<1x128xi32, #tpu.memory_space<vmem>> -> memref<128xi32, #tpu.memory_space<vmem>>
      %dma_start3A_67 = arith.constant 0 : i32
      %dma_start3A_68 = arith.constant 0 : i32
      %dma_start3A_69 = tpu.memref_slice %arg2[%dma_start3A_67, %dma_start3A_68] : memref<10000x128xi32, #tpu.memory_space<hbm>> -> memref<10000x128xi32, #tpu.memory_space<hbm>>
      tpu.enqueue_indirect_dma source(%dma_start3A_69 : memref<10000x128xi32, #tpu.memory_space<hbm>>) target(%arg10 : memref<128x128xi32, #tpu.memory_space<vmem>>) offsets(%dma_start3A_66 : memref<128xi32, #tpu.memory_space<vmem>>) semaphore(%arg13 : memref<!tpu.dma_semaphore, #tpu.memory_space<semaphore_mem>>)
      %dma_wait3A_70 = arith.constant 1 : i32
      %dma_wait3A_71 = arith.constant 0 : i32
      %dma_wait3A_72 = tpu.memref_slice %arg7[%dma_wait3A_70, %dma_wait3A_71] : memref<8x128xi32, #tpu.memory_space<vmem>> -> memref<1x128xi32, #tpu.memory_space<vmem>>
      %dma_wait3A_73 = tpu.memref_squeeze %dma_wait3A_72 : memref<1x128xi32, #tpu.memory_space<vmem>> -> memref<128xi32, #tpu.memory_space<vmem>>
      %dma_wait3A_74 = arith.constant 0 : i32
      %dma_wait3A_75 = arith.constant 0 : i32
      %dma_wait3A_76 = tpu.memref_slice %arg2[%dma_wait3A_74, %dma_wait3A_75] : memref<10000x128xi32, #tpu.memory_space<hbm>> -> memref<10000x128xi32, #tpu.memory_space<hbm>>
      tpu.wait_indirect_dma semaphore(%arg14 : memref<!tpu.dma_semaphore, #tpu.memory_space<semaphore_mem>>) src(%dma_wait3A_76 : memref<10000x128xi32, #tpu.memory_space<hbm>>) dst(%arg11 : memref<128x128xi32, #tpu.memory_space<vmem>>)
      %dma_wait3A_77 = arith.constant 1 : i32
      %dma_wait3A_78 = arith.constant 0 : i32
      %dma_wait3A_79 = tpu.memref_slice %arg8[%dma_wait3A_77, %dma_wait3A_78] : memref<8x128xi32, #tpu.memory_space<vmem>> -> memref<1x128xi32, #tpu.memory_space<vmem>>
      %dma_wait3A_80 = tpu.memref_squeeze %dma_wait3A_79 : memref<1x128xi32, #tpu.memory_space<vmem>> -> memref<128xi32, #tpu.memory_space<vmem>>
      %dma_wait3A_81 = arith.constant 0 : i32
      %dma_wait3A_82 = arith.constant 0 : i32
      %dma_wait3A_83 = tpu.memref_slice %arg2[%dma_wait3A_81, %dma_wait3A_82] : memref<10000x128xi32, #tpu.memory_space<hbm>> -> memref<10000x128xi32, #tpu.memory_space<hbm>>
      tpu.wait_indirect_dma semaphore(%arg14 : memref<!tpu.dma_semaphore, #tpu.memory_space<semaphore_mem>>) src(%dma_wait3A_83 : memref<10000x128xi32, #tpu.memory_space<hbm>>) dst(%arg12 : memref<128x128xi32, #tpu.memory_space<vmem>>)
      %add3A_84 = arith.constant 1 : i32
      %add3A_85 = arith.addi %add3A_11, %add3A_84 : i32
      %mul3A_86 = arith.constant 128 : i32
      %mul3A_87 = arith.muli %add3A_85, %mul3A_86 : i32
      "tpu.region"() ({
        %run_scoped3A = tpu.sem_alloc : memref<!tpu.dma_semaphore, #tpu.memory_space<semaphore_mem>>
        %dma_start3A_266 = arith.constant 0 : i32
        %dma_start3A_267 = tpu.memref_slice %arg5[%mul3A_87, %dma_start3A_266] : memref<327680x128xi32, #tpu.memory_space<hbm>> -> memref<128x128xi32, #tpu.memory_space<hbm>>
        %dma_start3A_268 = arith.constant 0 : i32
        %dma_start3A_269 = tpu.memref_slice %arg5[%mul3A_87, %dma_start3A_268] : memref<327680x128xi32, #tpu.memory_space<hbm>> -> memref<128x128xi32, #tpu.memory_space<hbm>>
        tpu.enqueue_dma source(%arg11 : memref<128x128xi32, #tpu.memory_space<vmem>>) target(%dma_start3A_269 : memref<128x128xi32, #tpu.memory_space<hbm>>) target_semaphore(%run_scoped3A : memref<!tpu.dma_semaphore, #tpu.memory_space<semaphore_mem>>)
        %dma_wait3A_270 = arith.constant 0 : i32
        %dma_wait3A_271 = tpu.memref_slice %arg5[%mul3A_87, %dma_wait3A_270] : memref<327680x128xi32, #tpu.memory_space<hbm>> -> memref<128x128xi32, #tpu.memory_space<hbm>>
        %dma_wait3A_272 = arith.constant 0 : i32
        %dma_wait3A_273 = tpu.memref_slice %arg5[%mul3A_87, %dma_wait3A_272] : memref<327680x128xi32, #tpu.memory_space<hbm>> -> memref<128x128xi32, #tpu.memory_space<hbm>>
        tpu.wait_dma2 semaphore(%run_scoped3A : memref<!tpu.dma_semaphore, #tpu.memory_space<semaphore_mem>>) src(%arg11 : memref<128x128xi32, #tpu.memory_space<vmem>>) dst(%dma_wait3A_273 : memref<128x128xi32, #tpu.memory_space<hbm>>)
        tpu.yield
      }) : () -> ()
      "tpu.region"() ({
        %run_scoped3A = tpu.sem_alloc : memref<!tpu.dma_semaphore, #tpu.memory_space<semaphore_mem>>
        %dma_start3A_266 = arith.constant 0 : i32
        %dma_start3A_267 = tpu.memref_slice %arg6[%mul3A_87, %dma_start3A_266] : memref<327680x128xi32, #tpu.memory_space<hbm>> -> memref<128x128xi32, #tpu.memory_space<hbm>>
        %dma_start3A_268 = arith.constant 0 : i32
        %dma_start3A_269 = tpu.memref_slice %arg6[%mul3A_87, %dma_start3A_268] : memref<327680x128xi32, #tpu.memory_space<hbm>> -> memref<128x128xi32, #tpu.memory_space<hbm>>
        tpu.enqueue_dma source(%arg12 : memref<128x128xi32, #tpu.memory_space<vmem>>) target(%dma_start3A_269 : memref<128x128xi32, #tpu.memory_space<hbm>>) target_semaphore(%run_scoped3A : memref<!tpu.dma_semaphore, #tpu.memory_space<semaphore_mem>>)
        %dma_wait3A_270 = arith.constant 0 : i32
        %dma_wait3A_271 = tpu.memref_slice %arg6[%mul3A_87, %dma_wait3A_270] : memref<327680x128xi32, #tpu.memory_space<hbm>> -> memref<128x128xi32, #tpu.memory_space<hbm>>
        %dma_wait3A_272 = arith.constant 0 : i32
        %dma_wait3A_273 = tpu.memref_slice %arg6[%mul3A_87, %dma_wait3A_272] : memref<327680x128xi32, #tpu.memory_space<hbm>> -> memref<128x128xi32, #tpu.memory_space<hbm>>
        tpu.wait_dma2 semaphore(%run_scoped3A : memref<!tpu.dma_semaphore, #tpu.memory_space<semaphore_mem>>) src(%arg12 : memref<128x128xi32, #tpu.memory_space<vmem>>) dst(%dma_wait3A_273 : memref<128x128xi32, #tpu.memory_space<hbm>>)
        tpu.yield
      }) : () -> ()
      %dma_start3A_88 = arith.constant 3 : i32
      %dma_start3A_89 = arith.constant 0 : i32
      %dma_start3A_90 = tpu.memref_slice %arg7[%dma_start3A_88, %dma_start3A_89] : memref<8x128xi32, #tpu.memory_space<vmem>> -> memref<1x128xi32, #tpu.memory_space<vmem>>
      %dma_start3A_91 = tpu.memref_squeeze %dma_start3A_90 : memref<1x128xi32, #tpu.memory_space<vmem>> -> memref<128xi32, #tpu.memory_space<vmem>>
      %dma_start3A_92 = arith.constant 0 : i32
      %dma_start3A_93 = arith.constant 0 : i32
      %dma_start3A_94 = tpu.memref_slice %arg2[%dma_start3A_92, %dma_start3A_93] : memref<10000x128xi32, #tpu.memory_space<hbm>> -> memref<10000x128xi32, #tpu.memory_space<hbm>>
      tpu.enqueue_indirect_dma source(%dma_start3A_94 : memref<10000x128xi32, #tpu.memory_space<hbm>>) target(%arg11 : memref<128x128xi32, #tpu.memory_space<vmem>>) offsets(%dma_start3A_91 : memref<128xi32, #tpu.memory_space<vmem>>) semaphore(%arg14 : memref<!tpu.dma_semaphore, #tpu.memory_space<semaphore_mem>>)
      %dma_start3A_95 = arith.constant 3 : i32
      %dma_start3A_96 = arith.constant 0 : i32
      %dma_start3A_97 = tpu.memref_slice %arg8[%dma_start3A_95, %dma_start3A_96] : memref<8x128xi32, #tpu.memory_space<vmem>> -> memref<1x128xi32, #tpu.memory_space<vmem>>
      %dma_start3A_98 = tpu.memref_squeeze %dma_start3A_97 : memref<1x128xi32, #tpu.memory_space<vmem>> -> memref<128xi32, #tpu.memory_space<vmem>>
      %dma_start3A_99 = arith.constant 0 : i32
      %dma_start3A_100 = arith.constant 0 : i32
      %dma_start3A_101 = tpu.memref_slice %arg2[%dma_start3A_99, %dma_start3A_100] : memref<10000x128xi32, #tpu.memory_space<hbm>> -> memref<10000x128xi32, #tpu.memory_space<hbm>>
      tpu.enqueue_indirect_dma source(%dma_start3A_101 : memref<10000x128xi32, #tpu.memory_space<hbm>>) target(%arg12 : memref<128x128xi32, #tpu.memory_space<vmem>>) offsets(%dma_start3A_98 : memref<128xi32, #tpu.memory_space<vmem>>) semaphore(%arg14 : memref<!tpu.dma_semaphore, #tpu.memory_space<semaphore_mem>>)
      %dma_wait3A_102 = arith.constant 2 : i32
      %dma_wait3A_103 = arith.constant 0 : i32
      %dma_wait3A_104 = tpu.memref_slice %arg7[%dma_wait3A_102, %dma_wait3A_103] : memref<8x128xi32, #tpu.memory_space<vmem>> -> memref<1x128xi32, #tpu.memory_space<vmem>>
      %dma_wait3A_105 = tpu.memref_squeeze %dma_wait3A_104 : memref<1x128xi32, #tpu.memory_space<vmem>> -> memref<128xi32, #tpu.memory_space<vmem>>
      %dma_wait3A_106 = arith.constant 0 : i32
      %dma_wait3A_107 = arith.constant 0 : i32
      %dma_wait3A_108 = tpu.memref_slice %arg2[%dma_wait3A_106, %dma_wait3A_107] : memref<10000x128xi32, #tpu.memory_space<hbm>> -> memref<10000x128xi32, #tpu.memory_space<hbm>>
      tpu.wait_indirect_dma semaphore(%arg13 : memref<!tpu.dma_semaphore, #tpu.memory_space<semaphore_mem>>) src(%dma_wait3A_108 : memref<10000x128xi32, #tpu.memory_space<hbm>>) dst(%arg9 : memref<128x128xi32, #tpu.memory_space<vmem>>)
      %dma_wait3A_109 = arith.constant 2 : i32
      %dma_wait3A_110 = arith.constant 0 : i32
      %dma_wait3A_111 = tpu.memref_slice %arg8[%dma_wait3A_109, %dma_wait3A_110] : memref<8x128xi32, #tpu.memory_space<vmem>> -> memref<1x128xi32, #tpu.memory_space<vmem>>
      %dma_wait3A_112 = tpu.memref_squeeze %dma_wait3A_111 : memref<1x128xi32, #tpu.memory_space<vmem>> -> memref<128xi32, #tpu.memory_space<vmem>>
      %dma_wait3A_113 = arith.constant 0 : i32
      %dma_wait3A_114 = arith.constant 0 : i32
      %dma_wait3A_115 = tpu.memref_slice %arg2[%dma_wait3A_113, %dma_wait3A_114] : memref<10000x128xi32, #tpu.memory_space<hbm>> -> memref<10000x128xi32, #tpu.memory_space<hbm>>
      tpu.wait_indirect_dma semaphore(%arg13 : memref<!tpu.dma_semaphore, #tpu.memory_space<semaphore_mem>>) src(%dma_wait3A_115 : memref<10000x128xi32, #tpu.memory_space<hbm>>) dst(%arg10 : memref<128x128xi32, #tpu.memory_space<vmem>>)
      %add3A_116 = arith.constant 2 : i32
      %add3A_117 = arith.addi %add3A_11, %add3A_116 : i32
      %mul3A_118 = arith.constant 128 : i32
      %mul3A_119 = arith.muli %add3A_117, %mul3A_118 : i32
      "tpu.region"() ({
        %run_scoped3A = tpu.sem_alloc : memref<!tpu.dma_semaphore, #tpu.memory_space<semaphore_mem>>
        %dma_start3A_266 = arith.constant 0 : i32
        %dma_start3A_267 = tpu.memref_slice %arg5[%mul3A_119, %dma_start3A_266] : memref<327680x128xi32, #tpu.memory_space<hbm>> -> memref<128x128xi32, #tpu.memory_space<hbm>>
        %dma_start3A_268 = arith.constant 0 : i32
        %dma_start3A_269 = tpu.memref_slice %arg5[%mul3A_119, %dma_start3A_268] : memref<327680x128xi32, #tpu.memory_space<hbm>> -> memref<128x128xi32, #tpu.memory_space<hbm>>
        tpu.enqueue_dma source(%arg9 : memref<128x128xi32, #tpu.memory_space<vmem>>) target(%dma_start3A_269 : memref<128x128xi32, #tpu.memory_space<hbm>>) target_semaphore(%run_scoped3A : memref<!tpu.dma_semaphore, #tpu.memory_space<semaphore_mem>>)
        %dma_wait3A_270 = arith.constant 0 : i32
        %dma_wait3A_271 = tpu.memref_slice %arg5[%mul3A_119, %dma_wait3A_270] : memref<327680x128xi32, #tpu.memory_space<hbm>> -> memref<128x128xi32, #tpu.memory_space<hbm>>
        %dma_wait3A_272 = arith.constant 0 : i32
        %dma_wait3A_273 = tpu.memref_slice %arg5[%mul3A_119, %dma_wait3A_272] : memref<327680x128xi32, #tpu.memory_space<hbm>> -> memref<128x128xi32, #tpu.memory_space<hbm>>
        tpu.wait_dma2 semaphore(%run_scoped3A : memref<!tpu.dma_semaphore, #tpu.memory_space<semaphore_mem>>) src(%arg9 : memref<128x128xi32, #tpu.memory_space<vmem>>) dst(%dma_wait3A_273 : memref<128x128xi32, #tpu.memory_space<hbm>>)
        tpu.yield
      }) : () -> ()
      "tpu.region"() ({
        %run_scoped3A = tpu.sem_alloc : memref<!tpu.dma_semaphore, #tpu.memory_space<semaphore_mem>>
        %dma_start3A_266 = arith.constant 0 : i32
        %dma_start3A_267 = tpu.memref_slice %arg6[%mul3A_119, %dma_start3A_266] : memref<327680x128xi32, #tpu.memory_space<hbm>> -> memref<128x128xi32, #tpu.memory_space<hbm>>
        %dma_start3A_268 = arith.constant 0 : i32
        %dma_start3A_269 = tpu.memref_slice %arg6[%mul3A_119, %dma_start3A_268] : memref<327680x128xi32, #tpu.memory_space<hbm>> -> memref<128x128xi32, #tpu.memory_space<hbm>>
        tpu.enqueue_dma source(%arg10 : memref<128x128xi32, #tpu.memory_space<vmem>>) target(%dma_start3A_269 : memref<128x128xi32, #tpu.memory_space<hbm>>) target_semaphore(%run_scoped3A : memref<!tpu.dma_semaphore, #tpu.memory_space<semaphore_mem>>)
        %dma_wait3A_270 = arith.constant 0 : i32
        %dma_wait3A_271 = tpu.memref_slice %arg6[%mul3A_119, %dma_wait3A_270] : memref<327680x128xi32, #tpu.memory_space<hbm>> -> memref<128x128xi32, #tpu.memory_space<hbm>>
        %dma_wait3A_272 = arith.constant 0 : i32
        %dma_wait3A_273 = tpu.memref_slice %arg6[%mul3A_119, %dma_wait3A_272] : memref<327680x128xi32, #tpu.memory_space<hbm>> -> memref<128x128xi32, #tpu.memory_space<hbm>>
        tpu.wait_dma2 semaphore(%run_scoped3A : memref<!tpu.dma_semaphore, #tpu.memory_space<semaphore_mem>>) src(%arg10 : memref<128x128xi32, #tpu.memory_space<vmem>>) dst(%dma_wait3A_273 : memref<128x128xi32, #tpu.memory_space<hbm>>)
        tpu.yield
      }) : () -> ()
      %dma_start3A_120 = arith.constant 4 : i32
      %dma_start3A_121 = arith.constant 0 : i32
      %dma_start3A_122 = tpu.memref_slice %arg7[%dma_start3A_120, %dma_start3A_121] : memref<8x128xi32, #tpu.memory_space<vmem>> -> memref<1x128xi32, #tpu.memory_space<vmem>>
      %dma_start3A_123 = tpu.memref_squeeze %dma_start3A_122 : memref<1x128xi32, #tpu.memory_space<vmem>> -> memref<128xi32, #tpu.memory_space<vmem>>
      %dma_start3A_124 = arith.constant 0 : i32
      %dma_start3A_125 = arith.constant 0 : i32
      %dma_start3A_126 = tpu.memref_slice %arg2[%dma_start3A_124, %dma_start3A_125] : memref<10000x128xi32, #tpu.memory_space<hbm>> -> memref<10000x128xi32, #tpu.memory_space<hbm>>
      tpu.enqueue_indirect_dma source(%dma_start3A_126 : memref<10000x128xi32, #tpu.memory_space<hbm>>) target(%arg9 : memref<128x128xi32, #tpu.memory_space<vmem>>) offsets(%dma_start3A_123 : memref<128xi32, #tpu.memory_space<vmem>>) semaphore(%arg13 : memref<!tpu.dma_semaphore, #tpu.memory_space<semaphore_mem>>)
      %dma_start3A_127 = arith.constant 4 : i32
      %dma_start3A_128 = arith.constant 0 : i32
      %dma_start3A_129 = tpu.memref_slice %arg8[%dma_start3A_127, %dma_start3A_128] : memref<8x128xi32, #tpu.memory_space<vmem>> -> memref<1x128xi32, #tpu.memory_space<vmem>>
      %dma_start3A_130 = tpu.memref_squeeze %dma_start3A_129 : memref<1x128xi32, #tpu.memory_space<vmem>> -> memref<128xi32, #tpu.memory_space<vmem>>
      %dma_start3A_131 = arith.constant 0 : i32
      %dma_start3A_132 = arith.constant 0 : i32
      %dma_start3A_133 = tpu.memref_slice %arg2[%dma_start3A_131, %dma_start3A_132] : memref<10000x128xi32, #tpu.memory_space<hbm>> -> memref<10000x128xi32, #tpu.memory_space<hbm>>
      tpu.enqueue_indirect_dma source(%dma_start3A_133 : memref<10000x128xi32, #tpu.memory_space<hbm>>) target(%arg10 : memref<128x128xi32, #tpu.memory_space<vmem>>) offsets(%dma_start3A_130 : memref<128xi32, #tpu.memory_space<vmem>>) semaphore(%arg13 : memref<!tpu.dma_semaphore, #tpu.memory_space<semaphore_mem>>)
      %dma_wait3A_134 = arith.constant 3 : i32
      %dma_wait3A_135 = arith.constant 0 : i32
      %dma_wait3A_136 = tpu.memref_slice %arg7[%dma_wait3A_134, %dma_wait3A_135] : memref<8x128xi32, #tpu.memory_space<vmem>> -> memref<1x128xi32, #tpu.memory_space<vmem>>
      %dma_wait3A_137 = tpu.memref_squeeze %dma_wait3A_136 : memref<1x128xi32, #tpu.memory_space<vmem>> -> memref<128xi32, #tpu.memory_space<vmem>>
      %dma_wait3A_138 = arith.constant 0 : i32
      %dma_wait3A_139 = arith.constant 0 : i32
      %dma_wait3A_140 = tpu.memref_slice %arg2[%dma_wait3A_138, %dma_wait3A_139] : memref<10000x128xi32, #tpu.memory_space<hbm>> -> memref<10000x128xi32, #tpu.memory_space<hbm>>
      tpu.wait_indirect_dma semaphore(%arg14 : memref<!tpu.dma_semaphore, #tpu.memory_space<semaphore_mem>>) src(%dma_wait3A_140 : memref<10000x128xi32, #tpu.memory_space<hbm>>) dst(%arg11 : memref<128x128xi32, #tpu.memory_space<vmem>>)
      %dma_wait3A_141 = arith.constant 3 : i32
      %dma_wait3A_142 = arith.constant 0 : i32
      %dma_wait3A_143 = tpu.memref_slice %arg8[%dma_wait3A_141, %dma_wait3A_142] : memref<8x128xi32, #tpu.memory_space<vmem>> -> memref<1x128xi32, #tpu.memory_space<vmem>>
      %dma_wait3A_144 = tpu.memref_squeeze %dma_wait3A_143 : memref<1x128xi32, #tpu.memory_space<vmem>> -> memref<128xi32, #tpu.memory_space<vmem>>
      %dma_wait3A_145 = arith.constant 0 : i32
      %dma_wait3A_146 = arith.constant 0 : i32
      %dma_wait3A_147 = tpu.memref_slice %arg2[%dma_wait3A_145, %dma_wait3A_146] : memref<10000x128xi32, #tpu.memory_space<hbm>> -> memref<10000x128xi32, #tpu.memory_space<hbm>>
      tpu.wait_indirect_dma semaphore(%arg14 : memref<!tpu.dma_semaphore, #tpu.memory_space<semaphore_mem>>) src(%dma_wait3A_147 : memref<10000x128xi32, #tpu.memory_space<hbm>>) dst(%arg12 : memref<128x128xi32, #tpu.memory_space<vmem>>)
      %add3A_148 = arith.constant 3 : i32
      %add3A_149 = arith.addi %add3A_11, %add3A_148 : i32
      %mul3A_150 = arith.constant 128 : i32
      %mul3A_151 = arith.muli %add3A_149, %mul3A_150 : i32
      "tpu.region"() ({
        %run_scoped3A = tpu.sem_alloc : memref<!tpu.dma_semaphore, #tpu.memory_space<semaphore_mem>>
        %dma_start3A_266 = arith.constant 0 : i32
        %dma_start3A_267 = tpu.memref_slice %arg5[%mul3A_151, %dma_start3A_266] : memref<327680x128xi32, #tpu.memory_space<hbm>> -> memref<128x128xi32, #tpu.memory_space<hbm>>
        %dma_start3A_268 = arith.constant 0 : i32
        %dma_start3A_269 = tpu.memref_slice %arg5[%mul3A_151, %dma_start3A_268] : memref<327680x128xi32, #tpu.memory_space<hbm>> -> memref<128x128xi32, #tpu.memory_space<hbm>>
        tpu.enqueue_dma source(%arg11 : memref<128x128xi32, #tpu.memory_space<vmem>>) target(%dma_start3A_269 : memref<128x128xi32, #tpu.memory_space<hbm>>) target_semaphore(%run_scoped3A : memref<!tpu.dma_semaphore, #tpu.memory_space<semaphore_mem>>)
        %dma_wait3A_270 = arith.constant 0 : i32
        %dma_wait3A_271 = tpu.memref_slice %arg5[%mul3A_151, %dma_wait3A_270] : memref<327680x128xi32, #tpu.memory_space<hbm>> -> memref<128x128xi32, #tpu.memory_space<hbm>>
        %dma_wait3A_272 = arith.constant 0 : i32
        %dma_wait3A_273 = tpu.memref_slice %arg5[%mul3A_151, %dma_wait3A_272] : memref<327680x128xi32, #tpu.memory_space<hbm>> -> memref<128x128xi32, #tpu.memory_space<hbm>>
        tpu.wait_dma2 semaphore(%run_scoped3A : memref<!tpu.dma_semaphore, #tpu.memory_space<semaphore_mem>>) src(%arg11 : memref<128x128xi32, #tpu.memory_space<vmem>>) dst(%dma_wait3A_273 : memref<128x128xi32, #tpu.memory_space<hbm>>)
        tpu.yield
      }) : () -> ()
      "tpu.region"() ({
        %run_scoped3A = tpu.sem_alloc : memref<!tpu.dma_semaphore, #tpu.memory_space<semaphore_mem>>
        %dma_start3A_266 = arith.constant 0 : i32
        %dma_start3A_267 = tpu.memref_slice %arg6[%mul3A_151, %dma_start3A_266] : memref<327680x128xi32, #tpu.memory_space<hbm>> -> memref<128x128xi32, #tpu.memory_space<hbm>>
        %dma_start3A_268 = arith.constant 0 : i32
        %dma_start3A_269 = tpu.memref_slice %arg6[%mul3A_151, %dma_start3A_268] : memref<327680x128xi32, #tpu.memory_space<hbm>> -> memref<128x128xi32, #tpu.memory_space<hbm>>
        tpu.enqueue_dma source(%arg12 : memref<128x128xi32, #tpu.memory_space<vmem>>) target(%dma_start3A_269 : memref<128x128xi32, #tpu.memory_space<hbm>>) target_semaphore(%run_scoped3A : memref<!tpu.dma_semaphore, #tpu.memory_space<semaphore_mem>>)
        %dma_wait3A_270 = arith.constant 0 : i32
        %dma_wait3A_271 = tpu.memref_slice %arg6[%mul3A_151, %dma_wait3A_270] : memref<327680x128xi32, #tpu.memory_space<hbm>> -> memref<128x128xi32, #tpu.memory_space<hbm>>
        %dma_wait3A_272 = arith.constant 0 : i32
        %dma_wait3A_273 = tpu.memref_slice %arg6[%mul3A_151, %dma_wait3A_272] : memref<327680x128xi32, #tpu.memory_space<hbm>> -> memref<128x128xi32, #tpu.memory_space<hbm>>
        tpu.wait_dma2 semaphore(%run_scoped3A : memref<!tpu.dma_semaphore, #tpu.memory_space<semaphore_mem>>) src(%arg12 : memref<128x128xi32, #tpu.memory_space<vmem>>) dst(%dma_wait3A_273 : memref<128x128xi32, #tpu.memory_space<hbm>>)
        tpu.yield
      }) : () -> ()
      %dma_start3A_152 = arith.constant 5 : i32
      %dma_start3A_153 = arith.constant 0 : i32
      %dma_start3A_154 = tpu.memref_slice %arg7[%dma_start3A_152, %dma_start3A_153] : memref<8x128xi32, #tpu.memory_space<vmem>> -> memref<1x128xi32, #tpu.memory_space<vmem>>
      %dma_start3A_155 = tpu.memref_squeeze %dma_start3A_154 : memref<1x128xi32, #tpu.memory_space<vmem>> -> memref<128xi32, #tpu.memory_space<vmem>>
      %dma_start3A_156 = arith.constant 0 : i32
      %dma_start3A_157 = arith.constant 0 : i32
      %dma_start3A_158 = tpu.memref_slice %arg2[%dma_start3A_156, %dma_start3A_157] : memref<10000x128xi32, #tpu.memory_space<hbm>> -> memref<10000x128xi32, #tpu.memory_space<hbm>>
      tpu.enqueue_indirect_dma source(%dma_start3A_158 : memref<10000x128xi32, #tpu.memory_space<hbm>>) target(%arg11 : memref<128x128xi32, #tpu.memory_space<vmem>>) offsets(%dma_start3A_155 : memref<128xi32, #tpu.memory_space<vmem>>) semaphore(%arg14 : memref<!tpu.dma_semaphore, #tpu.memory_space<semaphore_mem>>)
      %dma_start3A_159 = arith.constant 5 : i32
      %dma_start3A_160 = arith.constant 0 : i32
      %dma_start3A_161 = tpu.memref_slice %arg8[%dma_start3A_159, %dma_start3A_160] : memref<8x128xi32, #tpu.memory_space<vmem>> -> memref<1x128xi32, #tpu.memory_space<vmem>>
      %dma_start3A_162 = tpu.memref_squeeze %dma_start3A_161 : memref<1x128xi32, #tpu.memory_space<vmem>> -> memref<128xi32, #tpu.memory_space<vmem>>
      %dma_start3A_163 = arith.constant 0 : i32
      %dma_start3A_164 = arith.constant 0 : i32
      %dma_start3A_165 = tpu.memref_slice %arg2[%dma_start3A_163, %dma_start3A_164] : memref<10000x128xi32, #tpu.memory_space<hbm>> -> memref<10000x128xi32, #tpu.memory_space<hbm>>
      tpu.enqueue_indirect_dma source(%dma_start3A_165 : memref<10000x128xi32, #tpu.memory_space<hbm>>) target(%arg12 : memref<128x128xi32, #tpu.memory_space<vmem>>) offsets(%dma_start3A_162 : memref<128xi32, #tpu.memory_space<vmem>>) semaphore(%arg14 : memref<!tpu.dma_semaphore, #tpu.memory_space<semaphore_mem>>)
      %dma_wait3A_166 = arith.constant 4 : i32
      %dma_wait3A_167 = arith.constant 0 : i32
      %dma_wait3A_168 = tpu.memref_slice %arg7[%dma_wait3A_166, %dma_wait3A_167] : memref<8x128xi32, #tpu.memory_space<vmem>> -> memref<1x128xi32, #tpu.memory_space<vmem>>
      %dma_wait3A_169 = tpu.memref_squeeze %dma_wait3A_168 : memref<1x128xi32, #tpu.memory_space<vmem>> -> memref<128xi32, #tpu.memory_space<vmem>>
      %dma_wait3A_170 = arith.constant 0 : i32
      %dma_wait3A_171 = arith.constant 0 : i32
      %dma_wait3A_172 = tpu.memref_slice %arg2[%dma_wait3A_170, %dma_wait3A_171] : memref<10000x128xi32, #tpu.memory_space<hbm>> -> memref<10000x128xi32, #tpu.memory_space<hbm>>
      tpu.wait_indirect_dma semaphore(%arg13 : memref<!tpu.dma_semaphore, #tpu.memory_space<semaphore_mem>>) src(%dma_wait3A_172 : memref<10000x128xi32, #tpu.memory_space<hbm>>) dst(%arg9 : memref<128x128xi32, #tpu.memory_space<vmem>>)
      %dma_wait3A_173 = arith.constant 4 : i32
      %dma_wait3A_174 = arith.constant 0 : i32
      %dma_wait3A_175 = tpu.memref_slice %arg8[%dma_wait3A_173, %dma_wait3A_174] : memref<8x128xi32, #tpu.memory_space<vmem>> -> memref<1x128xi32, #tpu.memory_space<vmem>>
      %dma_wait3A_176 = tpu.memref_squeeze %dma_wait3A_175 : memref<1x128xi32, #tpu.memory_space<vmem>> -> memref<128xi32, #tpu.memory_space<vmem>>
      %dma_wait3A_177 = arith.constant 0 : i32
      %dma_wait3A_178 = arith.constant 0 : i32
      %dma_wait3A_179 = tpu.memref_slice %arg2[%dma_wait3A_177, %dma_wait3A_178] : memref<10000x128xi32, #tpu.memory_space<hbm>> -> memref<10000x128xi32, #tpu.memory_space<hbm>>
      tpu.wait_indirect_dma semaphore(%arg13 : memref<!tpu.dma_semaphore, #tpu.memory_space<semaphore_mem>>) src(%dma_wait3A_179 : memref<10000x128xi32, #tpu.memory_space<hbm>>) dst(%arg10 : memref<128x128xi32, #tpu.memory_space<vmem>>)
      %add3A_180 = arith.constant 4 : i32
      %add3A_181 = arith.addi %add3A_11, %add3A_180 : i32
      %mul3A_182 = arith.constant 128 : i32
      %mul3A_183 = arith.muli %add3A_181, %mul3A_182 : i32
      "tpu.region"() ({
        %run_scoped3A = tpu.sem_alloc : memref<!tpu.dma_semaphore, #tpu.memory_space<semaphore_mem>>
        %dma_start3A_266 = arith.constant 0 : i32
        %dma_start3A_267 = tpu.memref_slice %arg5[%mul3A_183, %dma_start3A_266] : memref<327680x128xi32, #tpu.memory_space<hbm>> -> memref<128x128xi32, #tpu.memory_space<hbm>>
        %dma_start3A_268 = arith.constant 0 : i32
        %dma_start3A_269 = tpu.memref_slice %arg5[%mul3A_183, %dma_start3A_268] : memref<327680x128xi32, #tpu.memory_space<hbm>> -> memref<128x128xi32, #tpu.memory_space<hbm>>
        tpu.enqueue_dma source(%arg9 : memref<128x128xi32, #tpu.memory_space<vmem>>) target(%dma_start3A_269 : memref<128x128xi32, #tpu.memory_space<hbm>>) target_semaphore(%run_scoped3A : memref<!tpu.dma_semaphore, #tpu.memory_space<semaphore_mem>>)
        %dma_wait3A_270 = arith.constant 0 : i32
        %dma_wait3A_271 = tpu.memref_slice %arg5[%mul3A_183, %dma_wait3A_270] : memref<327680x128xi32, #tpu.memory_space<hbm>> -> memref<128x128xi32, #tpu.memory_space<hbm>>
        %dma_wait3A_272 = arith.constant 0 : i32
        %dma_wait3A_273 = tpu.memref_slice %arg5[%mul3A_183, %dma_wait3A_272] : memref<327680x128xi32, #tpu.memory_space<hbm>> -> memref<128x128xi32, #tpu.memory_space<hbm>>
        tpu.wait_dma2 semaphore(%run_scoped3A : memref<!tpu.dma_semaphore, #tpu.memory_space<semaphore_mem>>) src(%arg9 : memref<128x128xi32, #tpu.memory_space<vmem>>) dst(%dma_wait3A_273 : memref<128x128xi32, #tpu.memory_space<hbm>>)
        tpu.yield
      }) : () -> ()
      "tpu.region"() ({
        %run_scoped3A = tpu.sem_alloc : memref<!tpu.dma_semaphore, #tpu.memory_space<semaphore_mem>>
        %dma_start3A_266 = arith.constant 0 : i32
        %dma_start3A_267 = tpu.memref_slice %arg6[%mul3A_183, %dma_start3A_266] : memref<327680x128xi32, #tpu.memory_space<hbm>> -> memref<128x128xi32, #tpu.memory_space<hbm>>
        %dma_start3A_268 = arith.constant 0 : i32
        %dma_start3A_269 = tpu.memref_slice %arg6[%mul3A_183, %dma_start3A_268] : memref<327680x128xi32, #tpu.memory_space<hbm>> -> memref<128x128xi32, #tpu.memory_space<hbm>>
        tpu.enqueue_dma source(%arg10 : memref<128x128xi32, #tpu.memory_space<vmem>>) target(%dma_start3A_269 : memref<128x128xi32, #tpu.memory_space<hbm>>) target_semaphore(%run_scoped3A : memref<!tpu.dma_semaphore, #tpu.memory_space<semaphore_mem>>)
        %dma_wait3A_270 = arith.constant 0 : i32
        %dma_wait3A_271 = tpu.memref_slice %arg6[%mul3A_183, %dma_wait3A_270] : memref<327680x128xi32, #tpu.memory_space<hbm>> -> memref<128x128xi32, #tpu.memory_space<hbm>>
        %dma_wait3A_272 = arith.constant 0 : i32
        %dma_wait3A_273 = tpu.memref_slice %arg6[%mul3A_183, %dma_wait3A_272] : memref<327680x128xi32, #tpu.memory_space<hbm>> -> memref<128x128xi32, #tpu.memory_space<hbm>>
        tpu.wait_dma2 semaphore(%run_scoped3A : memref<!tpu.dma_semaphore, #tpu.memory_space<semaphore_mem>>) src(%arg10 : memref<128x128xi32, #tpu.memory_space<vmem>>) dst(%dma_wait3A_273 : memref<128x128xi32, #tpu.memory_space<hbm>>)
        tpu.yield
      }) : () -> ()
      %dma_start3A_184 = arith.constant 6 : i32
      %dma_start3A_185 = arith.constant 0 : i32
      %dma_start3A_186 = tpu.memref_slice %arg7[%dma_start3A_184, %dma_start3A_185] : memref<8x128xi32, #tpu.memory_space<vmem>> -> memref<1x128xi32, #tpu.memory_space<vmem>>
      %dma_start3A_187 = tpu.memref_squeeze %dma_start3A_186 : memref<1x128xi32, #tpu.memory_space<vmem>> -> memref<128xi32, #tpu.memory_space<vmem>>
      %dma_start3A_188 = arith.constant 0 : i32
      %dma_start3A_189 = arith.constant 0 : i32
      %dma_start3A_190 = tpu.memref_slice %arg2[%dma_start3A_188, %dma_start3A_189] : memref<10000x128xi32, #tpu.memory_space<hbm>> -> memref<10000x128xi32, #tpu.memory_space<hbm>>
      tpu.enqueue_indirect_dma source(%dma_start3A_190 : memref<10000x128xi32, #tpu.memory_space<hbm>>) target(%arg9 : memref<128x128xi32, #tpu.memory_space<vmem>>) offsets(%dma_start3A_187 : memref<128xi32, #tpu.memory_space<vmem>>) semaphore(%arg13 : memref<!tpu.dma_semaphore, #tpu.memory_space<semaphore_mem>>)
      %dma_start3A_191 = arith.constant 6 : i32
      %dma_start3A_192 = arith.constant 0 : i32
      %dma_start3A_193 = tpu.memref_slice %arg8[%dma_start3A_191, %dma_start3A_192] : memref<8x128xi32, #tpu.memory_space<vmem>> -> memref<1x128xi32, #tpu.memory_space<vmem>>
      %dma_start3A_194 = tpu.memref_squeeze %dma_start3A_193 : memref<1x128xi32, #tpu.memory_space<vmem>> -> memref<128xi32, #tpu.memory_space<vmem>>
      %dma_start3A_195 = arith.constant 0 : i32
      %dma_start3A_196 = arith.constant 0 : i32
      %dma_start3A_197 = tpu.memref_slice %arg2[%dma_start3A_195, %dma_start3A_196] : memref<10000x128xi32, #tpu.memory_space<hbm>> -> memref<10000x128xi32, #tpu.memory_space<hbm>>
      tpu.enqueue_indirect_dma source(%dma_start3A_197 : memref<10000x128xi32, #tpu.memory_space<hbm>>) target(%arg10 : memref<128x128xi32, #tpu.memory_space<vmem>>) offsets(%dma_start3A_194 : memref<128xi32, #tpu.memory_space<vmem>>) semaphore(%arg13 : memref<!tpu.dma_semaphore, #tpu.memory_space<semaphore_mem>>)
      %dma_wait3A_198 = arith.constant 5 : i32
      %dma_wait3A_199 = arith.constant 0 : i32
      %dma_wait3A_200 = tpu.memref_slice %arg7[%dma_wait3A_198, %dma_wait3A_199] : memref<8x128xi32, #tpu.memory_space<vmem>> -> memref<1x128xi32, #tpu.memory_space<vmem>>
      %dma_wait3A_201 = tpu.memref_squeeze %dma_wait3A_200 : memref<1x128xi32, #tpu.memory_space<vmem>> -> memref<128xi32, #tpu.memory_space<vmem>>
      %dma_wait3A_202 = arith.constant 0 : i32
      %dma_wait3A_203 = arith.constant 0 : i32
      %dma_wait3A_204 = tpu.memref_slice %arg2[%dma_wait3A_202, %dma_wait3A_203] : memref<10000x128xi32, #tpu.memory_space<hbm>> -> memref<10000x128xi32, #tpu.memory_space<hbm>>
      tpu.wait_indirect_dma semaphore(%arg14 : memref<!tpu.dma_semaphore, #tpu.memory_space<semaphore_mem>>) src(%dma_wait3A_204 : memref<10000x128xi32, #tpu.memory_space<hbm>>) dst(%arg11 : memref<128x128xi32, #tpu.memory_space<vmem>>)
      %dma_wait3A_205 = arith.constant 5 : i32
      %dma_wait3A_206 = arith.constant 0 : i32
      %dma_wait3A_207 = tpu.memref_slice %arg8[%dma_wait3A_205, %dma_wait3A_206] : memref<8x128xi32, #tpu.memory_space<vmem>> -> memref<1x128xi32, #tpu.memory_space<vmem>>
      %dma_wait3A_208 = tpu.memref_squeeze %dma_wait3A_207 : memref<1x128xi32, #tpu.memory_space<vmem>> -> memref<128xi32, #tpu.memory_space<vmem>>
      %dma_wait3A_209 = arith.constant 0 : i32
      %dma_wait3A_210 = arith.constant 0 : i32
      %dma_wait3A_211 = tpu.memref_slice %arg2[%dma_wait3A_209, %dma_wait3A_210] : memref<10000x128xi32, #tpu.memory_space<hbm>> -> memref<10000x128xi32, #tpu.memory_space<hbm>>
      tpu.wait_indirect_dma semaphore(%arg14 : memref<!tpu.dma_semaphore, #tpu.memory_space<semaphore_mem>>) src(%dma_wait3A_211 : memref<10000x128xi32, #tpu.memory_space<hbm>>) dst(%arg12 : memref<128x128xi32, #tpu.memory_space<vmem>>)
      %add3A_212 = arith.constant 5 : i32
      %add3A_213 = arith.addi %add3A_11, %add3A_212 : i32
      %mul3A_214 = arith.constant 128 : i32
      %mul3A_215 = arith.muli %add3A_213, %mul3A_214 : i32
      "tpu.region"() ({
        %run_scoped3A = tpu.sem_alloc : memref<!tpu.dma_semaphore, #tpu.memory_space<semaphore_mem>>
        %dma_start3A_266 = arith.constant 0 : i32
        %dma_start3A_267 = tpu.memref_slice %arg5[%mul3A_215, %dma_start3A_266] : memref<327680x128xi32, #tpu.memory_space<hbm>> -> memref<128x128xi32, #tpu.memory_space<hbm>>
        %dma_start3A_268 = arith.constant 0 : i32
        %dma_start3A_269 = tpu.memref_slice %arg5[%mul3A_215, %dma_start3A_268] : memref<327680x128xi32, #tpu.memory_space<hbm>> -> memref<128x128xi32, #tpu.memory_space<hbm>>
        tpu.enqueue_dma source(%arg11 : memref<128x128xi32, #tpu.memory_space<vmem>>) target(%dma_start3A_269 : memref<128x128xi32, #tpu.memory_space<hbm>>) target_semaphore(%run_scoped3A : memref<!tpu.dma_semaphore, #tpu.memory_space<semaphore_mem>>)
        %dma_wait3A_270 = arith.constant 0 : i32
        %dma_wait3A_271 = tpu.memref_slice %arg5[%mul3A_215, %dma_wait3A_270] : memref<327680x128xi32, #tpu.memory_space<hbm>> -> memref<128x128xi32, #tpu.memory_space<hbm>>
        %dma_wait3A_272 = arith.constant 0 : i32
        %dma_wait3A_273 = tpu.memref_slice %arg5[%mul3A_215, %dma_wait3A_272] : memref<327680x128xi32, #tpu.memory_space<hbm>> -> memref<128x128xi32, #tpu.memory_space<hbm>>
        tpu.wait_dma2 semaphore(%run_scoped3A : memref<!tpu.dma_semaphore, #tpu.memory_space<semaphore_mem>>) src(%arg11 : memref<128x128xi32, #tpu.memory_space<vmem>>) dst(%dma_wait3A_273 : memref<128x128xi32, #tpu.memory_space<hbm>>)
        tpu.yield
      }) : () -> ()
      "tpu.region"() ({
        %run_scoped3A = tpu.sem_alloc : memref<!tpu.dma_semaphore, #tpu.memory_space<semaphore_mem>>
        %dma_start3A_266 = arith.constant 0 : i32
        %dma_start3A_267 = tpu.memref_slice %arg6[%mul3A_215, %dma_start3A_266] : memref<327680x128xi32, #tpu.memory_space<hbm>> -> memref<128x128xi32, #tpu.memory_space<hbm>>
        %dma_start3A_268 = arith.constant 0 : i32
        %dma_start3A_269 = tpu.memref_slice %arg6[%mul3A_215, %dma_start3A_268] : memref<327680x128xi32, #tpu.memory_space<hbm>> -> memref<128x128xi32, #tpu.memory_space<hbm>>
        tpu.enqueue_dma source(%arg12 : memref<128x128xi32, #tpu.memory_space<vmem>>) target(%dma_start3A_269 : memref<128x128xi32, #tpu.memory_space<hbm>>) target_semaphore(%run_scoped3A : memref<!tpu.dma_semaphore, #tpu.memory_space<semaphore_mem>>)
        %dma_wait3A_270 = arith.constant 0 : i32
        %dma_wait3A_271 = tpu.memref_slice %arg6[%mul3A_215, %dma_wait3A_270] : memref<327680x128xi32, #tpu.memory_space<hbm>> -> memref<128x128xi32, #tpu.memory_space<hbm>>
        %dma_wait3A_272 = arith.constant 0 : i32
        %dma_wait3A_273 = tpu.memref_slice %arg6[%mul3A_215, %dma_wait3A_272] : memref<327680x128xi32, #tpu.memory_space<hbm>> -> memref<128x128xi32, #tpu.memory_space<hbm>>
        tpu.wait_dma2 semaphore(%run_scoped3A : memref<!tpu.dma_semaphore, #tpu.memory_space<semaphore_mem>>) src(%arg12 : memref<128x128xi32, #tpu.memory_space<vmem>>) dst(%dma_wait3A_273 : memref<128x128xi32, #tpu.memory_space<hbm>>)
        tpu.yield
      }) : () -> ()
      %dma_start3A_216 = arith.constant 7 : i32
      %dma_start3A_217 = arith.constant 0 : i32
      %dma_start3A_218 = tpu.memref_slice %arg7[%dma_start3A_216, %dma_start3A_217] : memref<8x128xi32, #tpu.memory_space<vmem>> -> memref<1x128xi32, #tpu.memory_space<vmem>>
      %dma_start3A_219 = tpu.memref_squeeze %dma_start3A_218 : memref<1x128xi32, #tpu.memory_space<vmem>> -> memref<128xi32, #tpu.memory_space<vmem>>
      %dma_start3A_220 = arith.constant 0 : i32
      %dma_start3A_221 = arith.constant 0 : i32
      %dma_start3A_222 = tpu.memref_slice %arg2[%dma_start3A_220, %dma_start3A_221] : memref<10000x128xi32, #tpu.memory_space<hbm>> -> memref<10000x128xi32, #tpu.memory_space<hbm>>
      tpu.enqueue_indirect_dma source(%dma_start3A_222 : memref<10000x128xi32, #tpu.memory_space<hbm>>) target(%arg11 : memref<128x128xi32, #tpu.memory_space<vmem>>) offsets(%dma_start3A_219 : memref<128xi32, #tpu.memory_space<vmem>>) semaphore(%arg14 : memref<!tpu.dma_semaphore, #tpu.memory_space<semaphore_mem>>)
      %dma_start3A_223 = arith.constant 7 : i32
      %dma_start3A_224 = arith.constant 0 : i32
      %dma_start3A_225 = tpu.memref_slice %arg8[%dma_start3A_223, %dma_start3A_224] : memref<8x128xi32, #tpu.memory_space<vmem>> -> memref<1x128xi32, #tpu.memory_space<vmem>>
      %dma_start3A_226 = tpu.memref_squeeze %dma_start3A_225 : memref<1x128xi32, #tpu.memory_space<vmem>> -> memref<128xi32, #tpu.memory_space<vmem>>
      %dma_start3A_227 = arith.constant 0 : i32
      %dma_start3A_228 = arith.constant 0 : i32
      %dma_start3A_229 = tpu.memref_slice %arg2[%dma_start3A_227, %dma_start3A_228] : memref<10000x128xi32, #tpu.memory_space<hbm>> -> memref<10000x128xi32, #tpu.memory_space<hbm>>
      tpu.enqueue_indirect_dma source(%dma_start3A_229 : memref<10000x128xi32, #tpu.memory_space<hbm>>) target(%arg12 : memref<128x128xi32, #tpu.memory_space<vmem>>) offsets(%dma_start3A_226 : memref<128xi32, #tpu.memory_space<vmem>>) semaphore(%arg14 : memref<!tpu.dma_semaphore, #tpu.memory_space<semaphore_mem>>)
      %dma_wait3A_230 = arith.constant 6 : i32
      %dma_wait3A_231 = arith.constant 0 : i32
      %dma_wait3A_232 = tpu.memref_slice %arg7[%dma_wait3A_230, %dma_wait3A_231] : memref<8x128xi32, #tpu.memory_space<vmem>> -> memref<1x128xi32, #tpu.memory_space<vmem>>
      %dma_wait3A_233 = tpu.memref_squeeze %dma_wait3A_232 : memref<1x128xi32, #tpu.memory_space<vmem>> -> memref<128xi32, #tpu.memory_space<vmem>>
      %dma_wait3A_234 = arith.constant 0 : i32
      %dma_wait3A_235 = arith.constant 0 : i32
      %dma_wait3A_236 = tpu.memref_slice %arg2[%dma_wait3A_234, %dma_wait3A_235] : memref<10000x128xi32, #tpu.memory_space<hbm>> -> memref<10000x128xi32, #tpu.memory_space<hbm>>
      tpu.wait_indirect_dma semaphore(%arg13 : memref<!tpu.dma_semaphore, #tpu.memory_space<semaphore_mem>>) src(%dma_wait3A_236 : memref<10000x128xi32, #tpu.memory_space<hbm>>) dst(%arg9 : memref<128x128xi32, #tpu.memory_space<vmem>>)
      %dma_wait3A_237 = arith.constant 6 : i32
      %dma_wait3A_238 = arith.constant 0 : i32
      %dma_wait3A_239 = tpu.memref_slice %arg8[%dma_wait3A_237, %dma_wait3A_238] : memref<8x128xi32, #tpu.memory_space<vmem>> -> memref<1x128xi32, #tpu.memory_space<vmem>>
      %dma_wait3A_240 = tpu.memref_squeeze %dma_wait3A_239 : memref<1x128xi32, #tpu.memory_space<vmem>> -> memref<128xi32, #tpu.memory_space<vmem>>
      %dma_wait3A_241 = arith.constant 0 : i32
      %dma_wait3A_242 = arith.constant 0 : i32
      %dma_wait3A_243 = tpu.memref_slice %arg2[%dma_wait3A_241, %dma_wait3A_242] : memref<10000x128xi32, #tpu.memory_space<hbm>> -> memref<10000x128xi32, #tpu.memory_space<hbm>>
      tpu.wait_indirect_dma semaphore(%arg13 : memref<!tpu.dma_semaphore, #tpu.memory_space<semaphore_mem>>) src(%dma_wait3A_243 : memref<10000x128xi32, #tpu.memory_space<hbm>>) dst(%arg10 : memref<128x128xi32, #tpu.memory_space<vmem>>)
      %add3A_244 = arith.constant 6 : i32
      %add3A_245 = arith.addi %add3A_11, %add3A_244 : i32
      %mul3A_246 = arith.constant 128 : i32
      %mul3A_247 = arith.muli %add3A_245, %mul3A_246 : i32
      "tpu.region"() ({
        %run_scoped3A = tpu.sem_alloc : memref<!tpu.dma_semaphore, #tpu.memory_space<semaphore_mem>>
        %dma_start3A_266 = arith.constant 0 : i32
        %dma_start3A_267 = tpu.memref_slice %arg5[%mul3A_247, %dma_start3A_266] : memref<327680x128xi32, #tpu.memory_space<hbm>> -> memref<128x128xi32, #tpu.memory_space<hbm>>
        %dma_start3A_268 = arith.constant 0 : i32
        %dma_start3A_269 = tpu.memref_slice %arg5[%mul3A_247, %dma_start3A_268] : memref<327680x128xi32, #tpu.memory_space<hbm>> -> memref<128x128xi32, #tpu.memory_space<hbm>>
        tpu.enqueue_dma source(%arg9 : memref<128x128xi32, #tpu.memory_space<vmem>>) target(%dma_start3A_269 : memref<128x128xi32, #tpu.memory_space<hbm>>) target_semaphore(%run_scoped3A : memref<!tpu.dma_semaphore, #tpu.memory_space<semaphore_mem>>)
        %dma_wait3A_270 = arith.constant 0 : i32
        %dma_wait3A_271 = tpu.memref_slice %arg5[%mul3A_247, %dma_wait3A_270] : memref<327680x128xi32, #tpu.memory_space<hbm>> -> memref<128x128xi32, #tpu.memory_space<hbm>>
        %dma_wait3A_272 = arith.constant 0 : i32
        %dma_wait3A_273 = tpu.memref_slice %arg5[%mul3A_247, %dma_wait3A_272] : memref<327680x128xi32, #tpu.memory_space<hbm>> -> memref<128x128xi32, #tpu.memory_space<hbm>>
        tpu.wait_dma2 semaphore(%run_scoped3A : memref<!tpu.dma_semaphore, #tpu.memory_space<semaphore_mem>>) src(%arg9 : memref<128x128xi32, #tpu.memory_space<vmem>>) dst(%dma_wait3A_273 : memref<128x128xi32, #tpu.memory_space<hbm>>)
        tpu.yield
      }) : () -> ()
      "tpu.region"() ({
        %run_scoped3A = tpu.sem_alloc : memref<!tpu.dma_semaphore, #tpu.memory_space<semaphore_mem>>
        %dma_start3A_266 = arith.constant 0 : i32
        %dma_start3A_267 = tpu.memref_slice %arg6[%mul3A_247, %dma_start3A_266] : memref<327680x128xi32, #tpu.memory_space<hbm>> -> memref<128x128xi32, #tpu.memory_space<hbm>>
        %dma_start3A_268 = arith.constant 0 : i32
        %dma_start3A_269 = tpu.memref_slice %arg6[%mul3A_247, %dma_start3A_268] : memref<327680x128xi32, #tpu.memory_space<hbm>> -> memref<128x128xi32, #tpu.memory_space<hbm>>
        tpu.enqueue_dma source(%arg10 : memref<128x128xi32, #tpu.memory_space<vmem>>) target(%dma_start3A_269 : memref<128x128xi32, #tpu.memory_space<hbm>>) target_semaphore(%run_scoped3A : memref<!tpu.dma_semaphore, #tpu.memory_space<semaphore_mem>>)
        %dma_wait3A_270 = arith.constant 0 : i32
        %dma_wait3A_271 = tpu.memref_slice %arg6[%mul3A_247, %dma_wait3A_270] : memref<327680x128xi32, #tpu.memory_space<hbm>> -> memref<128x128xi32, #tpu.memory_space<hbm>>
        %dma_wait3A_272 = arith.constant 0 : i32
        %dma_wait3A_273 = tpu.memref_slice %arg6[%mul3A_247, %dma_wait3A_272] : memref<327680x128xi32, #tpu.memory_space<hbm>> -> memref<128x128xi32, #tpu.memory_space<hbm>>
        tpu.wait_dma2 semaphore(%run_scoped3A : memref<!tpu.dma_semaphore, #tpu.memory_space<semaphore_mem>>) src(%arg10 : memref<128x128xi32, #tpu.memory_space<vmem>>) dst(%dma_wait3A_273 : memref<128x128xi32, #tpu.memory_space<hbm>>)
        tpu.yield
      }) : () -> ()
      %dma_wait3A_248 = arith.constant 7 : i32
      %dma_wait3A_249 = arith.constant 0 : i32
      %dma_wait3A_250 = tpu.memref_slice %arg7[%dma_wait3A_248, %dma_wait3A_249] : memref<8x128xi32, #tpu.memory_space<vmem>> -> memref<1x128xi32, #tpu.memory_space<vmem>>
      %dma_wait3A_251 = tpu.memref_squeeze %dma_wait3A_250 : memref<1x128xi32, #tpu.memory_space<vmem>> -> memref<128xi32, #tpu.memory_space<vmem>>
      %dma_wait3A_252 = arith.constant 0 : i32
      %dma_wait3A_253 = arith.constant 0 : i32
      %dma_wait3A_254 = tpu.memref_slice %arg2[%dma_wait3A_252, %dma_wait3A_253] : memref<10000x128xi32, #tpu.memory_space<hbm>> -> memref<10000x128xi32, #tpu.memory_space<hbm>>
      tpu.wait_indirect_dma semaphore(%arg14 : memref<!tpu.dma_semaphore, #tpu.memory_space<semaphore_mem>>) src(%dma_wait3A_254 : memref<10000x128xi32, #tpu.memory_space<hbm>>) dst(%arg11 : memref<128x128xi32, #tpu.memory_space<vmem>>)
      %dma_wait3A_255 = arith.constant 7 : i32
      %dma_wait3A_256 = arith.constant 0 : i32
      %dma_wait3A_257 = tpu.memref_slice %arg8[%dma_wait3A_255, %dma_wait3A_256] : memref<8x128xi32, #tpu.memory_space<vmem>> -> memref<1x128xi32, #tpu.memory_space<vmem>>
      %dma_wait3A_258 = tpu.memref_squeeze %dma_wait3A_257 : memref<1x128xi32, #tpu.memory_space<vmem>> -> memref<128xi32, #tpu.memory_space<vmem>>
      %dma_wait3A_259 = arith.constant 0 : i32
      %dma_wait3A_260 = arith.constant 0 : i32
      %dma_wait3A_261 = tpu.memref_slice %arg2[%dma_wait3A_259, %dma_wait3A_260] : memref<10000x128xi32, #tpu.memory_space<hbm>> -> memref<10000x128xi32, #tpu.memory_space<hbm>>
      tpu.wait_indirect_dma semaphore(%arg14 : memref<!tpu.dma_semaphore, #tpu.memory_space<semaphore_mem>>) src(%dma_wait3A_261 : memref<10000x128xi32, #tpu.memory_space<hbm>>) dst(%arg12 : memref<128x128xi32, #tpu.memory_space<vmem>>)
      %add3A_262 = arith.constant 7 : i32
      %add3A_263 = arith.addi %add3A_11, %add3A_262 : i32
      %mul3A_264 = arith.constant 128 : i32
      %mul3A_265 = arith.muli %add3A_263, %mul3A_264 : i32
      "tpu.region"() ({
        %run_scoped3A = tpu.sem_alloc : memref<!tpu.dma_semaphore, #tpu.memory_space<semaphore_mem>>
        %dma_start3A_266 = arith.constant 0 : i32
        %dma_start3A_267 = tpu.memref_slice %arg5[%mul3A_265, %dma_start3A_266] : memref<327680x128xi32, #tpu.memory_space<hbm>> -> memref<128x128xi32, #tpu.memory_space<hbm>>
        %dma_start3A_268 = arith.constant 0 : i32
        %dma_start3A_269 = tpu.memref_slice %arg5[%mul3A_265, %dma_start3A_268] : memref<327680x128xi32, #tpu.memory_space<hbm>> -> memref<128x128xi32, #tpu.memory_space<hbm>>
        tpu.enqueue_dma source(%arg11 : memref<128x128xi32, #tpu.memory_space<vmem>>) target(%dma_start3A_269 : memref<128x128xi32, #tpu.memory_space<hbm>>) target_semaphore(%run_scoped3A : memref<!tpu.dma_semaphore, #tpu.memory_space<semaphore_mem>>)
        %dma_wait3A_270 = arith.constant 0 : i32
        %dma_wait3A_271 = tpu.memref_slice %arg5[%mul3A_265, %dma_wait3A_270] : memref<327680x128xi32, #tpu.memory_space<hbm>> -> memref<128x128xi32, #tpu.memory_space<hbm>>
        %dma_wait3A_272 = arith.constant 0 : i32
        %dma_wait3A_273 = tpu.memref_slice %arg5[%mul3A_265, %dma_wait3A_272] : memref<327680x128xi32, #tpu.memory_space<hbm>> -> memref<128x128xi32, #tpu.memory_space<hbm>>
        tpu.wait_dma2 semaphore(%run_scoped3A : memref<!tpu.dma_semaphore, #tpu.memory_space<semaphore_mem>>) src(%arg11 : memref<128x128xi32, #tpu.memory_space<vmem>>) dst(%dma_wait3A_273 : memref<128x128xi32, #tpu.memory_space<hbm>>)
        tpu.yield
      }) : () -> ()
      "tpu.region"() ({
        %run_scoped3A = tpu.sem_alloc : memref<!tpu.dma_semaphore, #tpu.memory_space<semaphore_mem>>
        %dma_start3A_266 = arith.constant 0 : i32
        %dma_start3A_267 = tpu.memref_slice %arg6[%mul3A_265, %dma_start3A_266] : memref<327680x128xi32, #tpu.memory_space<hbm>> -> memref<128x128xi32, #tpu.memory_space<hbm>>
        %dma_start3A_268 = arith.constant 0 : i32
        %dma_start3A_269 = tpu.memref_slice %arg6[%mul3A_265, %dma_start3A_268] : memref<327680x128xi32, #tpu.memory_space<hbm>> -> memref<128x128xi32, #tpu.memory_space<hbm>>
        tpu.enqueue_dma source(%arg12 : memref<128x128xi32, #tpu.memory_space<vmem>>) target(%dma_start3A_269 : memref<128x128xi32, #tpu.memory_space<hbm>>) target_semaphore(%run_scoped3A : memref<!tpu.dma_semaphore, #tpu.memory_space<semaphore_mem>>)
        %dma_wait3A_270 = arith.constant 0 : i32
        %dma_wait3A_271 = tpu.memref_slice %arg6[%mul3A_265, %dma_wait3A_270] : memref<327680x128xi32, #tpu.memory_space<hbm>> -> memref<128x128xi32, #tpu.memory_space<hbm>>
        %dma_wait3A_272 = arith.constant 0 : i32
        %dma_wait3A_273 = tpu.memref_slice %arg6[%mul3A_265, %dma_wait3A_272] : memref<327680x128xi32, #tpu.memory_space<hbm>> -> memref<128x128xi32, #tpu.memory_space<hbm>>
        tpu.wait_dma2 semaphore(%run_scoped3A : memref<!tpu.dma_semaphore, #tpu.memory_space<semaphore_mem>>) src(%arg12 : memref<128x128xi32, #tpu.memory_space<vmem>>) dst(%dma_wait3A_273 : memref<128x128xi32, #tpu.memory_space<hbm>>)
        tpu.yield
      }) : () -> ()
    }
    %scan3A_7 = arith.constant 10 : i32
    return
  }
}

module attributes {stable_mosaic.version = 14 : i64} {
  func.func @_node_body(%arg0: memref<10000x128xf32, #tpu.memory_space<vmem>>, %arg1: memref<128x256xf32, #tpu.memory_space<vmem>>, %arg2: memref<1x256xf32, #tpu.memory_space<vmem>>, %arg3: memref<256x64xf32, #tpu.memory_space<vmem>>, %arg4: memref<1x64xf32, #tpu.memory_space<vmem>>, %arg5: memref<128x128xf32, #tpu.memory_space<vmem>>, %arg6: memref<64x128xf32, #tpu.memory_space<vmem>>, %arg7: memref<1x128xf32, #tpu.memory_space<vmem>>, %arg8: memref<128x128xf32, #tpu.memory_space<vmem>>, %arg9: memref<1x128xf32, #tpu.memory_space<vmem>>, %arg10: memref<128x128xf32, #tpu.memory_space<vmem>>, %arg11: memref<10000x16xf32, #tpu.memory_space<vmem>>, %arg12: memref<10000x128xf32, #tpu.memory_space<vmem>>, %arg13: memref<10000x128xf32, #tpu.memory_space<vmem>>) attributes {dimension_semantics = [], scalar_prefetch = 0 : i64, scratch_operands = 0 : i64, tpu.core_type = #tpu.core_type<tc>} {
    %get3A = arith.constant 0 : index
    %get3A_0 = arith.constant 0 : index
    %get3A_1 = vector.load %arg0[%get3A, %get3A_0] : memref<10000x128xf32, #tpu.memory_space<vmem>>, vector<10000x128xf32>
    %iota3A = tpu.iota {dimensions = array<i32: 1>} : vector<1x128xi32>
    %lt3A = arith.constant 3 : i32
    %lt3A_2 = vector.broadcast %lt3A : i32 to vector<1x128xi32>
    %lt3A_3 = arith.cmpi slt, %iota3A, %lt3A_2 : vector<1x128xi32>
    %reduce_sum3A = arith.constant dense<0.000000e+00> : vector<128xf32>
    %reduce_sum3A_4 = vector.multi_reduction <add>, %get3A_1, %reduce_sum3A [0] : vector<10000x128xf32> to vector<128xf32>
    %broadcast_in_dim3A = vector.shape_cast %reduce_sum3A_4 : vector<128xf32> to vector<1x128xf32>
    %mul3A = arith.mulf %get3A_1, %get3A_1 : vector<10000x128xf32>
    %reduce_sum3A_5 = arith.constant dense<0.000000e+00> : vector<128xf32>
    %reduce_sum3A_6 = vector.multi_reduction <add>, %mul3A, %reduce_sum3A_5 [0] : vector<10000x128xf32> to vector<128xf32>
    %broadcast_in_dim3A_7 = vector.shape_cast %reduce_sum3A_6 : vector<128xf32> to vector<1x128xf32>
    %div3A = arith.constant 1.000000e+04 : f32
    %div3A_8 = vector.broadcast %div3A : f32 to vector<1x128xf32>
    %div3A_9 = arith.divf %broadcast_in_dim3A, %div3A_8 : vector<1x128xf32>
    %mul3A_10 = arith.constant 1.000000e+04 : f32
    %mul3A_11 = vector.broadcast %mul3A_10 : f32 to vector<1x128xf32>
    %mul3A_12 = arith.mulf %mul3A_11, %div3A_9 : vector<1x128xf32>
    %mul3A_13 = arith.mulf %mul3A_12, %div3A_9 : vector<1x128xf32>
    %sub3A = arith.subf %broadcast_in_dim3A_7, %mul3A_13 : vector<1x128xf32>
    %div3A_14 = arith.constant 9.999000e+03 : f32
    %div3A_15 = vector.broadcast %div3A_14 : f32 to vector<1x128xf32>
    %div3A_16 = arith.divf %sub3A, %div3A_15 : vector<1x128xf32>
    %max3A = arith.constant 0.000000e+00 : f32
    %max3A_17 = vector.broadcast %max3A : f32 to vector<1x128xf32>
    %max3A_18 = arith.maximumf %div3A_16, %max3A_17 : vector<1x128xf32>
    %sqrt3A = math.sqrt %max3A_18 : vector<1x128xf32>
    %add3A = arith.constant 9.99999997E-7 : f32
    %add3A_19 = vector.broadcast %add3A : f32 to vector<1x128xf32>
    %add3A_20 = arith.addf %sqrt3A, %add3A_19 : vector<1x128xf32>
    %div3A_21 = arith.constant 1.000000e+00 : f32
    %div3A_22 = vector.broadcast %div3A_21 : f32 to vector<1x128xf32>
    %div3A_23 = arith.divf %div3A_22, %add3A_20 : vector<1x128xf32>
    %jit3A = arith.constant 0.000000e+00 : f32
    %broadcast_in_dim3A_24 = vector.broadcast %jit3A : f32 to vector<1x128xf32>
    %select_n3A = arith.select %lt3A_3, %div3A_23, %broadcast_in_dim3A_24 : vector<1x128xi1>, vector<1x128xf32>
    %jit3A_25 = arith.constant 0.000000e+00 : f32
    %broadcast_in_dim3A_26 = vector.broadcast %jit3A_25 : f32 to vector<1x128xf32>
    %select_n3A_27 = arith.select %lt3A_3, %div3A_9, %broadcast_in_dim3A_26 : vector<1x128xi1>, vector<1x128xf32>
    %sub3A_28 = vector.broadcast %select_n3A_27 : vector<1x128xf32> to vector<10000x128xf32>
    %sub3A_29 = arith.subf %get3A_1, %sub3A_28 : vector<10000x128xf32>
    %mul3A_30 = vector.broadcast %select_n3A : vector<1x128xf32> to vector<10000x128xf32>
    %mul3A_31 = arith.mulf %sub3A_29, %mul3A_30 : vector<10000x128xf32>
    %get3A_32 = arith.constant 0 : index
    %get3A_33 = arith.constant 0 : index
    %get3A_34 = vector.load %arg1[%get3A_32, %get3A_33] : memref<128x256xf32, #tpu.memory_space<vmem>>, vector<128x256xf32>
    %dot_general3A = arith.constant dense<0.000000e+00> : vector<10000x256xf32>
    %dot_general3A_35 = tpu.matmul %get3A_1, %get3A_34, %dot_general3A {dimension_numbers = #tpu.dot_dimension_numbers<[1], [0], [0], [1], [0, 0, 1, 1], [], []>, transpose_lhs_hint = false} : vector<10000x128xf32>, vector<128x256xf32>, vector<10000x256xf32> -> vector<10000x256xf32>
    %get3A_36 = arith.constant 0 : index
    %get3A_37 = arith.constant 0 : index
    %get3A_38 = vector.load %arg2[%get3A_36, %get3A_37] : memref<1x256xf32, #tpu.memory_space<vmem>>, vector<1x256xf32>
    %add3A_39 = vector.broadcast %get3A_38 : vector<1x256xf32> to vector<10000x256xf32>
    %add3A_40 = arith.addf %dot_general3A_35, %add3A_39 : vector<10000x256xf32>
    %max3A_41 = arith.constant 0.000000e+00 : f32
    %max3A_42 = vector.broadcast %max3A_41 : f32 to vector<10000x256xf32>
    %max3A_43 = arith.maximumf %add3A_40, %max3A_42 : vector<10000x256xf32>
    %get3A_44 = arith.constant 0 : index
    %get3A_45 = arith.constant 0 : index
    %get3A_46 = vector.load %arg3[%get3A_44, %get3A_45] : memref<256x64xf32, #tpu.memory_space<vmem>>, vector<256x64xf32>
    %dot_general3A_47 = arith.constant dense<0.000000e+00> : vector<10000x64xf32>
    %dot_general3A_48 = tpu.matmul %max3A_43, %get3A_46, %dot_general3A_47 {dimension_numbers = #tpu.dot_dimension_numbers<[1], [0], [0], [1], [0, 0, 1, 1], [], []>, transpose_lhs_hint = false} : vector<10000x256xf32>, vector<256x64xf32>, vector<10000x64xf32> -> vector<10000x64xf32>
    %get3A_49 = arith.constant 0 : index
    %get3A_50 = arith.constant 0 : index
    %get3A_51 = vector.load %arg4[%get3A_49, %get3A_50] : memref<1x64xf32, #tpu.memory_space<vmem>>, vector<1x64xf32>
    %add3A_52 = vector.broadcast %get3A_51 : vector<1x64xf32> to vector<10000x64xf32>
    %add3A_53 = arith.addf %dot_general3A_48, %add3A_52 : vector<10000x64xf32>
    %max3A_54 = arith.constant 0.000000e+00 : f32
    %max3A_55 = vector.broadcast %max3A_54 : f32 to vector<10000x64xf32>
    %max3A_56 = arith.maximumf %add3A_53, %max3A_55 : vector<10000x64xf32>
    %get3A_57 = arith.constant 0 : index
    %get3A_58 = arith.constant 0 : index
    %get3A_59 = vector.load %arg5[%get3A_57, %get3A_58] : memref<128x128xf32, #tpu.memory_space<vmem>>, vector<128x128xf32>
    %dot_general3A_60 = arith.constant dense<0.000000e+00> : vector<10000x128xf32>
    %dot_general3A_61 = tpu.matmul %mul3A_31, %get3A_59, %dot_general3A_60 {dimension_numbers = #tpu.dot_dimension_numbers<[1], [0], [0], [1], [0, 0, 1, 1], [], []>, transpose_lhs_hint = false} : vector<10000x128xf32>, vector<128x128xf32>, vector<10000x128xf32> -> vector<10000x128xf32>
    %get3A_62 = arith.constant 0 : index
    %get3A_63 = arith.constant 0 : index
    %get3A_64 = vector.load %arg6[%get3A_62, %get3A_63] : memref<64x128xf32, #tpu.memory_space<vmem>>, vector<64x128xf32>
    %dot_general3A_65 = arith.constant dense<0.000000e+00> : vector<10000x128xf32>
    %dot_general3A_66 = tpu.matmul %max3A_56, %get3A_64, %dot_general3A_65 {dimension_numbers = #tpu.dot_dimension_numbers<[1], [0], [0], [1], [0, 0, 1, 1], [], []>, transpose_lhs_hint = false} : vector<10000x64xf32>, vector<64x128xf32>, vector<10000x128xf32> -> vector<10000x128xf32>
    %add3A_67 = arith.addf %dot_general3A_61, %dot_general3A_66 : vector<10000x128xf32>
    %get3A_68 = arith.constant 0 : index
    %get3A_69 = arith.constant 0 : index
    %get3A_70 = vector.load %arg7[%get3A_68, %get3A_69] : memref<1x128xf32, #tpu.memory_space<vmem>>, vector<1x128xf32>
    %add3A_71 = vector.broadcast %get3A_70 : vector<1x128xf32> to vector<10000x128xf32>
    %add3A_72 = arith.addf %add3A_67, %add3A_71 : vector<10000x128xf32>
    %max3A_73 = arith.constant 0.000000e+00 : f32
    %max3A_74 = vector.broadcast %max3A_73 : f32 to vector<10000x128xf32>
    %max3A_75 = arith.maximumf %add3A_72, %max3A_74 : vector<10000x128xf32>
    %slice3A = vector.extract_strided_slice %mul3A_31 {offsets = [0, 0], sizes = [10000, 16], strides = [1, 1]} : vector<10000x128xf32> to vector<10000x16xf32>
    %swap3A = arith.constant 0 : index
    %swap3A_76 = arith.constant 0 : index
    %swap3A_77 = vector.load %arg11[%swap3A, %swap3A_76] : memref<10000x16xf32, #tpu.memory_space<vmem>>, vector<10000x16xf32>
    tpu.vector_store %arg11[%swap3A, %swap3A_76], %slice3A {strides = array<i32>} : memref<10000x16xf32, #tpu.memory_space<vmem>>, vector<10000x16xf32>,
    %get3A_78 = arith.constant 0 : index
    %get3A_79 = arith.constant 0 : index
    %get3A_80 = vector.load %arg8[%get3A_78, %get3A_79] : memref<128x128xf32, #tpu.memory_space<vmem>>, vector<128x128xf32>
    %dot_general3A_81 = arith.constant dense<0.000000e+00> : vector<10000x128xf32>
    %dot_general3A_82 = tpu.matmul %max3A_75, %get3A_80, %dot_general3A_81 {dimension_numbers = #tpu.dot_dimension_numbers<[1], [0], [0], [1], [0, 0, 1, 1], [], []>, transpose_lhs_hint = false} : vector<10000x128xf32>, vector<128x128xf32>, vector<10000x128xf32> -> vector<10000x128xf32>
    %get3A_83 = arith.constant 0 : index
    %get3A_84 = arith.constant 0 : index
    %get3A_85 = vector.load %arg9[%get3A_83, %get3A_84] : memref<1x128xf32, #tpu.memory_space<vmem>>, vector<1x128xf32>
    %add3A_86 = vector.broadcast %get3A_85 : vector<1x128xf32> to vector<10000x128xf32>
    %add3A_87 = arith.addf %dot_general3A_82, %add3A_86 : vector<10000x128xf32>
    %swap3A_88 = arith.constant 0 : index
    %swap3A_89 = arith.constant 0 : index
    %swap3A_90 = vector.load %arg12[%swap3A_88, %swap3A_89] : memref<10000x128xf32, #tpu.memory_space<vmem>>, vector<10000x128xf32>
    tpu.vector_store %arg12[%swap3A_88, %swap3A_89], %add3A_87 {strides = array<i32>} : memref<10000x128xf32, #tpu.memory_space<vmem>>, vector<10000x128xf32>,
    %get3A_91 = arith.constant 0 : index
    %get3A_92 = arith.constant 0 : index
    %get3A_93 = vector.load %arg10[%get3A_91, %get3A_92] : memref<128x128xf32, #tpu.memory_space<vmem>>, vector<128x128xf32>
    %dot_general3A_94 = arith.constant dense<0.000000e+00> : vector<10000x128xf32>
    %dot_general3A_95 = tpu.matmul %max3A_75, %get3A_93, %dot_general3A_94 {dimension_numbers = #tpu.dot_dimension_numbers<[1], [0], [0], [1], [0, 0, 1, 1], [], []>, transpose_lhs_hint = false} : vector<10000x128xf32>, vector<128x128xf32>, vector<10000x128xf32> -> vector<10000x128xf32>
    %swap3A_96 = arith.constant 0 : index
    %swap3A_97 = arith.constant 0 : index
    %swap3A_98 = vector.load %arg13[%swap3A_96, %swap3A_97] : memref<10000x128xf32, #tpu.memory_space<vmem>>, vector<10000x128xf32>
    tpu.vector_store %arg13[%swap3A_96, %swap3A_97], %dot_general3A_95 {strides = array<i32>} : memref<10000x128xf32, #tpu.memory_space<vmem>>, vector<10000x128xf32>,
    return
  }
}

module attributes {stable_mosaic.version = 14 : i64} {
  func.func @_comb_body(%arg0: memref<10000x128xf32, #tpu.memory_space<vmem>>, %arg1: memref<10112x128xf32, #tpu.memory_space<vmem>>, %arg2: memref<10112x128xf32, #tpu.memory_space<vmem>>, %arg3: memref<10112x128xf32, #tpu.memory_space<vmem>>, %arg4: memref<10112x128xf32, #tpu.memory_space<vmem>>, %arg5: memref<128x128xf32, #tpu.memory_space<vmem>>, %arg6: memref<1x128xf32, #tpu.memory_space<vmem>>, %arg7: memref<128x128xf32, #tpu.memory_space<vmem>>, %arg8: memref<10000x128xf32, #tpu.memory_space<vmem>>, %arg9: memref<10000x128xf32, #tpu.memory_space<vmem>>) attributes {dimension_semantics = [], scalar_prefetch = 0 : i64, scratch_operands = 0 : i64, tpu.core_type = #tpu.core_type<tc>} {
    %get3A = arith.constant 0 : index
    %get3A_0 = arith.constant 0 : index
    %get3A_1 = vector.load %arg3[%get3A, %get3A_0] : memref<10112x128xf32, #tpu.memory_space<vmem>>, vector<10000x128xf32>
    %get3A_2 = arith.constant 0 : index
    %get3A_3 = arith.constant 0 : index
    %get3A_4 = vector.load %arg4[%get3A_2, %get3A_3] : memref<10112x128xf32, #tpu.memory_space<vmem>>, vector<10000x128xf32>
    %add3A = arith.addf %get3A_1, %get3A_4 : vector<10000x128xf32>
    %max3A = arith.constant 1.000000e+00 : f32
    %max3A_5 = vector.broadcast %max3A : f32 to vector<10000x128xf32>
    %max3A_6 = arith.maximumf %add3A, %max3A_5 : vector<10000x128xf32>
    %div3A = arith.constant 1.000000e+00 : f32
    %div3A_7 = vector.broadcast %div3A : f32 to vector<10000x128xf32>
    %div3A_8 = arith.divf %div3A_7, %max3A_6 : vector<10000x128xf32>
    %get3A_9 = arith.constant 0 : index
    %get3A_10 = arith.constant 0 : index
    %get3A_11 = vector.load %arg1[%get3A_9, %get3A_10] : memref<10112x128xf32, #tpu.memory_space<vmem>>, vector<10000x128xf32>
    %get3A_12 = arith.constant 0 : index
    %get3A_13 = arith.constant 0 : index
    %get3A_14 = vector.load %arg2[%get3A_12, %get3A_13] : memref<10112x128xf32, #tpu.memory_space<vmem>>, vector<10000x128xf32>
    %add3A_15 = arith.addf %get3A_11, %get3A_14 : vector<10000x128xf32>
    %get3A_16 = arith.constant 0 : index
    %get3A_17 = arith.constant 0 : index
    %get3A_18 = vector.load %arg0[%get3A_16, %get3A_17] : memref<10000x128xf32, #tpu.memory_space<vmem>>, vector<10000x128xf32>
    %mul3A = arith.mulf %add3A_15, %div3A_8 : vector<10000x128xf32>
    %add3A_19 = arith.addf %get3A_18, %mul3A : vector<10000x128xf32>
    %max3A_20 = arith.constant 0.000000e+00 : f32
    %max3A_21 = vector.broadcast %max3A_20 : f32 to vector<10000x128xf32>
    %max3A_22 = arith.maximumf %add3A_19, %max3A_21 : vector<10000x128xf32>
    %get3A_23 = arith.constant 0 : index
    %get3A_24 = arith.constant 0 : index
    %get3A_25 = vector.load %arg5[%get3A_23, %get3A_24] : memref<128x128xf32, #tpu.memory_space<vmem>>, vector<128x128xf32>
    %dot_general3A = arith.constant dense<0.000000e+00> : vector<10000x128xf32>
    %dot_general3A_26 = tpu.matmul %max3A_22, %get3A_25, %dot_general3A {dimension_numbers = #tpu.dot_dimension_numbers<[1], [0], [0], [1], [0, 0, 1, 1], [], []>, transpose_lhs_hint = false} : vector<10000x128xf32>, vector<128x128xf32>, vector<10000x128xf32> -> vector<10000x128xf32>
    %get3A_27 = arith.constant 0 : index
    %get3A_28 = arith.constant 0 : index
    %get3A_29 = vector.load %arg6[%get3A_27, %get3A_28] : memref<1x128xf32, #tpu.memory_space<vmem>>, vector<1x128xf32>
    %add3A_30 = vector.broadcast %get3A_29 : vector<1x128xf32> to vector<10000x128xf32>
    %add3A_31 = arith.addf %dot_general3A_26, %add3A_30 : vector<10000x128xf32>
    %swap3A = arith.constant 0 : index
    %swap3A_32 = arith.constant 0 : index
    %swap3A_33 = vector.load %arg8[%swap3A, %swap3A_32] : memref<10000x128xf32, #tpu.memory_space<vmem>>, vector<10000x128xf32>
    tpu.vector_store %arg8[%swap3A, %swap3A_32], %add3A_31 {strides = array<i32>} : memref<10000x128xf32, #tpu.memory_space<vmem>>, vector<10000x128xf32>,
    %get3A_34 = arith.constant 0 : index
    %get3A_35 = arith.constant 0 : index
    %get3A_36 = vector.load %arg7[%get3A_34, %get3A_35] : memref<128x128xf32, #tpu.memory_space<vmem>>, vector<128x128xf32>
    %dot_general3A_37 = arith.constant dense<0.000000e+00> : vector<10000x128xf32>
    %dot_general3A_38 = tpu.matmul %max3A_22, %get3A_36, %dot_general3A_37 {dimension_numbers = #tpu.dot_dimension_numbers<[1], [0], [0], [1], [0, 0, 1, 1], [], []>, transpose_lhs_hint = false} : vector<10000x128xf32>, vector<128x128xf32>, vector<10000x128xf32> -> vector<10000x128xf32>
    %swap3A_39 = arith.constant 0 : index
    %swap3A_40 = arith.constant 0 : index
    %swap3A_41 = vector.load %arg9[%swap3A_39, %swap3A_40] : memref<10000x128xf32, #tpu.memory_space<vmem>>, vector<10000x128xf32>
    tpu.vector_store %arg9[%swap3A_39, %swap3A_40], %dot_general3A_38 {strides = array<i32>} : memref<10000x128xf32, #tpu.memory_space<vmem>>, vector<10000x128xf32>,
    return
  }
}

module attributes {stable_mosaic.version = 14 : i64} {
  func.func @_comb_final_body(%arg0: memref<10000x128xf32, #tpu.memory_space<vmem>>, %arg1: memref<10112x128xf32, #tpu.memory_space<vmem>>, %arg2: memref<10112x128xf32, #tpu.memory_space<vmem>>, %arg3: memref<10112x128xf32, #tpu.memory_space<vmem>>, %arg4: memref<10112x128xf32, #tpu.memory_space<vmem>>, %arg5: memref<10000x16xf32, #tpu.memory_space<vmem>>, %arg6: memref<10000x128xi32, #tpu.memory_space<vmem>>) attributes {dimension_semantics = [], scalar_prefetch = 0 : i64, scratch_operands = 0 : i64, tpu.core_type = #tpu.core_type<tc>} {
    %get3A = arith.constant 0 : index
    %get3A_0 = arith.constant 0 : index
    %get3A_1 = vector.load %arg3[%get3A, %get3A_0] : memref<10112x128xf32, #tpu.memory_space<vmem>>, vector<10000x128xf32>
    %get3A_2 = arith.constant 0 : index
    %get3A_3 = arith.constant 0 : index
    %get3A_4 = vector.load %arg4[%get3A_2, %get3A_3] : memref<10112x128xf32, #tpu.memory_space<vmem>>, vector<10000x128xf32>
    %add3A = arith.addf %get3A_1, %get3A_4 : vector<10000x128xf32>
    %max3A = arith.constant 1.000000e+00 : f32
    %max3A_5 = vector.broadcast %max3A : f32 to vector<10000x128xf32>
    %max3A_6 = arith.maximumf %add3A, %max3A_5 : vector<10000x128xf32>
    %div3A = arith.constant 1.000000e+00 : f32
    %div3A_7 = vector.broadcast %div3A : f32 to vector<10000x128xf32>
    %div3A_8 = arith.divf %div3A_7, %max3A_6 : vector<10000x128xf32>
    %get3A_9 = arith.constant 0 : index
    %get3A_10 = arith.constant 0 : index
    %get3A_11 = vector.load %arg1[%get3A_9, %get3A_10] : memref<10112x128xf32, #tpu.memory_space<vmem>>, vector<10000x128xf32>
    %get3A_12 = arith.constant 0 : index
    %get3A_13 = arith.constant 0 : index
    %get3A_14 = vector.load %arg2[%get3A_12, %get3A_13] : memref<10112x128xf32, #tpu.memory_space<vmem>>, vector<10000x128xf32>
    %add3A_15 = arith.addf %get3A_11, %get3A_14 : vector<10000x128xf32>
    %get3A_16 = arith.constant 0 : index
    %get3A_17 = arith.constant 0 : index
    %get3A_18 = vector.load %arg0[%get3A_16, %get3A_17] : memref<10000x128xf32, #tpu.memory_space<vmem>>, vector<10000x128xf32>
    %mul3A = arith.mulf %add3A_15, %div3A_8 : vector<10000x128xf32>
    %add3A_19 = arith.addf %get3A_18, %mul3A : vector<10000x128xf32>
    %max3A_20 = arith.constant 0.000000e+00 : f32
    %max3A_21 = vector.broadcast %max3A_20 : f32 to vector<10000x128xf32>
    %max3A_22 = arith.maximumf %add3A_19, %max3A_21 : vector<10000x128xf32>
    %convert_element_type3A = arith.truncf %max3A_22 : vector<10000x128xf32> to vector<10000x128xbf16>
    %bitcast_convert_type3A = tpu.bitcast %convert_element_type3A : vector<10000x128xbf16> -> vector<10000x128xi16>
    %get3A_23 = arith.constant 0 : index
    %get3A_24 = arith.constant 0 : index
    %get3A_25 = vector.load %arg5[%get3A_23, %get3A_24] : memref<10000x16xf32, #tpu.memory_space<vmem>>, vector<10000x16xf32>
    %broadcast_in_dim3A = arith.constant 0.000000e+00 : f32
    %broadcast_in_dim3A_26 = vector.broadcast %broadcast_in_dim3A : f32 to vector<10000x112xf32>
    %concatenate3A = tpu.concatenate %get3A_25, %broadcast_in_dim3A_26 in 1 : vector<10000x16xf32>, vector<10000x112xf32> -> vector<10000x128xf32>
    %convert_element_type3A_27 = arith.truncf %concatenate3A : vector<10000x128xf32> to vector<10000x128xbf16>
    %bitcast_convert_type3A_28 = tpu.bitcast %convert_element_type3A_27 : vector<10000x128xbf16> -> vector<10000x128xi16>
    %convert_element_type3A_29 = arith.extui %bitcast_convert_type3A : vector<10000x128xi16> to vector<10000x128xi32>
    %convert_element_type3A_30 = arith.extui %bitcast_convert_type3A_28 : vector<10000x128xi16> to vector<10000x128xi32>
    %shift_left3A = arith.constant 16 : i32
    %shift_left3A_31 = vector.broadcast %shift_left3A : i32 to vector<10000x128xi32>
    %shift_left3A_32 = arith.shli %convert_element_type3A_30, %shift_left3A_31 : vector<10000x128xi32>
    %or3A = arith.ori %convert_element_type3A_29, %shift_left3A_32 : vector<10000x128xi32>
    %swap3A = arith.constant 0 : index
    %swap3A_33 = arith.constant 0 : index
    %swap3A_34 = vector.load %arg6[%swap3A, %swap3A_33] : memref<10000x128xi32, #tpu.memory_space<vmem>>, vector<10000x128xi32>
    tpu.vector_store %arg6[%swap3A, %swap3A_33], %or3A {strides = array<i32>} : memref<10000x128xi32, #tpu.memory_space<vmem>>, vector<10000x128xi32>,
    return
  }
}

module attributes {stable_mosaic.version = 14 : i64} {
  func.func @_edge_body(%arg0: i32, %arg1: memref<2000x128xi32, #tpu.memory_space<vmem>>, %arg2: memref<2000x128xi32, #tpu.memory_space<vmem>>, %arg3: memref<128x256xbf16, #tpu.memory_space<vmem>>, %arg4: memref<128x256xbf16, #tpu.memory_space<vmem>>, %arg5: memref<128x256xbf16, #tpu.memory_space<vmem>>, %arg6: memref<128x256xbf16, #tpu.memory_space<vmem>>, %arg7: memref<1x256xf32, #tpu.memory_space<vmem>>, %arg8: memref<256x256xbf16, #tpu.memory_space<vmem>>, %arg9: memref<1x256xf32, #tpu.memory_space<vmem>>, %arg10: memref<1x256xf32, #tpu.memory_space<vmem>>, %arg11: memref<1x1xf32, #tpu.memory_space<vmem>>, %arg12: memref<2000x1xf32, #tpu.memory_space<vmem>>) attributes {dimension_semantics = [#tpu.dimension_semantics<arbitrary>], iteration_bounds = array<i64: 160>, scalar_prefetch = 0 : i64, scratch_operands = 0 : i64, tpu.core_type = #tpu.core_type<tc>, window_params = [{transform_indices = @transform_0, window_bounds = array<i64: 2000, 128>}, {transform_indices = @transform_1, window_bounds = array<i64: 2000, 128>}, {pipeline_mode = #tpu.pipeline_mode<synchronous>, transform_indices = @transform_2, window_bounds = array<i64: 128, 256>}, {pipeline_mode = #tpu.pipeline_mode<synchronous>, transform_indices = @transform_3, window_bounds = array<i64: 128, 256>}, {pipeline_mode = #tpu.pipeline_mode<synchronous>, transform_indices = @transform_4, window_bounds = array<i64: 128, 256>}, {pipeline_mode = #tpu.pipeline_mode<synchronous>, transform_indices = @transform_5, window_bounds = array<i64: 128, 256>}, {pipeline_mode = #tpu.pipeline_mode<synchronous>, transform_indices = @transform_6, window_bounds = array<i64: 1, 256>}, {pipeline_mode = #tpu.pipeline_mode<synchronous>, transform_indices = @transform_7, window_bounds = array<i64: 256, 256>}, {pipeline_mode = #tpu.pipeline_mode<synchronous>, transform_indices = @transform_8, window_bounds = array<i64: 1, 256>}, {pipeline_mode = #tpu.pipeline_mode<synchronous>, transform_indices = @transform_9, window_bounds = array<i64: 1, 256>}, {pipeline_mode = #tpu.pipeline_mode<synchronous>, transform_indices = @transform_10, window_bounds = array<i64: 1, 1>}, {transform_indices = @transform_11, window_bounds = array<i64: 2000, 1>}]} {
    %get3A = arith.constant 0 : index
    %get3A_0 = arith.constant 0 : index
    %get3A_1 = vector.load %arg1[%get3A, %get3A_0] : memref<2000x128xi32, #tpu.memory_space<vmem>>, vector<2000x128xi32>
    %shift_left3A = arith.constant 16 : i32
    %shift_left3A_2 = vector.broadcast %shift_left3A : i32 to vector<2000x128xi32>
    %shift_left3A_3 = arith.shli %get3A_1, %shift_left3A_2 : vector<2000x128xi32>
    %bitcast_convert_type3A = tpu.bitcast %shift_left3A_3 : vector<2000x128xi32> -> vector<2000x128xf32>
    %and3A = arith.constant -65536 : i32
    %and3A_4 = vector.broadcast %and3A : i32 to vector<2000x128xi32>
    %and3A_5 = arith.andi %get3A_1, %and3A_4 : vector<2000x128xi32>
    %bitcast_convert_type3A_6 = tpu.bitcast %and3A_5 : vector<2000x128xi32> -> vector<2000x128xf32>
    %get3A_7 = arith.constant 0 : index
    %get3A_8 = arith.constant 0 : index
    %get3A_9 = vector.load %arg2[%get3A_7, %get3A_8] : memref<2000x128xi32, #tpu.memory_space<vmem>>, vector<2000x128xi32>
    %shift_left3A_10 = arith.constant 16 : i32
    %shift_left3A_11 = vector.broadcast %shift_left3A_10 : i32 to vector<2000x128xi32>
    %shift_left3A_12 = arith.shli %get3A_9, %shift_left3A_11 : vector<2000x128xi32>
    %bitcast_convert_type3A_13 = tpu.bitcast %shift_left3A_12 : vector<2000x128xi32> -> vector<2000x128xf32>
    %and3A_14 = arith.constant -65536 : i32
    %and3A_15 = vector.broadcast %and3A_14 : i32 to vector<2000x128xi32>
    %and3A_16 = arith.andi %get3A_9, %and3A_15 : vector<2000x128xi32>
    %bitcast_convert_type3A_17 = tpu.bitcast %and3A_16 : vector<2000x128xi32> -> vector<2000x128xf32>
    %sub3A = arith.subf %bitcast_convert_type3A, %bitcast_convert_type3A_13 : vector<2000x128xf32>
    %abs3A = math.absf %sub3A : vector<2000x128xf32>
    %convert_element_type3A = arith.truncf %abs3A : vector<2000x128xf32> to vector<2000x128xbf16>
    %sub3A_18 = arith.subf %bitcast_convert_type3A_6, %bitcast_convert_type3A_17 : vector<2000x128xf32>
    %convert_element_type3A_19 = arith.truncf %sub3A_18 : vector<2000x128xf32> to vector<2000x128xbf16>
    %convert_element_type3A_20 = arith.truncf %bitcast_convert_type3A : vector<2000x128xf32> to vector<2000x128xbf16>
    %get3A_21 = arith.constant 0 : index
    %get3A_22 = arith.constant 0 : index
    %get3A_23 = vector.load %arg3[%get3A_21, %get3A_22] : memref<128x256xbf16, #tpu.memory_space<vmem>>, vector<128x256xbf16>
    %dot_general3A = arith.constant dense<0.000000e+00> : vector<2000x256xf32>
    %dot_general3A_24 = tpu.matmul %convert_element_type3A_20, %get3A_23, %dot_general3A {dimension_numbers = #tpu.dot_dimension_numbers<[1], [0], [0], [1], [0, 0, 1, 1], [], []>, transpose_lhs_hint = false} : vector<2000x128xbf16>, vector<128x256xbf16>, vector<2000x256xf32> -> vector<2000x256xf32>
    %convert_element_type3A_25 = arith.truncf %bitcast_convert_type3A_13 : vector<2000x128xf32> to vector<2000x128xbf16>
    %get3A_26 = arith.constant 0 : index
    %get3A_27 = arith.constant 0 : index
    %get3A_28 = vector.load %arg4[%get3A_26, %get3A_27] : memref<128x256xbf16, #tpu.memory_space<vmem>>, vector<128x256xbf16>
    %dot_general3A_29 = arith.constant dense<0.000000e+00> : vector<2000x256xf32>
    %dot_general3A_30 = tpu.matmul %convert_element_type3A_25, %get3A_28, %dot_general3A_29 {dimension_numbers = #tpu.dot_dimension_numbers<[1], [0], [0], [1], [0, 0, 1, 1], [], []>, transpose_lhs_hint = false} : vector<2000x128xbf16>, vector<128x256xbf16>, vector<2000x256xf32> -> vector<2000x256xf32>
    %add3A = arith.addf %dot_general3A_24, %dot_general3A_30 : vector<2000x256xf32>
    %get3A_31 = arith.constant 0 : index
    %get3A_32 = arith.constant 0 : index
    %get3A_33 = vector.load %arg5[%get3A_31, %get3A_32] : memref<128x256xbf16, #tpu.memory_space<vmem>>, vector<128x256xbf16>
    %dot_general3A_34 = arith.constant dense<0.000000e+00> : vector<2000x256xf32>
    %dot_general3A_35 = tpu.matmul %convert_element_type3A, %get3A_33, %dot_general3A_34 {dimension_numbers = #tpu.dot_dimension_numbers<[1], [0], [0], [1], [0, 0, 1, 1], [], []>, transpose_lhs_hint = false} : vector<2000x128xbf16>, vector<128x256xbf16>, vector<2000x256xf32> -> vector<2000x256xf32>
    %add3A_36 = arith.addf %add3A, %dot_general3A_35 : vector<2000x256xf32>
    %get3A_37 = arith.constant 0 : index
    %get3A_38 = arith.constant 0 : index
    %get3A_39 = vector.load %arg6[%get3A_37, %get3A_38] : memref<128x256xbf16, #tpu.memory_space<vmem>>, vector<128x256xbf16>
    %dot_general3A_40 = arith.constant dense<0.000000e+00> : vector<2000x256xf32>
    %dot_general3A_41 = tpu.matmul %convert_element_type3A_19, %get3A_39, %dot_general3A_40 {dimension_numbers = #tpu.dot_dimension_numbers<[1], [0], [0], [1], [0, 0, 1, 1], [], []>, transpose_lhs_hint = false} : vector<2000x128xbf16>, vector<128x256xbf16>, vector<2000x256xf32> -> vector<2000x256xf32>
    %add3A_42 = arith.addf %add3A_36, %dot_general3A_41 : vector<2000x256xf32>
    %get3A_43 = arith.constant 0 : index
    %get3A_44 = arith.constant 0 : index
    %get3A_45 = vector.load %arg7[%get3A_43, %get3A_44] : memref<1x256xf32, #tpu.memory_space<vmem>>, vector<1x256xf32>
    %add3A_46 = vector.broadcast %get3A_45 : vector<1x256xf32> to vector<2000x256xf32>
    %add3A_47 = arith.addf %add3A_42, %add3A_46 : vector<2000x256xf32>
    %max3A = arith.constant 0.000000e+00 : f32
    %max3A_48 = vector.broadcast %max3A : f32 to vector<2000x256xf32>
    %max3A_49 = arith.maximumf %add3A_47, %max3A_48 : vector<2000x256xf32>
    %convert_element_type3A_50 = arith.truncf %max3A_49 : vector<2000x256xf32> to vector<2000x256xbf16>
    %get3A_51 = arith.constant 0 : index
    %get3A_52 = arith.constant 0 : index
    %get3A_53 = vector.load %arg8[%get3A_51, %get3A_52] : memref<256x256xbf16, #tpu.memory_space<vmem>>, vector<256x256xbf16>
    %dot_general3A_54 = arith.constant dense<0.000000e+00> : vector<2000x256xf32>
    %dot_general3A_55 = tpu.matmul %convert_element_type3A_50, %get3A_53, %dot_general3A_54 {dimension_numbers = #tpu.dot_dimension_numbers<[1], [0], [0], [1], [0, 0, 1, 1], [], []>, transpose_lhs_hint = false} : vector<2000x256xbf16>, vector<256x256xbf16>, vector<2000x256xf32> -> vector<2000x256xf32>
    %get3A_56 = arith.constant 0 : index
    %get3A_57 = arith.constant 0 : index
    %get3A_58 = vector.load %arg9[%get3A_56, %get3A_57] : memref<1x256xf32, #tpu.memory_space<vmem>>, vector<1x256xf32>
    %add3A_59 = vector.broadcast %get3A_58 : vector<1x256xf32> to vector<2000x256xf32>
    %add3A_60 = arith.addf %dot_general3A_55, %add3A_59 : vector<2000x256xf32>
    %max3A_61 = arith.constant 0.000000e+00 : f32
    %max3A_62 = vector.broadcast %max3A_61 : f32 to vector<2000x256xf32>
    %max3A_63 = arith.maximumf %add3A_60, %max3A_62 : vector<2000x256xf32>
    %get3A_64 = arith.constant 0 : index
    %get3A_65 = arith.constant 0 : index
    %get3A_66 = vector.load %arg10[%get3A_64, %get3A_65] : memref<1x256xf32, #tpu.memory_space<vmem>>, vector<1x256xf32>
    %mul3A = vector.broadcast %get3A_66 : vector<1x256xf32> to vector<2000x256xf32>
    %mul3A_67 = arith.mulf %max3A_63, %mul3A : vector<2000x256xf32>
    %reduce_sum3A = arith.constant dense<0.000000e+00> : vector<2000xf32>
    %reduce_sum3A_68 = vector.multi_reduction <add>, %mul3A_67, %reduce_sum3A [1] : vector<2000x256xf32> to vector<2000xf32>
    %broadcast_in_dim3A = vector.shape_cast %reduce_sum3A_68 : vector<2000xf32> to vector<2000x1xf32>
    %get3A_69 = arith.constant 0 : index
    %get3A_70 = arith.constant 0 : index
    %get3A_71 = vector.load %arg11[%get3A_69, %get3A_70] : memref<1x1xf32, #tpu.memory_space<vmem>>, vector<1x1xf32>
    %add3A_72 = vector.broadcast %get3A_71 : vector<1x1xf32> to vector<2000x1xf32>
    %add3A_73 = arith.addf %broadcast_in_dim3A, %add3A_72 : vector<2000x1xf32>
    %swap3A = arith.constant 0 : index
    %swap3A_74 = arith.constant 0 : index
    %swap3A_75 = vector.load %arg12[%swap3A, %swap3A_74] : memref<2000x1xf32, #tpu.memory_space<vmem>>, vector<2000x1xf32>
    tpu.vector_store %arg12[%swap3A, %swap3A_74], %add3A_73 {strides = array<i32>} : memref<2000x1xf32, #tpu.memory_space<vmem>>, vector<2000x1xf32>,
    return
  }
  func.func @transform_0(%arg0: i32) -> (i32, i32) {
    %c0_i32 = arith.constant 0 : i32
    %c0_i32_0 = arith.constant 0 : i32
    return %arg0, %c0_i32 : i32, i32
  }
  func.func @transform_1(%arg0: i32) -> (i32, i32) {
    %c0_i32 = arith.constant 0 : i32
    %c0_i32_0 = arith.constant 0 : i32
    return %arg0, %c0_i32 : i32, i32
  }
  func.func @transform_2(%arg0: i32) -> (i32, i32) {
    %c0_i32 = arith.constant 0 : i32
    %c0_i32_0 = arith.constant 0 : i32
    %c0_i32_1 = arith.constant 0 : i32
    return %c0_i32, %c0_i32_0 : i32, i32
  }
  func.func @transform_3(%arg0: i32) -> (i32, i32) {
    %c0_i32 = arith.constant 0 : i32
    %c0_i32_0 = arith.constant 0 : i32
    %c0_i32_1 = arith.constant 0 : i32
    return %c0_i32, %c0_i32_0 : i32, i32
  }
  func.func @transform_4(%arg0: i32) -> (i32, i32) {
    %c0_i32 = arith.constant 0 : i32
    %c0_i32_0 = arith.constant 0 : i32
    %c0_i32_1 = arith.constant 0 : i32
    return %c0_i32, %c0_i32_0 : i32, i32
  }
  func.func @transform_5(%arg0: i32) -> (i32, i32) {
    %c0_i32 = arith.constant 0 : i32
    %c0_i32_0 = arith.constant 0 : i32
    %c0_i32_1 = arith.constant 0 : i32
    return %c0_i32, %c0_i32_0 : i32, i32
  }
  func.func @transform_6(%arg0: i32) -> (i32, i32) {
    %c0_i32 = arith.constant 0 : i32
    %c0_i32_0 = arith.constant 0 : i32
    %c0_i32_1 = arith.constant 0 : i32
    return %c0_i32, %c0_i32_0 : i32, i32
  }
  func.func @transform_7(%arg0: i32) -> (i32, i32) {
    %c0_i32 = arith.constant 0 : i32
    %c0_i32_0 = arith.constant 0 : i32
    %c0_i32_1 = arith.constant 0 : i32
    return %c0_i32, %c0_i32_0 : i32, i32
  }
  func.func @transform_8(%arg0: i32) -> (i32, i32) {
    %c0_i32 = arith.constant 0 : i32
    %c0_i32_0 = arith.constant 0 : i32
    %c0_i32_1 = arith.constant 0 : i32
    return %c0_i32, %c0_i32_0 : i32, i32
  }
  func.func @transform_9(%arg0: i32) -> (i32, i32) {
    %c0_i32 = arith.constant 0 : i32
    %c0_i32_0 = arith.constant 0 : i32
    %c0_i32_1 = arith.constant 0 : i32
    return %c0_i32, %c0_i32_0 : i32, i32
  }
  func.func @transform_10(%arg0: i32) -> (i32, i32) {
    %c0_i32 = arith.constant 0 : i32
    %c0_i32_0 = arith.constant 0 : i32
    %c0_i32_1 = arith.constant 0 : i32
    return %c0_i32, %c0_i32_0 : i32, i32
  }
  func.func @transform_11(%arg0: i32) -> (i32, i32) {
    %c0_i32 = arith.constant 0 : i32
    %c0_i32_0 = arith.constant 0 : i32
    return %arg0, %c0_i32 : i32, i32
  }
}

</mosaic_0001>

<sc_bundles>
// kernel: kernel.12.cloned.1.call-start
scs
__scs_entry_jumppad:
0x0: {  	(pc) =	sbr.rel $0x88, $3  }
0x1: {  	(tag) =	ssettag $0x0;
	lr =	simm.s32 $0x1  }
0x2: {  	[smem:$0x3F86] =	sst lr;
	_ =	strace $0xD0000000  }
0x3: {  	_ = 	snop  }
0x4: {  	_ = 	snop  }
0x5: {  	_ = 	snop  }
0x6: {  	_ = 	snop  }
0x7: {  	_ = 	snop  }
__scs_overlays_trampoline_lowered:
0x8: {  	[smem:$0x3F95] =	sst s0  }
0x9: {  	[smem:$0x3F96] =	sst s1  }
0xa: {  	[smem:$0x3F97] =	sst s2  }
0xb: {  	[smem:$0x3F98] =	sst s3  }
0xc: {  	[smem:$0x3F99] =	sst s4  }
0xd: {  	[smem:$0x3F9A] =	sst s5  }
0xe: {  	[smem:$0x3F9B] =	sst s6  }
0xf: {  	[smem:$0x3F9C] =	sst s7  }
0x10: {  	[smem:$0x3F9D] =	sst s8  }
0x11: {  	[smem:$0x3F9E] =	sst s9;
	s0 =	simm.s32 @!p0 $0x0  }
0x12: {  	s1 =	sld [smem:$0x3F84];
	s0 =	simm.s32 @p0 $0x1  }
0x13: {  	[smem:$0x3F9F] =	sst s0;
	s0 =	simm.s32 @!p1 $0x0  }
0x14: {  	s2 =	sld [smem:$0x3F83];
	s0 =	simm.s32 @p1 $0x1  }
0x15: {  	[smem:$0x3FA0] =	sst s0;
	s0 =	simm.s32 @!p2 $0x0  }
0x16: {  	s3 =	sld [smem:$0x3FDB];
	s0 =	simm.s32 @p2 $0x1  }
0x17: {  	s4 =	simm.s32 $0x1BF5;
	[smem:$0x3FA2] =	sst s0  }
0x18: {  	s0 =	sld [smem:$0x3F85];
	_ =	swait.ge [sflag:s4], $0x0  }
0x19: {  	s7 =	sld [smem:$0x3F86]  }
0x1a: {  	s8 =	sadd.s32 $0xFFFFE003, lr  }
0x1b: {  	s9 =	sadd.s32 $0xFFFFFEF7, lr;
	s5 =	simm.s32 $0xFFFFFFFF;
	p2 =	slt.u32 s8, $0xFFFFF086  }
0x1c: {  	p1 =	slt.u32 s9, $0xF7A;
	s5 =	simm.s32 @!p2 $0x0  }
0x1d: {  	s5 =	simm.s32 @p1 $0x1;
	p0 =	seq.s32 s7, s2  }
0x1e: {  	s7 =	smul.u32 @!p0 $0xF7A, s2;
	p2 =	seq.s32 @!p0 s5, $0x0  }
0x1f: {  	s9 =	smul.u32 $0xF7A, s1;
	s8 =	simm.s32 @!p0 $0x1BF5;
	p2 =	por !p2, p0  }
0x20: {  	[sflag:s8] =	ssyncset.s32 @!p0 $0xFFFFF086;
	s6 =	sadd.s32 @!p0 s3, s7;
	s7 =	simm.s32 @!p0 $0x108  }
0x21: {  	s3 =	sadd.s32 s3, s9;
	s6 =	sadd.s32 @!p0 $0x88, s6;
	s7 =	simm.s32 @p2 $0x1082  }
0x22: {  	[simem:s7], [sflag:s8] =	dma.local @!p0 [hbm:s6], $0xF7A  }
0x23: {  	s9 =	sor.u32 $0xD0000000, s2;
	s6 =	simm.s32 $0x108;
	_ =	swait.ge @!p0 [sflag:s8], $0x0  }
0x24: {  	s3 =	sadd.s32 $0x88, s3;
	s6 =	simm.s32 @!p1 $0x1082;
	[sflag:s4] =	ssyncset.s32 $0xFFFFF086  }
0x25: {  	[simem:s6], [sflag:s4] =	dma.local [hbm:s3], $0xF7A  }
0x26: {  	[smem:$0x3F86] =	sst s1;
	(tag) =	ssettag s2;
	_ =	strace s9  }
0x27: {  	s1 =	sld [smem:$0x3F96]  }
0x28: {  	s2 =	sld [smem:$0x3F97]  }
0x29: {  	s4 =	sld [smem:$0x3F99]  }
0x2a: {  	p0 =	seq.s32 s5, $0x0;
	s5 =	sld [smem:$0x3F9A]  }
0x2b: {  	s6 =	sld [smem:$0x3F9B]  }
0x2c: {  	s7 =	sld [smem:$0x3F9C]  }
0x2d: {  	s3 =	simm.s32 $0x108;
	s8 =	sld [smem:$0x3F9D]  }
0x2e: {  	s3 =	simm.s32 @!p0 $0x1082;
	s9 =	sld [smem:$0x3F9E]  }
0x2f: {  	lr =	sadd.s32 s0, s3;
	s0 =	sld [smem:$0x3F95]  }
0x30: {  	s3 =	sld [smem:$0x3F98]  }
0x31: {  	[smem:$0x3FA1] =	sst s10  }
0x32: {  	s10 =	sld [smem:$0x3F9F];
	_ =	sdelay $0x3  }
0x33: {  	p0 =	seq.s32 s10, $0x1;
	s10 =	sld [smem:$0x3FA1];
	_ =	sdelay $0x3  }
0x34: {  	[smem:$0x3FA1] =	sst s10  }
0x35: {  	s10 =	sld [smem:$0x3FA0];
	_ =	sdelay $0x3  }
0x36: {  	p1 =	seq.s32 s10, $0x1;
	s10 =	sld [smem:$0x3FA1];
	_ =	sdelay $0x3  }
0x37: {  	[smem:$0x3FA1] =	sst s10  }
0x38: {  	s10 =	sld [smem:$0x3FA2]  }
0x39: {  	_ = 	snop;
	(pc) =	sbr.ind lr, $3  }
0x3a: {  	_ = 	snop  }
0x3b: {  	_ = 	snop  }
0x3c: {  	p2 =	seq.s32 s10, $0x1;
	s10 =	sld [smem:$0x3FA1]  }
0x3d: {  	_ =	shalt  }
0x3e: {  	_ =	shalt  }
0x3f: {  	_ =	shalt  }
0x40: {  	_ =	shalt  }
0x41: {  	_ =	shalt  }
0x42: {  	_ =	shalt  }
0x43: {  	_ =	shalt  }
0x44: {  	_ =	shalt  }
0x45: {  	_ =	shalt  }
0x46: {  	_ =	shalt  }
0x47: {  	_ =	shalt  }
0x48: {  	_ =	shalt  }
0x49: {  	_ =	shalt  }
0x4a: {  	_ =	shalt  }
0x4b: {  	_ =	shalt  }
0x4c: {  	_ =	shalt  }
0x4d: {  	_ =	shalt  }
0x4e: {  	_ =	shalt  }
0x4f: {  	_ =	shalt  }
0x50: {  	_ =	shalt  }
0x51: {  	_ =	shalt  }
0x52: {  	_ =	shalt  }
0x53: {  	_ =	shalt  }
0x54: {  	_ =	shalt  }
0x55: {  	_ =	shalt  }
0x56: {  	_ =	shalt  }
0x57: {  	_ =	shalt  }
0x58: {  	_ =	shalt  }
0x59: {  	_ =	shalt  }
0x5a: {  	_ =	shalt  }
0x5b: {  	_ =	shalt  }
0x5c: {  	_ =	shalt  }
0x5d: {  	_ =	shalt  }
0x5e: {  	_ =	shalt  }
0x5f: {  	_ =	shalt  }
0x60: {  	_ =	shalt  }
0x61: {  	_ =	shalt  }
0x62: {  	_ =	shalt  }
0x63: {  	_ =	shalt  }
0x64: {  	_ =	shalt  }
0x65: {  	_ =	shalt  }
0x66: {  	_ =	shalt  }
0x67: {  	_ =	shalt  }
0x68: {  	_ =	shalt  }
0x69: {  	_ =	shalt  }
0x6a: {  	_ =	shalt  }
0x6b: {  	_ =	shalt  }
0x6c: {  	_ =	shalt  }
0x6d: {  	_ =	shalt  }
0x6e: {  	_ =	shalt  }
0x6f: {  	_ =	shalt  }
0x70: {  	_ =	shalt  }
0x71: {  	_ =	shalt  }
0x72: {  	_ =	shalt  }
0x73: {  	_ =	shalt  }
0x74: {  	_ =	shalt  }
0x75: {  	_ =	shalt  }
0x76: {  	_ =	shalt  }
0x77: {  	_ =	shalt  }
0x78: {  	_ =	shalt  }
0x79: {  	_ =	shalt  }
0x7a: {  	_ =	shalt  }
0x7b: {  	_ =	shalt  }
0x7c: {  	_ =	shalt  }
0x7d: {  	_ =	shalt  }
0x7e: {  	_ =	shalt  }
0x7f: {  	_ =	shalt  }
0x80: {  	_ =	shalt  }
0x81: {  	_ =	shalt  }
0x82: {  	_ =	shalt  }
0x83: {  	_ =	shalt  }
0x84: {  	_ =	shalt  }
0x85: {  	_ =	shalt  }
0x86: {  	_ =	shalt  }
0x87: {  	_ =	shalt  }
.Lfunc_end0:
.L_simem_size_0:
called_computation_lowered:
.L_overlay_start_0:
0x88: {  	s2 =	sld [smem:$0x3FD9]  }
0x89: {  	s3 =	sld [smem:$0x3FFE];
	_ =	sdelay $0x1  }
0x8a: {  	s1 =	srdreg.scid  }
0x8b: {  	s0 =	sand.u32 $0x1, s1  }
0x8c: {  	s17 =	sshll.u32 s0, $0xA;
	s2 =	sadd.s32 s3, s2  }
0x8d: {  	s2 =	sadd.s32 s2, s17  }
0x8e: {  	[smem:$0x3FAD] =	sst s2  }
0x8f: {  	_ = 	snop  }
0x90: {  	s2 =	sld [smem:$0x3FD0];
	(tm) =	ssettm $0x1  }
0x91: {  	s18 =	sld [smem:$0x3FFB];
	_ =	sdelay $0x3  }
0x92: {  	_ =	strace s18  }
0x93: {  	s3 =	sld [smem:$0x3FFC];
	_ =	sdelay $0x3  }
0x94: {  	_ =	strace s3  }
0x95: {  	s3 =	sld [smem:$0x3FFD];
	_ =	sdelay $0x3  }
0x96: {  	_ =	strace s3  }
0x97: {  	_ =	strace $0x8FFFFFFF  }
0x98: {  	s19 =	sld [smem:$0x3FDB];
	_ =	sdelay $0x1  }
0x99: {  	s4 =	simm.s32 $_scs_section_size  }
0x9a: {  	s5 =	simm.s32 $_size__tile_overlayer_lowered;
	s6 =	simm.s32 $_tile_overlayer_lowered  }
0x9b: {  	s22 =	simm.s32 $0x1BFF;
	s21 =	sshll.u32 s6, $0x1;
	s3 =	sadd.s32 s4, s19  }
0x9c: {  	s7 =	simm.s32 $0x0;
	s20 =	sshll.u32 s5, $0x1;
	s5 =	sadd.s32 s21, s3  }
0x9d: {  	[timem:s7], [sflag:s22] =	dma.local [hbm:s5], s20  }
0x9e: {  	_ =	swait.ge [sflag:s22], s20  }
0x9f: {  	s4 =	ssub.s32 $0x0, s20;
	[sflag:s22] =	ssyncset.done $0x0  }
0xa0: {  	[sflag:s22] =	ssyncadd.s32 s4;
	_ =	sdelay $0x1  }
0xa1: {  	s23 =	simm.s32 $0x1B8B  }
0xa2: {  	_ =	swait.ge [sflag:s23], $0x1  }
0xa3: {  	[sflag:s23] =	ssyncset.done $0x0  }
0xa4: {  	s25 =	simm.s32 $0x1B8E;
	s24 =	sld [smem:$0x3FFE];
	[sflag:s23] =	ssyncadd.s32 $0xFFFFFFFF  }
0xa5: {  	s26 =	simm.s32 $execute0_lowered;
	[smem:$0x3FD2] =	sst s25  }
0xa6: {  	s5 =	sshll.u32 s26, $0x1;
	_ =	strace $0x80000046;
	[dreg:$0x1] =	wrdreg $0xFFFFFFFF  }
0xa7: {  	s28 =	simm.s32 $_size_execute0_lowered;
	s3 =	sadd.s32 s3, s5;
	[dreg:$0x0] =	wrdreg $0x0  }
0xa8: {  	s5 =	sshll.u32 s28, $0x1;
	[dreg:$0x2] =	wrdreg s3  }
0xa9: {  	[dreg:$0x3] =	wrdreg s5  }
0xaa: {  	[dreg:$0x4] =	wrdreg $0xC0  }
0xab: {  	_ =	task [dreg:s7], $0x5FFFF  }
0xac: {  	[dreg:$0x1] =	wrdreg $0xFFFFFFFF  }
0xad: {  	[dreg:$0x0] =	wrdreg $0x60  }
0xae: {  	[dreg:$0x2] =	wrdreg s24  }
0xaf: {  	[dreg:$0x3] =	wrdreg s2  }
0xb0: {  	[dreg:$0x4] =	wrdreg $0x44000  }
0xb1: {  	[dreg:$0x5] =	wrdreg $0x9  }
0xb2: {  	_ =	task.clear_ibuf [dreg:s7], $0x6FFFF;
	_ =	strace $0x90000046  }
0xb3: {  	s29 =	simm.s32 $0x9;
	_ =	strace $0x80000048  }
0xb4: {  	_ =	swait.ge [sflag:s29], $0x1  }
0xb5: {  	[sflag:s29] =	ssyncadd.s32 $0xFFFFFFFF  }
0xb6: {  	_ =	strace $0x90000048  }
0xb7: {  	_ =	sfence  }
0xb8: {  	s30 =	sld [smem:$0x0];
	_ =	sdelay $0x2  }
0xb9: {  	s31 =	sshll.u32 s1, $0xD;
	s1 =	sshrl.u32 s1, $0x2  }
0xba: {  	s3 =	sand.u32 $0x4000, s31;
	s1 =	sadd.s32 s1, s30  }
0xbb: {  	s0 =	sor.u32 s3, s0;
	s1 =	sshll.u32 s1, $0x11  }
0xbc: {  	s0 =	sor.u32 s1, s0  }
0xbd: {  	s0 =	sadd.s32 $0x8F2B, s0  }
0xbe: {  	[sflag:s0] =	ssyncadd.remote.s32 $0x1  }
0xbf: {  	_ =	sfence.sel $0xFFFF  }
0xc0: {  	[dreg:$0x0] =	wrdreg $0xFFFFFFFF;
	(pc) =	sbr.abs _section_cstart, $3  }
0xc1: {  	[dreg:$0x1] =	wrdreg $0xFFFFFFFF  }
0xc2: {  	_ =	task.clear_ibuf [dreg:s7], $0x2FFFF;
	_ =	strace $0x9FFFFFFF  }
0xc3: {  	(tm) =	ssettm $0x7FFFFFFF  }
tec
execute0_lowered:
.L_overlay_start_1:
0x0: {  	(tag) =	ssettag $0x1  }
0x1: {  	s5 =	rddreg [dreg:$0x0]  }
0x2: {  	s2 =	rddreg [dreg:$0x1]  }
0x3: {  	s3 =	rddreg [dreg:$0x2]  }
0x4: {  	s1 =	stileid.u32;
	s0 =	rddreg [dreg:$0x3];
	s4 =	simm.s32 $0x0  }
0x5: {  	s8 =	srdreg.scid;
	s13 =	simm.s32 $0x69600;
	s15 =	simm.s32 $0x180  }
0x6: {  	s16 =	simm.s32 $0x200;
	s17 =	simm.s32 $0x280;
	s18 =	simm.s32 $0x300  }
0x7: {  	s19 =	simm.s32 $0x380;
	s20 =	simm.s32 $0x0;
	s6 =	smul.u32 $0xA00, s1  }
0x8: {  	s7 =	smul.u32 $0x2780, s1;
	[smem:$0x7FF] =	sst s4;
	s8 =	sand.u32 $0x1, s8  }
0x9: {  	s9 =	smul.u32 $0x4F000, s1;
	s30 =	sshll.u32 s1, $0x6;
	_ =	strace $0x80000047  }
0xa: {  	s25 =	ssub.s32 $0x2, s8;
	p0 =	seq.s32 s8, $0x1;
	s14 =	smul.u32 $0x500, s8  }
0xb: {  	s10 =	sadd.s32 s6, s5;
	s11 =	sadd.s32 s7, s5;
	s26 =	sshrl.u32 s25, $0x1  }
0xc: {  	s28 =	sshrl.u32 s9, $0x2;
	s6 =	sor.u32 $0x1C01, s30;
	s13 =	simm.s32 @!p0 $0x41E00  }
0xd: {  	s29 =	ssub.s32 s25, s26;
	s12 =	sadd.s32 s28, s3;
	s5 =	sadd.s32 $0x1A600, s11  }
0xe: {  	s8 =	sadd.s32 s13, s11;
	s31 =	sadd.s32 s14, s10;
	s11 =	simm.s32 $0x1  }
0xf: {  	s13 =	simm.s32 $0x80;
	s14 =	simm.s32 $0x100;
	s7 =	smax.u32 s29, $0x1  }
0x10: {  	s9 =	sadd.s32 $0x6600, s31;
	s10 =	sshrl.u32 s12, $0x3;
	s12 =	simm.s32 $0x400  }
.LBB2_1:
0x11: {  	[spmem:s10], [sflag:s6] =	dma.local [hbm:s5], $0x2780  }
0x12: {  	_ =	swait.ge [sflag:s11], $0x2780  }
0x13: {  	[sflag:s11] =	ssyncset.done $0x0  }
0x14: {  	[sflag:s11] =	ssyncadd.s32 $0xFFFFD880  }
0x15: {  	[tilespmem:s12], [sflag:$0x1] =	stream.linear.gather [hbm4b:s2+s4], $0x4000, $0x38;
	[tilespmem:$0x18000] =	vst v63  }
0x16: {  	_ =	swait.ge [sflag:s11], $0x4000  }
0x17: {  	[sflag:s11] =	ssyncset.done $0x0  }
0x18: {  	[sflag:s11] =	ssyncadd.s32 $0xFFFFC000  }
0x19: {  	s21 =	sadd.s32 $0x0, s9;
	[bflag:$0x0] =	sbarrier.arrive $0xFFFF  }
0x1a: {  	[tilespmem:s4], [sflag:$0x1] =	stream.linear.gather [hbm4b:s21+s4], $0x400, $0x38;
	[tilespmem:$0x18000] =	vst v63  }
0x1b: {  	_ =	swait.ge [sflag:s11], $0x400  }
0x1c: {  	[sflag:s11] =	ssyncset.done $0x0  }
0x1d: {  	[sflag:s11] =	ssyncadd.s32 $0xFFFFFC00  }
0x1e: {  	[spmem:s3] =	stream.indirect.scatter.add.f32 [tilespmem:s12], [sflag:$0x1], $0x80, s4, s13, $0xb8;
	[tilespmem:$0x18000] =	vst v63  }
0x1f: {  	_ =	swait.ge [sflag:s11], $0x4000  }
0x20: {  	[sflag:s11] =	ssyncset.done $0x0  }
0x21: {  	[sflag:s11] =	ssyncadd.s32 $0xFFFFC000  }
0x22: {  	[spmem:s3] =	stream.indirect.scatter.add.f32 [tilespmem:s12], [sflag:$0x1], $0x80, s13, s13, $0xb8;
	[tilespmem:$0x18000] =	vst v63  }
0x23: {  	_ =	swait.ge [sflag:s11], $0x4000  }
0x24: {  	[sflag:s11] =	ssyncset.done $0x0  }
0x25: {  	[sflag:s11] =	ssyncadd.s32 $0xFFFFC000  }
0x26: {  	[spmem:s3] =	stream.indirect.scatter.add.f32 [tilespmem:s12], [sflag:$0x1], $0x80, s14, s13, $0xb8;
	[tilespmem:$0x18000] =	vst v63  }
0x27: {  	_ =	swait.ge [sflag:s11], $0x4000  }
0x28: {  	[sflag:s11] =	ssyncset.done $0x0  }
0x29: {  	[sflag:s11] =	ssyncadd.s32 $0xFFFFC000  }
0x2a: {  	[spmem:s3] =	stream.indirect.scatter.add.f32 [tilespmem:s12], [sflag:$0x1], $0x80, s15, s13, $0xb8;
	[tilespmem:$0x18000] =	vst v63  }
0x2b: {  	_ =	swait.ge [sflag:s11], $0x4000  }
0x2c: {  	[sflag:s11] =	ssyncset.done $0x0  }
0x2d: {  	[sflag:s11] =	ssyncadd.s32 $0xFFFFC000  }
0x2e: {  	[spmem:s3] =	stream.indirect.scatter.add.f32 [tilespmem:s12], [sflag:$0x1], $0x80, s16, s13, $0xb8;
	[tilespmem:$0x18000] =	vst v63  }
0x2f: {  	_ =	swait.ge [sflag:s11], $0x4000  }
0x30: {  	[sflag:s11] =	ssyncset.done $0x0  }
0x31: {  	[sflag:s11] =	ssyncadd.s32 $0xFFFFC000  }
0x32: {  	[spmem:s3] =	stream.indirect.scatter.add.f32 [tilespmem:s12], [sflag:$0x1], $0x80, s17, s13, $0xb8;
	[tilespmem:$0x18000] =	vst v63  }
0x33: {  	_ =	swait.ge [sflag:s11], $0x4000  }
0x34: {  	[sflag:s11] =	ssyncset.done $0x0  }
0x35: {  	[sflag:s11] =	ssyncadd.s32 $0xFFFFC000  }
0x36: {  	[spmem:s3] =	stream.indirect.scatter.add.f32 [tilespmem:s12], [sflag:$0x1], $0x80, s18, s13, $0xb8;
	[tilespmem:$0x18000] =	vst v63  }
0x37: {  	_ =	swait.ge [sflag:s11], $0x4000  }
0x38: {  	[sflag:s11] =	ssyncset.done $0x0  }
0x39: {  	[sflag:s11] =	ssyncadd.s32 $0xFFFFC000  }
0x3a: {  	[spmem:s3] =	stream.indirect.scatter.add.f32 [tilespmem:s12], [sflag:$0x1], $0x80, s19, s13, $0xb8;
	[tilespmem:$0x18000] =	vst v63  }
0x3b: {  	_ =	swait.ge [sflag:s11], $0x4000  }
0x3c: {  	s23 =	simm.s32 $0x100;
	s21 =	simm.s32 $0x80;
	[sflag:s11] =	ssyncset.done $0x0  }
.LBB2_2:
0x3d: {  	s24 =	sadd.s32 s21, s9  }
0x3e: {  	[sflag:s11] =	ssyncadd.s32 $0xFFFFC000;
	s21 =	smov.u32 s23;
	s22 =	sadd.s32 $0x80, s23  }
0x3f: {  	[tilespmem:s4], [sflag:$0x1] =	stream.linear.gather [hbm4b:s24+s4], $0x400, $0x38;
	[tilespmem:$0x18000] =	vst v63  }
0x40: {  	p0 =	sne.s32 s23, $0x480;
	_ =	swait.ge [sflag:s11], $0x400  }
0x41: {  	[sflag:s11] =	ssyncset.done $0x0  }
0x42: {  	[sflag:s11] =	ssyncadd.s32 $0xFFFFFC00  }
0x43: {  	[spmem:s3] =	stream.indirect.scatter.add.f32 [tilespmem:s12], [sflag:$0x1], $0x80, s4, s13, $0xb8;
	[tilespmem:$0x18000] =	vst v63  }
0x44: {  	_ =	swait.ge [sflag:s11], $0x4000  }
0x45: {  	[sflag:s11] =	ssyncset.done $0x0  }
0x46: {  	[sflag:s11] =	ssyncadd.s32 $0xFFFFC000  }
0x47: {  	[spmem:s3] =	stream.indirect.scatter.add.f32 [tilespmem:s12], [sflag:$0x1], $0x80, s13, s13, $0xb8;
	[tilespmem:$0x18000] =	vst v63  }
0x48: {  	_ =	swait.ge [sflag:s11], $0x4000  }
0x49: {  	[sflag:s11] =	ssyncset.done $0x0  }
0x4a: {  	[sflag:s11] =	ssyncadd.s32 $0xFFFFC000  }
0x4b: {  	[spmem:s3] =	stream.indirect.scatter.add.f32 [tilespmem:s12], [sflag:$0x1], $0x80, s14, s13, $0xb8;
	[tilespmem:$0x18000] =	vst v63  }
0x4c: {  	_ =	swait.ge [sflag:s11], $0x4000  }
0x4d: {  	[sflag:s11] =	ssyncset.done $0x0  }
0x4e: {  	[sflag:s11] =	ssyncadd.s32 $0xFFFFC000  }
0x4f: {  	[spmem:s3] =	stream.indirect.scatter.add.f32 [tilespmem:s12], [sflag:$0x1], $0x80, s15, s13, $0xb8;
	[tilespmem:$0x18000] =	vst v63  }
0x50: {  	_ =	swait.ge [sflag:s11], $0x4000  }
0x51: {  	[sflag:s11] =	ssyncset.done $0x0  }
0x52: {  	[sflag:s11] =	ssyncadd.s32 $0xFFFFC000  }
0x53: {  	[spmem:s3] =	stream.indirect.scatter.add.f32 [tilespmem:s12], [sflag:$0x1], $0x80, s16, s13, $0xb8;
	[tilespmem:$0x18000] =	vst v63  }
0x54: {  	_ =	swait.ge [sflag:s11], $0x4000  }
0x55: {  	[sflag:s11] =	ssyncset.done $0x0  }
0x56: {  	[sflag:s11] =	ssyncadd.s32 $0xFFFFC000  }
0x57: {  	[spmem:s3] =	stream.indirect.scatter.add.f32 [tilespmem:s12], [sflag:$0x1], $0x80, s17, s13, $0xb8;
	[tilespmem:$0x18000] =	vst v63  }
0x58: {  	_ =	swait.ge [sflag:s11], $0x4000  }
0x59: {  	[sflag:s11] =	ssyncset.done $0x0  }
0x5a: {  	[sflag:s11] =	ssyncadd.s32 $0xFFFFC000  }
0x5b: {  	[spmem:s3] =	stream.indirect.scatter.add.f32 [tilespmem:s12], [sflag:$0x1], $0x80, s18, s13, $0xb8;
	[tilespmem:$0x18000] =	vst v63  }
0x5c: {  	_ =	swait.ge [sflag:s11], $0x4000  }
.Ltmp0:
0x5d: {  	[sflag:s11] =	ssyncset.done $0x0;
	(pc) =	sbr.rel @p0 .LBB2_2-.Ltmp0, $4  }
0x5e: {  	[sflag:s11] =	ssyncadd.s32 $0xFFFFC000  }
0x5f: {  	[spmem:s3] =	stream.indirect.scatter.add.f32 [tilespmem:s12], [sflag:$0x1], $0x80, s19, s13, $0xb8;
	[tilespmem:$0x18000] =	vst v63  }
0x60: {  	_ =	swait.ge [sflag:s11], $0x4000  }
0x61: {  	s23 =	smov.u32 s22;
	[sflag:s11] =	ssyncset.done $0x0  }
0x62: {  	s21 =	sadd.s32 s21, s9;
	[sflag:s11] =	ssyncadd.s32 $0xFFFFC000  }
0x63: {  	[tilespmem:s4], [sflag:$0x1] =	stream.linear.gather [hbm4b:s21+s4], $0x400, $0x38;
	[tilespmem:$0x18000] =	vst v63  }
0x64: {  	_ =	swait.ge [sflag:s11], $0x400  }
0x65: {  	[sflag:s11] =	ssyncset.done $0x0  }
0x66: {  	[sflag:s11] =	ssyncadd.s32 $0xFFFFFC00  }
0x67: {  	[spmem:s3] =	stream.indirect.scatter.add.f32 [tilespmem:s12], [sflag:$0x1], $0x80, s4, s13, $0xb8;
	[tilespmem:$0x18000] =	vst v63  }
0x68: {  	_ =	swait.ge [sflag:s11], $0x4000  }
0x69: {  	[sflag:s11] =	ssyncset.done $0x0  }
0x6a: {  	[sflag:s11] =	ssyncadd.s32 $0xFFFFC000  }
0x6b: {  	[spmem:s3] =	stream.indirect.scatter.add.f32 [tilespmem:s12], [sflag:$0x1], $0x80, s13, s13, $0xb8;
	[tilespmem:$0x18000] =	vst v63  }
0x6c: {  	_ =	swait.ge [sflag:s11], $0x4000  }
0x6d: {  	[sflag:s11] =	ssyncset.done $0x0  }
0x6e: {  	[sflag:s11] =	ssyncadd.s32 $0xFFFFC000  }
0x6f: {  	[spmem:s3] =	stream.indirect.scatter.add.f32 [tilespmem:s12], [sflag:$0x1], $0x80, s14, s13, $0xb8;
	[tilespmem:$0x18000] =	vst v63  }
0x70: {  	_ =	swait.ge [sflag:s11], $0x4000  }
0x71: {  	[sflag:s11] =	ssyncset.done $0x0  }
0x72: {  	[sflag:s11] =	ssyncadd.s32 $0xFFFFC000  }
0x73: {  	[spmem:s3] =	stream.indirect.scatter.add.f32 [tilespmem:s12], [sflag:$0x1], $0x80, s15, s13, $0xb8;
	[tilespmem:$0x18000] =	vst v63  }
0x74: {  	_ =	swait.ge [sflag:s11], $0x4000  }
0x75: {  	[sflag:s11] =	ssyncset.done $0x0  }
0x76: {  	[sflag:s11] =	ssyncadd.s32 $0xFFFFC000  }
0x77: {  	[spmem:s3] =	stream.indirect.scatter.add.f32 [tilespmem:s12], [sflag:$0x1], $0x80, s16, s13, $0xb8;
	[tilespmem:$0x18000] =	vst v63  }
0x78: {  	_ =	swait.ge [sflag:s11], $0x4000  }
0x79: {  	[sflag:s11] =	ssyncset.done $0x0  }
0x7a: {  	[sflag:s11] =	ssyncadd.s32 $0xFFFFC000  }
0x7b: {  	[spmem:s3] =	stream.indirect.scatter.add.f32 [tilespmem:s12], [sflag:$0x1], $0x80, s17, s13, $0xb8;
	[tilespmem:$0x18000] =	vst v63  }
0x7c: {  	_ =	swait.ge [sflag:s11], $0x4000  }
0x7d: {  	[sflag:s11] =	ssyncset.done $0x0  }
0x7e: {  	[sflag:s11] =	ssyncadd.s32 $0xFFFFC000  }
0x7f: {  	[spmem:s3] =	stream.indirect.scatter.add.f32 [tilespmem:s12], [sflag:$0x1], $0x80, s18, s13, $0xb8;
	[tilespmem:$0x18000] =	vst v63  }
0x80: {  	_ =	swait.ge [sflag:s11], $0x4000  }
0x81: {  	[sflag:s11] =	ssyncset.done $0x0  }
0x82: {  	[sflag:s11] =	ssyncadd.s32 $0xFFFFC000  }
0x83: {  	[spmem:s3] =	stream.indirect.scatter.add.f32 [tilespmem:s12], [sflag:$0x1], $0x80, s19, s13, $0xb8;
	[tilespmem:$0x18000] =	vst v63  }
0x84: {  	_ =	swait.ge [sflag:s11], $0x4000  }
0x85: {  	s20 =	sadd.s32 $0x1, s20;
	[sflag:s11] =	ssyncset.done $0x0  }
0x86: {  	p0 =	sne.s32 s20, s7;
	[sflag:s11] =	ssyncadd.s32 $0xFFFFC000  }
.Ltmp1:
0x87: {  	[bflag:$0x0] =	sbarrier.arrive $0xFFFF;
	(pc) =	sbr.rel @p0 .LBB2_1-.Ltmp1, $4  }
0x88: {  	[hbm:s8], [sflag:s6] =	dma.local [spmem:s10], $0x2780  }
0x89: {  	_ =	swait.ge [sflag:s11], $0x2780  }
0x8a: {  	[sflag:s11] =	ssyncset.done $0x0  }
0x8b: {  	[sflag:s11] =	ssyncadd.s32 $0xFFFFD880  }
0x8c: {  	_ =	sfence.sel $0x180000  }
0x8d: {  	[bflag:$0x0] =	sbarrier.arrive $0xFFFF  }
0x8e: {  	p0 =	sne.s32 s1, $0x0;
	_ =	strace $0x90000047  }
0x8f: {  	s0 =	sadd.s32 @!p0 $0x100000, s0;
	[bflag:$0x2] =	sbarrier.arrive $0xFFFF  }
0x90: {  	[sflag:s0] =	ssyncadd.tile.s32 @!p0 $0x1;
	_ =	shalt  }
.Lfunc_end2:
_tile_overlayer_lowered:
.L_overlay_start_2:
0x91: {  	(tag) =	ssettag $0x2  }
0x92: {  	s0 =	rddreg [dreg:$0x0];
	s2 =	stileid.u32  }
0x93: {  	s1 =	rddreg [dreg:$0x1];
	p0 =	sne.s32 s2, $0x0  }
0x94: {  	s3 =	rddreg [dreg:$0x2];
	[bflag:$0x3] =	sbarrier.arrive $0xFFFF;
	s2 =	simm.s32 @!p0 $0x1C01  }
0x95: {  	[timem:s3], [sflag:s2] =	dma.local @!p0 [hbm:s0], s1  }
0x96: {  	s0 =	simm.s32 @!p0 $0x1  }
0x97: {  	_ =	swait.ge @!p0 [sflag:s0], s1  }
0x98: {  	s1 =	ssub.s32 @!p0 $0x0, s1;
	[sflag:s0] =	ssyncset.done @!p0 $0x0  }
0x99: {  	[sflag:s0] =	ssyncadd.s32 @!p0 s1  }
0x9a: {  	[bflag:$0x3] =	sbarrier.arrive $0xFFFF  }
0x9b: {  	_ =	shalt  }

// kernel: kernel.15.cloned.1.call-start
scs
__scs_entry_jumppad:
0x0: {  	(pc) =	sbr.rel $0x88, $3  }
0x1: {  	(tag) =	ssettag $0x0;
	lr =	simm.s32 $0x1  }
0x2: {  	[smem:$0x3F86] =	sst lr;
	_ =	strace $0xD0000000  }
0x3: {  	_ = 	snop  }
0x4: {  	_ = 	snop  }
0x5: {  	_ = 	snop  }
0x6: {  	_ = 	snop  }
0x7: {  	_ = 	snop  }
__scs_overlays_trampoline_lowered:
0x8: {  	[smem:$0x3F95] =	sst s0  }
0x9: {  	[smem:$0x3F96] =	sst s1  }
0xa: {  	[smem:$0x3F97] =	sst s2  }
0xb: {  	[smem:$0x3F98] =	sst s3  }
0xc: {  	[smem:$0x3F99] =	sst s4  }
0xd: {  	[smem:$0x3F9A] =	sst s5  }
0xe: {  	[smem:$0x3F9B] =	sst s6  }
0xf: {  	[smem:$0x3F9C] =	sst s7  }
0x10: {  	[smem:$0x3F9D] =	sst s8  }
0x11: {  	[smem:$0x3F9E] =	sst s9;
	s0 =	simm.s32 @!p0 $0x0  }
0x12: {  	s1 =	sld [smem:$0x3F84];
	s0 =	simm.s32 @p0 $0x1  }
0x13: {  	[smem:$0x3F9F] =	sst s0;
	s0 =	simm.s32 @!p1 $0x0  }
0x14: {  	s2 =	sld [smem:$0x3F83];
	s0 =	simm.s32 @p1 $0x1  }
0x15: {  	[smem:$0x3FA0] =	sst s0;
	s0 =	simm.s32 @!p2 $0x0  }
0x16: {  	s3 =	sld [smem:$0x3FDB];
	s0 =	simm.s32 @p2 $0x1  }
0x17: {  	s4 =	simm.s32 $0x1BF5;
	[smem:$0x3FA2] =	sst s0  }
0x18: {  	s0 =	sld [smem:$0x3F85];
	_ =	swait.ge [sflag:s4], $0x0  }
0x19: {  	s7 =	sld [smem:$0x3F86]  }
0x1a: {  	s8 =	sadd.s32 $0xFFFFE003, lr  }
0x1b: {  	s9 =	sadd.s32 $0xFFFFFEF7, lr;
	s5 =	simm.s32 $0xFFFFFFFF;
	p2 =	slt.u32 s8, $0xFFFFF086  }
0x1c: {  	p1 =	slt.u32 s9, $0xF7A;
	s5 =	simm.s32 @!p2 $0x0  }
0x1d: {  	s5 =	simm.s32 @p1 $0x1;
	p0 =	seq.s32 s7, s2  }
0x1e: {  	s7 =	smul.u32 @!p0 $0xF7A, s2;
	p2 =	seq.s32 @!p0 s5, $0x0  }
0x1f: {  	s9 =	smul.u32 $0xF7A, s1;
	s8 =	simm.s32 @!p0 $0x1BF5;
	p2 =	por !p2, p0  }
0x20: {  	[sflag:s8] =	ssyncset.s32 @!p0 $0xFFFFF086;
	s6 =	sadd.s32 @!p0 s3, s7;
	s7 =	simm.s32 @!p0 $0x108  }
0x21: {  	s3 =	sadd.s32 s3, s9;
	s6 =	sadd.s32 @!p0 $0x88, s6;
	s7 =	simm.s32 @p2 $0x1082  }
0x22: {  	[simem:s7], [sflag:s8] =	dma.local @!p0 [hbm:s6], $0xF7A  }
0x23: {  	s9 =	sor.u32 $0xD0000000, s2;
	s6 =	simm.s32 $0x108;
	_ =	swait.ge @!p0 [sflag:s8], $0x0  }
0x24: {  	s3 =	sadd.s32 $0x88, s3;
	s6 =	simm.s32 @!p1 $0x1082;
	[sflag:s4] =	ssyncset.s32 $0xFFFFF086  }
0x25: {  	[simem:s6], [sflag:s4] =	dma.local [hbm:s3], $0xF7A  }
0x26: {  	[smem:$0x3F86] =	sst s1;
	(tag) =	ssettag s2;
	_ =	strace s9  }
0x27: {  	s1 =	sld [smem:$0x3F96]  }
0x28: {  	s2 =	sld [smem:$0x3F97]  }
0x29: {  	s4 =	sld [smem:$0x3F99]  }
0x2a: {  	p0 =	seq.s32 s5, $0x0;
	s5 =	sld [smem:$0x3F9A]  }
0x2b: {  	s6 =	sld [smem:$0x3F9B]  }
0x2c: {  	s7 =	sld [smem:$0x3F9C]  }
0x2d: {  	s3 =	simm.s32 $0x108;
	s8 =	sld [smem:$0x3F9D]  }
0x2e: {  	s3 =	simm.s32 @!p0 $0x1082;
	s9 =	sld [smem:$0x3F9E]  }
0x2f: {  	lr =	sadd.s32 s0, s3;
	s0 =	sld [smem:$0x3F95]  }
0x30: {  	s3 =	sld [smem:$0x3F98]  }
0x31: {  	[smem:$0x3FA1] =	sst s10  }
0x32: {  	s10 =	sld [smem:$0x3F9F];
	_ =	sdelay $0x3  }
0x33: {  	p0 =	seq.s32 s10, $0x1;
	s10 =	sld [smem:$0x3FA1];
	_ =	sdelay $0x3  }
0x34: {  	[smem:$0x3FA1] =	sst s10  }
0x35: {  	s10 =	sld [smem:$0x3FA0];
	_ =	sdelay $0x3  }
0x36: {  	p1 =	seq.s32 s10, $0x1;
	s10 =	sld [smem:$0x3FA1];
	_ =	sdelay $0x3  }
0x37: {  	[smem:$0x3FA1] =	sst s10  }
0x38: {  	s10 =	sld [smem:$0x3FA2]  }
0x39: {  	_ = 	snop;
	(pc) =	sbr.ind lr, $3  }
0x3a: {  	_ = 	snop  }
0x3b: {  	_ = 	snop  }
0x3c: {  	p2 =	seq.s32 s10, $0x1;
	s10 =	sld [smem:$0x3FA1]  }
0x3d: {  	_ =	shalt  }
0x3e: {  	_ =	shalt  }
0x3f: {  	_ =	shalt  }
0x40: {  	_ =	shalt  }
0x41: {  	_ =	shalt  }
0x42: {  	_ =	shalt  }
0x43: {  	_ =	shalt  }
0x44: {  	_ =	shalt  }
0x45: {  	_ =	shalt  }
0x46: {  	_ =	shalt  }
0x47: {  	_ =	shalt  }
0x48: {  	_ =	shalt  }
0x49: {  	_ =	shalt  }
0x4a: {  	_ =	shalt  }
0x4b: {  	_ =	shalt  }
0x4c: {  	_ =	shalt  }
0x4d: {  	_ =	shalt  }
0x4e: {  	_ =	shalt  }
0x4f: {  	_ =	shalt  }
0x50: {  	_ =	shalt  }
0x51: {  	_ =	shalt  }
0x52: {  	_ =	shalt  }
0x53: {  	_ =	shalt  }
0x54: {  	_ =	shalt  }
0x55: {  	_ =	shalt  }
0x56: {  	_ =	shalt  }
0x57: {  	_ =	shalt  }
0x58: {  	_ =	shalt  }
0x59: {  	_ =	shalt  }
0x5a: {  	_ =	shalt  }
0x5b: {  	_ =	shalt  }
0x5c: {  	_ =	shalt  }
0x5d: {  	_ =	shalt  }
0x5e: {  	_ =	shalt  }
0x5f: {  	_ =	shalt  }
0x60: {  	_ =	shalt  }
0x61: {  	_ =	shalt  }
0x62: {  	_ =	shalt  }
0x63: {  	_ =	shalt  }
0x64: {  	_ =	shalt  }
0x65: {  	_ =	shalt  }
0x66: {  	_ =	shalt  }
0x67: {  	_ =	shalt  }
0x68: {  	_ =	shalt  }
0x69: {  	_ =	shalt  }
0x6a: {  	_ =	shalt  }
0x6b: {  	_ =	shalt  }
0x6c: {  	_ =	shalt  }
0x6d: {  	_ =	shalt  }
0x6e: {  	_ =	shalt  }
0x6f: {  	_ =	shalt  }
0x70: {  	_ =	shalt  }
0x71: {  	_ =	shalt  }
0x72: {  	_ =	shalt  }
0x73: {  	_ =	shalt  }
0x74: {  	_ =	shalt  }
0x75: {  	_ =	shalt  }
0x76: {  	_ =	shalt  }
0x77: {  	_ =	shalt  }
0x78: {  	_ =	shalt  }
0x79: {  	_ =	shalt  }
0x7a: {  	_ =	shalt  }
0x7b: {  	_ =	shalt  }
0x7c: {  	_ =	shalt  }
0x7d: {  	_ =	shalt  }
0x7e: {  	_ =	shalt  }
0x7f: {  	_ =	shalt  }
0x80: {  	_ =	shalt  }
0x81: {  	_ =	shalt  }
0x82: {  	_ =	shalt  }
0x83: {  	_ =	shalt  }
0x84: {  	_ =	shalt  }
0x85: {  	_ =	shalt  }
0x86: {  	_ =	shalt  }
0x87: {  	_ =	shalt  }
.Lfunc_end0:
.L_simem_size_0:
called_computation.1_lowered:
.L_overlay_start_0:
0x88: {  	s2 =	sld [smem:$0x3FD9]  }
0x89: {  	s3 =	sld [smem:$0x3FFE];
	_ =	sdelay $0x1  }
0x8a: {  	s1 =	srdreg.scid  }
0x8b: {  	s0 =	sand.u32 $0x1, s1  }
0x8c: {  	s17 =	sshll.u32 s0, $0xA;
	s2 =	sadd.s32 s3, s2  }
0x8d: {  	s2 =	sadd.s32 s2, s17  }
0x8e: {  	[smem:$0x3FAD] =	sst s2  }
0x8f: {  	_ = 	snop  }
0x90: {  	(tm) =	ssettm $0x1  }
0x91: {  	s18 =	sld [smem:$0x3FFB];
	_ =	sdelay $0x3  }
0x92: {  	_ =	strace s18  }
0x93: {  	s2 =	sld [smem:$0x3FFC];
	_ =	sdelay $0x3  }
0x94: {  	_ =	strace s2  }
0x95: {  	s2 =	sld [smem:$0x3FFD];
	_ =	sdelay $0x3  }
0x96: {  	_ =	strace s2  }
0x97: {  	_ =	strace $0x8FFFFFFF  }
0x98: {  	s19 =	sld [smem:$0x3FDB];
	_ =	sdelay $0x1  }
0x99: {  	s20 =	simm.s32 $_scs_section_size  }
0x9a: {  	s4 =	simm.s32 $_size__tile_overlayer_lowered;
	s5 =	simm.s32 $_tile_overlayer_lowered  }
0x9b: {  	s6 =	simm.s32 $0x1BFF;
	s21 =	sshll.u32 s5, $0x1;
	s3 =	sadd.s32 s20, s19  }
0x9c: {  	s22 =	simm.s32 $0x0;
	s4 =	sshll.u32 s4, $0x1;
	s5 =	sadd.s32 s21, s3  }
0x9d: {  	[timem:s22], [sflag:s6] =	dma.local [hbm:s5], s4  }
0x9e: {  	_ =	swait.ge [sflag:s6], s4  }
0x9f: {  	s4 =	ssub.s32 $0x0, s4;
	[sflag:s6] =	ssyncset.done $0x0  }
0xa0: {  	[sflag:s6] =	ssyncadd.s32 s4;
	_ =	sdelay $0x1  }
0xa1: {  	s23 =	simm.s32 $0x1B8B  }
0xa2: {  	_ =	swait.ge [sflag:s23], $0x1  }
0xa3: {  	[sflag:s23] =	ssyncset.done $0x0  }
0xa4: {  	[sflag:s23] =	ssyncadd.s32 $0xFFFFFFFF  }
0xa5: {  	s4 =	sld [smem:$0x0]  }
0xa6: {  	s5 =	sand.u32 $0xFFFFFFFE, s1  }
0xa7: {  	p0 =	sne.s32 s1, s5  }
0xa8: {  	s5 =	sshll.u32 @p0 s5, $0xE  }
0xa9: {  	s5 =	sadd.s32 @p0 $0x11B8D, s5;
	s6 =	sshll.u32 @p0 s4, $0x11  }
0xaa: {  	s5 =	sor.u32 @p0 s6, s5  }
0xab: {  	[sflag:s5] =	ssyncadd.remote.s32 @p0 $0x1;
	_ =	sdelay $0x1  }
0xac: {  	s5 =	simm.s32 @p0 $0x1B8D  }
0xad: {  	_ =	swait.eq @p0 [sflag:s5], $0x1  }
0xae: {  	[sflag:s5] =	ssyncadd.s32 @p0 $0xFFFFFFFF  }
0xaf: {  	s6 =	sshll.u32 @!p0 s1, $0xE  }
0xb0: {  	s6 =	sor.u32 @!p0 $0x4000, s6;
	s5 =	simm.s32 @!p0 $0x1B8D  }
0xb1: {  	s4 =	sshll.u32 @!p0 s4, $0x11;
	s6 =	sadd.s32 @!p0 $0x11B8D, s6;
	_ =	swait.eq @!p0 [sflag:s5], $0x1  }
0xb2: {  	s4 =	sor.u32 @!p0 s4, s6;
	[sflag:s5] =	ssyncadd.s32 @!p0 $0xFFFFFFFF  }
0xb3: {  	s25 =	simm.s32 $0x1B8E;
	s24 =	sld [smem:$0x3FFE];
	[sflag:s4] =	ssyncadd.remote.s32 @!p0 $0x1  }
0xb4: {  	s26 =	simm.s32 $execute0_lowered;
	[smem:$0x3FD2] =	sst s25  }
0xb5: {  	s5 =	sshll.u32 s26, $0x1;
	_ =	strace $0x80000049;
	[dreg:$0x1] =	wrdreg $0xFFFFFFFF  }
0xb6: {  	s28 =	simm.s32 $_size_execute0_lowered;
	s3 =	sadd.s32 s3, s5;
	[dreg:$0x0] =	wrdreg $0x0  }
0xb7: {  	s5 =	sshll.u32 s28, $0x1;
	[dreg:$0x2] =	wrdreg s3  }
0xb8: {  	[dreg:$0x3] =	wrdreg s5  }
0xb9: {  	[dreg:$0x4] =	wrdreg $0xC0  }
0xba: {  	_ =	task [dreg:s22], $0x5FFFF  }
0xbb: {  	[dreg:$0x1] =	wrdreg $0xFFFFFFFF  }
0xbc: {  	[dreg:$0x0] =	wrdreg $0x60  }
0xbd: {  	[dreg:$0x2] =	wrdreg s24  }
0xbe: {  	[dreg:$0x3] =	wrdreg $0x85000  }
0xbf: {  	[dreg:$0x4] =	wrdreg $0xA  }
0xc0: {  	_ =	task.clear_ibuf [dreg:s22], $0x5FFFF;
	_ =	strace $0x90000049  }
0xc1: {  	s29 =	simm.s32 $0xA;
	_ =	strace $0x8000004B  }
0xc2: {  	_ =	swait.ge [sflag:s29], $0x1  }
0xc3: {  	[sflag:s29] =	ssyncadd.s32 $0xFFFFFFFF  }
0xc4: {  	_ =	strace $0x9000004B  }
0xc5: {  	_ =	sfence  }
0xc6: {  	s30 =	sld [smem:$0x0];
	_ =	sdelay $0x2  }
0xc7: {  	s31 =	sshll.u32 s1, $0xD;
	s1 =	sshrl.u32 s1, $0x2  }
0xc8: {  	s4 =	sand.u32 $0x4000, s31;
	s1 =	sadd.s32 s1, s30  }
0xc9: {  	s0 =	sor.u32 s4, s0;
	s1 =	sshll.u32 s1, $0x11  }
0xca: {  	s0 =	sor.u32 s1, s0  }
0xcb: {  	s0 =	sadd.s32 $0x8F2B, s0  }
0xcc: {  	[sflag:s0] =	ssyncadd.remote.s32 $0x1  }
0xcd: {  	_ =	sfence.sel $0xFFFF  }
0xce: {  	[dreg:$0x0] =	wrdreg $0xFFFFFFFF;
	(pc) =	sbr.abs _section_cstart, $3  }
0xcf: {  	[dreg:$0x1] =	wrdreg $0xFFFFFFFF  }
0xd0: {  	_ =	task.clear_ibuf [dreg:s22], $0x2FFFF;
	_ =	strace $0x9FFFFFFF  }
0xd1: {  	(tm) =	ssettm $0x7FFFFFFF  }
tec
execute0_lowered:
.L_overlay_start_1:
0x0: {  	(tag) =	ssettag $0x1  }
0x1: {  	s5 =	rddreg [dreg:$0x0]  }
0x2: {  	s2 =	rddreg [dreg:$0x1]  }
0x3: {  	s3 =	simm.s32 $0x0;
	s1 =	stileid.u32;
	s4 =	srdreg.scid  }
0x4: {  	s13 =	simm.s32 $0xE9800;
	s15 =	simm.s32 $0x4500;
	s16 =	simm.s32 $0x400  }
0x5: {  	s17 =	simm.s32 $0x1;
	s18 =	simm.s32 $0x100;
	s19 =	simm.s32 $0x480  }
0x6: {  	s20 =	simm.s32 $0x2;
	s21 =	simm.s32 $0x180;
	s22 =	simm.s32 $0x200  }
0x7: {  	s23 =	simm.s32 $0x280;
	s24 =	simm.s32 $0x300;
	s6 =	smul.u32 $0xA00, s1  }
0x8: {  	s25 =	simm.s32 $0x380;
	[smem:$0x7FF] =	sst s3;
	s7 =	smul.u32 $0x2780, s1  }
0x9: {  	s8 =	sand.u32 $0x1, s4;
	s9 =	smul.u32 $0x4F000, s1;
	s4 =	sadd.s32 $0x90E00, s5  }
0xa: {  	s31 =	sshll.u32 s1, $0x6;
	_ =	strace $0x8000004A;
	s26 =	ssub.s32 $0x2, s8  }
0xb: {  	p0 =	seq.s32 s8, $0x1;
	s14 =	smul.u32 $0x500, s8;
	s10 =	sadd.s32 s6, s5  }
0xc: {  	s11 =	sadd.s32 s7, s5;
	s28 =	sshrl.u32 s26, $0x1;
	s29 =	sshrl.u32 s9, $0x2  }
0xd: {  	s6 =	sor.u32 $0x1C03, s31;
	s13 =	simm.s32 @!p0 $0xC2000;
	s30 =	ssub.s32 s26, s28  }
0xe: {  	s12 =	sadd.s32 s29, s2;
	s5 =	sadd.s32 $0x1A600, s11;
	s8 =	sadd.s32 s13, s11  }
0xf: {  	s10 =	sadd.s32 s14, s10;
	s13 =	simm.s32 $0x80;
	s14 =	simm.s32 $0x500  }
0x10: {  	s26 =	simm.s32 $0x0;
	s7 =	smax.u32 s30, $0x1;
	s9 =	sadd.s32 $0x10600, s10  }
0x11: {  	s10 =	sadd.s32 $0xB8000, s10;
	s11 =	sshrl.u32 s12, $0x3;
	s12 =	simm.s32 $0x3  }
.LBB2_1:
0x12: {  	[spmem:s11], [sflag:s6] =	dma.local [hbm:s5], $0x2780  }
0x13: {  	_ =	swait.ge [sflag:s12], $0x2780  }
0x14: {  	[sflag:s12] =	ssyncset.done $0x0  }
0x15: {  	[sflag:s12] =	ssyncadd.s32 $0xFFFFD880  }
0x16: {  	s28 =	sadd.s32 $0x0, s10;
	[bflag:$0x0] =	sbarrier.arrive $0xFFFF  }
0x17: {  	[tilespmem:s3], [sflag:$0x3] =	stream.linear.gather [hbm4b:s28+s3], $0x400, $0x38;
	[tilespmem:$0x1C100] =	vst v63  }
0x18: {  	_ =	swait.ge [sflag:s12], $0x400  }
0x19: {  	[sflag:s12] =	ssyncset.done $0x0  }
0x1a: {  	[sflag:s12] =	ssyncadd.s32 $0xFFFFFC00  }
0x1b: {  	[tilespmem:s14], [sflag:$0x1] =	stream.indirect.gather [hbm4b:s4+s13], $0x80, s3, s13, $0xb8;
	[tilespmem:$0x1C100] =	vst v63  }
0x1c: {  	_ = 	snop  }
0x1d: {  	[tilespmem:s15], [sflag:$0x2] =	stream.indirect.gather [hbm4b:s4+s13], $0x80, s13, s13, $0xb8;
	[tilespmem:$0x1C100] =	vst v63  }
0x1e: {  	s28 =	sadd.s32 $0x0, s9  }
0x1f: {  	[tilespmem:s16], [sflag:$0x3] =	stream.linear.gather [hbm4b:s28+s3], $0x80, $0x38;
	[tilespmem:$0x1C100] =	vst v63  }
0x20: {  	_ =	swait.ge [sflag:s12], $0x80  }
0x21: {  	[sflag:s12] =	ssyncset.done $0x0  }
0x22: {  	[sflag:s12] =	ssyncadd.s32 $0xFFFFFF80  }
0x23: {  	_ =	swait.ge [sflag:s17], $0x4000  }
0x24: {  	[sflag:s17] =	ssyncset.done $0x0  }
0x25: {  	[sflag:s17] =	ssyncadd.s32 $0xFFFFC000  }
0x26: {  	[spmem:s2] =	stream.indirect.scatter.add.f32 [tilespmem:s14], [sflag:$0x3], $0x80, s16, s13, $0xb8;
	[tilespmem:$0x1C100] =	vst v63  }
0x27: {  	_ =	swait.ge [sflag:s12], $0x4000  }
0x28: {  	[sflag:s12] =	ssyncset.done $0x0  }
0x29: {  	[sflag:s12] =	ssyncadd.s32 $0xFFFFC000  }
0x2a: {  	[tilespmem:s14], [sflag:$0x1] =	stream.indirect.gather [hbm4b:s4+s13], $0x80, s18, s13, $0xb8;
	[tilespmem:$0x1C100] =	vst v63  }
0x2b: {  	s29 =	sadd.s32 $0x10, s28  }
0x2c: {  	[tilespmem:s19], [sflag:$0x3] =	stream.linear.gather [hbm4b:s29+s3], $0x80, $0x38;
	[tilespmem:$0x1C100] =	vst v63  }
0x2d: {  	_ =	swait.ge [sflag:s12], $0x80  }
0x2e: {  	[sflag:s12] =	ssyncset.done $0x0  }
0x2f: {  	[sflag:s12] =	ssyncadd.s32 $0xFFFFFF80  }
0x30: {  	_ =	swait.ge [sflag:s20], $0x4000  }
0x31: {  	[sflag:s20] =	ssyncset.done $0x0  }
0x32: {  	[sflag:s20] =	ssyncadd.s32 $0xFFFFC000  }
0x33: {  	[spmem:s2] =	stream.indirect.scatter.add.f32 [tilespmem:s15], [sflag:$0x3], $0x80, s19, s13, $0xb8;
	[tilespmem:$0x1C100] =	vst v63  }
0x34: {  	_ =	swait.ge [sflag:s12], $0x4000  }
0x35: {  	[sflag:s12] =	ssyncset.done $0x0  }
0x36: {  	[sflag:s12] =	ssyncadd.s32 $0xFFFFC000  }
0x37: {  	[tilespmem:s15], [sflag:$0x2] =	stream.indirect.gather [hbm4b:s4+s13], $0x80, s21, s13, $0xb8;
	[tilespmem:$0x1C100] =	vst v63  }
0x38: {  	s31 =	sadd.s32 $0x20, s28  }
0x39: {  	[tilespmem:s16], [sflag:$0x3] =	stream.linear.gather [hbm4b:s31+s3], $0x80, $0x38;
	[tilespmem:$0x1C100] =	vst v63  }
0x3a: {  	_ =	swait.ge [sflag:s12], $0x80  }
0x3b: {  	[sflag:s12] =	ssyncset.done $0x0  }
0x3c: {  	[sflag:s12] =	ssyncadd.s32 $0xFFFFFF80  }
0x3d: {  	_ =	swait.ge [sflag:s17], $0x4000  }
0x3e: {  	[sflag:s17] =	ssyncset.done $0x0  }
0x3f: {  	[sflag:s17] =	ssyncadd.s32 $0xFFFFC000  }
0x40: {  	[spmem:s2] =	stream.indirect.scatter.add.f32 [tilespmem:s14], [sflag:$0x3], $0x80, s16, s13, $0xb8;
	[tilespmem:$0x1C100] =	vst v63  }
0x41: {  	_ =	swait.ge [sflag:s12], $0x4000  }
0x42: {  	[sflag:s12] =	ssyncset.done $0x0  }
0x43: {  	[sflag:s12] =	ssyncadd.s32 $0xFFFFC000  }
0x44: {  	[tilespmem:s14], [sflag:$0x1] =	stream.indirect.gather [hbm4b:s4+s13], $0x80, s22, s13, $0xb8;
	[tilespmem:$0x1C100] =	vst v63  }
0x45: {  	s0 =	sadd.s32 $0x30, s28  }
0x46: {  	[tilespmem:s19], [sflag:$0x3] =	stream.linear.gather [hbm4b:s0+s3], $0x80, $0x38;
	[tilespmem:$0x1C100] =	vst v63  }
0x47: {  	_ =	swait.ge [sflag:s12], $0x80  }
0x48: {  	[sflag:s12] =	ssyncset.done $0x0  }
0x49: {  	[sflag:s12] =	ssyncadd.s32 $0xFFFFFF80  }
0x4a: {  	_ =	swait.ge [sflag:s20], $0x4000  }
0x4b: {  	[sflag:s20] =	ssyncset.done $0x0  }
0x4c: {  	[sflag:s20] =	ssyncadd.s32 $0xFFFFC000  }
0x4d: {  	[spmem:s2] =	stream.indirect.scatter.add.f32 [tilespmem:s15], [sflag:$0x3], $0x80, s19, s13, $0xb8;
	[tilespmem:$0x1C100] =	vst v63  }
0x4e: {  	_ =	swait.ge [sflag:s12], $0x4000  }
0x4f: {  	[sflag:s12] =	ssyncset.done $0x0  }
0x50: {  	[sflag:s12] =	ssyncadd.s32 $0xFFFFC000  }
0x51: {  	[tilespmem:s15], [sflag:$0x2] =	stream.indirect.gather [hbm4b:s4+s13], $0x80, s23, s13, $0xb8;
	[tilespmem:$0x1C100] =	vst v63  }
0x52: {  	s31 =	sadd.s32 $0x40, s28  }
0x53: {  	[tilespmem:s16], [sflag:$0x3] =	stream.linear.gather [hbm4b:s31+s3], $0x80, $0x38;
	[tilespmem:$0x1C100] =	vst v63  }
0x54: {  	_ =	swait.ge [sflag:s12], $0x80  }
0x55: {  	[sflag:s12] =	ssyncset.done $0x0  }
0x56: {  	[sflag:s12] =	ssyncadd.s32 $0xFFFFFF80  }
0x57: {  	_ =	swait.ge [sflag:s17], $0x4000  }
0x58: {  	[sflag:s17] =	ssyncset.done $0x0  }
0x59: {  	[sflag:s17] =	ssyncadd.s32 $0xFFFFC000  }
0x5a: {  	[spmem:s2] =	stream.indirect.scatter.add.f32 [tilespmem:s14], [sflag:$0x3], $0x80, s16, s13, $0xb8;
	[tilespmem:$0x1C100] =	vst v63  }
0x5b: {  	_ =	swait.ge [sflag:s12], $0x4000  }
0x5c: {  	[sflag:s12] =	ssyncset.done $0x0  }
0x5d: {  	[sflag:s12] =	ssyncadd.s32 $0xFFFFC000  }
0x5e: {  	[tilespmem:s14], [sflag:$0x1] =	stream.indirect.gather [hbm4b:s4+s13], $0x80, s24, s13, $0xb8;
	[tilespmem:$0x1C100] =	vst v63  }
0x5f: {  	s0 =	sadd.s32 $0x50, s28  }
0x60: {  	[tilespmem:s19], [sflag:$0x3] =	stream.linear.gather [hbm4b:s0+s3], $0x80, $0x38;
	[tilespmem:$0x1C100] =	vst v63  }
0x61: {  	_ =	swait.ge [sflag:s12], $0x80  }
0x62: {  	[sflag:s12] =	ssyncset.done $0x0  }
0x63: {  	[sflag:s12] =	ssyncadd.s32 $0xFFFFFF80  }
0x64: {  	_ =	swait.ge [sflag:s20], $0x4000  }
0x65: {  	[sflag:s20] =	ssyncset.done $0x0  }
0x66: {  	[sflag:s20] =	ssyncadd.s32 $0xFFFFC000  }
0x67: {  	[spmem:s2] =	stream.indirect.scatter.add.f32 [tilespmem:s15], [sflag:$0x3], $0x80, s19, s13, $0xb8;
	[tilespmem:$0x1C100] =	vst v63  }
0x68: {  	_ =	swait.ge [sflag:s12], $0x4000  }
0x69: {  	[sflag:s12] =	ssyncset.done $0x0  }
0x6a: {  	[sflag:s12] =	ssyncadd.s32 $0xFFFFC000  }
0x6b: {  	[tilespmem:s15], [sflag:$0x2] =	stream.indirect.gather [hbm4b:s4+s13], $0x80, s25, s13, $0xb8;
	[tilespmem:$0x1C100] =	vst v63  }
0x6c: {  	s31 =	sadd.s32 $0x60, s28  }
0x6d: {  	[tilespmem:s16], [sflag:$0x3] =	stream.linear.gather [hbm4b:s31+s3], $0x80, $0x38;
	[tilespmem:$0x1C100] =	vst v63  }
0x6e: {  	_ =	swait.ge [sflag:s12], $0x80  }
0x6f: {  	[sflag:s12] =	ssyncset.done $0x0  }
0x70: {  	[sflag:s12] =	ssyncadd.s32 $0xFFFFFF80  }
0x71: {  	_ =	swait.ge [sflag:s17], $0x4000  }
0x72: {  	[sflag:s17] =	ssyncset.done $0x0  }
0x73: {  	[sflag:s17] =	ssyncadd.s32 $0xFFFFC000  }
0x74: {  	[spmem:s2] =	stream.indirect.scatter.add.f32 [tilespmem:s14], [sflag:$0x3], $0x80, s16, s13, $0xb8;
	[tilespmem:$0x1C100] =	vst v63  }
0x75: {  	_ =	swait.ge [sflag:s12], $0x4000  }
0x76: {  	[sflag:s12] =	ssyncset.done $0x0  }
0x77: {  	s28 =	sadd.s32 $0x70, s28;
	[sflag:s12] =	ssyncadd.s32 $0xFFFFC000  }
0x78: {  	[tilespmem:s19], [sflag:$0x3] =	stream.linear.gather [hbm4b:s28+s3], $0x80, $0x38;
	[tilespmem:$0x1C100] =	vst v63  }
0x79: {  	_ =	swait.ge [sflag:s12], $0x80  }
0x7a: {  	[sflag:s12] =	ssyncset.done $0x0  }
0x7b: {  	[sflag:s12] =	ssyncadd.s32 $0xFFFFFF80  }
0x7c: {  	_ =	swait.ge [sflag:s20], $0x4000  }
0x7d: {  	[sflag:s20] =	ssyncset.done $0x0  }
0x7e: {  	[sflag:s20] =	ssyncadd.s32 $0xFFFFC000  }
0x7f: {  	[spmem:s2] =	stream.indirect.scatter.add.f32 [tilespmem:s15], [sflag:$0x3], $0x80, s19, s13, $0xb8;
	[tilespmem:$0x1C100] =	vst v63  }
0x80: {  	_ =	swait.ge [sflag:s12], $0x4000  }
0x81: {  	s30 =	simm.s32 $0x100;
	s28 =	simm.s32 $0x80;
	[sflag:s12] =	ssyncset.done $0x0  }
.LBB2_2:
0x82: {  	s31 =	sadd.s32 s28, s10  }
0x83: {  	[sflag:s12] =	ssyncadd.s32 $0xFFFFC000;
	s0 =	smov.u32 s30;
	s29 =	sadd.s32 $0x80, s30  }
0x84: {  	[tilespmem:s3], [sflag:$0x3] =	stream.linear.gather [hbm4b:s31+s3], $0x400, $0x38;
	[tilespmem:$0x1C100] =	vst v63  }
0x85: {  	p0 =	sne.s32 s30, $0x480;
	_ =	swait.ge [sflag:s12], $0x400  }
0x86: {  	[sflag:s12] =	ssyncset.done $0x0  }
0x87: {  	[sflag:s12] =	ssyncadd.s32 $0xFFFFFC00  }
0x88: {  	[tilespmem:s14], [sflag:$0x1] =	stream.indirect.gather [hbm4b:s4+s13], $0x80, s3, s13, $0xb8;
	[tilespmem:$0x1C100] =	vst v63  }
0x89: {  	_ = 	snop  }
0x8a: {  	[tilespmem:s15], [sflag:$0x2] =	stream.indirect.gather [hbm4b:s4+s13], $0x80, s13, s13, $0xb8;
	[tilespmem:$0x1C100] =	vst v63  }
0x8b: {  	s30 =	sadd.s32 s28, s9;
	s28 =	smov.u32 s0  }
0x8c: {  	[tilespmem:s16], [sflag:$0x3] =	stream.linear.gather [hbm4b:s30+s3], $0x80, $0x38;
	[tilespmem:$0x1C100] =	vst v63  }
0x8d: {  	_ =	swait.ge [sflag:s12], $0x80  }
0x8e: {  	[sflag:s12] =	ssyncset.done $0x0  }
0x8f: {  	[sflag:s12] =	ssyncadd.s32 $0xFFFFFF80  }
0x90: {  	_ =	swait.ge [sflag:s17], $0x4000  }
0x91: {  	[sflag:s17] =	ssyncset.done $0x0  }
0x92: {  	[sflag:s17] =	ssyncadd.s32 $0xFFFFC000  }
0x93: {  	[spmem:s2] =	stream.indirect.scatter.add.f32 [tilespmem:s14], [sflag:$0x3], $0x80, s16, s13, $0xb8;
	[tilespmem:$0x1C100] =	vst v63  }
0x94: {  	_ =	swait.ge [sflag:s12], $0x4000  }
0x95: {  	[sflag:s12] =	ssyncset.done $0x0  }
0x96: {  	[sflag:s12] =	ssyncadd.s32 $0xFFFFC000  }
0x97: {  	[tilespmem:s14], [sflag:$0x1] =	stream.indirect.gather [hbm4b:s4+s13], $0x80, s18, s13, $0xb8;
	[tilespmem:$0x1C100] =	vst v63  }
0x98: {  	s0 =	sadd.s32 $0x10, s30  }
0x99: {  	[tilespmem:s19], [sflag:$0x3] =	stream.linear.gather [hbm4b:s0+s3], $0x80, $0x38;
	[tilespmem:$0x1C100] =	vst v63  }
0x9a: {  	_ =	swait.ge [sflag:s12], $0x80  }
0x9b: {  	[sflag:s12] =	ssyncset.done $0x0  }
0x9c: {  	[sflag:s12] =	ssyncadd.s32 $0xFFFFFF80  }
0x9d: {  	_ =	swait.ge [sflag:s20], $0x4000  }
0x9e: {  	[sflag:s20] =	ssyncset.done $0x0  }
0x9f: {  	[sflag:s20] =	ssyncadd.s32 $0xFFFFC000  }
0xa0: {  	[spmem:s2] =	stream.indirect.scatter.add.f32 [tilespmem:s15], [sflag:$0x3], $0x80, s19, s13, $0xb8;
	[tilespmem:$0x1C100] =	vst v63  }
0xa1: {  	_ =	swait.ge [sflag:s12], $0x4000  }
0xa2: {  	[sflag:s12] =	ssyncset.done $0x0  }
0xa3: {  	[sflag:s12] =	ssyncadd.s32 $0xFFFFC000  }
0xa4: {  	[tilespmem:s15], [sflag:$0x2] =	stream.indirect.gather [hbm4b:s4+s13], $0x80, s21, s13, $0xb8;
	[tilespmem:$0x1C100] =	vst v63  }
0xa5: {  	s0 =	sadd.s32 $0x20, s30  }
0xa6: {  	[tilespmem:s16], [sflag:$0x3] =	stream.linear.gather [hbm4b:s0+s3], $0x80, $0x38;
	[tilespmem:$0x1C100] =	vst v63  }
0xa7: {  	_ =	swait.ge [sflag:s12], $0x80  }
0xa8: {  	[sflag:s12] =	ssyncset.done $0x0  }
0xa9: {  	[sflag:s12] =	ssyncadd.s32 $0xFFFFFF80  }
0xaa: {  	_ =	swait.ge [sflag:s17], $0x4000  }
0xab: {  	[sflag:s17] =	ssyncset.done $0x0  }
0xac: {  	[sflag:s17] =	ssyncadd.s32 $0xFFFFC000  }
0xad: {  	[spmem:s2] =	stream.indirect.scatter.add.f32 [tilespmem:s14], [sflag:$0x3], $0x80, s16, s13, $0xb8;
	[tilespmem:$0x1C100] =	vst v63  }
0xae: {  	_ =	swait.ge [sflag:s12], $0x4000  }
0xaf: {  	[sflag:s12] =	ssyncset.done $0x0  }
0xb0: {  	[sflag:s12] =	ssyncadd.s32 $0xFFFFC000  }
0xb1: {  	[tilespmem:s14], [sflag:$0x1] =	stream.indirect.gather [hbm4b:s4+s13], $0x80, s22, s13, $0xb8;
	[tilespmem:$0x1C100] =	vst v63  }
0xb2: {  	s0 =	sadd.s32 $0x30, s30  }
0xb3: {  	[tilespmem:s19], [sflag:$0x3] =	stream.linear.gather [hbm4b:s0+s3], $0x80, $0x38;
	[tilespmem:$0x1C100] =	vst v63  }
0xb4: {  	_ =	swait.ge [sflag:s12], $0x80  }
0xb5: {  	[sflag:s12] =	ssyncset.done $0x0  }
0xb6: {  	[sflag:s12] =	ssyncadd.s32 $0xFFFFFF80  }
0xb7: {  	_ =	swait.ge [sflag:s20], $0x4000  }
0xb8: {  	[sflag:s20] =	ssyncset.done $0x0  }
0xb9: {  	[sflag:s20] =	ssyncadd.s32 $0xFFFFC000  }
0xba: {  	[spmem:s2] =	stream.indirect.scatter.add.f32 [tilespmem:s15], [sflag:$0x3], $0x80, s19, s13, $0xb8;
	[tilespmem:$0x1C100] =	vst v63  }
0xbb: {  	_ =	swait.ge [sflag:s12], $0x4000  }
0xbc: {  	[sflag:s12] =	ssyncset.done $0x0  }
0xbd: {  	[sflag:s12] =	ssyncadd.s32 $0xFFFFC000  }
0xbe: {  	[tilespmem:s15], [sflag:$0x2] =	stream.indirect.gather [hbm4b:s4+s13], $0x80, s23, s13, $0xb8;
	[tilespmem:$0x1C100] =	vst v63  }
0xbf: {  	s0 =	sadd.s32 $0x40, s30  }
0xc0: {  	[tilespmem:s16], [sflag:$0x3] =	stream.linear.gather [hbm4b:s0+s3], $0x80, $0x38;
	[tilespmem:$0x1C100] =	vst v63  }
0xc1: {  	_ =	swait.ge [sflag:s12], $0x80  }
0xc2: {  	[sflag:s12] =	ssyncset.done $0x0  }
0xc3: {  	[sflag:s12] =	ssyncadd.s32 $0xFFFFFF80  }
0xc4: {  	_ =	swait.ge [sflag:s17], $0x4000  }
0xc5: {  	[sflag:s17] =	ssyncset.done $0x0  }
0xc6: {  	[sflag:s17] =	ssyncadd.s32 $0xFFFFC000  }
0xc7: {  	[spmem:s2] =	stream.indirect.scatter.add.f32 [tilespmem:s14], [sflag:$0x3], $0x80, s16, s13, $0xb8;
	[tilespmem:$0x1C100] =	vst v63  }
0xc8: {  	_ =	swait.ge [sflag:s12], $0x4000  }
0xc9: {  	[sflag:s12] =	ssyncset.done $0x0  }
0xca: {  	[sflag:s12] =	ssyncadd.s32 $0xFFFFC000  }
0xcb: {  	[tilespmem:s14], [sflag:$0x1] =	stream.indirect.gather [hbm4b:s4+s13], $0x80, s24, s13, $0xb8;
	[tilespmem:$0x1C100] =	vst v63  }
0xcc: {  	s0 =	sadd.s32 $0x50, s30  }
0xcd: {  	[tilespmem:s19], [sflag:$0x3] =	stream.linear.gather [hbm4b:s0+s3], $0x80, $0x38;
	[tilespmem:$0x1C100] =	vst v63  }
0xce: {  	_ =	swait.ge [sflag:s12], $0x80  }
0xcf: {  	[sflag:s12] =	ssyncset.done $0x0  }
0xd0: {  	[sflag:s12] =	ssyncadd.s32 $0xFFFFFF80  }
0xd1: {  	_ =	swait.ge [sflag:s20], $0x4000  }
0xd2: {  	[sflag:s20] =	ssyncset.done $0x0  }
0xd3: {  	[sflag:s20] =	ssyncadd.s32 $0xFFFFC000  }
0xd4: {  	[spmem:s2] =	stream.indirect.scatter.add.f32 [tilespmem:s15], [sflag:$0x3], $0x80, s19, s13, $0xb8;
	[tilespmem:$0x1C100] =	vst v63  }
0xd5: {  	_ =	swait.ge [sflag:s12], $0x4000  }
0xd6: {  	[sflag:s12] =	ssyncset.done $0x0  }
0xd7: {  	[sflag:s12] =	ssyncadd.s32 $0xFFFFC000  }
0xd8: {  	[tilespmem:s15], [sflag:$0x2] =	stream.indirect.gather [hbm4b:s4+s13], $0x80, s25, s13, $0xb8;
	[tilespmem:$0x1C100] =	vst v63  }
0xd9: {  	s0 =	sadd.s32 $0x60, s30  }
0xda: {  	[tilespmem:s16], [sflag:$0x3] =	stream.linear.gather [hbm4b:s0+s3], $0x80, $0x38;
	[tilespmem:$0x1C100] =	vst v63  }
0xdb: {  	_ =	swait.ge [sflag:s12], $0x80  }
0xdc: {  	[sflag:s12] =	ssyncset.done $0x0  }
0xdd: {  	[sflag:s12] =	ssyncadd.s32 $0xFFFFFF80  }
0xde: {  	_ =	swait.ge [sflag:s17], $0x4000  }
0xdf: {  	[sflag:s17] =	ssyncset.done $0x0  }
0xe0: {  	[sflag:s17] =	ssyncadd.s32 $0xFFFFC000  }
0xe1: {  	[spmem:s2] =	stream.indirect.scatter.add.f32 [tilespmem:s14], [sflag:$0x3], $0x80, s16, s13, $0xb8;
	[tilespmem:$0x1C100] =	vst v63  }
0xe2: {  	_ =	swait.ge [sflag:s12], $0x4000  }
0xe3: {  	[sflag:s12] =	ssyncset.done $0x0  }
0xe4: {  	s0 =	sadd.s32 $0x70, s30;
	[sflag:s12] =	ssyncadd.s32 $0xFFFFC000  }
0xe5: {  	[tilespmem:s19], [sflag:$0x3] =	stream.linear.gather [hbm4b:s0+s3], $0x80, $0x38;
	[tilespmem:$0x1C100] =	vst v63  }
0xe6: {  	_ =	swait.ge [sflag:s12], $0x80  }
0xe7: {  	[sflag:s12] =	ssyncset.done $0x0  }
0xe8: {  	[sflag:s12] =	ssyncadd.s32 $0xFFFFFF80  }
0xe9: {  	_ =	swait.ge [sflag:s20], $0x4000  }
.Ltmp0:
0xea: {  	[sflag:s20] =	ssyncset.done $0x0;
	(pc) =	sbr.rel @p0 .LBB2_2-.Ltmp0, $4  }
0xeb: {  	[sflag:s20] =	ssyncadd.s32 $0xFFFFC000  }
0xec: {  	[spmem:s2] =	stream.indirect.scatter.add.f32 [tilespmem:s15], [sflag:$0x3], $0x80, s19, s13, $0xb8;
	[tilespmem:$0x1C100] =	vst v63  }
0xed: {  	_ =	swait.ge [sflag:s12], $0x4000  }
0xee: {  	s30 =	smov.u32 s29;
	[sflag:s12] =	ssyncset.done $0x0  }
0xef: {  	s0 =	sadd.s32 s28, s10;
	[sflag:s12] =	ssyncadd.s32 $0xFFFFC000  }
0xf0: {  	[tilespmem:s3], [sflag:$0x3] =	stream.linear.gather [hbm4b:s0+s3], $0x400, $0x38;
	[tilespmem:$0x1C100] =	vst v63  }
0xf1: {  	_ =	swait.ge [sflag:s12], $0x400  }
0xf2: {  	[sflag:s12] =	ssyncset.done $0x0  }
0xf3: {  	[sflag:s12] =	ssyncadd.s32 $0xFFFFFC00  }
0xf4: {  	[tilespmem:s14], [sflag:$0x1] =	stream.indirect.gather [hbm4b:s4+s13], $0x80, s3, s13, $0xb8;
	[tilespmem:$0x1C100] =	vst v63  }
0xf5: {  	_ = 	snop  }
0xf6: {  	[tilespmem:s15], [sflag:$0x2] =	stream.indirect.gather [hbm4b:s4+s13], $0x80, s13, s13, $0xb8;
	[tilespmem:$0x1C100] =	vst v63  }
0xf7: {  	s28 =	sadd.s32 s28, s9  }
0xf8: {  	[tilespmem:s16], [sflag:$0x3] =	stream.linear.gather [hbm4b:s28+s3], $0x80, $0x38;
	[tilespmem:$0x1C100] =	vst v63  }
0xf9: {  	_ =	swait.ge [sflag:s12], $0x80  }
0xfa: {  	[sflag:s12] =	ssyncset.done $0x0  }
0xfb: {  	[sflag:s12] =	ssyncadd.s32 $0xFFFFFF80  }
0xfc: {  	_ =	swait.ge [sflag:s17], $0x4000  }
0xfd: {  	[sflag:s17] =	ssyncset.done $0x0  }
0xfe: {  	[sflag:s17] =	ssyncadd.s32 $0xFFFFC000  }
0xff: {  	[spmem:s2] =	stream.indirect.scatter.add.f32 [tilespmem:s14], [sflag:$0x3], $0x80, s16, s13, $0xb8;
	[tilespmem:$0x1C100] =	vst v63  }
0x100: {  	_ =	swait.ge [sflag:s12], $0x4000  }
0x101: {  	[sflag:s12] =	ssyncset.done $0x0  }
0x102: {  	[sflag:s12] =	ssyncadd.s32 $0xFFFFC000  }
0x103: {  	[tilespmem:s14], [sflag:$0x1] =	stream.indirect.gather [hbm4b:s4+s13], $0x80, s18, s13, $0xb8;
	[tilespmem:$0x1C100] =	vst v63  }
0x104: {  	s31 =	sadd.s32 $0x10, s28  }
0x105: {  	[tilespmem:s19], [sflag:$0x3] =	stream.linear.gather [hbm4b:s31+s3], $0x80, $0x38;
	[tilespmem:$0x1C100] =	vst v63  }
0x106: {  	_ =	swait.ge [sflag:s12], $0x80  }
0x107: {  	[sflag:s12] =	ssyncset.done $0x0  }
0x108: {  	[sflag:s12] =	ssyncadd.s32 $0xFFFFFF80  }
0x109: {  	_ =	swait.ge [sflag:s20], $0x4000  }
0x10a: {  	[sflag:s20] =	ssyncset.done $0x0  }
0x10b: {  	[sflag:s20] =	ssyncadd.s32 $0xFFFFC000  }
0x10c: {  	[spmem:s2] =	stream.indirect.scatter.add.f32 [tilespmem:s15], [sflag:$0x3], $0x80, s19, s13, $0xb8;
	[tilespmem:$0x1C100] =	vst v63  }
0x10d: {  	_ =	swait.ge [sflag:s12], $0x4000  }
0x10e: {  	[sflag:s12] =	ssyncset.done $0x0  }
0x10f: {  	[sflag:s12] =	ssyncadd.s32 $0xFFFFC000  }
0x110: {  	[tilespmem:s15], [sflag:$0x2] =	stream.indirect.gather [hbm4b:s4+s13], $0x80, s21, s13, $0xb8;
	[tilespmem:$0x1C100] =	vst v63  }
0x111: {  	s29 =	sadd.s32 $0x20, s28  }
0x112: {  	[tilespmem:s16], [sflag:$0x3] =	stream.linear.gather [hbm4b:s29+s3], $0x80, $0x38;
	[tilespmem:$0x1C100] =	vst v63  }
0x113: {  	_ =	swait.ge [sflag:s12], $0x80  }
0x114: {  	[sflag:s12] =	ssyncset.done $0x0  }
0x115: {  	[sflag:s12] =	ssyncadd.s32 $0xFFFFFF80  }
0x116: {  	_ =	swait.ge [sflag:s17], $0x4000  }
0x117: {  	[sflag:s17] =	ssyncset.done $0x0  }
0x118: {  	[sflag:s17] =	ssyncadd.s32 $0xFFFFC000  }
0x119: {  	[spmem:s2] =	stream.indirect.scatter.add.f32 [tilespmem:s14], [sflag:$0x3], $0x80, s16, s13, $0xb8;
	[tilespmem:$0x1C100] =	vst v63  }
0x11a: {  	_ =	swait.ge [sflag:s12], $0x4000  }
0x11b: {  	[sflag:s12] =	ssyncset.done $0x0  }
0x11c: {  	[sflag:s12] =	ssyncadd.s32 $0xFFFFC000  }
0x11d: {  	[tilespmem:s14], [sflag:$0x1] =	stream.indirect.gather [hbm4b:s4+s13], $0x80, s22, s13, $0xb8;
	[tilespmem:$0x1C100] =	vst v63  }
0x11e: {  	s30 =	sadd.s32 $0x30, s28  }
0x11f: {  	[tilespmem:s19], [sflag:$0x3] =	stream.linear.gather [hbm4b:s30+s3], $0x80, $0x38;
	[tilespmem:$0x1C100] =	vst v63  }
0x120: {  	_ =	swait.ge [sflag:s12], $0x80  }
0x121: {  	[sflag:s12] =	ssyncset.done $0x0  }
0x122: {  	[sflag:s12] =	ssyncadd.s32 $0xFFFFFF80  }
0x123: {  	_ =	swait.ge [sflag:s20], $0x4000  }
0x124: {  	[sflag:s20] =	ssyncset.done $0x0  }
0x125: {  	[sflag:s20] =	ssyncadd.s32 $0xFFFFC000  }
0x126: {  	[spmem:s2] =	stream.indirect.scatter.add.f32 [tilespmem:s15], [sflag:$0x3], $0x80, s19, s13, $0xb8;
	[tilespmem:$0x1C100] =	vst v63  }
0x127: {  	_ =	swait.ge [sflag:s12], $0x4000  }
0x128: {  	[sflag:s12] =	ssyncset.done $0x0  }
0x129: {  	[sflag:s12] =	ssyncadd.s32 $0xFFFFC000  }
0x12a: {  	[tilespmem:s15], [sflag:$0x2] =	stream.indirect.gather [hbm4b:s4+s13], $0x80, s23, s13, $0xb8;
	[tilespmem:$0x1C100] =	vst v63  }
0x12b: {  	s31 =	sadd.s32 $0x40, s28  }
0x12c: {  	[tilespmem:s16], [sflag:$0x3] =	stream.linear.gather [hbm4b:s31+s3], $0x80, $0x38;
	[tilespmem:$0x1C100] =	vst v63  }
0x12d: {  	_ =	swait.ge [sflag:s12], $0x80  }
0x12e: {  	[sflag:s12] =	ssyncset.done $0x0  }
0x12f: {  	[sflag:s12] =	ssyncadd.s32 $0xFFFFFF80  }
0x130: {  	_ =	swait.ge [sflag:s17], $0x4000  }
0x131: {  	[sflag:s17] =	ssyncset.done $0x0  }
0x132: {  	[sflag:s17] =	ssyncadd.s32 $0xFFFFC000  }
0x133: {  	[spmem:s2] =	stream.indirect.scatter.add.f32 [tilespmem:s14], [sflag:$0x3], $0x80, s16, s13, $0xb8;
	[tilespmem:$0x1C100] =	vst v63  }
0x134: {  	_ =	swait.ge [sflag:s12], $0x4000  }
0x135: {  	[sflag:s12] =	ssyncset.done $0x0  }
0x136: {  	[sflag:s12] =	ssyncadd.s32 $0xFFFFC000  }
0x137: {  	[tilespmem:s14], [sflag:$0x1] =	stream.indirect.gather [hbm4b:s4+s13], $0x80, s24, s13, $0xb8;
	[tilespmem:$0x1C100] =	vst v63  }
0x138: {  	s29 =	sadd.s32 $0x50, s28  }
0x139: {  	[tilespmem:s19], [sflag:$0x3] =	stream.linear.gather [hbm4b:s29+s3], $0x80, $0x38;
	[tilespmem:$0x1C100] =	vst v63  }
0x13a: {  	_ =	swait.ge [sflag:s12], $0x80  }
0x13b: {  	[sflag:s12] =	ssyncset.done $0x0  }
0x13c: {  	[sflag:s12] =	ssyncadd.s32 $0xFFFFFF80  }
0x13d: {  	_ =	swait.ge [sflag:s20], $0x4000  }
0x13e: {  	[sflag:s20] =	ssyncset.done $0x0  }
0x13f: {  	[sflag:s20] =	ssyncadd.s32 $0xFFFFC000  }
0x140: {  	[spmem:s2] =	stream.indirect.scatter.add.f32 [tilespmem:s15], [sflag:$0x3], $0x80, s19, s13, $0xb8;
	[tilespmem:$0x1C100] =	vst v63  }
0x141: {  	_ =	swait.ge [sflag:s12], $0x4000  }
0x142: {  	[sflag:s12] =	ssyncset.done $0x0  }
0x143: {  	[sflag:s12] =	ssyncadd.s32 $0xFFFFC000  }
0x144: {  	[tilespmem:s15], [sflag:$0x2] =	stream.indirect.gather [hbm4b:s4+s13], $0x80, s25, s13, $0xb8;
	[tilespmem:$0x1C100] =	vst v63  }
0x145: {  	s30 =	sadd.s32 $0x60, s28  }
0x146: {  	[tilespmem:s16], [sflag:$0x3] =	stream.linear.gather [hbm4b:s30+s3], $0x80, $0x38;
	[tilespmem:$0x1C100] =	vst v63  }
0x147: {  	_ =	swait.ge [sflag:s12], $0x80  }
0x148: {  	[sflag:s12] =	ssyncset.done $0x0  }
0x149: {  	[sflag:s12] =	ssyncadd.s32 $0xFFFFFF80  }
0x14a: {  	_ =	swait.ge [sflag:s17], $0x4000  }
0x14b: {  	[sflag:s17] =	ssyncset.done $0x0  }
0x14c: {  	[sflag:s17] =	ssyncadd.s32 $0xFFFFC000  }
0x14d: {  	[spmem:s2] =	stream.indirect.scatter.add.f32 [tilespmem:s14], [sflag:$0x3], $0x80, s16, s13, $0xb8;
	[tilespmem:$0x1C100] =	vst v63  }
0x14e: {  	_ =	swait.ge [sflag:s12], $0x4000  }
0x14f: {  	[sflag:s12] =	ssyncset.done $0x0  }
0x150: {  	s31 =	sadd.s32 $0x70, s28;
	[sflag:s12] =	ssyncadd.s32 $0xFFFFC000  }
0x151: {  	[tilespmem:s19], [sflag:$0x3] =	stream.linear.gather [hbm4b:s31+s3], $0x80, $0x38;
	[tilespmem:$0x1C100] =	vst v63  }
0x152: {  	_ =	swait.ge [sflag:s12], $0x80  }
0x153: {  	[sflag:s12] =	ssyncset.done $0x0  }
0x154: {  	[sflag:s12] =	ssyncadd.s32 $0xFFFFFF80  }
0x155: {  	_ =	swait.ge [sflag:s20], $0x4000  }
0x156: {  	[sflag:s20] =	ssyncset.done $0x0  }
0x157: {  	[sflag:s20] =	ssyncadd.s32 $0xFFFFC000  }
0x158: {  	[spmem:s2] =	stream.indirect.scatter.add.f32 [tilespmem:s15], [sflag:$0x3], $0x80, s19, s13, $0xb8;
	[tilespmem:$0x1C100] =	vst v63  }
0x159: {  	_ =	swait.ge [sflag:s12], $0x4000  }
0x15a: {  	s26 =	sadd.s32 $0x1, s26;
	[sflag:s12] =	ssyncset.done $0x0  }
0x15b: {  	p0 =	sne.s32 s26, s7;
	[sflag:s12] =	ssyncadd.s32 $0xFFFFC000  }
.Ltmp1:
0x15c: {  	[bflag:$0x0] =	sbarrier.arrive $0xFFFF;
	(pc) =	sbr.rel @p0 .LBB2_1-.Ltmp1, $4  }
0x15d: {  	[hbm:s8], [sflag:s6] =	dma.local [spmem:s11], $0x2780  }
0x15e: {  	_ =	swait.ge [sflag:s12], $0x2780  }
0x15f: {  	[sflag:s12] =	ssyncset.done $0x0  }
0x160: {  	[sflag:s12] =	ssyncadd.s32 $0xFFFFD880  }
0x161: {  	_ =	sfence.sel $0x180000  }
0x162: {  	[bflag:$0x0] =	sbarrier.arrive $0xFFFF  }
0x163: {  	_ =	strace $0x9000004A  }
0x164: {  	[bflag:$0x2] =	sbarrier.arrive $0xFFFF  }
0x165: {  	p0 =	sne.s32 s1, $0x0;
	s0 =	rddreg [dreg:$0x2]  }
0x166: {  	s0 =	sadd.s32 @!p0 $0x100000, s0  }
0x167: {  	[sflag:s0] =	ssyncadd.tile.s32 @!p0 $0x1;
	_ =	shalt  }
.Lfunc_end2:
_tile_overlayer_lowered:
.L_overlay_start_2:
0x168: {  	(tag) =	ssettag $0x2  }
0x169: {  	s0 =	rddreg [dreg:$0x0];
	s2 =	stileid.u32  }
0x16a: {  	s1 =	rddreg [dreg:$0x1];
	p0 =	sne.s32 s2, $0x0  }
0x16b: {  	s3 =	rddreg [dreg:$0x2];
	[bflag:$0x3] =	sbarrier.arrive $0xFFFF;
	s2 =	simm.s32 @!p0 $0x1C03  }
0x16c: {  	[timem:s3], [sflag:s2] =	dma.local @!p0 [hbm:s0], s1  }
0x16d: {  	s0 =	simm.s32 @!p0 $0x3  }
0x16e: {  	_ =	swait.ge @!p0 [sflag:s0], s1  }
0x16f: {  	s1 =	ssub.s32 @!p0 $0x0, s1;
	[sflag:s0] =	ssyncset.done @!p0 $0x0  }
0x170: {  	[sflag:s0] =	ssyncadd.s32 @!p0 s1  }
0x171: {  	[bflag:$0x3] =	sbarrier.arrive $0xFFFF  }
0x172: {  	_ =	shalt  }

// kernel: kernel.18.cloned.1.call-start
scs
__scs_entry_jumppad:
0x0: {  	(pc) =	sbr.rel $0x88, $3  }
0x1: {  	(tag) =	ssettag $0x0;
	lr =	simm.s32 $0x1  }
0x2: {  	[smem:$0x3F86] =	sst lr;
	_ =	strace $0xD0000000  }
0x3: {  	_ = 	snop  }
0x4: {  	_ = 	snop  }
0x5: {  	_ = 	snop  }
0x6: {  	_ = 	snop  }
0x7: {  	_ = 	snop  }
__scs_overlays_trampoline_lowered:
0x8: {  	[smem:$0x3F95] =	sst s0  }
0x9: {  	[smem:$0x3F96] =	sst s1  }
0xa: {  	[smem:$0x3F97] =	sst s2  }
0xb: {  	[smem:$0x3F98] =	sst s3  }
0xc: {  	[smem:$0x3F99] =	sst s4  }
0xd: {  	[smem:$0x3F9A] =	sst s5  }
0xe: {  	[smem:$0x3F9B] =	sst s6  }
0xf: {  	[smem:$0x3F9C] =	sst s7  }
0x10: {  	[smem:$0x3F9D] =	sst s8  }
0x11: {  	[smem:$0x3F9E] =	sst s9;
	s0 =	simm.s32 @!p0 $0x0  }
0x12: {  	s1 =	sld [smem:$0x3F84];
	s0 =	simm.s32 @p0 $0x1  }
0x13: {  	[smem:$0x3F9F] =	sst s0;
	s0 =	simm.s32 @!p1 $0x0  }
0x14: {  	s2 =	sld [smem:$0x3F83];
	s0 =	simm.s32 @p1 $0x1  }
0x15: {  	[smem:$0x3FA0] =	sst s0;
	s0 =	simm.s32 @!p2 $0x0  }
0x16: {  	s3 =	sld [smem:$0x3FDB];
	s0 =	simm.s32 @p2 $0x1  }
0x17: {  	s4 =	simm.s32 $0x1BF5;
	[smem:$0x3FA2] =	sst s0  }
0x18: {  	s0 =	sld [smem:$0x3F85];
	_ =	swait.ge [sflag:s4], $0x0  }
0x19: {  	s7 =	sld [smem:$0x3F86]  }
0x1a: {  	s8 =	sadd.s32 $0xFFFFE003, lr  }
0x1b: {  	s9 =	sadd.s32 $0xFFFFFEF7, lr;
	s5 =	simm.s32 $0xFFFFFFFF;
	p2 =	slt.u32 s8, $0xFFFFF086  }
0x1c: {  	p1 =	slt.u32 s9, $0xF7A;
	s5 =	simm.s32 @!p2 $0x0  }
0x1d: {  	s5 =	simm.s32 @p1 $0x1;
	p0 =	seq.s32 s7, s2  }
0x1e: {  	s7 =	smul.u32 @!p0 $0xF7A, s2;
	p2 =	seq.s32 @!p0 s5, $0x0  }
0x1f: {  	s9 =	smul.u32 $0xF7A, s1;
	s8 =	simm.s32 @!p0 $0x1BF5;
	p2 =	por !p2, p0  }
0x20: {  	[sflag:s8] =	ssyncset.s32 @!p0 $0xFFFFF086;
	s6 =	sadd.s32 @!p0 s3, s7;
	s7 =	simm.s32 @!p0 $0x108  }
0x21: {  	s3 =	sadd.s32 s3, s9;
	s6 =	sadd.s32 @!p0 $0x88, s6;
	s7 =	simm.s32 @p2 $0x1082  }
0x22: {  	[simem:s7], [sflag:s8] =	dma.local @!p0 [hbm:s6], $0xF7A  }
0x23: {  	s9 =	sor.u32 $0xD0000000, s2;
	s6 =	simm.s32 $0x108;
	_ =	swait.ge @!p0 [sflag:s8], $0x0  }
0x24: {  	s3 =	sadd.s32 $0x88, s3;
	s6 =	simm.s32 @!p1 $0x1082;
	[sflag:s4] =	ssyncset.s32 $0xFFFFF086  }
0x25: {  	[simem:s6], [sflag:s4] =	dma.local [hbm:s3], $0xF7A  }
0x26: {  	[smem:$0x3F86] =	sst s1;
	(tag) =	ssettag s2;
	_ =	strace s9  }
0x27: {  	s1 =	sld [smem:$0x3F96]  }
0x28: {  	s2 =	sld [smem:$0x3F97]  }
0x29: {  	s4 =	sld [smem:$0x3F99]  }
0x2a: {  	p0 =	seq.s32 s5, $0x0;
	s5 =	sld [smem:$0x3F9A]  }
0x2b: {  	s6 =	sld [smem:$0x3F9B]  }
0x2c: {  	s7 =	sld [smem:$0x3F9C]  }
0x2d: {  	s3 =	simm.s32 $0x108;
	s8 =	sld [smem:$0x3F9D]  }
0x2e: {  	s3 =	simm.s32 @!p0 $0x1082;
	s9 =	sld [smem:$0x3F9E]  }
0x2f: {  	lr =	sadd.s32 s0, s3;
	s0 =	sld [smem:$0x3F95]  }
0x30: {  	s3 =	sld [smem:$0x3F98]  }
0x31: {  	[smem:$0x3FA1] =	sst s10  }
0x32: {  	s10 =	sld [smem:$0x3F9F];
	_ =	sdelay $0x3  }
0x33: {  	p0 =	seq.s32 s10, $0x1;
	s10 =	sld [smem:$0x3FA1];
	_ =	sdelay $0x3  }
0x34: {  	[smem:$0x3FA1] =	sst s10  }
0x35: {  	s10 =	sld [smem:$0x3FA0];
	_ =	sdelay $0x3  }
0x36: {  	p1 =	seq.s32 s10, $0x1;
	s10 =	sld [smem:$0x3FA1];
	_ =	sdelay $0x3  }
0x37: {  	[smem:$0x3FA1] =	sst s10  }
0x38: {  	s10 =	sld [smem:$0x3FA2]  }
0x39: {  	_ = 	snop;
	(pc) =	sbr.ind lr, $3  }
0x3a: {  	_ = 	snop  }
0x3b: {  	_ = 	snop  }
0x3c: {  	p2 =	seq.s32 s10, $0x1;
	s10 =	sld [smem:$0x3FA1]  }
0x3d: {  	_ =	shalt  }
0x3e: {  	_ =	shalt  }
0x3f: {  	_ =	shalt  }
0x40: {  	_ =	shalt  }
0x41: {  	_ =	shalt  }
0x42: {  	_ =	shalt  }
0x43: {  	_ =	shalt  }
0x44: {  	_ =	shalt  }
0x45: {  	_ =	shalt  }
0x46: {  	_ =	shalt  }
0x47: {  	_ =	shalt  }
0x48: {  	_ =	shalt  }
0x49: {  	_ =	shalt  }
0x4a: {  	_ =	shalt  }
0x4b: {  	_ =	shalt  }
0x4c: {  	_ =	shalt  }
0x4d: {  	_ =	shalt  }
0x4e: {  	_ =	shalt  }
0x4f: {  	_ =	shalt  }
0x50: {  	_ =	shalt  }
0x51: {  	_ =	shalt  }
0x52: {  	_ =	shalt  }
0x53: {  	_ =	shalt  }
0x54: {  	_ =	shalt  }
0x55: {  	_ =	shalt  }
0x56: {  	_ =	shalt  }
0x57: {  	_ =	shalt  }
0x58: {  	_ =	shalt  }
0x59: {  	_ =	shalt  }
0x5a: {  	_ =	shalt  }
0x5b: {  	_ =	shalt  }
0x5c: {  	_ =	shalt  }
0x5d: {  	_ =	shalt  }
0x5e: {  	_ =	shalt  }
0x5f: {  	_ =	shalt  }
0x60: {  	_ =	shalt  }
0x61: {  	_ =	shalt  }
0x62: {  	_ =	shalt  }
0x63: {  	_ =	shalt  }
0x64: {  	_ =	shalt  }
0x65: {  	_ =	shalt  }
0x66: {  	_ =	shalt  }
0x67: {  	_ =	shalt  }
0x68: {  	_ =	shalt  }
0x69: {  	_ =	shalt  }
0x6a: {  	_ =	shalt  }
0x6b: {  	_ =	shalt  }
0x6c: {  	_ =	shalt  }
0x6d: {  	_ =	shalt  }
0x6e: {  	_ =	shalt  }
0x6f: {  	_ =	shalt  }
0x70: {  	_ =	shalt  }
0x71: {  	_ =	shalt  }
0x72: {  	_ =	shalt  }
0x73: {  	_ =	shalt  }
0x74: {  	_ =	shalt  }
0x75: {  	_ =	shalt  }
0x76: {  	_ =	shalt  }
0x77: {  	_ =	shalt  }
0x78: {  	_ =	shalt  }
0x79: {  	_ =	shalt  }
0x7a: {  	_ =	shalt  }
0x7b: {  	_ =	shalt  }
0x7c: {  	_ =	shalt  }
0x7d: {  	_ =	shalt  }
0x7e: {  	_ =	shalt  }
0x7f: {  	_ =	shalt  }
0x80: {  	_ =	shalt  }
0x81: {  	_ =	shalt  }
0x82: {  	_ =	shalt  }
0x83: {  	_ =	shalt  }
0x84: {  	_ =	shalt  }
0x85: {  	_ =	shalt  }
0x86: {  	_ =	shalt  }
0x87: {  	_ =	shalt  }
.Lfunc_end0:
.L_simem_size_0:
called_computation.2_lowered:
.L_overlay_start_0:
0x88: {  	s2 =	sld [smem:$0x3FD9]  }
0x89: {  	s3 =	sld [smem:$0x3FFE];
	_ =	sdelay $0x1  }
0x8a: {  	s1 =	srdreg.scid  }
0x8b: {  	s0 =	sand.u32 $0x1, s1  }
0x8c: {  	s16 =	sshll.u32 s0, $0xA;
	s2 =	sadd.s32 s3, s2  }
0x8d: {  	s2 =	sadd.s32 s2, s16  }
0x8e: {  	[smem:$0x3FAD] =	sst s2  }
0x8f: {  	_ = 	snop  }
0x90: {  	(tm) =	ssettm $0x1  }
0x91: {  	s17 =	sld [smem:$0x3FFB];
	_ =	sdelay $0x3  }
0x92: {  	_ =	strace s17  }
0x93: {  	s2 =	sld [smem:$0x3FFC];
	_ =	sdelay $0x3  }
0x94: {  	_ =	strace s2  }
0x95: {  	s2 =	sld [smem:$0x3FFD];
	_ =	sdelay $0x3  }
0x96: {  	_ =	strace s2  }
0x97: {  	_ =	strace $0x8FFFFFFF  }
0x98: {  	s18 =	sld [smem:$0x3FDB];
	_ =	sdelay $0x1  }
0x99: {  	s19 =	simm.s32 $_scs_section_size  }
0x9a: {  	s4 =	simm.s32 $_size__tile_overlayer_lowered;
	s5 =	simm.s32 $_tile_overlayer_lowered  }
0x9b: {  	s22 =	simm.s32 $0x1BFF;
	s21 =	sshll.u32 s5, $0x1;
	s2 =	sadd.s32 s19, s18  }
0x9c: {  	s6 =	simm.s32 $0x0;
	s20 =	sshll.u32 s4, $0x1;
	s4 =	sadd.s32 s21, s2  }
0x9d: {  	[timem:s6], [sflag:s22] =	dma.local [hbm:s4], s20  }
0x9e: {  	_ =	swait.ge [sflag:s22], s20  }
0x9f: {  	s3 =	ssub.s32 $0x0, s20;
	[sflag:s22] =	ssyncset.done $0x0  }
0xa0: {  	[sflag:s22] =	ssyncadd.s32 s3;
	_ =	sdelay $0x1  }
0xa1: {  	s23 =	simm.s32 $0x1B8B  }
0xa2: {  	_ =	swait.ge [sflag:s23], $0x1  }
0xa3: {  	[sflag:s23] =	ssyncset.done $0x0  }
0xa4: {  	s25 =	simm.s32 $0x1B8E;
	s24 =	sld [smem:$0x3FFE];
	[sflag:s23] =	ssyncadd.s32 $0xFFFFFFFF  }
0xa5: {  	s26 =	simm.s32 $execute0_lowered;
	[smem:$0x3FD2] =	sst s25  }
0xa6: {  	s4 =	sshll.u32 s26, $0x1;
	_ =	strace $0x8000004C;
	[dreg:$0x1] =	wrdreg $0xFFFFFFFF  }
0xa7: {  	s28 =	simm.s32 $_size_execute0_lowered;
	s2 =	sadd.s32 s2, s4;
	[dreg:$0x0] =	wrdreg $0x0  }
0xa8: {  	s4 =	sshll.u32 s28, $0x1;
	[dreg:$0x2] =	wrdreg s2  }
0xa9: {  	[dreg:$0x3] =	wrdreg s4  }
0xaa: {  	[dreg:$0x4] =	wrdreg $0xC0  }
0xab: {  	_ =	task [dreg:s6], $0x5FFFF  }
0xac: {  	[dreg:$0x1] =	wrdreg $0xFFFFFFFF  }
0xad: {  	[dreg:$0x0] =	wrdreg $0x60  }
0xae: {  	[dreg:$0x2] =	wrdreg s24  }
0xaf: {  	[dreg:$0x3] =	wrdreg $0x85000  }
0xb0: {  	[dreg:$0x4] =	wrdreg $0x9  }
0xb1: {  	_ =	task.clear_ibuf [dreg:s6], $0x5FFFF;
	_ =	strace $0x9000004C  }
0xb2: {  	s29 =	simm.s32 $0x9;
	_ =	strace $0x8000004E  }
0xb3: {  	_ =	swait.ge [sflag:s29], $0x1  }
0xb4: {  	[sflag:s29] =	ssyncadd.s32 $0xFFFFFFFF  }
0xb5: {  	_ =	strace $0x9000004E  }
0xb6: {  	_ =	sfence  }
0xb7: {  	s30 =	sld [smem:$0x0];
	_ =	sdelay $0x2  }
0xb8: {  	s31 =	sshll.u32 s1, $0xD;
	s1 =	sshrl.u32 s1, $0x2  }
0xb9: {  	s3 =	sand.u32 $0x4000, s31;
	s1 =	sadd.s32 s1, s30  }
0xba: {  	s0 =	sor.u32 s3, s0;
	s1 =	sshll.u32 s1, $0x11  }
0xbb: {  	s0 =	sor.u32 s1, s0  }
0xbc: {  	s0 =	sadd.s32 $0x8F2B, s0  }
0xbd: {  	[sflag:s0] =	ssyncadd.remote.s32 $0x1  }
0xbe: {  	_ =	sfence.sel $0xFFFF  }
0xbf: {  	[dreg:$0x0] =	wrdreg $0xFFFFFFFF;
	(pc) =	sbr.abs _section_cstart, $3  }
0xc0: {  	[dreg:$0x1] =	wrdreg $0xFFFFFFFF  }
0xc1: {  	_ =	task.clear_ibuf [dreg:s6], $0x2FFFF;
	_ =	strace $0x9FFFFFFF  }
0xc2: {  	(tm) =	ssettm $0x7FFFFFFF  }
0xc3: {  	_ =	shalt  }
tec
execute0_lowered:
.L_overlay_start_1:
0x0: {  	(tag) =	ssettag $0x1  }
0x1: {  	s5 =	rddreg [dreg:$0x0]  }
0x2: {  	s2 =	rddreg [dreg:$0x1]  }
0x3: {  	s3 =	simm.s32 $0x0;
	s1 =	stileid.u32;
	s4 =	srdreg.scid  }
0x4: {  	s13 =	simm.s32 $0xE9800;
	s15 =	simm.s32 $0x4500;
	s16 =	simm.s32 $0x400  }
0x5: {  	s17 =	simm.s32 $0x1;
	s18 =	simm.s32 $0x100;
	s19 =	simm.s32 $0x480  }
0x6: {  	s20 =	simm.s32 $0x2;
	s21 =	simm.s32 $0x180;
	s22 =	simm.s32 $0x200  }
0x7: {  	s23 =	simm.s32 $0x280;
	s24 =	simm.s32 $0x300;
	s6 =	smul.u32 $0xA00, s1  }
0x8: {  	s25 =	simm.s32 $0x380;
	[smem:$0x7FF] =	sst s3;
	s7 =	smul.u32 $0x2780, s1  }
0x9: {  	s8 =	sand.u32 $0x1, s4;
	s9 =	smul.u32 $0x4F000, s1;
	s4 =	sadd.s32 $0x90E00, s5  }
0xa: {  	s31 =	sshll.u32 s1, $0x6;
	_ =	strace $0x8000004D;
	s26 =	ssub.s32 $0x2, s8  }
0xb: {  	p0 =	seq.s32 s8, $0x1;
	s14 =	smul.u32 $0x500, s8;
	s10 =	sadd.s32 s6, s5  }
0xc: {  	s11 =	sadd.s32 s7, s5;
	s28 =	sshrl.u32 s26, $0x1;
	s29 =	sshrl.u32 s9, $0x2  }
0xd: {  	s6 =	sor.u32 $0x1C03, s31;
	s13 =	simm.s32 @!p0 $0xC2000;
	s30 =	ssub.s32 s26, s28  }
0xe: {  	s12 =	sadd.s32 s29, s2;
	s5 =	sadd.s32 $0x1A600, s11;
	s8 =	sadd.s32 s13, s11  }
0xf: {  	s10 =	sadd.s32 s14, s10;
	s13 =	simm.s32 $0x80;
	s14 =	simm.s32 $0x500  }
0x10: {  	s26 =	simm.s32 $0x0;
	s7 =	smax.u32 s30, $0x1;
	s9 =	sadd.s32 $0x10600, s10  }
0x11: {  	s10 =	sadd.s32 $0xB8000, s10;
	s11 =	sshrl.u32 s12, $0x3;
	s12 =	simm.s32 $0x3  }
.LBB2_1:
0x12: {  	[spmem:s11], [sflag:s6] =	dma.local [hbm:s5], $0x2780  }
0x13: {  	_ =	swait.ge [sflag:s12], $0x2780  }
0x14: {  	[sflag:s12] =	ssyncset.done $0x0  }
0x15: {  	[sflag:s12] =	ssyncadd.s32 $0xFFFFD880  }
0x16: {  	s28 =	sadd.s32 $0x0, s10;
	[bflag:$0x0] =	sbarrier.arrive $0xFFFF  }
0x17: {  	[tilespmem:s3], [sflag:$0x3] =	stream.linear.gather [hbm4b:s28+s3], $0x400, $0x38;
	[tilespmem:$0x1C100] =	vst v63  }
0x18: {  	_ =	swait.ge [sflag:s12], $0x400  }
0x19: {  	[sflag:s12] =	ssyncset.done $0x0  }
0x1a: {  	[sflag:s12] =	ssyncadd.s32 $0xFFFFFC00  }
0x1b: {  	[tilespmem:s14], [sflag:$0x1] =	stream.indirect.gather [hbm4b:s4+s13], $0x80, s3, s13, $0xb8;
	[tilespmem:$0x1C100] =	vst v63  }
0x1c: {  	_ = 	snop  }
0x1d: {  	[tilespmem:s15], [sflag:$0x2] =	stream.indirect.gather [hbm4b:s4+s13], $0x80, s13, s13, $0xb8;
	[tilespmem:$0x1C100] =	vst v63  }
0x1e: {  	s28 =	sadd.s32 $0x0, s9  }
0x1f: {  	[tilespmem:s16], [sflag:$0x3] =	stream.linear.gather [hbm4b:s28+s3], $0x80, $0x38;
	[tilespmem:$0x1C100] =	vst v63  }
0x20: {  	_ =	swait.ge [sflag:s12], $0x80  }
0x21: {  	[sflag:s12] =	ssyncset.done $0x0  }
0x22: {  	[sflag:s12] =	ssyncadd.s32 $0xFFFFFF80  }
0x23: {  	_ =	swait.ge [sflag:s17], $0x4000  }
0x24: {  	[sflag:s17] =	ssyncset.done $0x0  }
0x25: {  	[sflag:s17] =	ssyncadd.s32 $0xFFFFC000  }
0x26: {  	[spmem:s2] =	stream.indirect.scatter.add.f32 [tilespmem:s14], [sflag:$0x3], $0x80, s16, s13, $0xb8;
	[tilespmem:$0x1C100] =	vst v63  }
0x27: {  	_ =	swait.ge [sflag:s12], $0x4000  }
0x28: {  	[sflag:s12] =	ssyncset.done $0x0  }
0x29: {  	[sflag:s12] =	ssyncadd.s32 $0xFFFFC000  }
0x2a: {  	[tilespmem:s14], [sflag:$0x1] =	stream.indirect.gather [hbm4b:s4+s13], $0x80, s18, s13, $0xb8;
	[tilespmem:$0x1C100] =	vst v63  }
0x2b: {  	s29 =	sadd.s32 $0x10, s28  }
0x2c: {  	[tilespmem:s19], [sflag:$0x3] =	stream.linear.gather [hbm4b:s29+s3], $0x80, $0x38;
	[tilespmem:$0x1C100] =	vst v63  }
0x2d: {  	_ =	swait.ge [sflag:s12], $0x80  }
0x2e: {  	[sflag:s12] =	ssyncset.done $0x0  }
0x2f: {  	[sflag:s12] =	ssyncadd.s32 $0xFFFFFF80  }
0x30: {  	_ =	swait.ge [sflag:s20], $0x4000  }
0x31: {  	[sflag:s20] =	ssyncset.done $0x0  }
0x32: {  	[sflag:s20] =	ssyncadd.s32 $0xFFFFC000  }
0x33: {  	[spmem:s2] =	stream.indirect.scatter.add.f32 [tilespmem:s15], [sflag:$0x3], $0x80, s19, s13, $0xb8;
	[tilespmem:$0x1C100] =	vst v63  }
0x34: {  	_ =	swait.ge [sflag:s12], $0x4000  }
0x35: {  	[sflag:s12] =	ssyncset.done $0x0  }
0x36: {  	[sflag:s12] =	ssyncadd.s32 $0xFFFFC000  }
0x37: {  	[tilespmem:s15], [sflag:$0x2] =	stream.indirect.gather [hbm4b:s4+s13], $0x80, s21, s13, $0xb8;
	[tilespmem:$0x1C100] =	vst v63  }
0x38: {  	s31 =	sadd.s32 $0x20, s28  }
0x39: {  	[tilespmem:s16], [sflag:$0x3] =	stream.linear.gather [hbm4b:s31+s3], $0x80, $0x38;
	[tilespmem:$0x1C100] =	vst v63  }
0x3a: {  	_ =	swait.ge [sflag:s12], $0x80  }
0x3b: {  	[sflag:s12] =	ssyncset.done $0x0  }
0x3c: {  	[sflag:s12] =	ssyncadd.s32 $0xFFFFFF80  }
0x3d: {  	_ =	swait.ge [sflag:s17], $0x4000  }
0x3e: {  	[sflag:s17] =	ssyncset.done $0x0  }
0x3f: {  	[sflag:s17] =	ssyncadd.s32 $0xFFFFC000  }
0x40: {  	[spmem:s2] =	stream.indirect.scatter.add.f32 [tilespmem:s14], [sflag:$0x3], $0x80, s16, s13, $0xb8;
	[tilespmem:$0x1C100] =	vst v63  }
0x41: {  	_ =	swait.ge [sflag:s12], $0x4000  }
0x42: {  	[sflag:s12] =	ssyncset.done $0x0  }
0x43: {  	[sflag:s12] =	ssyncadd.s32 $0xFFFFC000  }
0x44: {  	[tilespmem:s14], [sflag:$0x1] =	stream.indirect.gather [hbm4b:s4+s13], $0x80, s22, s13, $0xb8;
	[tilespmem:$0x1C100] =	vst v63  }
0x45: {  	s0 =	sadd.s32 $0x30, s28  }
0x46: {  	[tilespmem:s19], [sflag:$0x3] =	stream.linear.gather [hbm4b:s0+s3], $0x80, $0x38;
	[tilespmem:$0x1C100] =	vst v63  }
0x47: {  	_ =	swait.ge [sflag:s12], $0x80  }
0x48: {  	[sflag:s12] =	ssyncset.done $0x0  }
0x49: {  	[sflag:s12] =	ssyncadd.s32 $0xFFFFFF80  }
0x4a: {  	_ =	swait.ge [sflag:s20], $0x4000  }
0x4b: {  	[sflag:s20] =	ssyncset.done $0x0  }
0x4c: {  	[sflag:s20] =	ssyncadd.s32 $0xFFFFC000  }
0x4d: {  	[spmem:s2] =	stream.indirect.scatter.add.f32 [tilespmem:s15], [sflag:$0x3], $0x80, s19, s13, $0xb8;
	[tilespmem:$0x1C100] =	vst v63  }
0x4e: {  	_ =	swait.ge [sflag:s12], $0x4000  }
0x4f: {  	[sflag:s12] =	ssyncset.done $0x0  }
0x50: {  	[sflag:s12] =	ssyncadd.s32 $0xFFFFC000  }
0x51: {  	[tilespmem:s15], [sflag:$0x2] =	stream.indirect.gather [hbm4b:s4+s13], $0x80, s23, s13, $0xb8;
	[tilespmem:$0x1C100] =	vst v63  }
0x52: {  	s31 =	sadd.s32 $0x40, s28  }
0x53: {  	[tilespmem:s16], [sflag:$0x3] =	stream.linear.gather [hbm4b:s31+s3], $0x80, $0x38;
	[tilespmem:$0x1C100] =	vst v63  }
0x54: {  	_ =	swait.ge [sflag:s12], $0x80  }
0x55: {  	[sflag:s12] =	ssyncset.done $0x0  }
0x56: {  	[sflag:s12] =	ssyncadd.s32 $0xFFFFFF80  }
0x57: {  	_ =	swait.ge [sflag:s17], $0x4000  }
0x58: {  	[sflag:s17] =	ssyncset.done $0x0  }
0x59: {  	[sflag:s17] =	ssyncadd.s32 $0xFFFFC000  }
0x5a: {  	[spmem:s2] =	stream.indirect.scatter.add.f32 [tilespmem:s14], [sflag:$0x3], $0x80, s16, s13, $0xb8;
	[tilespmem:$0x1C100] =	vst v63  }
0x5b: {  	_ =	swait.ge [sflag:s12], $0x4000  }
0x5c: {  	[sflag:s12] =	ssyncset.done $0x0  }
0x5d: {  	[sflag:s12] =	ssyncadd.s32 $0xFFFFC000  }
0x5e: {  	[tilespmem:s14], [sflag:$0x1] =	stream.indirect.gather [hbm4b:s4+s13], $0x80, s24, s13, $0xb8;
	[tilespmem:$0x1C100] =	vst v63  }
0x5f: {  	s0 =	sadd.s32 $0x50, s28  }
0x60: {  	[tilespmem:s19], [sflag:$0x3] =	stream.linear.gather [hbm4b:s0+s3], $0x80, $0x38;
	[tilespmem:$0x1C100] =	vst v63  }
0x61: {  	_ =	swait.ge [sflag:s12], $0x80  }
0x62: {  	[sflag:s12] =	ssyncset.done $0x0  }
0x63: {  	[sflag:s12] =	ssyncadd.s32 $0xFFFFFF80  }
0x64: {  	_ =	swait.ge [sflag:s20], $0x4000  }
0x65: {  	[sflag:s20] =	ssyncset.done $0x0  }
0x66: {  	[sflag:s20] =	ssyncadd.s32 $0xFFFFC000  }
0x67: {  	[spmem:s2] =	stream.indirect.scatter.add.f32 [tilespmem:s15], [sflag:$0x3], $0x80, s19, s13, $0xb8;
	[tilespmem:$0x1C100] =	vst v63  }
0x68: {  	_ =	swait.ge [sflag:s12], $0x4000  }
0x69: {  	[sflag:s12] =	ssyncset.done $0x0  }
0x6a: {  	[sflag:s12] =	ssyncadd.s32 $0xFFFFC000  }
0x6b: {  	[tilespmem:s15], [sflag:$0x2] =	stream.indirect.gather [hbm4b:s4+s13], $0x80, s25, s13, $0xb8;
	[tilespmem:$0x1C100] =	vst v63  }
0x6c: {  	s31 =	sadd.s32 $0x60, s28  }
0x6d: {  	[tilespmem:s16], [sflag:$0x3] =	stream.linear.gather [hbm4b:s31+s3], $0x80, $0x38;
	[tilespmem:$0x1C100] =	vst v63  }
0x6e: {  	_ =	swait.ge [sflag:s12], $0x80  }
0x6f: {  	[sflag:s12] =	ssyncset.done $0x0  }
0x70: {  	[sflag:s12] =	ssyncadd.s32 $0xFFFFFF80  }
0x71: {  	_ =	swait.ge [sflag:s17], $0x4000  }
0x72: {  	[sflag:s17] =	ssyncset.done $0x0  }
0x73: {  	[sflag:s17] =	ssyncadd.s32 $0xFFFFC000  }
0x74: {  	[spmem:s2] =	stream.indirect.scatter.add.f32 [tilespmem:s14], [sflag:$0x3], $0x80, s16, s13, $0xb8;
	[tilespmem:$0x1C100] =	vst v63  }
0x75: {  	_ =	swait.ge [sflag:s12], $0x4000  }
0x76: {  	[sflag:s12] =	ssyncset.done $0x0  }
0x77: {  	s28 =	sadd.s32 $0x70, s28;
	[sflag:s12] =	ssyncadd.s32 $0xFFFFC000  }
0x78: {  	[tilespmem:s19], [sflag:$0x3] =	stream.linear.gather [hbm4b:s28+s3], $0x80, $0x38;
	[tilespmem:$0x1C100] =	vst v63  }
0x79: {  	_ =	swait.ge [sflag:s12], $0x80  }
0x7a: {  	[sflag:s12] =	ssyncset.done $0x0  }
0x7b: {  	[sflag:s12] =	ssyncadd.s32 $0xFFFFFF80  }
0x7c: {  	_ =	swait.ge [sflag:s20], $0x4000  }
0x7d: {  	[sflag:s20] =	ssyncset.done $0x0  }
0x7e: {  	[sflag:s20] =	ssyncadd.s32 $0xFFFFC000  }
0x7f: {  	[spmem:s2] =	stream.indirect.scatter.add.f32 [tilespmem:s15], [sflag:$0x3], $0x80, s19, s13, $0xb8;
	[tilespmem:$0x1C100] =	vst v63  }
0x80: {  	_ =	swait.ge [sflag:s12], $0x4000  }
0x81: {  	s30 =	simm.s32 $0x100;
	s28 =	simm.s32 $0x80;
	[sflag:s12] =	ssyncset.done $0x0  }
.LBB2_2:
0x82: {  	s31 =	sadd.s32 s28, s10  }
0x83: {  	[sflag:s12] =	ssyncadd.s32 $0xFFFFC000;
	s0 =	smov.u32 s30;
	s29 =	sadd.s32 $0x80, s30  }
0x84: {  	[tilespmem:s3], [sflag:$0x3] =	stream.linear.gather [hbm4b:s31+s3], $0x400, $0x38;
	[tilespmem:$0x1C100] =	vst v63  }
0x85: {  	p0 =	sne.s32 s30, $0x480;
	_ =	swait.ge [sflag:s12], $0x400  }
0x86: {  	[sflag:s12] =	ssyncset.done $0x0  }
0x87: {  	[sflag:s12] =	ssyncadd.s32 $0xFFFFFC00  }
0x88: {  	[tilespmem:s14], [sflag:$0x1] =	stream.indirect.gather [hbm4b:s4+s13], $0x80, s3, s13, $0xb8;
	[tilespmem:$0x1C100] =	vst v63  }
0x89: {  	_ = 	snop  }
0x8a: {  	[tilespmem:s15], [sflag:$0x2] =	stream.indirect.gather [hbm4b:s4+s13], $0x80, s13, s13, $0xb8;
	[tilespmem:$0x1C100] =	vst v63  }
0x8b: {  	s30 =	sadd.s32 s28, s9;
	s28 =	smov.u32 s0  }
0x8c: {  	[tilespmem:s16], [sflag:$0x3] =	stream.linear.gather [hbm4b:s30+s3], $0x80, $0x38;
	[tilespmem:$0x1C100] =	vst v63  }
0x8d: {  	_ =	swait.ge [sflag:s12], $0x80  }
0x8e: {  	[sflag:s12] =	ssyncset.done $0x0  }
0x8f: {  	[sflag:s12] =	ssyncadd.s32 $0xFFFFFF80  }
0x90: {  	_ =	swait.ge [sflag:s17], $0x4000  }
0x91: {  	[sflag:s17] =	ssyncset.done $0x0  }
0x92: {  	[sflag:s17] =	ssyncadd.s32 $0xFFFFC000  }
0x93: {  	[spmem:s2] =	stream.indirect.scatter.add.f32 [tilespmem:s14], [sflag:$0x3], $0x80, s16, s13, $0xb8;
	[tilespmem:$0x1C100] =	vst v63  }
0x94: {  	_ =	swait.ge [sflag:s12], $0x4000  }
0x95: {  	[sflag:s12] =	ssyncset.done $0x0  }
0x96: {  	[sflag:s12] =	ssyncadd.s32 $0xFFFFC000  }
0x97: {  	[tilespmem:s14], [sflag:$0x1] =	stream.indirect.gather [hbm4b:s4+s13], $0x80, s18, s13, $0xb8;
	[tilespmem:$0x1C100] =	vst v63  }
0x98: {  	s0 =	sadd.s32 $0x10, s30  }
0x99: {  	[tilespmem:s19], [sflag:$0x3] =	stream.linear.gather [hbm4b:s0+s3], $0x80, $0x38;
	[tilespmem:$0x1C100] =	vst v63  }
0x9a: {  	_ =	swait.ge [sflag:s12], $0x80  }
0x9b: {  	[sflag:s12] =	ssyncset.done $0x0  }
0x9c: {  	[sflag:s12] =	ssyncadd.s32 $0xFFFFFF80  }
0x9d: {  	_ =	swait.ge [sflag:s20], $0x4000  }
0x9e: {  	[sflag:s20] =	ssyncset.done $0x0  }
0x9f: {  	[sflag:s20] =	ssyncadd.s32 $0xFFFFC000  }
0xa0: {  	[spmem:s2] =	stream.indirect.scatter.add.f32 [tilespmem:s15], [sflag:$0x3], $0x80, s19, s13, $0xb8;
	[tilespmem:$0x1C100] =	vst v63  }
0xa1: {  	_ =	swait.ge [sflag:s12], $0x4000  }
0xa2: {  	[sflag:s12] =	ssyncset.done $0x0  }
0xa3: {  	[sflag:s12] =	ssyncadd.s32 $0xFFFFC000  }
0xa4: {  	[tilespmem:s15], [sflag:$0x2] =	stream.indirect.gather [hbm4b:s4+s13], $0x80, s21, s13, $0xb8;
	[tilespmem:$0x1C100] =	vst v63  }
0xa5: {  	s0 =	sadd.s32 $0x20, s30  }
0xa6: {  	[tilespmem:s16], [sflag:$0x3] =	stream.linear.gather [hbm4b:s0+s3], $0x80, $0x38;
	[tilespmem:$0x1C100] =	vst v63  }
0xa7: {  	_ =	swait.ge [sflag:s12], $0x80  }
0xa8: {  	[sflag:s12] =	ssyncset.done $0x0  }
0xa9: {  	[sflag:s12] =	ssyncadd.s32 $0xFFFFFF80  }
0xaa: {  	_ =	swait.ge [sflag:s17], $0x4000  }
0xab: {  	[sflag:s17] =	ssyncset.done $0x0  }
0xac: {  	[sflag:s17] =	ssyncadd.s32 $0xFFFFC000  }
0xad: {  	[spmem:s2] =	stream.indirect.scatter.add.f32 [tilespmem:s14], [sflag:$0x3], $0x80, s16, s13, $0xb8;
	[tilespmem:$0x1C100] =	vst v63  }
0xae: {  	_ =	swait.ge [sflag:s12], $0x4000  }
0xaf: {  	[sflag:s12] =	ssyncset.done $0x0  }
0xb0: {  	[sflag:s12] =	ssyncadd.s32 $0xFFFFC000  }
0xb1: {  	[tilespmem:s14], [sflag:$0x1] =	stream.indirect.gather [hbm4b:s4+s13], $0x80, s22, s13, $0xb8;
	[tilespmem:$0x1C100] =	vst v63  }
0xb2: {  	s0 =	sadd.s32 $0x30, s30  }
0xb3: {  	[tilespmem:s19], [sflag:$0x3] =	stream.linear.gather [hbm4b:s0+s3], $0x80, $0x38;
	[tilespmem:$0x1C100] =	vst v63  }
0xb4: {  	_ =	swait.ge [sflag:s12], $0x80  }
0xb5: {  	[sflag:s12] =	ssyncset.done $0x0  }
0xb6: {  	[sflag:s12] =	ssyncadd.s32 $0xFFFFFF80  }
0xb7: {  	_ =	swait.ge [sflag:s20], $0x4000  }
0xb8: {  	[sflag:s20] =	ssyncset.done $0x0  }
0xb9: {  	[sflag:s20] =	ssyncadd.s32 $0xFFFFC000  }
0xba: {  	[spmem:s2] =	stream.indirect.scatter.add.f32 [tilespmem:s15], [sflag:$0x3], $0x80, s19, s13, $0xb8;
	[tilespmem:$0x1C100] =	vst v63  }
0xbb: {  	_ =	swait.ge [sflag:s12], $0x4000  }
0xbc: {  	[sflag:s12] =	ssyncset.done $0x0  }
0xbd: {  	[sflag:s12] =	ssyncadd.s32 $0xFFFFC000  }
0xbe: {  	[tilespmem:s15], [sflag:$0x2] =	stream.indirect.gather [hbm4b:s4+s13], $0x80, s23, s13, $0xb8;
	[tilespmem:$0x1C100] =	vst v63  }
0xbf: {  	s0 =	sadd.s32 $0x40, s30  }
0xc0: {  	[tilespmem:s16], [sflag:$0x3] =	stream.linear.gather [hbm4b:s0+s3], $0x80, $0x38;
	[tilespmem:$0x1C100] =	vst v63  }
0xc1: {  	_ =	swait.ge [sflag:s12], $0x80  }
0xc2: {  	[sflag:s12] =	ssyncset.done $0x0  }
0xc3: {  	[sflag:s12] =	ssyncadd.s32 $0xFFFFFF80  }
0xc4: {  	_ =	swait.ge [sflag:s17], $0x4000  }
0xc5: {  	[sflag:s17] =	ssyncset.done $0x0  }
0xc6: {  	[sflag:s17] =	ssyncadd.s32 $0xFFFFC000  }
0xc7: {  	[spmem:s2] =	stream.indirect.scatter.add.f32 [tilespmem:s14], [sflag:$0x3], $0x80, s16, s13, $0xb8;
	[tilespmem:$0x1C100] =	vst v63  }
0xc8: {  	_ =	swait.ge [sflag:s12], $0x4000  }
0xc9: {  	[sflag:s12] =	ssyncset.done $0x0  }
0xca: {  	[sflag:s12] =	ssyncadd.s32 $0xFFFFC000  }
0xcb: {  	[tilespmem:s14], [sflag:$0x1] =	stream.indirect.gather [hbm4b:s4+s13], $0x80, s24, s13, $0xb8;
	[tilespmem:$0x1C100] =	vst v63  }
0xcc: {  	s0 =	sadd.s32 $0x50, s30  }
0xcd: {  	[tilespmem:s19], [sflag:$0x3] =	stream.linear.gather [hbm4b:s0+s3], $0x80, $0x38;
	[tilespmem:$0x1C100] =	vst v63  }
0xce: {  	_ =	swait.ge [sflag:s12], $0x80  }
0xcf: {  	[sflag:s12] =	ssyncset.done $0x0  }
0xd0: {  	[sflag:s12] =	ssyncadd.s32 $0xFFFFFF80  }
0xd1: {  	_ =	swait.ge [sflag:s20], $0x4000  }
0xd2: {  	[sflag:s20] =	ssyncset.done $0x0  }
0xd3: {  	[sflag:s20] =	ssyncadd.s32 $0xFFFFC000  }
0xd4: {  	[spmem:s2] =	stream.indirect.scatter.add.f32 [tilespmem:s15], [sflag:$0x3], $0x80, s19, s13, $0xb8;
	[tilespmem:$0x1C100] =	vst v63  }
0xd5: {  	_ =	swait.ge [sflag:s12], $0x4000  }
0xd6: {  	[sflag:s12] =	ssyncset.done $0x0  }
0xd7: {  	[sflag:s12] =	ssyncadd.s32 $0xFFFFC000  }
0xd8: {  	[tilespmem:s15], [sflag:$0x2] =	stream.indirect.gather [hbm4b:s4+s13], $0x80, s25, s13, $0xb8;
	[tilespmem:$0x1C100] =	vst v63  }
0xd9: {  	s0 =	sadd.s32 $0x60, s30  }
0xda: {  	[tilespmem:s16], [sflag:$0x3] =	stream.linear.gather [hbm4b:s0+s3], $0x80, $0x38;
	[tilespmem:$0x1C100] =	vst v63  }
0xdb: {  	_ =	swait.ge [sflag:s12], $0x80  }
0xdc: {  	[sflag:s12] =	ssyncset.done $0x0  }
0xdd: {  	[sflag:s12] =	ssyncadd.s32 $0xFFFFFF80  }
0xde: {  	_ =	swait.ge [sflag:s17], $0x4000  }
0xdf: {  	[sflag:s17] =	ssyncset.done $0x0  }
0xe0: {  	[sflag:s17] =	ssyncadd.s32 $0xFFFFC000  }
0xe1: {  	[spmem:s2] =	stream.indirect.scatter.add.f32 [tilespmem:s14], [sflag:$0x3], $0x80, s16, s13, $0xb8;
	[tilespmem:$0x1C100] =	vst v63  }
0xe2: {  	_ =	swait.ge [sflag:s12], $0x4000  }
0xe3: {  	[sflag:s12] =	ssyncset.done $0x0  }
0xe4: {  	s0 =	sadd.s32 $0x70, s30;
	[sflag:s12] =	ssyncadd.s32 $0xFFFFC000  }
0xe5: {  	[tilespmem:s19], [sflag:$0x3] =	stream.linear.gather [hbm4b:s0+s3], $0x80, $0x38;
	[tilespmem:$0x1C100] =	vst v63  }
0xe6: {  	_ =	swait.ge [sflag:s12], $0x80  }
0xe7: {  	[sflag:s12] =	ssyncset.done $0x0  }
0xe8: {  	[sflag:s12] =	ssyncadd.s32 $0xFFFFFF80  }
0xe9: {  	_ =	swait.ge [sflag:s20], $0x4000  }
.Ltmp0:
0xea: {  	[sflag:s20] =	ssyncset.done $0x0;
	(pc) =	sbr.rel @p0 .LBB2_2-.Ltmp0, $4  }
0xeb: {  	[sflag:s20] =	ssyncadd.s32 $0xFFFFC000  }
0xec: {  	[spmem:s2] =	stream.indirect.scatter.add.f32 [tilespmem:s15], [sflag:$0x3], $0x80, s19, s13, $0xb8;
	[tilespmem:$0x1C100] =	vst v63  }
0xed: {  	_ =	swait.ge [sflag:s12], $0x4000  }
0xee: {  	s30 =	smov.u32 s29;
	[sflag:s12] =	ssyncset.done $0x0  }
0xef: {  	s0 =	sadd.s32 s28, s10;
	[sflag:s12] =	ssyncadd.s32 $0xFFFFC000  }
0xf0: {  	[tilespmem:s3], [sflag:$0x3] =	stream.linear.gather [hbm4b:s0+s3], $0x400, $0x38;
	[tilespmem:$0x1C100] =	vst v63  }
0xf1: {  	_ =	swait.ge [sflag:s12], $0x400  }
0xf2: {  	[sflag:s12] =	ssyncset.done $0x0  }
0xf3: {  	[sflag:s12] =	ssyncadd.s32 $0xFFFFFC00  }
0xf4: {  	[tilespmem:s14], [sflag:$0x1] =	stream.indirect.gather [hbm4b:s4+s13], $0x80, s3, s13, $0xb8;
	[tilespmem:$0x1C100] =	vst v63  }
0xf5: {  	_ = 	snop  }
0xf6: {  	[tilespmem:s15], [sflag:$0x2] =	stream.indirect.gather [hbm4b:s4+s13], $0x80, s13, s13, $0xb8;
	[tilespmem:$0x1C100] =	vst v63  }
0xf7: {  	s28 =	sadd.s32 s28, s9  }
0xf8: {  	[tilespmem:s16], [sflag:$0x3] =	stream.linear.gather [hbm4b:s28+s3], $0x80, $0x38;
	[tilespmem:$0x1C100] =	vst v63  }
0xf9: {  	_ =	swait.ge [sflag:s12], $0x80  }
0xfa: {  	[sflag:s12] =	ssyncset.done $0x0  }
0xfb: {  	[sflag:s12] =	ssyncadd.s32 $0xFFFFFF80  }
0xfc: {  	_ =	swait.ge [sflag:s17], $0x4000  }
0xfd: {  	[sflag:s17] =	ssyncset.done $0x0  }
0xfe: {  	[sflag:s17] =	ssyncadd.s32 $0xFFFFC000  }
0xff: {  	[spmem:s2] =	stream.indirect.scatter.add.f32 [tilespmem:s14], [sflag:$0x3], $0x80, s16, s13, $0xb8;
	[tilespmem:$0x1C100] =	vst v63  }
0x100: {  	_ =	swait.ge [sflag:s12], $0x4000  }
0x101: {  	[sflag:s12] =	ssyncset.done $0x0  }
0x102: {  	[sflag:s12] =	ssyncadd.s32 $0xFFFFC000  }
0x103: {  	[tilespmem:s14], [sflag:$0x1] =	stream.indirect.gather [hbm4b:s4+s13], $0x80, s18, s13, $0xb8;
	[tilespmem:$0x1C100] =	vst v63  }
0x104: {  	s31 =	sadd.s32 $0x10, s28  }
0x105: {  	[tilespmem:s19], [sflag:$0x3] =	stream.linear.gather [hbm4b:s31+s3], $0x80, $0x38;
	[tilespmem:$0x1C100] =	vst v63  }
0x106: {  	_ =	swait.ge [sflag:s12], $0x80  }
0x107: {  	[sflag:s12] =	ssyncset.done $0x0  }
0x108: {  	[sflag:s12] =	ssyncadd.s32 $0xFFFFFF80  }
0x109: {  	_ =	swait.ge [sflag:s20], $0x4000  }
0x10a: {  	[sflag:s20] =	ssyncset.done $0x0  }
0x10b: {  	[sflag:s20] =	ssyncadd.s32 $0xFFFFC000  }
0x10c: {  	[spmem:s2] =	stream.indirect.scatter.add.f32 [tilespmem:s15], [sflag:$0x3], $0x80, s19, s13, $0xb8;
	[tilespmem:$0x1C100] =	vst v63  }
0x10d: {  	_ =	swait.ge [sflag:s12], $0x4000  }
0x10e: {  	[sflag:s12] =	ssyncset.done $0x0  }
0x10f: {  	[sflag:s12] =	ssyncadd.s32 $0xFFFFC000  }
0x110: {  	[tilespmem:s15], [sflag:$0x2] =	stream.indirect.gather [hbm4b:s4+s13], $0x80, s21, s13, $0xb8;
	[tilespmem:$0x1C100] =	vst v63  }
0x111: {  	s29 =	sadd.s32 $0x20, s28  }
0x112: {  	[tilespmem:s16], [sflag:$0x3] =	stream.linear.gather [hbm4b:s29+s3], $0x80, $0x38;
	[tilespmem:$0x1C100] =	vst v63  }
0x113: {  	_ =	swait.ge [sflag:s12], $0x80  }
0x114: {  	[sflag:s12] =	ssyncset.done $0x0  }
0x115: {  	[sflag:s12] =	ssyncadd.s32 $0xFFFFFF80  }
0x116: {  	_ =	swait.ge [sflag:s17], $0x4000  }
0x117: {  	[sflag:s17] =	ssyncset.done $0x0  }
0x118: {  	[sflag:s17] =	ssyncadd.s32 $0xFFFFC000  }
0x119: {  	[spmem:s2] =	stream.indirect.scatter.add.f32 [tilespmem:s14], [sflag:$0x3], $0x80, s16, s13, $0xb8;
	[tilespmem:$0x1C100] =	vst v63  }
0x11a: {  	_ =	swait.ge [sflag:s12], $0x4000  }
0x11b: {  	[sflag:s12] =	ssyncset.done $0x0  }
0x11c: {  	[sflag:s12] =	ssyncadd.s32 $0xFFFFC000  }
0x11d: {  	[tilespmem:s14], [sflag:$0x1] =	stream.indirect.gather [hbm4b:s4+s13], $0x80, s22, s13, $0xb8;
	[tilespmem:$0x1C100] =	vst v63  }
0x11e: {  	s30 =	sadd.s32 $0x30, s28  }
0x11f: {  	[tilespmem:s19], [sflag:$0x3] =	stream.linear.gather [hbm4b:s30+s3], $0x80, $0x38;
	[tilespmem:$0x1C100] =	vst v63  }
0x120: {  	_ =	swait.ge [sflag:s12], $0x80  }
0x121: {  	[sflag:s12] =	ssyncset.done $0x0  }
0x122: {  	[sflag:s12] =	ssyncadd.s32 $0xFFFFFF80  }
0x123: {  	_ =	swait.ge [sflag:s20], $0x4000  }
0x124: {  	[sflag:s20] =	ssyncset.done $0x0  }
0x125: {  	[sflag:s20] =	ssyncadd.s32 $0xFFFFC000  }
0x126: {  	[spmem:s2] =	stream.indirect.scatter.add.f32 [tilespmem:s15], [sflag:$0x3], $0x80, s19, s13, $0xb8;
	[tilespmem:$0x1C100] =	vst v63  }
0x127: {  	_ =	swait.ge [sflag:s12], $0x4000  }
0x128: {  	[sflag:s12] =	ssyncset.done $0x0  }
0x129: {  	[sflag:s12] =	ssyncadd.s32 $0xFFFFC000  }
0x12a: {  	[tilespmem:s15], [sflag:$0x2] =	stream.indirect.gather [hbm4b:s4+s13], $0x80, s23, s13, $0xb8;
	[tilespmem:$0x1C100] =	vst v63  }
0x12b: {  	s31 =	sadd.s32 $0x40, s28  }
0x12c: {  	[tilespmem:s16], [sflag:$0x3] =	stream.linear.gather [hbm4b:s31+s3], $0x80, $0x38;
	[tilespmem:$0x1C100] =	vst v63  }
0x12d: {  	_ =	swait.ge [sflag:s12], $0x80  }
0x12e: {  	[sflag:s12] =	ssyncset.done $0x0  }
0x12f: {  	[sflag:s12] =	ssyncadd.s32 $0xFFFFFF80  }
0x130: {  	_ =	swait.ge [sflag:s17], $0x4000  }
0x131: {  	[sflag:s17] =	ssyncset.done $0x0  }
0x132: {  	[sflag:s17] =	ssyncadd.s32 $0xFFFFC000  }
0x133: {  	[spmem:s2] =	stream.indirect.scatter.add.f32 [tilespmem:s14], [sflag:$0x3], $0x80, s16, s13, $0xb8;
	[tilespmem:$0x1C100] =	vst v63  }
0x134: {  	_ =	swait.ge [sflag:s12], $0x4000  }
0x135: {  	[sflag:s12] =	ssyncset.done $0x0  }
0x136: {  	[sflag:s12] =	ssyncadd.s32 $0xFFFFC000  }
0x137: {  	[tilespmem:s14], [sflag:$0x1] =	stream.indirect.gather [hbm4b:s4+s13], $0x80, s24, s13, $0xb8;
	[tilespmem:$0x1C100] =	vst v63  }
0x138: {  	s29 =	sadd.s32 $0x50, s28  }
0x139: {  	[tilespmem:s19], [sflag:$0x3] =	stream.linear.gather [hbm4b:s29+s3], $0x80, $0x38;
	[tilespmem:$0x1C100] =	vst v63  }
0x13a: {  	_ =	swait.ge [sflag:s12], $0x80  }
0x13b: {  	[sflag:s12] =	ssyncset.done $0x0  }
0x13c: {  	[sflag:s12] =	ssyncadd.s32 $0xFFFFFF80  }
0x13d: {  	_ =	swait.ge [sflag:s20], $0x4000  }
0x13e: {  	[sflag:s20] =	ssyncset.done $0x0  }
0x13f: {  	[sflag:s20] =	ssyncadd.s32 $0xFFFFC000  }
0x140: {  	[spmem:s2] =	stream.indirect.scatter.add.f32 [tilespmem:s15], [sflag:$0x3], $0x80, s19, s13, $0xb8;
	[tilespmem:$0x1C100] =	vst v63  }
0x141: {  	_ =	swait.ge [sflag:s12], $0x4000  }
0x142: {  	[sflag:s12] =	ssyncset.done $0x0  }
0x143: {  	[sflag:s12] =	ssyncadd.s32 $0xFFFFC000  }
0x144: {  	[tilespmem:s15], [sflag:$0x2] =	stream.indirect.gather [hbm4b:s4+s13], $0x80, s25, s13, $0xb8;
	[tilespmem:$0x1C100] =	vst v63  }
0x145: {  	s30 =	sadd.s32 $0x60, s28  }
0x146: {  	[tilespmem:s16], [sflag:$0x3] =	stream.linear.gather [hbm4b:s30+s3], $0x80, $0x38;
	[tilespmem:$0x1C100] =	vst v63  }
0x147: {  	_ =	swait.ge [sflag:s12], $0x80  }
0x148: {  	[sflag:s12] =	ssyncset.done $0x0  }
0x149: {  	[sflag:s12] =	ssyncadd.s32 $0xFFFFFF80  }
0x14a: {  	_ =	swait.ge [sflag:s17], $0x4000  }
0x14b: {  	[sflag:s17] =	ssyncset.done $0x0  }
0x14c: {  	[sflag:s17] =	ssyncadd.s32 $0xFFFFC000  }
0x14d: {  	[spmem:s2] =	stream.indirect.scatter.add.f32 [tilespmem:s14], [sflag:$0x3], $0x80, s16, s13, $0xb8;
	[tilespmem:$0x1C100] =	vst v63  }
0x14e: {  	_ =	swait.ge [sflag:s12], $0x4000  }
0x14f: {  	[sflag:s12] =	ssyncset.done $0x0  }
0x150: {  	s31 =	sadd.s32 $0x70, s28;
	[sflag:s12] =	ssyncadd.s32 $0xFFFFC000  }
0x151: {  	[tilespmem:s19], [sflag:$0x3] =	stream.linear.gather [hbm4b:s31+s3], $0x80, $0x38;
	[tilespmem:$0x1C100] =	vst v63  }
0x152: {  	_ =	swait.ge [sflag:s12], $0x80  }
0x153: {  	[sflag:s12] =	ssyncset.done $0x0  }
0x154: {  	[sflag:s12] =	ssyncadd.s32 $0xFFFFFF80  }
0x155: {  	_ =	swait.ge [sflag:s20], $0x4000  }
0x156: {  	[sflag:s20] =	ssyncset.done $0x0  }
0x157: {  	[sflag:s20] =	ssyncadd.s32 $0xFFFFC000  }
0x158: {  	[spmem:s2] =	stream.indirect.scatter.add.f32 [tilespmem:s15], [sflag:$0x3], $0x80, s19, s13, $0xb8;
	[tilespmem:$0x1C100] =	vst v63  }
0x159: {  	_ =	swait.ge [sflag:s12], $0x4000  }
0x15a: {  	s26 =	sadd.s32 $0x1, s26;
	[sflag:s12] =	ssyncset.done $0x0  }
0x15b: {  	p0 =	sne.s32 s26, s7;
	[sflag:s12] =	ssyncadd.s32 $0xFFFFC000  }
.Ltmp1:
0x15c: {  	[bflag:$0x0] =	sbarrier.arrive $0xFFFF;
	(pc) =	sbr.rel @p0 .LBB2_1-.Ltmp1, $4  }
0x15d: {  	[hbm:s8], [sflag:s6] =	dma.local [spmem:s11], $0x2780  }
0x15e: {  	_ =	swait.ge [sflag:s12], $0x2780  }
0x15f: {  	[sflag:s12] =	ssyncset.done $0x0  }
0x160: {  	[sflag:s12] =	ssyncadd.s32 $0xFFFFD880  }
0x161: {  	_ =	sfence.sel $0x180000  }
0x162: {  	[bflag:$0x0] =	sbarrier.arrive $0xFFFF  }
0x163: {  	_ =	strace $0x9000004D  }
0x164: {  	[bflag:$0x2] =	sbarrier.arrive $0xFFFF  }
0x165: {  	p0 =	sne.s32 s1, $0x0;
	s0 =	rddreg [dreg:$0x2]  }
0x166: {  	s0 =	sadd.s32 @!p0 $0x100000, s0  }
0x167: {  	[sflag:s0] =	ssyncadd.tile.s32 @!p0 $0x1;
	_ =	shalt  }
.Lfunc_end2:
_tile_overlayer_lowered:
.L_overlay_start_2:
0x168: {  	(tag) =	ssettag $0x2  }
0x169: {  	s0 =	rddreg [dreg:$0x0];
	s2 =	stileid.u32  }
0x16a: {  	s1 =	rddreg [dreg:$0x1];
	p0 =	sne.s32 s2, $0x0  }
0x16b: {  	s3 =	rddreg [dreg:$0x2];
	[bflag:$0x3] =	sbarrier.arrive $0xFFFF;
	s2 =	simm.s32 @!p0 $0x1C03  }
0x16c: {  	[timem:s3], [sflag:s2] =	dma.local @!p0 [hbm:s0], s1  }
0x16d: {  	s0 =	simm.s32 @!p0 $0x3  }
0x16e: {  	_ =	swait.ge @!p0 [sflag:s0], s1  }
0x16f: {  	s1 =	ssub.s32 @!p0 $0x0, s1;
	[sflag:s0] =	ssyncset.done @!p0 $0x0  }
0x170: {  	[sflag:s0] =	ssyncadd.s32 @!p0 s1  }
0x171: {  	[bflag:$0x3] =	sbarrier.arrive $0xFFFF  }
0x172: {  	_ =	shalt  }

// kernel: kernel.21.cloned.1.call-start
scs
__scs_entry_jumppad:
0x0: {  	(pc) =	sbr.rel $0x88, $3  }
0x1: {  	(tag) =	ssettag $0x0;
	lr =	simm.s32 $0x1  }
0x2: {  	[smem:$0x3F86] =	sst lr;
	_ =	strace $0xD0000000  }
0x3: {  	_ = 	snop  }
0x4: {  	_ = 	snop  }
0x5: {  	_ = 	snop  }
0x6: {  	_ = 	snop  }
0x7: {  	_ = 	snop  }
__scs_overlays_trampoline_lowered:
0x8: {  	[smem:$0x3F95] =	sst s0  }
0x9: {  	[smem:$0x3F96] =	sst s1  }
0xa: {  	[smem:$0x3F97] =	sst s2  }
0xb: {  	[smem:$0x3F98] =	sst s3  }
0xc: {  	[smem:$0x3F99] =	sst s4  }
0xd: {  	[smem:$0x3F9A] =	sst s5  }
0xe: {  	[smem:$0x3F9B] =	sst s6  }
0xf: {  	[smem:$0x3F9C] =	sst s7  }
0x10: {  	[smem:$0x3F9D] =	sst s8  }
0x11: {  	[smem:$0x3F9E] =	sst s9;
	s0 =	simm.s32 @!p0 $0x0  }
0x12: {  	s1 =	sld [smem:$0x3F84];
	s0 =	simm.s32 @p0 $0x1  }
0x13: {  	[smem:$0x3F9F] =	sst s0;
	s0 =	simm.s32 @!p1 $0x0  }
0x14: {  	s2 =	sld [smem:$0x3F83];
	s0 =	simm.s32 @p1 $0x1  }
0x15: {  	[smem:$0x3FA0] =	sst s0;
	s0 =	simm.s32 @!p2 $0x0  }
0x16: {  	s3 =	sld [smem:$0x3FDB];
	s0 =	simm.s32 @p2 $0x1  }
0x17: {  	s4 =	simm.s32 $0x1BF5;
	[smem:$0x3FA2] =	sst s0  }
0x18: {  	s0 =	sld [smem:$0x3F85];
	_ =	swait.ge [sflag:s4], $0x0  }
0x19: {  	s7 =	sld [smem:$0x3F86]  }
0x1a: {  	s8 =	sadd.s32 $0xFFFFE003, lr  }
0x1b: {  	s9 =	sadd.s32 $0xFFFFFEF7, lr;
	s5 =	simm.s32 $0xFFFFFFFF;
	p2 =	slt.u32 s8, $0xFFFFF086  }
0x1c: {  	p1 =	slt.u32 s9, $0xF7A;
	s5 =	simm.s32 @!p2 $0x0  }
0x1d: {  	s5 =	simm.s32 @p1 $0x1;
	p0 =	seq.s32 s7, s2  }
0x1e: {  	s7 =	smul.u32 @!p0 $0xF7A, s2;
	p2 =	seq.s32 @!p0 s5, $0x0  }
0x1f: {  	s9 =	smul.u32 $0xF7A, s1;
	s8 =	simm.s32 @!p0 $0x1BF5;
	p2 =	por !p2, p0  }
0x20: {  	[sflag:s8] =	ssyncset.s32 @!p0 $0xFFFFF086;
	s6 =	sadd.s32 @!p0 s3, s7;
	s7 =	simm.s32 @!p0 $0x108  }
0x21: {  	s3 =	sadd.s32 s3, s9;
	s6 =	sadd.s32 @!p0 $0x88, s6;
	s7 =	simm.s32 @p2 $0x1082  }
0x22: {  	[simem:s7], [sflag:s8] =	dma.local @!p0 [hbm:s6], $0xF7A  }
0x23: {  	s9 =	sor.u32 $0xD0000000, s2;
	s6 =	simm.s32 $0x108;
	_ =	swait.ge @!p0 [sflag:s8], $0x0  }
0x24: {  	s3 =	sadd.s32 $0x88, s3;
	s6 =	simm.s32 @!p1 $0x1082;
	[sflag:s4] =	ssyncset.s32 $0xFFFFF086  }
0x25: {  	[simem:s6], [sflag:s4] =	dma.local [hbm:s3], $0xF7A  }
0x26: {  	[smem:$0x3F86] =	sst s1;
	(tag) =	ssettag s2;
	_ =	strace s9  }
0x27: {  	s1 =	sld [smem:$0x3F96]  }
0x28: {  	s2 =	sld [smem:$0x3F97]  }
0x29: {  	s4 =	sld [smem:$0x3F99]  }
0x2a: {  	p0 =	seq.s32 s5, $0x0;
	s5 =	sld [smem:$0x3F9A]  }
0x2b: {  	s6 =	sld [smem:$0x3F9B]  }
0x2c: {  	s7 =	sld [smem:$0x3F9C]  }
0x2d: {  	s3 =	simm.s32 $0x108;
	s8 =	sld [smem:$0x3F9D]  }
0x2e: {  	s3 =	simm.s32 @!p0 $0x1082;
	s9 =	sld [smem:$0x3F9E]  }
0x2f: {  	lr =	sadd.s32 s0, s3;
	s0 =	sld [smem:$0x3F95]  }
0x30: {  	s3 =	sld [smem:$0x3F98]  }
0x31: {  	[smem:$0x3FA1] =	sst s10  }
0x32: {  	s10 =	sld [smem:$0x3F9F];
	_ =	sdelay $0x3  }
0x33: {  	p0 =	seq.s32 s10, $0x1;
	s10 =	sld [smem:$0x3FA1];
	_ =	sdelay $0x3  }
0x34: {  	[smem:$0x3FA1] =	sst s10  }
0x35: {  	s10 =	sld [smem:$0x3FA0];
	_ =	sdelay $0x3  }
0x36: {  	p1 =	seq.s32 s10, $0x1;
	s10 =	sld [smem:$0x3FA1];
	_ =	sdelay $0x3  }
0x37: {  	[smem:$0x3FA1] =	sst s10  }
0x38: {  	s10 =	sld [smem:$0x3FA2]  }
0x39: {  	_ = 	snop;
	(pc) =	sbr.ind lr, $3  }
0x3a: {  	_ = 	snop  }
0x3b: {  	_ = 	snop  }
0x3c: {  	p2 =	seq.s32 s10, $0x1;
	s10 =	sld [smem:$0x3FA1]  }
0x3d: {  	_ =	shalt  }
0x3e: {  	_ =	shalt  }
0x3f: {  	_ =	shalt  }
0x40: {  	_ =	shalt  }
0x41: {  	_ =	shalt  }
0x42: {  	_ =	shalt  }
0x43: {  	_ =	shalt  }
0x44: {  	_ =	shalt  }
0x45: {  	_ =	shalt  }
0x46: {  	_ =	shalt  }
0x47: {  	_ =	shalt  }
0x48: {  	_ =	shalt  }
0x49: {  	_ =	shalt  }
0x4a: {  	_ =	shalt  }
0x4b: {  	_ =	shalt  }
0x4c: {  	_ =	shalt  }
0x4d: {  	_ =	shalt  }
0x4e: {  	_ =	shalt  }
0x4f: {  	_ =	shalt  }
0x50: {  	_ =	shalt  }
0x51: {  	_ =	shalt  }
0x52: {  	_ =	shalt  }
0x53: {  	_ =	shalt  }
0x54: {  	_ =	shalt  }
0x55: {  	_ =	shalt  }
0x56: {  	_ =	shalt  }
0x57: {  	_ =	shalt  }
0x58: {  	_ =	shalt  }
0x59: {  	_ =	shalt  }
0x5a: {  	_ =	shalt  }
0x5b: {  	_ =	shalt  }
0x5c: {  	_ =	shalt  }
0x5d: {  	_ =	shalt  }
0x5e: {  	_ =	shalt  }
0x5f: {  	_ =	shalt  }
0x60: {  	_ =	shalt  }
0x61: {  	_ =	shalt  }
0x62: {  	_ =	shalt  }
0x63: {  	_ =	shalt  }
0x64: {  	_ =	shalt  }
0x65: {  	_ =	shalt  }
0x66: {  	_ =	shalt  }
0x67: {  	_ =	shalt  }
0x68: {  	_ =	shalt  }
0x69: {  	_ =	shalt  }
0x6a: {  	_ =	shalt  }
0x6b: {  	_ =	shalt  }
0x6c: {  	_ =	shalt  }
0x6d: {  	_ =	shalt  }
0x6e: {  	_ =	shalt  }
0x6f: {  	_ =	shalt  }
0x70: {  	_ =	shalt  }
0x71: {  	_ =	shalt  }
0x72: {  	_ =	shalt  }
0x73: {  	_ =	shalt  }
0x74: {  	_ =	shalt  }
0x75: {  	_ =	shalt  }
0x76: {  	_ =	shalt  }
0x77: {  	_ =	shalt  }
0x78: {  	_ =	shalt  }
0x79: {  	_ =	shalt  }
0x7a: {  	_ =	shalt  }
0x7b: {  	_ =	shalt  }
0x7c: {  	_ =	shalt  }
0x7d: {  	_ =	shalt  }
0x7e: {  	_ =	shalt  }
0x7f: {  	_ =	shalt  }
0x80: {  	_ =	shalt  }
0x81: {  	_ =	shalt  }
0x82: {  	_ =	shalt  }
0x83: {  	_ =	shalt  }
0x84: {  	_ =	shalt  }
0x85: {  	_ =	shalt  }
0x86: {  	_ =	shalt  }
0x87: {  	_ =	shalt  }
.Lfunc_end0:
.L_simem_size_0:
called_computation.3_lowered:
.L_overlay_start_0:
0x88: {  	s2 =	sld [smem:$0x3FD9]  }
0x89: {  	s3 =	sld [smem:$0x3FFE];
	_ =	sdelay $0x1  }
0x8a: {  	s1 =	srdreg.scid  }
0x8b: {  	s0 =	sand.u32 $0x1, s1  }
0x8c: {  	s16 =	sshll.u32 s0, $0xA;
	s2 =	sadd.s32 s3, s2  }
0x8d: {  	s2 =	sadd.s32 s2, s16  }
0x8e: {  	[smem:$0x3FAD] =	sst s2  }
0x8f: {  	_ = 	snop  }
0x90: {  	(tm) =	ssettm $0x1  }
0x91: {  	s17 =	sld [smem:$0x3FFB];
	_ =	sdelay $0x3  }
0x92: {  	_ =	strace s17  }
0x93: {  	s2 =	sld [smem:$0x3FFC];
	_ =	sdelay $0x3  }
0x94: {  	_ =	strace s2  }
0x95: {  	s2 =	sld [smem:$0x3FFD];
	_ =	sdelay $0x3  }
0x96: {  	_ =	strace s2  }
0x97: {  	_ =	strace $0x8FFFFFFF  }
0x98: {  	s18 =	sld [smem:$0x3FDB];
	_ =	sdelay $0x1  }
0x99: {  	s19 =	simm.s32 $_scs_section_size  }
0x9a: {  	s4 =	simm.s32 $_size__tile_overlayer_lowered;
	s5 =	simm.s32 $_tile_overlayer_lowered  }
0x9b: {  	s22 =	simm.s32 $0x1BFF;
	s21 =	sshll.u32 s5, $0x1;
	s2 =	sadd.s32 s19, s18  }
0x9c: {  	s6 =	simm.s32 $0x0;
	s20 =	sshll.u32 s4, $0x1;
	s4 =	sadd.s32 s21, s2  }
0x9d: {  	[timem:s6], [sflag:s22] =	dma.local [hbm:s4], s20  }
0x9e: {  	_ =	swait.ge [sflag:s22], s20  }
0x9f: {  	s3 =	ssub.s32 $0x0, s20;
	[sflag:s22] =	ssyncset.done $0x0  }
0xa0: {  	[sflag:s22] =	ssyncadd.s32 s3;
	_ =	sdelay $0x1  }
0xa1: {  	s23 =	simm.s32 $0x1B8B  }
0xa2: {  	_ =	swait.ge [sflag:s23], $0x1  }
0xa3: {  	[sflag:s23] =	ssyncset.done $0x0  }
0xa4: {  	s25 =	simm.s32 $0x1B8E;
	s24 =	sld [smem:$0x3FFE];
	[sflag:s23] =	ssyncadd.s32 $0xFFFFFFFF  }
0xa5: {  	s26 =	simm.s32 $execute0_lowered;
	[smem:$0x3FD2] =	sst s25  }
0xa6: {  	s4 =	sshll.u32 s26, $0x1;
	_ =	strace $0x8000004F;
	[dreg:$0x1] =	wrdreg $0xFFFFFFFF  }
0xa7: {  	s28 =	simm.s32 $_size_execute0_lowered;
	s2 =	sadd.s32 s2, s4;
	[dreg:$0x0] =	wrdreg $0x0  }
0xa8: {  	s4 =	sshll.u32 s28, $0x1;
	[dreg:$0x2] =	wrdreg s2  }
0xa9: {  	[dreg:$0x3] =	wrdreg s4  }
0xaa: {  	[dreg:$0x4] =	wrdreg $0xC0  }
0xab: {  	_ =	task [dreg:s6], $0x5FFFF  }
0xac: {  	[dreg:$0x1] =	wrdreg $0xFFFFFFFF  }
0xad: {  	[dreg:$0x0] =	wrdreg $0x60  }
0xae: {  	[dreg:$0x2] =	wrdreg s24  }
0xaf: {  	[dreg:$0x3] =	wrdreg $0x85000  }
0xb0: {  	[dreg:$0x4] =	wrdreg $0x9  }
0xb1: {  	_ =	task.clear_ibuf [dreg:s6], $0x5FFFF;
	_ =	strace $0x9000004F  }
0xb2: {  	s29 =	simm.s32 $0x9;
	_ =	strace $0x80000051  }
0xb3: {  	_ =	swait.ge [sflag:s29], $0x1  }
0xb4: {  	[sflag:s29] =	ssyncadd.s32 $0xFFFFFFFF  }
0xb5: {  	_ =	strace $0x90000051  }
0xb6: {  	_ =	sfence  }
0xb7: {  	s30 =	sld [smem:$0x0];
	_ =	sdelay $0x2  }
0xb8: {  	s31 =	sshll.u32 s1, $0xD;
	s1 =	sshrl.u32 s1, $0x2  }
0xb9: {  	s3 =	sand.u32 $0x4000, s31;
	s1 =	sadd.s32 s1, s30  }
0xba: {  	s0 =	sor.u32 s3, s0;
	s1 =	sshll.u32 s1, $0x11  }
0xbb: {  	s0 =	sor.u32 s1, s0  }
0xbc: {  	s0 =	sadd.s32 $0x8F2B, s0  }
0xbd: {  	[sflag:s0] =	ssyncadd.remote.s32 $0x1  }
0xbe: {  	_ =	sfence.sel $0xFFFF  }
0xbf: {  	[dreg:$0x0] =	wrdreg $0xFFFFFFFF;
	(pc) =	sbr.abs _section_cstart, $3  }
0xc0: {  	[dreg:$0x1] =	wrdreg $0xFFFFFFFF  }
0xc1: {  	_ =	task.clear_ibuf [dreg:s6], $0x2FFFF;
	_ =	strace $0x9FFFFFFF  }
0xc2: {  	(tm) =	ssettm $0x7FFFFFFF  }
0xc3: {  	_ =	shalt  }
tec
execute0_lowered:
.L_overlay_start_1:
0x0: {  	(tag) =	ssettag $0x1  }
0x1: {  	s5 =	rddreg [dreg:$0x0]  }
0x2: {  	s2 =	rddreg [dreg:$0x1]  }
0x3: {  	s3 =	simm.s32 $0x0;
	s1 =	stileid.u32;
	s4 =	srdreg.scid  }
0x4: {  	s13 =	simm.s32 $0xE9800;
	s15 =	simm.s32 $0x4500;
	s16 =	simm.s32 $0x400  }
0x5: {  	s17 =	simm.s32 $0x1;
	s18 =	simm.s32 $0x100;
	s19 =	simm.s32 $0x480  }
0x6: {  	s20 =	simm.s32 $0x2;
	s21 =	simm.s32 $0x180;
	s22 =	simm.s32 $0x200  }
0x7: {  	s23 =	simm.s32 $0x280;
	s24 =	simm.s32 $0x300;
	s6 =	smul.u32 $0xA00, s1  }
0x8: {  	s25 =	simm.s32 $0x380;
	[smem:$0x7FF] =	sst s3;
	s7 =	smul.u32 $0x2780, s1  }
0x9: {  	s8 =	sand.u32 $0x1, s4;
	s9 =	smul.u32 $0x4F000, s1;
	s4 =	sadd.s32 $0x90E00, s5  }
0xa: {  	s31 =	sshll.u32 s1, $0x6;
	_ =	strace $0x80000050;
	s26 =	ssub.s32 $0x2, s8  }
0xb: {  	p0 =	seq.s32 s8, $0x1;
	s14 =	smul.u32 $0x500, s8;
	s10 =	sadd.s32 s6, s5  }
0xc: {  	s11 =	sadd.s32 s7, s5;
	s28 =	sshrl.u32 s26, $0x1;
	s29 =	sshrl.u32 s9, $0x2  }
0xd: {  	s6 =	sor.u32 $0x1C03, s31;
	s13 =	simm.s32 @!p0 $0xC2000;
	s30 =	ssub.s32 s26, s28  }
0xe: {  	s12 =	sadd.s32 s29, s2;
	s5 =	sadd.s32 $0x1A600, s11;
	s8 =	sadd.s32 s13, s11  }
0xf: {  	s10 =	sadd.s32 s14, s10;
	s13 =	simm.s32 $0x80;
	s14 =	simm.s32 $0x500  }
0x10: {  	s26 =	simm.s32 $0x0;
	s7 =	smax.u32 s30, $0x1;
	s9 =	sadd.s32 $0x10600, s10  }
0x11: {  	s10 =	sadd.s32 $0xB8000, s10;
	s11 =	sshrl.u32 s12, $0x3;
	s12 =	simm.s32 $0x3  }
.LBB2_1:
0x12: {  	[spmem:s11], [sflag:s6] =	dma.local [hbm:s5], $0x2780  }
0x13: {  	_ =	swait.ge [sflag:s12], $0x2780  }
0x14: {  	[sflag:s12] =	ssyncset.done $0x0  }
0x15: {  	[sflag:s12] =	ssyncadd.s32 $0xFFFFD880  }
0x16: {  	s28 =	sadd.s32 $0x0, s10;
	[bflag:$0x0] =	sbarrier.arrive $0xFFFF  }
0x17: {  	[tilespmem:s3], [sflag:$0x3] =	stream.linear.gather [hbm4b:s28+s3], $0x400, $0x38;
	[tilespmem:$0x1C100] =	vst v63  }
0x18: {  	_ =	swait.ge [sflag:s12], $0x400  }
0x19: {  	[sflag:s12] =	ssyncset.done $0x0  }
0x1a: {  	[sflag:s12] =	ssyncadd.s32 $0xFFFFFC00  }
0x1b: {  	[tilespmem:s14], [sflag:$0x1] =	stream.indirect.gather [hbm4b:s4+s13], $0x80, s3, s13, $0xb8;
	[tilespmem:$0x1C100] =	vst v63  }
0x1c: {  	_ = 	snop  }
0x1d: {  	[tilespmem:s15], [sflag:$0x2] =	stream.indirect.gather [hbm4b:s4+s13], $0x80, s13, s13, $0xb8;
	[tilespmem:$0x1C100] =	vst v63  }
0x1e: {  	s28 =	sadd.s32 $0x0, s9  }
0x1f: {  	[tilespmem:s16], [sflag:$0x3] =	stream.linear.gather [hbm4b:s28+s3], $0x80, $0x38;
	[tilespmem:$0x1C100] =	vst v63  }
0x20: {  	_ =	swait.ge [sflag:s12], $0x80  }
0x21: {  	[sflag:s12] =	ssyncset.done $0x0  }
0x22: {  	[sflag:s12] =	ssyncadd.s32 $0xFFFFFF80  }
0x23: {  	_ =	swait.ge [sflag:s17], $0x4000  }
0x24: {  	[sflag:s17] =	ssyncset.done $0x0  }
0x25: {  	[sflag:s17] =	ssyncadd.s32 $0xFFFFC000  }
0x26: {  	[spmem:s2] =	stream.indirect.scatter.add.f32 [tilespmem:s14], [sflag:$0x3], $0x80, s16, s13, $0xb8;
	[tilespmem:$0x1C100] =	vst v63  }
0x27: {  	_ =	swait.ge [sflag:s12], $0x4000  }
0x28: {  	[sflag:s12] =	ssyncset.done $0x0  }
0x29: {  	[sflag:s12] =	ssyncadd.s32 $0xFFFFC000  }
0x2a: {  	[tilespmem:s14], [sflag:$0x1] =	stream.indirect.gather [hbm4b:s4+s13], $0x80, s18, s13, $0xb8;
	[tilespmem:$0x1C100] =	vst v63  }
0x2b: {  	s29 =	sadd.s32 $0x10, s28  }
0x2c: {  	[tilespmem:s19], [sflag:$0x3] =	stream.linear.gather [hbm4b:s29+s3], $0x80, $0x38;
	[tilespmem:$0x1C100] =	vst v63  }
0x2d: {  	_ =	swait.ge [sflag:s12], $0x80  }
0x2e: {  	[sflag:s12] =	ssyncset.done $0x0  }
0x2f: {  	[sflag:s12] =	ssyncadd.s32 $0xFFFFFF80  }
0x30: {  	_ =	swait.ge [sflag:s20], $0x4000  }
0x31: {  	[sflag:s20] =	ssyncset.done $0x0  }
0x32: {  	[sflag:s20] =	ssyncadd.s32 $0xFFFFC000  }
0x33: {  	[spmem:s2] =	stream.indirect.scatter.add.f32 [tilespmem:s15], [sflag:$0x3], $0x80, s19, s13, $0xb8;
	[tilespmem:$0x1C100] =	vst v63  }
0x34: {  	_ =	swait.ge [sflag:s12], $0x4000  }
0x35: {  	[sflag:s12] =	ssyncset.done $0x0  }
0x36: {  	[sflag:s12] =	ssyncadd.s32 $0xFFFFC000  }
0x37: {  	[tilespmem:s15], [sflag:$0x2] =	stream.indirect.gather [hbm4b:s4+s13], $0x80, s21, s13, $0xb8;
	[tilespmem:$0x1C100] =	vst v63  }
0x38: {  	s31 =	sadd.s32 $0x20, s28  }
0x39: {  	[tilespmem:s16], [sflag:$0x3] =	stream.linear.gather [hbm4b:s31+s3], $0x80, $0x38;
	[tilespmem:$0x1C100] =	vst v63  }
0x3a: {  	_ =	swait.ge [sflag:s12], $0x80  }
0x3b: {  	[sflag:s12] =	ssyncset.done $0x0  }
0x3c: {  	[sflag:s12] =	ssyncadd.s32 $0xFFFFFF80  }
0x3d: {  	_ =	swait.ge [sflag:s17], $0x4000  }
0x3e: {  	[sflag:s17] =	ssyncset.done $0x0  }
0x3f: {  	[sflag:s17] =	ssyncadd.s32 $0xFFFFC000  }
0x40: {  	[spmem:s2] =	stream.indirect.scatter.add.f32 [tilespmem:s14], [sflag:$0x3], $0x80, s16, s13, $0xb8;
	[tilespmem:$0x1C100] =	vst v63  }
0x41: {  	_ =	swait.ge [sflag:s12], $0x4000  }
0x42: {  	[sflag:s12] =	ssyncset.done $0x0  }
0x43: {  	[sflag:s12] =	ssyncadd.s32 $0xFFFFC000  }
0x44: {  	[tilespmem:s14], [sflag:$0x1] =	stream.indirect.gather [hbm4b:s4+s13], $0x80, s22, s13, $0xb8;
	[tilespmem:$0x1C100] =	vst v63  }
0x45: {  	s0 =	sadd.s32 $0x30, s28  }
0x46: {  	[tilespmem:s19], [sflag:$0x3] =	stream.linear.gather [hbm4b:s0+s3], $0x80, $0x38;
	[tilespmem:$0x1C100] =	vst v63  }
0x47: {  	_ =	swait.ge [sflag:s12], $0x80  }
0x48: {  	[sflag:s12] =	ssyncset.done $0x0  }
0x49: {  	[sflag:s12] =	ssyncadd.s32 $0xFFFFFF80  }
0x4a: {  	_ =	swait.ge [sflag:s20], $0x4000  }
0x4b: {  	[sflag:s20] =	ssyncset.done $0x0  }
0x4c: {  	[sflag:s20] =	ssyncadd.s32 $0xFFFFC000  }
0x4d: {  	[spmem:s2] =	stream.indirect.scatter.add.f32 [tilespmem:s15], [sflag:$0x3], $0x80, s19, s13, $0xb8;
	[tilespmem:$0x1C100] =	vst v63  }
0x4e: {  	_ =	swait.ge [sflag:s12], $0x4000  }
0x4f: {  	[sflag:s12] =	ssyncset.done $0x0  }
0x50: {  	[sflag:s12] =	ssyncadd.s32 $0xFFFFC000  }
0x51: {  	[tilespmem:s15], [sflag:$0x2] =	stream.indirect.gather [hbm4b:s4+s13], $0x80, s23, s13, $0xb8;
	[tilespmem:$0x1C100] =	vst v63  }
0x52: {  	s31 =	sadd.s32 $0x40, s28  }
0x53: {  	[tilespmem:s16], [sflag:$0x3] =	stream.linear.gather [hbm4b:s31+s3], $0x80, $0x38;
	[tilespmem:$0x1C100] =	vst v63  }
0x54: {  	_ =	swait.ge [sflag:s12], $0x80  }
0x55: {  	[sflag:s12] =	ssyncset.done $0x0  }
0x56: {  	[sflag:s12] =	ssyncadd.s32 $0xFFFFFF80  }
0x57: {  	_ =	swait.ge [sflag:s17], $0x4000  }
0x58: {  	[sflag:s17] =	ssyncset.done $0x0  }
0x59: {  	[sflag:s17] =	ssyncadd.s32 $0xFFFFC000  }
0x5a: {  	[spmem:s2] =	stream.indirect.scatter.add.f32 [tilespmem:s14], [sflag:$0x3], $0x80, s16, s13, $0xb8;
	[tilespmem:$0x1C100] =	vst v63  }
0x5b: {  	_ =	swait.ge [sflag:s12], $0x4000  }
0x5c: {  	[sflag:s12] =	ssyncset.done $0x0  }
0x5d: {  	[sflag:s12] =	ssyncadd.s32 $0xFFFFC000  }
0x5e: {  	[tilespmem:s14], [sflag:$0x1] =	stream.indirect.gather [hbm4b:s4+s13], $0x80, s24, s13, $0xb8;
	[tilespmem:$0x1C100] =	vst v63  }
0x5f: {  	s0 =	sadd.s32 $0x50, s28  }
0x60: {  	[tilespmem:s19], [sflag:$0x3] =	stream.linear.gather [hbm4b:s0+s3], $0x80, $0x38;
	[tilespmem:$0x1C100] =	vst v63  }
0x61: {  	_ =	swait.ge [sflag:s12], $0x80  }
0x62: {  	[sflag:s12] =	ssyncset.done $0x0  }
0x63: {  	[sflag:s12] =	ssyncadd.s32 $0xFFFFFF80  }
0x64: {  	_ =	swait.ge [sflag:s20], $0x4000  }
0x65: {  	[sflag:s20] =	ssyncset.done $0x0  }
0x66: {  	[sflag:s20] =	ssyncadd.s32 $0xFFFFC000  }
0x67: {  	[spmem:s2] =	stream.indirect.scatter.add.f32 [tilespmem:s15], [sflag:$0x3], $0x80, s19, s13, $0xb8;
	[tilespmem:$0x1C100] =	vst v63  }
0x68: {  	_ =	swait.ge [sflag:s12], $0x4000  }
0x69: {  	[sflag:s12] =	ssyncset.done $0x0  }
0x6a: {  	[sflag:s12] =	ssyncadd.s32 $0xFFFFC000  }
0x6b: {  	[tilespmem:s15], [sflag:$0x2] =	stream.indirect.gather [hbm4b:s4+s13], $0x80, s25, s13, $0xb8;
	[tilespmem:$0x1C100] =	vst v63  }
0x6c: {  	s31 =	sadd.s32 $0x60, s28  }
0x6d: {  	[tilespmem:s16], [sflag:$0x3] =	stream.linear.gather [hbm4b:s31+s3], $0x80, $0x38;
	[tilespmem:$0x1C100] =	vst v63  }
0x6e: {  	_ =	swait.ge [sflag:s12], $0x80  }
0x6f: {  	[sflag:s12] =	ssyncset.done $0x0  }
0x70: {  	[sflag:s12] =	ssyncadd.s32 $0xFFFFFF80  }
0x71: {  	_ =	swait.ge [sflag:s17], $0x4000  }
0x72: {  	[sflag:s17] =	ssyncset.done $0x0  }
0x73: {  	[sflag:s17] =	ssyncadd.s32 $0xFFFFC000  }
0x74: {  	[spmem:s2] =	stream.indirect.scatter.add.f32 [tilespmem:s14], [sflag:$0x3], $0x80, s16, s13, $0xb8;
	[tilespmem:$0x1C100] =	vst v63  }
0x75: {  	_ =	swait.ge [sflag:s12], $0x4000  }
0x76: {  	[sflag:s12] =	ssyncset.done $0x0  }
0x77: {  	s28 =	sadd.s32 $0x70, s28;
	[sflag:s12] =	ssyncadd.s32 $0xFFFFC000  }
0x78: {  	[tilespmem:s19], [sflag:$0x3] =	stream.linear.gather [hbm4b:s28+s3], $0x80, $0x38;
	[tilespmem:$0x1C100] =	vst v63  }
0x79: {  	_ =	swait.ge [sflag:s12], $0x80  }
0x7a: {  	[sflag:s12] =	ssyncset.done $0x0  }
0x7b: {  	[sflag:s12] =	ssyncadd.s32 $0xFFFFFF80  }
0x7c: {  	_ =	swait.ge [sflag:s20], $0x4000  }
0x7d: {  	[sflag:s20] =	ssyncset.done $0x0  }
0x7e: {  	[sflag:s20] =	ssyncadd.s32 $0xFFFFC000  }
0x7f: {  	[spmem:s2] =	stream.indirect.scatter.add.f32 [tilespmem:s15], [sflag:$0x3], $0x80, s19, s13, $0xb8;
	[tilespmem:$0x1C100] =	vst v63  }
0x80: {  	_ =	swait.ge [sflag:s12], $0x4000  }
0x81: {  	s30 =	simm.s32 $0x100;
	s28 =	simm.s32 $0x80;
	[sflag:s12] =	ssyncset.done $0x0  }
.LBB2_2:
0x82: {  	s31 =	sadd.s32 s28, s10  }
0x83: {  	[sflag:s12] =	ssyncadd.s32 $0xFFFFC000;
	s0 =	smov.u32 s30;
	s29 =	sadd.s32 $0x80, s30  }
0x84: {  	[tilespmem:s3], [sflag:$0x3] =	stream.linear.gather [hbm4b:s31+s3], $0x400, $0x38;
	[tilespmem:$0x1C100] =	vst v63  }
0x85: {  	p0 =	sne.s32 s30, $0x480;
	_ =	swait.ge [sflag:s12], $0x400  }
0x86: {  	[sflag:s12] =	ssyncset.done $0x0  }
0x87: {  	[sflag:s12] =	ssyncadd.s32 $0xFFFFFC00  }
0x88: {  	[tilespmem:s14], [sflag:$0x1] =	stream.indirect.gather [hbm4b:s4+s13], $0x80, s3, s13, $0xb8;
	[tilespmem:$0x1C100] =	vst v63  }
0x89: {  	_ = 	snop  }
0x8a: {  	[tilespmem:s15], [sflag:$0x2] =	stream.indirect.gather [hbm4b:s4+s13], $0x80, s13, s13, $0xb8;
	[tilespmem:$0x1C100] =	vst v63  }
0x8b: {  	s30 =	sadd.s32 s28, s9;
	s28 =	smov.u32 s0  }
0x8c: {  	[tilespmem:s16], [sflag:$0x3] =	stream.linear.gather [hbm4b:s30+s3], $0x80, $0x38;
	[tilespmem:$0x1C100] =	vst v63  }
0x8d: {  	_ =	swait.ge [sflag:s12], $0x80  }
0x8e: {  	[sflag:s12] =	ssyncset.done $0x0  }
0x8f: {  	[sflag:s12] =	ssyncadd.s32 $0xFFFFFF80  }
0x90: {  	_ =	swait.ge [sflag:s17], $0x4000  }
0x91: {  	[sflag:s17] =	ssyncset.done $0x0  }
0x92: {  	[sflag:s17] =	ssyncadd.s32 $0xFFFFC000  }
0x93: {  	[spmem:s2] =	stream.indirect.scatter.add.f32 [tilespmem:s14], [sflag:$0x3], $0x80, s16, s13, $0xb8;
	[tilespmem:$0x1C100] =	vst v63  }
0x94: {  	_ =	swait.ge [sflag:s12], $0x4000  }
0x95: {  	[sflag:s12] =	ssyncset.done $0x0  }
0x96: {  	[sflag:s12] =	ssyncadd.s32 $0xFFFFC000  }
0x97: {  	[tilespmem:s14], [sflag:$0x1] =	stream.indirect.gather [hbm4b:s4+s13], $0x80, s18, s13, $0xb8;
	[tilespmem:$0x1C100] =	vst v63  }
0x98: {  	s0 =	sadd.s32 $0x10, s30  }
0x99: {  	[tilespmem:s19], [sflag:$0x3] =	stream.linear.gather [hbm4b:s0+s3], $0x80, $0x38;
	[tilespmem:$0x1C100] =	vst v63  }
0x9a: {  	_ =	swait.ge [sflag:s12], $0x80  }
0x9b: {  	[sflag:s12] =	ssyncset.done $0x0  }
0x9c: {  	[sflag:s12] =	ssyncadd.s32 $0xFFFFFF80  }
0x9d: {  	_ =	swait.ge [sflag:s20], $0x4000  }
0x9e: {  	[sflag:s20] =	ssyncset.done $0x0  }
0x9f: {  	[sflag:s20] =	ssyncadd.s32 $0xFFFFC000  }
0xa0: {  	[spmem:s2] =	stream.indirect.scatter.add.f32 [tilespmem:s15], [sflag:$0x3], $0x80, s19, s13, $0xb8;
	[tilespmem:$0x1C100] =	vst v63  }
0xa1: {  	_ =	swait.ge [sflag:s12], $0x4000  }
0xa2: {  	[sflag:s12] =	ssyncset.done $0x0  }
0xa3: {  	[sflag:s12] =	ssyncadd.s32 $0xFFFFC000  }
0xa4: {  	[tilespmem:s15], [sflag:$0x2] =	stream.indirect.gather [hbm4b:s4+s13], $0x80, s21, s13, $0xb8;
	[tilespmem:$0x1C100] =	vst v63  }
0xa5: {  	s0 =	sadd.s32 $0x20, s30  }
0xa6: {  	[tilespmem:s16], [sflag:$0x3] =	stream.linear.gather [hbm4b:s0+s3], $0x80, $0x38;
	[tilespmem:$0x1C100] =	vst v63  }
0xa7: {  	_ =	swait.ge [sflag:s12], $0x80  }
0xa8: {  	[sflag:s12] =	ssyncset.done $0x0  }
0xa9: {  	[sflag:s12] =	ssyncadd.s32 $0xFFFFFF80  }
0xaa: {  	_ =	swait.ge [sflag:s17], $0x4000  }
0xab: {  	[sflag:s17] =	ssyncset.done $0x0  }
0xac: {  	[sflag:s17] =	ssyncadd.s32 $0xFFFFC000  }
0xad: {  	[spmem:s2] =	stream.indirect.scatter.add.f32 [tilespmem:s14], [sflag:$0x3], $0x80, s16, s13, $0xb8;
	[tilespmem:$0x1C100] =	vst v63  }
0xae: {  	_ =	swait.ge [sflag:s12], $0x4000  }
0xaf: {  	[sflag:s12] =	ssyncset.done $0x0  }
0xb0: {  	[sflag:s12] =	ssyncadd.s32 $0xFFFFC000  }
0xb1: {  	[tilespmem:s14], [sflag:$0x1] =	stream.indirect.gather [hbm4b:s4+s13], $0x80, s22, s13, $0xb8;
	[tilespmem:$0x1C100] =	vst v63  }
0xb2: {  	s0 =	sadd.s32 $0x30, s30  }
0xb3: {  	[tilespmem:s19], [sflag:$0x3] =	stream.linear.gather [hbm4b:s0+s3], $0x80, $0x38;
	[tilespmem:$0x1C100] =	vst v63  }
0xb4: {  	_ =	swait.ge [sflag:s12], $0x80  }
0xb5: {  	[sflag:s12] =	ssyncset.done $0x0  }
0xb6: {  	[sflag:s12] =	ssyncadd.s32 $0xFFFFFF80  }
0xb7: {  	_ =	swait.ge [sflag:s20], $0x4000  }
0xb8: {  	[sflag:s20] =	ssyncset.done $0x0  }
0xb9: {  	[sflag:s20] =	ssyncadd.s32 $0xFFFFC000  }
0xba: {  	[spmem:s2] =	stream.indirect.scatter.add.f32 [tilespmem:s15], [sflag:$0x3], $0x80, s19, s13, $0xb8;
	[tilespmem:$0x1C100] =	vst v63  }
0xbb: {  	_ =	swait.ge [sflag:s12], $0x4000  }
0xbc: {  	[sflag:s12] =	ssyncset.done $0x0  }
0xbd: {  	[sflag:s12] =	ssyncadd.s32 $0xFFFFC000  }
0xbe: {  	[tilespmem:s15], [sflag:$0x2] =	stream.indirect.gather [hbm4b:s4+s13], $0x80, s23, s13, $0xb8;
	[tilespmem:$0x1C100] =	vst v63  }
0xbf: {  	s0 =	sadd.s32 $0x40, s30  }
0xc0: {  	[tilespmem:s16], [sflag:$0x3] =	stream.linear.gather [hbm4b:s0+s3], $0x80, $0x38;
	[tilespmem:$0x1C100] =	vst v63  }
0xc1: {  	_ =	swait.ge [sflag:s12], $0x80  }
0xc2: {  	[sflag:s12] =	ssyncset.done $0x0  }
0xc3: {  	[sflag:s12] =	ssyncadd.s32 $0xFFFFFF80  }
0xc4: {  	_ =	swait.ge [sflag:s17], $0x4000  }
0xc5: {  	[sflag:s17] =	ssyncset.done $0x0  }
0xc6: {  	[sflag:s17] =	ssyncadd.s32 $0xFFFFC000  }
0xc7: {  	[spmem:s2] =	stream.indirect.scatter.add.f32 [tilespmem:s14], [sflag:$0x3], $0x80, s16, s13, $0xb8;
	[tilespmem:$0x1C100] =	vst v63  }
0xc8: {  	_ =	swait.ge [sflag:s12], $0x4000  }
0xc9: {  	[sflag:s12] =	ssyncset.done $0x0  }
0xca: {  	[sflag:s12] =	ssyncadd.s32 $0xFFFFC000  }
0xcb: {  	[tilespmem:s14], [sflag:$0x1] =	stream.indirect.gather [hbm4b:s4+s13], $0x80, s24, s13, $0xb8;
	[tilespmem:$0x1C100] =	vst v63  }
0xcc: {  	s0 =	sadd.s32 $0x50, s30  }
0xcd: {  	[tilespmem:s19], [sflag:$0x3] =	stream.linear.gather [hbm4b:s0+s3], $0x80, $0x38;
	[tilespmem:$0x1C100] =	vst v63  }
0xce: {  	_ =	swait.ge [sflag:s12], $0x80  }
0xcf: {  	[sflag:s12] =	ssyncset.done $0x0  }
0xd0: {  	[sflag:s12] =	ssyncadd.s32 $0xFFFFFF80  }
0xd1: {  	_ =	swait.ge [sflag:s20], $0x4000  }
0xd2: {  	[sflag:s20] =	ssyncset.done $0x0  }
0xd3: {  	[sflag:s20] =	ssyncadd.s32 $0xFFFFC000  }
0xd4: {  	[spmem:s2] =	stream.indirect.scatter.add.f32 [tilespmem:s15], [sflag:$0x3], $0x80, s19, s13, $0xb8;
	[tilespmem:$0x1C100] =	vst v63  }
0xd5: {  	_ =	swait.ge [sflag:s12], $0x4000  }
0xd6: {  	[sflag:s12] =	ssyncset.done $0x0  }
0xd7: {  	[sflag:s12] =	ssyncadd.s32 $0xFFFFC000  }
0xd8: {  	[tilespmem:s15], [sflag:$0x2] =	stream.indirect.gather [hbm4b:s4+s13], $0x80, s25, s13, $0xb8;
	[tilespmem:$0x1C100] =	vst v63  }
0xd9: {  	s0 =	sadd.s32 $0x60, s30  }
0xda: {  	[tilespmem:s16], [sflag:$0x3] =	stream.linear.gather [hbm4b:s0+s3], $0x80, $0x38;
	[tilespmem:$0x1C100] =	vst v63  }
0xdb: {  	_ =	swait.ge [sflag:s12], $0x80  }
0xdc: {  	[sflag:s12] =	ssyncset.done $0x0  }
0xdd: {  	[sflag:s12] =	ssyncadd.s32 $0xFFFFFF80  }
0xde: {  	_ =	swait.ge [sflag:s17], $0x4000  }
0xdf: {  	[sflag:s17] =	ssyncset.done $0x0  }
0xe0: {  	[sflag:s17] =	ssyncadd.s32 $0xFFFFC000  }
0xe1: {  	[spmem:s2] =	stream.indirect.scatter.add.f32 [tilespmem:s14], [sflag:$0x3], $0x80, s16, s13, $0xb8;
	[tilespmem:$0x1C100] =	vst v63  }
0xe2: {  	_ =	swait.ge [sflag:s12], $0x4000  }
0xe3: {  	[sflag:s12] =	ssyncset.done $0x0  }
0xe4: {  	s0 =	sadd.s32 $0x70, s30;
	[sflag:s12] =	ssyncadd.s32 $0xFFFFC000  }
0xe5: {  	[tilespmem:s19], [sflag:$0x3] =	stream.linear.gather [hbm4b:s0+s3], $0x80, $0x38;
	[tilespmem:$0x1C100] =	vst v63  }
0xe6: {  	_ =	swait.ge [sflag:s12], $0x80  }
0xe7: {  	[sflag:s12] =	ssyncset.done $0x0  }
0xe8: {  	[sflag:s12] =	ssyncadd.s32 $0xFFFFFF80  }
0xe9: {  	_ =	swait.ge [sflag:s20], $0x4000  }
.Ltmp0:
0xea: {  	[sflag:s20] =	ssyncset.done $0x0;
	(pc) =	sbr.rel @p0 .LBB2_2-.Ltmp0, $4  }
0xeb: {  	[sflag:s20] =	ssyncadd.s32 $0xFFFFC000  }
0xec: {  	[spmem:s2] =	stream.indirect.scatter.add.f32 [tilespmem:s15], [sflag:$0x3], $0x80, s19, s13, $0xb8;
	[tilespmem:$0x1C100] =	vst v63  }
0xed: {  	_ =	swait.ge [sflag:s12], $0x4000  }
0xee: {  	s30 =	smov.u32 s29;
	[sflag:s12] =	ssyncset.done $0x0  }
0xef: {  	s0 =	sadd.s32 s28, s10;
	[sflag:s12] =	ssyncadd.s32 $0xFFFFC000  }
0xf0: {  	[tilespmem:s3], [sflag:$0x3] =	stream.linear.gather [hbm4b:s0+s3], $0x400, $0x38;
	[tilespmem:$0x1C100] =	vst v63  }
0xf1: {  	_ =	swait.ge [sflag:s12], $0x400  }
0xf2: {  	[sflag:s12] =	ssyncset.done $0x0  }
0xf3: {  	[sflag:s12] =	ssyncadd.s32 $0xFFFFFC00  }
0xf4: {  	[tilespmem:s14], [sflag:$0x1] =	stream.indirect.gather [hbm4b:s4+s13], $0x80, s3, s13, $0xb8;
	[tilespmem:$0x1C100] =	vst v63  }
0xf5: {  	_ = 	snop  }
0xf6: {  	[tilespmem:s15], [sflag:$0x2] =	stream.indirect.gather [hbm4b:s4+s13], $0x80, s13, s13, $0xb8;
	[tilespmem:$0x1C100] =	vst v63  }
0xf7: {  	s28 =	sadd.s32 s28, s9  }
0xf8: {  	[tilespmem:s16], [sflag:$0x3] =	stream.linear.gather [hbm4b:s28+s3], $0x80, $0x38;
	[tilespmem:$0x1C100] =	vst v63  }
0xf9: {  	_ =	swait.ge [sflag:s12], $0x80  }
0xfa: {  	[sflag:s12] =	ssyncset.done $0x0  }
0xfb: {  	[sflag:s12] =	ssyncadd.s32 $0xFFFFFF80  }
0xfc: {  	_ =	swait.ge [sflag:s17], $0x4000  }
0xfd: {  	[sflag:s17] =	ssyncset.done $0x0  }
0xfe: {  	[sflag:s17] =	ssyncadd.s32 $0xFFFFC000  }
0xff: {  	[spmem:s2] =	stream.indirect.scatter.add.f32 [tilespmem:s14], [sflag:$0x3], $0x80, s16, s13, $0xb8;
	[tilespmem:$0x1C100] =	vst v63  }
0x100: {  	_ =	swait.ge [sflag:s12], $0x4000  }
0x101: {  	[sflag:s12] =	ssyncset.done $0x0  }
0x102: {  	[sflag:s12] =	ssyncadd.s32 $0xFFFFC000  }
0x103: {  	[tilespmem:s14], [sflag:$0x1] =	stream.indirect.gather [hbm4b:s4+s13], $0x80, s18, s13, $0xb8;
	[tilespmem:$0x1C100] =	vst v63  }
0x104: {  	s31 =	sadd.s32 $0x10, s28  }
0x105: {  	[tilespmem:s19], [sflag:$0x3] =	stream.linear.gather [hbm4b:s31+s3], $0x80, $0x38;
	[tilespmem:$0x1C100] =	vst v63  }
0x106: {  	_ =	swait.ge [sflag:s12], $0x80  }
0x107: {  	[sflag:s12] =	ssyncset.done $0x0  }
0x108: {  	[sflag:s12] =	ssyncadd.s32 $0xFFFFFF80  }
0x109: {  	_ =	swait.ge [sflag:s20], $0x4000  }
0x10a: {  	[sflag:s20] =	ssyncset.done $0x0  }
0x10b: {  	[sflag:s20] =	ssyncadd.s32 $0xFFFFC000  }
0x10c: {  	[spmem:s2] =	stream.indirect.scatter.add.f32 [tilespmem:s15], [sflag:$0x3], $0x80, s19, s13, $0xb8;
	[tilespmem:$0x1C100] =	vst v63  }
0x10d: {  	_ =	swait.ge [sflag:s12], $0x4000  }
0x10e: {  	[sflag:s12] =	ssyncset.done $0x0  }
0x10f: {  	[sflag:s12] =	ssyncadd.s32 $0xFFFFC000  }
0x110: {  	[tilespmem:s15], [sflag:$0x2] =	stream.indirect.gather [hbm4b:s4+s13], $0x80, s21, s13, $0xb8;
	[tilespmem:$0x1C100] =	vst v63  }
0x111: {  	s29 =	sadd.s32 $0x20, s28  }
0x112: {  	[tilespmem:s16], [sflag:$0x3] =	stream.linear.gather [hbm4b:s29+s3], $0x80, $0x38;
	[tilespmem:$0x1C100] =	vst v63  }
0x113: {  	_ =	swait.ge [sflag:s12], $0x80  }
0x114: {  	[sflag:s12] =	ssyncset.done $0x0  }
0x115: {  	[sflag:s12] =	ssyncadd.s32 $0xFFFFFF80  }
0x116: {  	_ =	swait.ge [sflag:s17], $0x4000  }
0x117: {  	[sflag:s17] =	ssyncset.done $0x0  }
0x118: {  	[sflag:s17] =	ssyncadd.s32 $0xFFFFC000  }
0x119: {  	[spmem:s2] =	stream.indirect.scatter.add.f32 [tilespmem:s14], [sflag:$0x3], $0x80, s16, s13, $0xb8;
	[tilespmem:$0x1C100] =	vst v63  }
0x11a: {  	_ =	swait.ge [sflag:s12], $0x4000  }
0x11b: {  	[sflag:s12] =	ssyncset.done $0x0  }
0x11c: {  	[sflag:s12] =	ssyncadd.s32 $0xFFFFC000  }
0x11d: {  	[tilespmem:s14], [sflag:$0x1] =	stream.indirect.gather [hbm4b:s4+s13], $0x80, s22, s13, $0xb8;
	[tilespmem:$0x1C100] =	vst v63  }
0x11e: {  	s30 =	sadd.s32 $0x30, s28  }
0x11f: {  	[tilespmem:s19], [sflag:$0x3] =	stream.linear.gather [hbm4b:s30+s3], $0x80, $0x38;
	[tilespmem:$0x1C100] =	vst v63  }
0x120: {  	_ =	swait.ge [sflag:s12], $0x80  }
0x121: {  	[sflag:s12] =	ssyncset.done $0x0  }
0x122: {  	[sflag:s12] =	ssyncadd.s32 $0xFFFFFF80  }
0x123: {  	_ =	swait.ge [sflag:s20], $0x4000  }
0x124: {  	[sflag:s20] =	ssyncset.done $0x0  }
0x125: {  	[sflag:s20] =	ssyncadd.s32 $0xFFFFC000  }
0x126: {  	[spmem:s2] =	stream.indirect.scatter.add.f32 [tilespmem:s15], [sflag:$0x3], $0x80, s19, s13, $0xb8;
	[tilespmem:$0x1C100] =	vst v63  }
0x127: {  	_ =	swait.ge [sflag:s12], $0x4000  }
0x128: {  	[sflag:s12] =	ssyncset.done $0x0  }
0x129: {  	[sflag:s12] =	ssyncadd.s32 $0xFFFFC000  }
0x12a: {  	[tilespmem:s15], [sflag:$0x2] =	stream.indirect.gather [hbm4b:s4+s13], $0x80, s23, s13, $0xb8;
	[tilespmem:$0x1C100] =	vst v63  }
0x12b: {  	s31 =	sadd.s32 $0x40, s28  }
0x12c: {  	[tilespmem:s16], [sflag:$0x3] =	stream.linear.gather [hbm4b:s31+s3], $0x80, $0x38;
	[tilespmem:$0x1C100] =	vst v63  }
0x12d: {  	_ =	swait.ge [sflag:s12], $0x80  }
0x12e: {  	[sflag:s12] =	ssyncset.done $0x0  }
0x12f: {  	[sflag:s12] =	ssyncadd.s32 $0xFFFFFF80  }
0x130: {  	_ =	swait.ge [sflag:s17], $0x4000  }
0x131: {  	[sflag:s17] =	ssyncset.done $0x0  }
0x132: {  	[sflag:s17] =	ssyncadd.s32 $0xFFFFC000  }
0x133: {  	[spmem:s2] =	stream.indirect.scatter.add.f32 [tilespmem:s14], [sflag:$0x3], $0x80, s16, s13, $0xb8;
	[tilespmem:$0x1C100] =	vst v63  }
0x134: {  	_ =	swait.ge [sflag:s12], $0x4000  }
0x135: {  	[sflag:s12] =	ssyncset.done $0x0  }
0x136: {  	[sflag:s12] =	ssyncadd.s32 $0xFFFFC000  }
0x137: {  	[tilespmem:s14], [sflag:$0x1] =	stream.indirect.gather [hbm4b:s4+s13], $0x80, s24, s13, $0xb8;
	[tilespmem:$0x1C100] =	vst v63  }
0x138: {  	s29 =	sadd.s32 $0x50, s28  }
0x139: {  	[tilespmem:s19], [sflag:$0x3] =	stream.linear.gather [hbm4b:s29+s3], $0x80, $0x38;
	[tilespmem:$0x1C100] =	vst v63  }
0x13a: {  	_ =	swait.ge [sflag:s12], $0x80  }
0x13b: {  	[sflag:s12] =	ssyncset.done $0x0  }
0x13c: {  	[sflag:s12] =	ssyncadd.s32 $0xFFFFFF80  }
0x13d: {  	_ =	swait.ge [sflag:s20], $0x4000  }
0x13e: {  	[sflag:s20] =	ssyncset.done $0x0  }
0x13f: {  	[sflag:s20] =	ssyncadd.s32 $0xFFFFC000  }
0x140: {  	[spmem:s2] =	stream.indirect.scatter.add.f32 [tilespmem:s15], [sflag:$0x3], $0x80, s19, s13, $0xb8;
	[tilespmem:$0x1C100] =	vst v63  }
0x141: {  	_ =	swait.ge [sflag:s12], $0x4000  }
0x142: {  	[sflag:s12] =	ssyncset.done $0x0  }
0x143: {  	[sflag:s12] =	ssyncadd.s32 $0xFFFFC000  }
0x144: {  	[tilespmem:s15], [sflag:$0x2] =	stream.indirect.gather [hbm4b:s4+s13], $0x80, s25, s13, $0xb8;
	[tilespmem:$0x1C100] =	vst v63  }
0x145: {  	s30 =	sadd.s32 $0x60, s28  }
0x146: {  	[tilespmem:s16], [sflag:$0x3] =	stream.linear.gather [hbm4b:s30+s3], $0x80, $0x38;
	[tilespmem:$0x1C100] =	vst v63  }
0x147: {  	_ =	swait.ge [sflag:s12], $0x80  }
0x148: {  	[sflag:s12] =	ssyncset.done $0x0  }
0x149: {  	[sflag:s12] =	ssyncadd.s32 $0xFFFFFF80  }
0x14a: {  	_ =	swait.ge [sflag:s17], $0x4000  }
0x14b: {  	[sflag:s17] =	ssyncset.done $0x0  }
0x14c: {  	[sflag:s17] =	ssyncadd.s32 $0xFFFFC000  }
0x14d: {  	[spmem:s2] =	stream.indirect.scatter.add.f32 [tilespmem:s14], [sflag:$0x3], $0x80, s16, s13, $0xb8;
	[tilespmem:$0x1C100] =	vst v63  }
0x14e: {  	_ =	swait.ge [sflag:s12], $0x4000  }
0x14f: {  	[sflag:s12] =	ssyncset.done $0x0  }
0x150: {  	s31 =	sadd.s32 $0x70, s28;
	[sflag:s12] =	ssyncadd.s32 $0xFFFFC000  }
0x151: {  	[tilespmem:s19], [sflag:$0x3] =	stream.linear.gather [hbm4b:s31+s3], $0x80, $0x38;
	[tilespmem:$0x1C100] =	vst v63  }
0x152: {  	_ =	swait.ge [sflag:s12], $0x80  }
0x153: {  	[sflag:s12] =	ssyncset.done $0x0  }
0x154: {  	[sflag:s12] =	ssyncadd.s32 $0xFFFFFF80  }
0x155: {  	_ =	swait.ge [sflag:s20], $0x4000  }
0x156: {  	[sflag:s20] =	ssyncset.done $0x0  }
0x157: {  	[sflag:s20] =	ssyncadd.s32 $0xFFFFC000  }
0x158: {  	[spmem:s2] =	stream.indirect.scatter.add.f32 [tilespmem:s15], [sflag:$0x3], $0x80, s19, s13, $0xb8;
	[tilespmem:$0x1C100] =	vst v63  }
0x159: {  	_ =	swait.ge [sflag:s12], $0x4000  }
0x15a: {  	s26 =	sadd.s32 $0x1, s26;
	[sflag:s12] =	ssyncset.done $0x0  }
0x15b: {  	p0 =	sne.s32 s26, s7;
	[sflag:s12] =	ssyncadd.s32 $0xFFFFC000  }
.Ltmp1:
0x15c: {  	[bflag:$0x0] =	sbarrier.arrive $0xFFFF;
	(pc) =	sbr.rel @p0 .LBB2_1-.Ltmp1, $4  }
0x15d: {  	[hbm:s8], [sflag:s6] =	dma.local [spmem:s11], $0x2780  }
0x15e: {  	_ =	swait.ge [sflag:s12], $0x2780  }
0x15f: {  	[sflag:s12] =	ssyncset.done $0x0  }
0x160: {  	[sflag:s12] =	ssyncadd.s32 $0xFFFFD880  }
0x161: {  	_ =	sfence.sel $0x180000  }
0x162: {  	[bflag:$0x0] =	sbarrier.arrive $0xFFFF  }
0x163: {  	_ =	strace $0x90000050  }
0x164: {  	[bflag:$0x2] =	sbarrier.arrive $0xFFFF  }
0x165: {  	p0 =	sne.s32 s1, $0x0;
	s0 =	rddreg [dreg:$0x2]  }
0x166: {  	s0 =	sadd.s32 @!p0 $0x100000, s0  }
0x167: {  	[sflag:s0] =	ssyncadd.tile.s32 @!p0 $0x1;
	_ =	shalt  }
.Lfunc_end2:
_tile_overlayer_lowered:
.L_overlay_start_2:
0x168: {  	(tag) =	ssettag $0x2  }
0x169: {  	s0 =	rddreg [dreg:$0x0];
	s2 =	stileid.u32  }
0x16a: {  	s1 =	rddreg [dreg:$0x1];
	p0 =	sne.s32 s2, $0x0  }
0x16b: {  	s3 =	rddreg [dreg:$0x2];
	[bflag:$0x3] =	sbarrier.arrive $0xFFFF;
	s2 =	simm.s32 @!p0 $0x1C03  }
0x16c: {  	[timem:s3], [sflag:s2] =	dma.local @!p0 [hbm:s0], s1  }
0x16d: {  	s0 =	simm.s32 @!p0 $0x3  }
0x16e: {  	_ =	swait.ge @!p0 [sflag:s0], s1  }
0x16f: {  	s1 =	ssub.s32 @!p0 $0x0, s1;
	[sflag:s0] =	ssyncset.done @!p0 $0x0  }
0x170: {  	[sflag:s0] =	ssyncadd.s32 @!p0 s1  }
0x171: {  	[bflag:$0x3] =	sbarrier.arrive $0xFFFF  }
0x172: {  	_ =	shalt  }

// kernel: kernel.24.cloned.1.call-start
scs
__scs_entry_jumppad:
0x0: {  	(pc) =	sbr.rel $0x88, $3  }
0x1: {  	(tag) =	ssettag $0x0;
	lr =	simm.s32 $0x1  }
0x2: {  	[smem:$0x3F86] =	sst lr;
	_ =	strace $0xD0000000  }
0x3: {  	_ = 	snop  }
0x4: {  	_ = 	snop  }
0x5: {  	_ = 	snop  }
0x6: {  	_ = 	snop  }
0x7: {  	_ = 	snop  }
__scs_overlays_trampoline_lowered:
0x8: {  	[smem:$0x3F95] =	sst s0  }
0x9: {  	[smem:$0x3F96] =	sst s1  }
0xa: {  	[smem:$0x3F97] =	sst s2  }
0xb: {  	[smem:$0x3F98] =	sst s3  }
0xc: {  	[smem:$0x3F99] =	sst s4  }
0xd: {  	[smem:$0x3F9A] =	sst s5  }
0xe: {  	[smem:$0x3F9B] =	sst s6  }
0xf: {  	[smem:$0x3F9C] =	sst s7  }
0x10: {  	[smem:$0x3F9D] =	sst s8  }
0x11: {  	[smem:$0x3F9E] =	sst s9;
	s0 =	simm.s32 @!p0 $0x0  }
0x12: {  	s1 =	sld [smem:$0x3F84];
	s0 =	simm.s32 @p0 $0x1  }
0x13: {  	[smem:$0x3F9F] =	sst s0;
	s0 =	simm.s32 @!p1 $0x0  }
0x14: {  	s2 =	sld [smem:$0x3F83];
	s0 =	simm.s32 @p1 $0x1  }
0x15: {  	[smem:$0x3FA0] =	sst s0;
	s0 =	simm.s32 @!p2 $0x0  }
0x16: {  	s3 =	sld [smem:$0x3FDB];
	s0 =	simm.s32 @p2 $0x1  }
0x17: {  	s4 =	simm.s32 $0x1BF5;
	[smem:$0x3FA2] =	sst s0  }
0x18: {  	s0 =	sld [smem:$0x3F85];
	_ =	swait.ge [sflag:s4], $0x0  }
0x19: {  	s7 =	sld [smem:$0x3F86]  }
0x1a: {  	s8 =	sadd.s32 $0xFFFFE003, lr  }
0x1b: {  	s9 =	sadd.s32 $0xFFFFFEF7, lr;
	s5 =	simm.s32 $0xFFFFFFFF;
	p2 =	slt.u32 s8, $0xFFFFF086  }
0x1c: {  	p1 =	slt.u32 s9, $0xF7A;
	s5 =	simm.s32 @!p2 $0x0  }
0x1d: {  	s5 =	simm.s32 @p1 $0x1;
	p0 =	seq.s32 s7, s2  }
0x1e: {  	s7 =	smul.u32 @!p0 $0xF7A, s2;
	p2 =	seq.s32 @!p0 s5, $0x0  }
0x1f: {  	s9 =	smul.u32 $0xF7A, s1;
	s8 =	simm.s32 @!p0 $0x1BF5;
	p2 =	por !p2, p0  }
0x20: {  	[sflag:s8] =	ssyncset.s32 @!p0 $0xFFFFF086;
	s6 =	sadd.s32 @!p0 s3, s7;
	s7 =	simm.s32 @!p0 $0x108  }
0x21: {  	s3 =	sadd.s32 s3, s9;
	s6 =	sadd.s32 @!p0 $0x88, s6;
	s7 =	simm.s32 @p2 $0x1082  }
0x22: {  	[simem:s7], [sflag:s8] =	dma.local @!p0 [hbm:s6], $0xF7A  }
0x23: {  	s9 =	sor.u32 $0xD0000000, s2;
	s6 =	simm.s32 $0x108;
	_ =	swait.ge @!p0 [sflag:s8], $0x0  }
0x24: {  	s3 =	sadd.s32 $0x88, s3;
	s6 =	simm.s32 @!p1 $0x1082;
	[sflag:s4] =	ssyncset.s32 $0xFFFFF086  }
0x25: {  	[simem:s6], [sflag:s4] =	dma.local [hbm:s3], $0xF7A  }
0x26: {  	[smem:$0x3F86] =	sst s1;
	(tag) =	ssettag s2;
	_ =	strace s9  }
0x27: {  	s1 =	sld [smem:$0x3F96]  }
0x28: {  	s2 =	sld [smem:$0x3F97]  }
0x29: {  	s4 =	sld [smem:$0x3F99]  }
0x2a: {  	p0 =	seq.s32 s5, $0x0;
	s5 =	sld [smem:$0x3F9A]  }
0x2b: {  	s6 =	sld [smem:$0x3F9B]  }
0x2c: {  	s7 =	sld [smem:$0x3F9C]  }
0x2d: {  	s3 =	simm.s32 $0x108;
	s8 =	sld [smem:$0x3F9D]  }
0x2e: {  	s3 =	simm.s32 @!p0 $0x1082;
	s9 =	sld [smem:$0x3F9E]  }
0x2f: {  	lr =	sadd.s32 s0, s3;
	s0 =	sld [smem:$0x3F95]  }
0x30: {  	s3 =	sld [smem:$0x3F98]  }
0x31: {  	[smem:$0x3FA1] =	sst s10  }
0x32: {  	s10 =	sld [smem:$0x3F9F];
	_ =	sdelay $0x3  }
0x33: {  	p0 =	seq.s32 s10, $0x1;
	s10 =	sld [smem:$0x3FA1];
	_ =	sdelay $0x3  }
0x34: {  	[smem:$0x3FA1] =	sst s10  }
0x35: {  	s10 =	sld [smem:$0x3FA0];
	_ =	sdelay $0x3  }
0x36: {  	p1 =	seq.s32 s10, $0x1;
	s10 =	sld [smem:$0x3FA1];
	_ =	sdelay $0x3  }
0x37: {  	[smem:$0x3FA1] =	sst s10  }
0x38: {  	s10 =	sld [smem:$0x3FA2]  }
0x39: {  	_ = 	snop;
	(pc) =	sbr.ind lr, $3  }
0x3a: {  	_ = 	snop  }
0x3b: {  	_ = 	snop  }
0x3c: {  	p2 =	seq.s32 s10, $0x1;
	s10 =	sld [smem:$0x3FA1]  }
0x3d: {  	_ =	shalt  }
0x3e: {  	_ =	shalt  }
0x3f: {  	_ =	shalt  }
0x40: {  	_ =	shalt  }
0x41: {  	_ =	shalt  }
0x42: {  	_ =	shalt  }
0x43: {  	_ =	shalt  }
0x44: {  	_ =	shalt  }
0x45: {  	_ =	shalt  }
0x46: {  	_ =	shalt  }
0x47: {  	_ =	shalt  }
0x48: {  	_ =	shalt  }
0x49: {  	_ =	shalt  }
0x4a: {  	_ =	shalt  }
0x4b: {  	_ =	shalt  }
0x4c: {  	_ =	shalt  }
0x4d: {  	_ =	shalt  }
0x4e: {  	_ =	shalt  }
0x4f: {  	_ =	shalt  }
0x50: {  	_ =	shalt  }
0x51: {  	_ =	shalt  }
0x52: {  	_ =	shalt  }
0x53: {  	_ =	shalt  }
0x54: {  	_ =	shalt  }
0x55: {  	_ =	shalt  }
0x56: {  	_ =	shalt  }
0x57: {  	_ =	shalt  }
0x58: {  	_ =	shalt  }
0x59: {  	_ =	shalt  }
0x5a: {  	_ =	shalt  }
0x5b: {  	_ =	shalt  }
0x5c: {  	_ =	shalt  }
0x5d: {  	_ =	shalt  }
0x5e: {  	_ =	shalt  }
0x5f: {  	_ =	shalt  }
0x60: {  	_ =	shalt  }
0x61: {  	_ =	shalt  }
0x62: {  	_ =	shalt  }
0x63: {  	_ =	shalt  }
0x64: {  	_ =	shalt  }
0x65: {  	_ =	shalt  }
0x66: {  	_ =	shalt  }
0x67: {  	_ =	shalt  }
0x68: {  	_ =	shalt  }
0x69: {  	_ =	shalt  }
0x6a: {  	_ =	shalt  }
0x6b: {  	_ =	shalt  }
0x6c: {  	_ =	shalt  }
0x6d: {  	_ =	shalt  }
0x6e: {  	_ =	shalt  }
0x6f: {  	_ =	shalt  }
0x70: {  	_ =	shalt  }
0x71: {  	_ =	shalt  }
0x72: {  	_ =	shalt  }
0x73: {  	_ =	shalt  }
0x74: {  	_ =	shalt  }
0x75: {  	_ =	shalt  }
0x76: {  	_ =	shalt  }
0x77: {  	_ =	shalt  }
0x78: {  	_ =	shalt  }
0x79: {  	_ =	shalt  }
0x7a: {  	_ =	shalt  }
0x7b: {  	_ =	shalt  }
0x7c: {  	_ =	shalt  }
0x7d: {  	_ =	shalt  }
0x7e: {  	_ =	shalt  }
0x7f: {  	_ =	shalt  }
0x80: {  	_ =	shalt  }
0x81: {  	_ =	shalt  }
0x82: {  	_ =	shalt  }
0x83: {  	_ =	shalt  }
0x84: {  	_ =	shalt  }
0x85: {  	_ =	shalt  }
0x86: {  	_ =	shalt  }
0x87: {  	_ =	shalt  }
.Lfunc_end0:
.L_simem_size_0:
called_computation.4_lowered:
.L_overlay_start_0:
0x88: {  	s2 =	sld [smem:$0x3FD9]  }
0x89: {  	s3 =	sld [smem:$0x3FFE];
	_ =	sdelay $0x1  }
0x8a: {  	s1 =	srdreg.scid  }
0x8b: {  	s0 =	sand.u32 $0x1, s1  }
0x8c: {  	s16 =	sshll.u32 s0, $0xA;
	s2 =	sadd.s32 s3, s2  }
0x8d: {  	s2 =	sadd.s32 s2, s16  }
0x8e: {  	[smem:$0x3FAD] =	sst s2  }
0x8f: {  	_ = 	snop  }
0x90: {  	(tm) =	ssettm $0x1  }
0x91: {  	s17 =	sld [smem:$0x3FFB];
	_ =	sdelay $0x3  }
0x92: {  	_ =	strace s17  }
0x93: {  	s2 =	sld [smem:$0x3FFC];
	_ =	sdelay $0x3  }
0x94: {  	_ =	strace s2  }
0x95: {  	s2 =	sld [smem:$0x3FFD];
	_ =	sdelay $0x3  }
0x96: {  	_ =	strace s2  }
0x97: {  	_ =	strace $0x8FFFFFFF  }
0x98: {  	s18 =	sld [smem:$0x3FDB];
	_ =	sdelay $0x1  }
0x99: {  	s19 =	simm.s32 $_scs_section_size  }
0x9a: {  	s4 =	simm.s32 $_size__tile_overlayer_lowered;
	s5 =	simm.s32 $_tile_overlayer_lowered  }
0x9b: {  	s22 =	simm.s32 $0x1BFF;
	s21 =	sshll.u32 s5, $0x1;
	s2 =	sadd.s32 s19, s18  }
0x9c: {  	s6 =	simm.s32 $0x0;
	s20 =	sshll.u32 s4, $0x1;
	s4 =	sadd.s32 s21, s2  }
0x9d: {  	[timem:s6], [sflag:s22] =	dma.local [hbm:s4], s20  }
0x9e: {  	_ =	swait.ge [sflag:s22], s20  }
0x9f: {  	s3 =	ssub.s32 $0x0, s20;
	[sflag:s22] =	ssyncset.done $0x0  }
0xa0: {  	[sflag:s22] =	ssyncadd.s32 s3;
	_ =	sdelay $0x1  }
0xa1: {  	s23 =	simm.s32 $0x1B8B  }
0xa2: {  	_ =	swait.ge [sflag:s23], $0x1  }
0xa3: {  	[sflag:s23] =	ssyncset.done $0x0  }
0xa4: {  	s25 =	simm.s32 $0x1B8E;
	s24 =	sld [smem:$0x3FFE];
	[sflag:s23] =	ssyncadd.s32 $0xFFFFFFFF  }
0xa5: {  	s26 =	simm.s32 $execute0_lowered;
	[smem:$0x3FD2] =	sst s25  }
0xa6: {  	s4 =	sshll.u32 s26, $0x1;
	_ =	strace $0x80000052;
	[dreg:$0x1] =	wrdreg $0xFFFFFFFF  }
0xa7: {  	s28 =	simm.s32 $_size_execute0_lowered;
	s2 =	sadd.s32 s2, s4;
	[dreg:$0x0] =	wrdreg $0x0  }
0xa8: {  	s4 =	sshll.u32 s28, $0x1;
	[dreg:$0x2] =	wrdreg s2  }
0xa9: {  	[dreg:$0x3] =	wrdreg s4  }
0xaa: {  	[dreg:$0x4] =	wrdreg $0xC0  }
0xab: {  	_ =	task [dreg:s6], $0x5FFFF  }
0xac: {  	[dreg:$0x1] =	wrdreg $0xFFFFFFFF  }
0xad: {  	[dreg:$0x0] =	wrdreg $0x60  }
0xae: {  	[dreg:$0x2] =	wrdreg s24  }
0xaf: {  	[dreg:$0x3] =	wrdreg $0x9  }
0xb0: {  	_ =	task.clear_ibuf [dreg:s6], $0x4FFFF;
	_ =	strace $0x90000052  }
0xb1: {  	s29 =	simm.s32 $0x9;
	_ =	strace $0x80000054  }
0xb2: {  	_ =	swait.ge [sflag:s29], $0x1  }
0xb3: {  	[sflag:s29] =	ssyncadd.s32 $0xFFFFFFFF  }
0xb4: {  	_ =	strace $0x90000054  }
0xb5: {  	_ =	sfence  }
0xb6: {  	s30 =	sld [smem:$0x0];
	_ =	sdelay $0x2  }
0xb7: {  	s31 =	sshll.u32 s1, $0xD;
	s1 =	sshrl.u32 s1, $0x2  }
0xb8: {  	s3 =	sand.u32 $0x4000, s31;
	s1 =	sadd.s32 s1, s30  }
0xb9: {  	s0 =	sor.u32 s3, s0;
	s1 =	sshll.u32 s1, $0x11  }
0xba: {  	s0 =	sor.u32 s1, s0  }
0xbb: {  	s0 =	sadd.s32 $0x8F2B, s0  }
0xbc: {  	[sflag:s0] =	ssyncadd.remote.s32 $0x1  }
0xbd: {  	_ =	sfence.sel $0xFFFF  }
0xbe: {  	[dreg:$0x0] =	wrdreg $0xFFFFFFFF;
	(pc) =	sbr.abs _section_cstart, $3  }
0xbf: {  	[dreg:$0x1] =	wrdreg $0xFFFFFFFF  }
0xc0: {  	_ =	task.clear_ibuf [dreg:s6], $0x2FFFF;
	_ =	strace $0x9FFFFFFF  }
0xc1: {  	(tm) =	ssettm $0x7FFFFFFF  }
tec
execute0_lowered:
.L_overlay_start_1:
0x0: {  	(tag) =	ssettag $0x1  }
0x1: {  	s4 =	rddreg [dreg:$0x0]  }
0x2: {  	s0 =	rddreg [dreg:$0x1]  }
0x3: {  	s1 =	stileid.u32;
	s2 =	simm.s32 $0x0;
	s3 =	srdreg.scid  }
0x4: {  	s26 =	simm.s32 $0x480;
	s28 =	simm.s32 $0x100;
	s29 =	simm.s32 $0x500  }
0x5: {  	s30 =	simm.s32 $0x180;
	s10 =	simm.s32 $0x580;
	[smem:$0x7FF] =	sst s2  }
0x6: {  	s11 =	simm.s32 $0x200;
	_ =	strace $0x80000053;
	[dreg:$0x4] =	wrdreg s26  }
0x7: {  	s12 =	simm.s32 $0x600;
	s13 =	simm.s32 $0x280;
	[dreg:$0x5] =	wrdreg s28  }
0x8: {  	s14 =	simm.s32 $0x680;
	s15 =	simm.s32 $0x300;
	[dreg:$0x6] =	wrdreg s29  }
0x9: {  	s16 =	simm.s32 $0x700;
	s31 =	simm.s32 $0x380;
	[dreg:$0x7] =	wrdreg s30  }
0xa: {  	s17 =	simm.s32 $0x0;
	s5 =	smul.u32 $0xA00, s1;
	[dreg:$0x8] =	wrdreg s10  }
0xb: {  	s6 =	smul.u32 $0x50000, s1;
	s7 =	sand.u32 $0x1, s3;
	[dreg:$0x9] =	wrdreg s11  }
0xc: {  	s3 =	sadd.s32 $0x10600, s4;
	s8 =	smul.u32 $0x28000, s7;
	[dreg:$0xa] =	wrdreg s12  }
0xd: {  	s9 =	ssub.s32 $0x2, s7;
	s7 =	smul.u32 $0x500, s7;
	[dreg:$0xb] =	wrdreg s13  }
0xe: {  	s10 =	simm.s32 $0x800;
	s11 =	simm.s32 $0x4800;
	[dreg:$0xc] =	wrdreg s14  }
0xf: {  	s12 =	simm.s32 $0x8800;
	s13 =	simm.s32 $0xC800;
	[dreg:$0xd] =	wrdreg s15  }
0x10: {  	s14 =	simm.s32 $0x1;
	s15 =	simm.s32 $0x2;
	[dreg:$0xe] =	wrdreg s16  }
0x11: {  	[dreg:$0xf] =	wrdreg s31;
	s16 =	simm.s32 $0x780;
	s6 =	sadd.s32 s6, s4  }
0x12: {  	s5 =	sadd.s32 s5, s4;
	s24 =	sshrl.u32 s9, $0x1;
	s6 =	sadd.s32 s8, s6  }
0x13: {  	s4 =	ssub.s32 s9, s24;
	s25 =	sadd.s32 s7, s5;
	s7 =	simm.s32 $0x3  }
0x14: {  	s9 =	simm.s32 $0x80;
	s8 =	sadd.s32 $0x61B000, s6;
	s4 =	smax.u32 s4, $0x1  }
0x15: {  	s6 =	sadd.s32 $0x11B000, s6;
	s5 =	sadd.s32 $0x111000, s25;
	[dreg:$0x2] =	wrdreg s8  }
0x16: {  	[dreg:$0x3] =	wrdreg s6;
	s6 =	sadd.s32 $0x6600, s25;
	s8 =	simm.s32 $0x400  }
.LBB2_1:
0x17: {  	[tilespmem:s2], [sflag:$0x3] =	stream.linear.gather [hbm4b:s5+s2], $0x400, $0x38;
	[tilespmem:$0x10800] =	vst v63  }
0x18: {  	_ =	swait.ge [sflag:s7], $0x400  }
0x19: {  	[sflag:s7] =	ssyncset.done $0x0  }
0x1a: {  	[sflag:s7] =	ssyncadd.s32 $0xFFFFFC00  }
0x1b: {  	[tilespmem:s8], [sflag:$0x3] =	stream.linear.gather [hbm4b:s6+s2], $0x400, $0x38;
	[tilespmem:$0x10800] =	vst v63  }
0x1c: {  	_ =	swait.ge [sflag:s7], $0x400  }
0x1d: {  	[sflag:s7] =	ssyncset.done $0x0  }
0x1e: {  	[sflag:s7] =	ssyncadd.s32 $0xFFFFFC00  }
0x1f: {  	[tilespmem:s10], [sflag:$0x1] =	stream.indirect.gather [hbm4b:s3+s9], $0x80, s2, s9, $0xb8;
	[tilespmem:$0x10800] =	vst v63  }
0x20: {  	_ = 	snop  }
0x21: {  	[tilespmem:s11], [sflag:$0x1] =	stream.indirect.gather [hbm4b:s3+s9], $0x80, s8, s9, $0xb8;
	[tilespmem:$0x10800] =	vst v63  }
0x22: {  	_ = 	snop  }
0x23: {  	[tilespmem:s12], [sflag:$0x2] =	stream.indirect.gather [hbm4b:s3+s9], $0x80, s9, s9, $0xb8;
	[tilespmem:$0x10800] =	vst v63  }
0x24: {  	s18 =	rddreg [dreg:$0x4]  }
0x25: {  	[tilespmem:s13], [sflag:$0x2] =	stream.indirect.gather [hbm4b:s3+s9], $0x80, s18, s9, $0xb8;
	[tilespmem:$0x10800] =	vst v63  }
0x26: {  	_ =	swait.ge [sflag:s14], $0x4000  }
0x27: {  	[sflag:s14] =	ssyncset.done $0x0  }
0x28: {  	[sflag:s14] =	ssyncadd.s32 $0xFFFFC000  }
0x29: {  	_ =	swait.ge [sflag:s14], $0x4000  }
0x2a: {  	s29 =	rddreg [dreg:$0x3];
	[sflag:s14] =	ssyncset.done $0x0  }
0x2b: {  	[sflag:s14] =	ssyncadd.s32 $0xFFFFC000;
	s18 =	sadd.s32 $0x0, s29  }
0x2c: {  	[hbm4b:s18+s2] =	stream.linear.scatter [tilespmem:s10], [sflag:$0x3], $0x4000, $0x38;
	[tilespmem:$0x10800] =	vst v63  }
0x2d: {  	_ =	swait.ge [sflag:s7], $0x4000  }
0x2e: {  	s19 =	rddreg [dreg:$0x2];
	[sflag:s7] =	ssyncset.done $0x0  }
0x2f: {  	[sflag:s7] =	ssyncadd.s32 $0xFFFFC000;
	s19 =	sadd.s32 $0x0, s19  }
0x30: {  	[hbm4b:s19+s2] =	stream.linear.scatter [tilespmem:s11], [sflag:$0x3], $0x4000, $0x38;
	[tilespmem:$0x10800] =	vst v63  }
0x31: {  	_ =	swait.ge [sflag:s7], $0x4000  }
0x32: {  	[sflag:s7] =	ssyncset.done $0x0  }
0x33: {  	s20 =	rddreg [dreg:$0x5];
	[sflag:s7] =	ssyncadd.s32 $0xFFFFC000  }
0x34: {  	[tilespmem:s10], [sflag:$0x1] =	stream.indirect.gather [hbm4b:s3+s9], $0x80, s20, s9, $0xb8;
	[tilespmem:$0x10800] =	vst v63  }
0x35: {  	s21 =	rddreg [dreg:$0x6]  }
0x36: {  	[tilespmem:s11], [sflag:$0x1] =	stream.indirect.gather [hbm4b:s3+s9], $0x80, s21, s9, $0xb8;
	[tilespmem:$0x10800] =	vst v63  }
0x37: {  	_ =	swait.ge [sflag:s15], $0x4000  }
0x38: {  	[sflag:s15] =	ssyncset.done $0x0  }
0x39: {  	[sflag:s15] =	ssyncadd.s32 $0xFFFFC000  }
0x3a: {  	_ =	swait.ge [sflag:s15], $0x4000  }
0x3b: {  	[sflag:s15] =	ssyncset.done $0x0  }
0x3c: {  	s30 =	sadd.s32 $0x800, s18;
	[sflag:s15] =	ssyncadd.s32 $0xFFFFC000  }
0x3d: {  	[hbm4b:s30+s2] =	stream.linear.scatter [tilespmem:s12], [sflag:$0x3], $0x4000, $0x38;
	[tilespmem:$0x10800] =	vst v63  }
0x3e: {  	_ =	swait.ge [sflag:s7], $0x4000  }
0x3f: {  	[sflag:s7] =	ssyncset.done $0x0  }
0x40: {  	s31 =	sadd.s32 $0x800, s19;
	[sflag:s7] =	ssyncadd.s32 $0xFFFFC000  }
0x41: {  	[hbm4b:s31+s2] =	stream.linear.scatter [tilespmem:s13], [sflag:$0x3], $0x4000, $0x38;
	[tilespmem:$0x10800] =	vst v63  }
0x42: {  	_ =	swait.ge [sflag:s7], $0x4000  }
0x43: {  	[sflag:s7] =	ssyncset.done $0x0  }
0x44: {  	s21 =	rddreg [dreg:$0x7];
	[sflag:s7] =	ssyncadd.s32 $0xFFFFC000  }
0x45: {  	[tilespmem:s12], [sflag:$0x2] =	stream.indirect.gather [hbm4b:s3+s9], $0x80, s21, s9, $0xb8;
	[tilespmem:$0x10800] =	vst v63  }
0x46: {  	s22 =	rddreg [dreg:$0x8]  }
0x47: {  	[tilespmem:s13], [sflag:$0x2] =	stream.indirect.gather [hbm4b:s3+s9], $0x80, s22, s9, $0xb8;
	[tilespmem:$0x10800] =	vst v63  }
0x48: {  	_ =	swait.ge [sflag:s14], $0x4000  }
0x49: {  	[sflag:s14] =	ssyncset.done $0x0  }
0x4a: {  	[sflag:s14] =	ssyncadd.s32 $0xFFFFC000  }
0x4b: {  	_ =	swait.ge [sflag:s14], $0x4000  }
0x4c: {  	[sflag:s14] =	ssyncset.done $0x0  }
0x4d: {  	s23 =	sadd.s32 $0x1000, s18;
	[sflag:s14] =	ssyncadd.s32 $0xFFFFC000  }
0x4e: {  	[hbm4b:s23+s2] =	stream.linear.scatter [tilespmem:s10], [sflag:$0x3], $0x4000, $0x38;
	[tilespmem:$0x10800] =	vst v63  }
0x4f: {  	_ =	swait.ge [sflag:s7], $0x4000  }
0x50: {  	[sflag:s7] =	ssyncset.done $0x0  }
0x51: {  	s24 =	sadd.s32 $0x1000, s19;
	[sflag:s7] =	ssyncadd.s32 $0xFFFFC000  }
0x52: {  	[hbm4b:s24+s2] =	stream.linear.scatter [tilespmem:s11], [sflag:$0x3], $0x4000, $0x38;
	[tilespmem:$0x10800] =	vst v63  }
0x53: {  	_ =	swait.ge [sflag:s7], $0x4000  }
0x54: {  	[sflag:s7] =	ssyncset.done $0x0  }
0x55: {  	s25 =	rddreg [dreg:$0x9];
	[sflag:s7] =	ssyncadd.s32 $0xFFFFC000  }
0x56: {  	[tilespmem:s10], [sflag:$0x1] =	stream.indirect.gather [hbm4b:s3+s9], $0x80, s25, s9, $0xb8;
	[tilespmem:$0x10800] =	vst v63  }
0x57: {  	s26 =	rddreg [dreg:$0xa]  }
0x58: {  	[tilespmem:s11], [sflag:$0x1] =	stream.indirect.gather [hbm4b:s3+s9], $0x80, s26, s9, $0xb8;
	[tilespmem:$0x10800] =	vst v63  }
0x59: {  	_ =	swait.ge [sflag:s15], $0x4000  }
0x5a: {  	[sflag:s15] =	ssyncset.done $0x0  }
0x5b: {  	[sflag:s15] =	ssyncadd.s32 $0xFFFFC000  }
0x5c: {  	_ =	swait.ge [sflag:s15], $0x4000  }
0x5d: {  	[sflag:s15] =	ssyncset.done $0x0  }
0x5e: {  	s28 =	sadd.s32 $0x1800, s18;
	[sflag:s15] =	ssyncadd.s32 $0xFFFFC000  }
0x5f: {  	[hbm4b:s28+s2] =	stream.linear.scatter [tilespmem:s12], [sflag:$0x3], $0x4000, $0x38;
	[tilespmem:$0x10800] =	vst v63  }
0x60: {  	_ =	swait.ge [sflag:s7], $0x4000  }
0x61: {  	[sflag:s7] =	ssyncset.done $0x0  }
0x62: {  	s29 =	sadd.s32 $0x1800, s19;
	[sflag:s7] =	ssyncadd.s32 $0xFFFFC000  }
0x63: {  	[hbm4b:s29+s2] =	stream.linear.scatter [tilespmem:s13], [sflag:$0x3], $0x4000, $0x38;
	[tilespmem:$0x10800] =	vst v63  }
0x64: {  	_ =	swait.ge [sflag:s7], $0x4000  }
0x65: {  	[sflag:s7] =	ssyncset.done $0x0  }
0x66: {  	s30 =	rddreg [dreg:$0xb];
	[sflag:s7] =	ssyncadd.s32 $0xFFFFC000  }
0x67: {  	[tilespmem:s12], [sflag:$0x2] =	stream.indirect.gather [hbm4b:s3+s9], $0x80, s30, s9, $0xb8;
	[tilespmem:$0x10800] =	vst v63  }
0x68: {  	s31 =	rddreg [dreg:$0xc]  }
0x69: {  	[tilespmem:s13], [sflag:$0x2] =	stream.indirect.gather [hbm4b:s3+s9], $0x80, s31, s9, $0xb8;
	[tilespmem:$0x10800] =	vst v63  }
0x6a: {  	_ =	swait.ge [sflag:s14], $0x4000  }
0x6b: {  	[sflag:s14] =	ssyncset.done $0x0  }
0x6c: {  	[sflag:s14] =	ssyncadd.s32 $0xFFFFC000  }
0x6d: {  	_ =	swait.ge [sflag:s14], $0x4000  }
0x6e: {  	[sflag:s14] =	ssyncset.done $0x0  }
0x6f: {  	s21 =	sadd.s32 $0x2000, s18;
	[sflag:s14] =	ssyncadd.s32 $0xFFFFC000  }
0x70: {  	[hbm4b:s21+s2] =	stream.linear.scatter [tilespmem:s10], [sflag:$0x3], $0x4000, $0x38;
	[tilespmem:$0x10800] =	vst v63  }
0x71: {  	_ =	swait.ge [sflag:s7], $0x4000  }
0x72: {  	[sflag:s7] =	ssyncset.done $0x0  }
0x73: {  	s22 =	sadd.s32 $0x2000, s19;
	[sflag:s7] =	ssyncadd.s32 $0xFFFFC000  }
0x74: {  	[hbm4b:s22+s2] =	stream.linear.scatter [tilespmem:s11], [sflag:$0x3], $0x4000, $0x38;
	[tilespmem:$0x10800] =	vst v63  }
0x75: {  	_ =	swait.ge [sflag:s7], $0x4000  }
0x76: {  	[sflag:s7] =	ssyncset.done $0x0  }
0x77: {  	s23 =	rddreg [dreg:$0xd];
	[sflag:s7] =	ssyncadd.s32 $0xFFFFC000  }
0x78: {  	[tilespmem:s10], [sflag:$0x1] =	stream.indirect.gather [hbm4b:s3+s9], $0x80, s23, s9, $0xb8;
	[tilespmem:$0x10800] =	vst v63  }
0x79: {  	s24 =	rddreg [dreg:$0xe]  }
0x7a: {  	[tilespmem:s11], [sflag:$0x1] =	stream.indirect.gather [hbm4b:s3+s9], $0x80, s24, s9, $0xb8;
	[tilespmem:$0x10800] =	vst v63  }
0x7b: {  	_ =	swait.ge [sflag:s15], $0x4000  }
0x7c: {  	[sflag:s15] =	ssyncset.done $0x0  }
0x7d: {  	[sflag:s15] =	ssyncadd.s32 $0xFFFFC000  }
0x7e: {  	_ =	swait.ge [sflag:s15], $0x4000  }
0x7f: {  	[sflag:s15] =	ssyncset.done $0x0  }
0x80: {  	s25 =	sadd.s32 $0x2800, s18;
	[sflag:s15] =	ssyncadd.s32 $0xFFFFC000  }
0x81: {  	[hbm4b:s25+s2] =	stream.linear.scatter [tilespmem:s12], [sflag:$0x3], $0x4000, $0x38;
	[tilespmem:$0x10800] =	vst v63  }
0x82: {  	_ =	swait.ge [sflag:s7], $0x4000  }
0x83: {  	[sflag:s7] =	ssyncset.done $0x0  }
0x84: {  	s26 =	sadd.s32 $0x2800, s19;
	[sflag:s7] =	ssyncadd.s32 $0xFFFFC000  }
0x85: {  	[hbm4b:s26+s2] =	stream.linear.scatter [tilespmem:s13], [sflag:$0x3], $0x4000, $0x38;
	[tilespmem:$0x10800] =	vst v63  }
0x86: {  	_ =	swait.ge [sflag:s7], $0x4000  }
0x87: {  	[sflag:s7] =	ssyncset.done $0x0  }
0x88: {  	s28 =	rddreg [dreg:$0xf];
	[sflag:s7] =	ssyncadd.s32 $0xFFFFC000  }
0x89: {  	[tilespmem:s12], [sflag:$0x2] =	stream.indirect.gather [hbm4b:s3+s9], $0x80, s28, s9, $0xb8;
	[tilespmem:$0x10800] =	vst v63  }
0x8a: {  	_ = 	snop  }
0x8b: {  	[tilespmem:s13], [sflag:$0x2] =	stream.indirect.gather [hbm4b:s3+s9], $0x80, s16, s9, $0xb8;
	[tilespmem:$0x10800] =	vst v63  }
0x8c: {  	_ =	swait.ge [sflag:s14], $0x4000  }
0x8d: {  	[sflag:s14] =	ssyncset.done $0x0  }
0x8e: {  	[sflag:s14] =	ssyncadd.s32 $0xFFFFC000  }
0x8f: {  	_ =	swait.ge [sflag:s14], $0x4000  }
0x90: {  	[sflag:s14] =	ssyncset.done $0x0  }
0x91: {  	s29 =	sadd.s32 $0x3000, s18;
	[sflag:s14] =	ssyncadd.s32 $0xFFFFC000  }
0x92: {  	[hbm4b:s29+s2] =	stream.linear.scatter [tilespmem:s10], [sflag:$0x3], $0x4000, $0x38;
	[tilespmem:$0x10800] =	vst v63  }
0x93: {  	_ =	swait.ge [sflag:s7], $0x4000  }
0x94: {  	[sflag:s7] =	ssyncset.done $0x0  }
0x95: {  	s30 =	sadd.s32 $0x3000, s19;
	[sflag:s7] =	ssyncadd.s32 $0xFFFFC000  }
0x96: {  	[hbm4b:s30+s2] =	stream.linear.scatter [tilespmem:s11], [sflag:$0x3], $0x4000, $0x38;
	[tilespmem:$0x10800] =	vst v63  }
0x97: {  	_ =	swait.ge [sflag:s7], $0x4000  }
0x98: {  	[sflag:s7] =	ssyncset.done $0x0  }
0x99: {  	[sflag:s7] =	ssyncadd.s32 $0xFFFFC000  }
0x9a: {  	_ =	swait.ge [sflag:s15], $0x4000  }
0x9b: {  	[sflag:s15] =	ssyncset.done $0x0  }
0x9c: {  	[sflag:s15] =	ssyncadd.s32 $0xFFFFC000  }
0x9d: {  	_ =	swait.ge [sflag:s15], $0x4000  }
0x9e: {  	[sflag:s15] =	ssyncset.done $0x0  }
0x9f: {  	s18 =	sadd.s32 $0x3800, s18;
	[sflag:s15] =	ssyncadd.s32 $0xFFFFC000  }
0xa0: {  	[hbm4b:s18+s2] =	stream.linear.scatter [tilespmem:s12], [sflag:$0x3], $0x4000, $0x38;
	[tilespmem:$0x10800] =	vst v63  }
0xa1: {  	_ =	swait.ge [sflag:s7], $0x4000  }
0xa2: {  	[sflag:s7] =	ssyncset.done $0x0  }
0xa3: {  	s31 =	sadd.s32 $0x3800, s19;
	[sflag:s7] =	ssyncadd.s32 $0xFFFFC000  }
0xa4: {  	[hbm4b:s31+s2] =	stream.linear.scatter [tilespmem:s13], [sflag:$0x3], $0x4000, $0x38;
	[tilespmem:$0x10800] =	vst v63  }
0xa5: {  	s20 =	smov.u32 s6;
	_ =	swait.ge [sflag:s7], $0x4000  }
0xa6: {  	s19 =	smov.u32 s5;
	s18 =	simm.s32 $0x4000;
	[sflag:s7] =	ssyncset.done $0x0  }
.LBB2_2:
0xa7: {  	[sflag:s7] =	ssyncadd.s32 $0xFFFFC000;
	s19 =	sadd.s32 $0x80, s19  }
0xa8: {  	[tilespmem:s2], [sflag:$0x3] =	stream.linear.gather [hbm4b:s19+s2], $0x400, $0x38;
	[tilespmem:$0x10800] =	vst v63  }
0xa9: {  	_ =	swait.ge [sflag:s7], $0x400  }
0xaa: {  	[sflag:s7] =	ssyncset.done $0x0  }
0xab: {  	s20 =	sadd.s32 $0x80, s20;
	[sflag:s7] =	ssyncadd.s32 $0xFFFFFC00  }
0xac: {  	[tilespmem:s8], [sflag:$0x3] =	stream.linear.gather [hbm4b:s20+s2], $0x400, $0x38;
	[tilespmem:$0x10800] =	vst v63  }
0xad: {  	_ =	swait.ge [sflag:s7], $0x400  }
0xae: {  	[sflag:s7] =	ssyncset.done $0x0  }
0xaf: {  	[sflag:s7] =	ssyncadd.s32 $0xFFFFFC00  }
0xb0: {  	[tilespmem:s10], [sflag:$0x1] =	stream.indirect.gather [hbm4b:s3+s9], $0x80, s2, s9, $0xb8;
	[tilespmem:$0x10800] =	vst v63  }
0xb1: {  	_ = 	snop  }
0xb2: {  	[tilespmem:s11], [sflag:$0x1] =	stream.indirect.gather [hbm4b:s3+s9], $0x80, s8, s9, $0xb8;
	[tilespmem:$0x10800] =	vst v63  }
0xb3: {  	_ = 	snop  }
0xb4: {  	[tilespmem:s12], [sflag:$0x2] =	stream.indirect.gather [hbm4b:s3+s9], $0x80, s9, s9, $0xb8;
	[tilespmem:$0x10800] =	vst v63  }
0xb5: {  	s21 =	rddreg [dreg:$0x4]  }
0xb6: {  	[tilespmem:s13], [sflag:$0x2] =	stream.indirect.gather [hbm4b:s3+s9], $0x80, s21, s9, $0xb8;
	[tilespmem:$0x10800] =	vst v63  }
0xb7: {  	_ =	swait.ge [sflag:s14], $0x4000  }
0xb8: {  	[sflag:s14] =	ssyncset.done $0x0  }
0xb9: {  	[sflag:s14] =	ssyncadd.s32 $0xFFFFC000  }
0xba: {  	_ =	swait.ge [sflag:s14], $0x4000  }
0xbb: {  	s22 =	smov.u32 s18;
	s28 =	rddreg [dreg:$0x3];
	[sflag:s14] =	ssyncset.done $0x0  }
0xbc: {  	[sflag:s14] =	ssyncadd.s32 $0xFFFFC000;
	s21 =	sadd.s32 s22, s28  }
0xbd: {  	[hbm4b:s21+s2] =	stream.linear.scatter [tilespmem:s10], [sflag:$0x3], $0x4000, $0x38;
	[tilespmem:$0x10800] =	vst v63  }
0xbe: {  	_ =	swait.ge [sflag:s7], $0x4000  }
0xbf: {  	s23 =	rddreg [dreg:$0x2];
	[sflag:s7] =	ssyncset.done $0x0  }
0xc0: {  	[sflag:s7] =	ssyncadd.s32 $0xFFFFC000;
	s22 =	sadd.s32 s22, s23  }
0xc1: {  	[hbm4b:s22+s2] =	stream.linear.scatter [tilespmem:s11], [sflag:$0x3], $0x4000, $0x38;
	[tilespmem:$0x10800] =	vst v63  }
0xc2: {  	_ =	swait.ge [sflag:s7], $0x4000  }
0xc3: {  	[sflag:s7] =	ssyncset.done $0x0  }
0xc4: {  	s29 =	rddreg [dreg:$0x5];
	[sflag:s7] =	ssyncadd.s32 $0xFFFFC000  }
0xc5: {  	[tilespmem:s10], [sflag:$0x1] =	stream.indirect.gather [hbm4b:s3+s9], $0x80, s29, s9, $0xb8;
	[tilespmem:$0x10800] =	vst v63  }
0xc6: {  	s24 =	rddreg [dreg:$0x6]  }
0xc7: {  	[tilespmem:s11], [sflag:$0x1] =	stream.indirect.gather [hbm4b:s3+s9], $0x80, s24, s9, $0xb8;
	[tilespmem:$0x10800] =	vst v63  }
0xc8: {  	_ =	swait.ge [sflag:s15], $0x4000  }
0xc9: {  	[sflag:s15] =	ssyncset.done $0x0  }
0xca: {  	[sflag:s15] =	ssyncadd.s32 $0xFFFFC000  }
0xcb: {  	_ =	swait.ge [sflag:s15], $0x4000  }
0xcc: {  	[sflag:s15] =	ssyncset.done $0x0  }
0xcd: {  	s30 =	sadd.s32 $0x800, s21;
	[sflag:s15] =	ssyncadd.s32 $0xFFFFC000  }
0xce: {  	[hbm4b:s30+s2] =	stream.linear.scatter [tilespmem:s12], [sflag:$0x3], $0x4000, $0x38;
	[tilespmem:$0x10800] =	vst v63  }
0xcf: {  	_ =	swait.ge [sflag:s7], $0x4000  }
0xd0: {  	[sflag:s7] =	ssyncset.done $0x0  }
0xd1: {  	s31 =	sadd.s32 $0x800, s22;
	[sflag:s7] =	ssyncadd.s32 $0xFFFFC000  }
0xd2: {  	[hbm4b:s31+s2] =	stream.linear.scatter [tilespmem:s13], [sflag:$0x3], $0x4000, $0x38;
	[tilespmem:$0x10800] =	vst v63  }
0xd3: {  	_ =	swait.ge [sflag:s7], $0x4000  }
0xd4: {  	[sflag:s7] =	ssyncset.done $0x0  }
0xd5: {  	s24 =	rddreg [dreg:$0x7];
	[sflag:s7] =	ssyncadd.s32 $0xFFFFC000  }
0xd6: {  	[tilespmem:s12], [sflag:$0x2] =	stream.indirect.gather [hbm4b:s3+s9], $0x80, s24, s9, $0xb8;
	[tilespmem:$0x10800] =	vst v63  }
0xd7: {  	s25 =	rddreg [dreg:$0x8]  }
0xd8: {  	[tilespmem:s13], [sflag:$0x2] =	stream.indirect.gather [hbm4b:s3+s9], $0x80, s25, s9, $0xb8;
	[tilespmem:$0x10800] =	vst v63  }
0xd9: {  	_ =	swait.ge [sflag:s14], $0x4000  }
0xda: {  	[sflag:s14] =	ssyncset.done $0x0  }
0xdb: {  	[sflag:s14] =	ssyncadd.s32 $0xFFFFC000  }
0xdc: {  	_ =	swait.ge [sflag:s14], $0x4000  }
0xdd: {  	[sflag:s14] =	ssyncset.done $0x0  }
0xde: {  	s26 =	sadd.s32 $0x1000, s21;
	[sflag:s14] =	ssyncadd.s32 $0xFFFFC000  }
0xdf: {  	[hbm4b:s26+s2] =	stream.linear.scatter [tilespmem:s10], [sflag:$0x3], $0x4000, $0x38;
	[tilespmem:$0x10800] =	vst v63  }
0xe0: {  	_ =	swait.ge [sflag:s7], $0x4000  }
0xe1: {  	[sflag:s7] =	ssyncset.done $0x0  }
0xe2: {  	s28 =	sadd.s32 $0x1000, s22;
	[sflag:s7] =	ssyncadd.s32 $0xFFFFC000  }
0xe3: {  	[hbm4b:s28+s2] =	stream.linear.scatter [tilespmem:s11], [sflag:$0x3], $0x4000, $0x38;
	[tilespmem:$0x10800] =	vst v63  }
0xe4: {  	_ =	swait.ge [sflag:s7], $0x4000  }
0xe5: {  	[sflag:s7] =	ssyncset.done $0x0  }
0xe6: {  	s29 =	rddreg [dreg:$0x9];
	[sflag:s7] =	ssyncadd.s32 $0xFFFFC000  }
0xe7: {  	[tilespmem:s10], [sflag:$0x1] =	stream.indirect.gather [hbm4b:s3+s9], $0x80, s29, s9, $0xb8;
	[tilespmem:$0x10800] =	vst v63  }
0xe8: {  	s30 =	rddreg [dreg:$0xa]  }
0xe9: {  	[tilespmem:s11], [sflag:$0x1] =	stream.indirect.gather [hbm4b:s3+s9], $0x80, s30, s9, $0xb8;
	[tilespmem:$0x10800] =	vst v63  }
0xea: {  	_ =	swait.ge [sflag:s15], $0x4000  }
0xeb: {  	[sflag:s15] =	ssyncset.done $0x0  }
0xec: {  	[sflag:s15] =	ssyncadd.s32 $0xFFFFC000  }
0xed: {  	_ =	swait.ge [sflag:s15], $0x4000  }
0xee: {  	[sflag:s15] =	ssyncset.done $0x0  }
0xef: {  	s31 =	sadd.s32 $0x1800, s21;
	[sflag:s15] =	ssyncadd.s32 $0xFFFFC000  }
0xf0: {  	[hbm4b:s31+s2] =	stream.linear.scatter [tilespmem:s12], [sflag:$0x3], $0x4000, $0x38;
	[tilespmem:$0x10800] =	vst v63  }
0xf1: {  	_ =	swait.ge [sflag:s7], $0x4000  }
0xf2: {  	[sflag:s7] =	ssyncset.done $0x0  }
0xf3: {  	s24 =	sadd.s32 $0x1800, s22;
	[sflag:s7] =	ssyncadd.s32 $0xFFFFC000  }
0xf4: {  	[hbm4b:s24+s2] =	stream.linear.scatter [tilespmem:s13], [sflag:$0x3], $0x4000, $0x38;
	[tilespmem:$0x10800] =	vst v63  }
0xf5: {  	_ =	swait.ge [sflag:s7], $0x4000  }
0xf6: {  	[sflag:s7] =	ssyncset.done $0x0  }
0xf7: {  	s25 =	rddreg [dreg:$0xb];
	[sflag:s7] =	ssyncadd.s32 $0xFFFFC000  }
0xf8: {  	[tilespmem:s12], [sflag:$0x2] =	stream.indirect.gather [hbm4b:s3+s9], $0x80, s25, s9, $0xb8;
	[tilespmem:$0x10800] =	vst v63  }
0xf9: {  	s26 =	rddreg [dreg:$0xc]  }
0xfa: {  	[tilespmem:s13], [sflag:$0x2] =	stream.indirect.gather [hbm4b:s3+s9], $0x80, s26, s9, $0xb8;
	[tilespmem:$0x10800] =	vst v63  }
0xfb: {  	_ =	swait.ge [sflag:s14], $0x4000  }
0xfc: {  	[sflag:s14] =	ssyncset.done $0x0  }
0xfd: {  	[sflag:s14] =	ssyncadd.s32 $0xFFFFC000  }
0xfe: {  	_ =	swait.ge [sflag:s14], $0x4000  }
0xff: {  	[sflag:s14] =	ssyncset.done $0x0  }
0x100: {  	s28 =	sadd.s32 $0x2000, s21;
	[sflag:s14] =	ssyncadd.s32 $0xFFFFC000  }
0x101: {  	[hbm4b:s28+s2] =	stream.linear.scatter [tilespmem:s10], [sflag:$0x3], $0x4000, $0x38;
	[tilespmem:$0x10800] =	vst v63  }
0x102: {  	_ =	swait.ge [sflag:s7], $0x4000  }
0x103: {  	[sflag:s7] =	ssyncset.done $0x0  }
0x104: {  	s29 =	sadd.s32 $0x2000, s22;
	[sflag:s7] =	ssyncadd.s32 $0xFFFFC000  }
0x105: {  	[hbm4b:s29+s2] =	stream.linear.scatter [tilespmem:s11], [sflag:$0x3], $0x4000, $0x38;
	[tilespmem:$0x10800] =	vst v63  }
0x106: {  	_ =	swait.ge [sflag:s7], $0x4000  }
0x107: {  	[sflag:s7] =	ssyncset.done $0x0  }
0x108: {  	s30 =	rddreg [dreg:$0xd];
	[sflag:s7] =	ssyncadd.s32 $0xFFFFC000  }
0x109: {  	[tilespmem:s10], [sflag:$0x1] =	stream.indirect.gather [hbm4b:s3+s9], $0x80, s30, s9, $0xb8;
	[tilespmem:$0x10800] =	vst v63  }
0x10a: {  	s31 =	rddreg [dreg:$0xe]  }
0x10b: {  	[tilespmem:s11], [sflag:$0x1] =	stream.indirect.gather [hbm4b:s3+s9], $0x80, s31, s9, $0xb8;
	[tilespmem:$0x10800] =	vst v63  }
0x10c: {  	_ =	swait.ge [sflag:s15], $0x4000  }
0x10d: {  	[sflag:s15] =	ssyncset.done $0x0  }
0x10e: {  	[sflag:s15] =	ssyncadd.s32 $0xFFFFC000  }
0x10f: {  	_ =	swait.ge [sflag:s15], $0x4000  }
0x110: {  	[sflag:s15] =	ssyncset.done $0x0  }
0x111: {  	s25 =	sadd.s32 $0x2800, s21;
	[sflag:s15] =	ssyncadd.s32 $0xFFFFC000  }
0x112: {  	[hbm4b:s25+s2] =	stream.linear.scatter [tilespmem:s12], [sflag:$0x3], $0x4000, $0x38;
	[tilespmem:$0x10800] =	vst v63  }
0x113: {  	_ =	swait.ge [sflag:s7], $0x4000  }
0x114: {  	[sflag:s7] =	ssyncset.done $0x0  }
0x115: {  	s26 =	sadd.s32 $0x2800, s22;
	[sflag:s7] =	ssyncadd.s32 $0xFFFFC000  }
0x116: {  	[hbm4b:s26+s2] =	stream.linear.scatter [tilespmem:s13], [sflag:$0x3], $0x4000, $0x38;
	[tilespmem:$0x10800] =	vst v63  }
0x117: {  	_ =	swait.ge [sflag:s7], $0x4000  }
0x118: {  	[sflag:s7] =	ssyncset.done $0x0  }
0x119: {  	s28 =	rddreg [dreg:$0xf];
	[sflag:s7] =	ssyncadd.s32 $0xFFFFC000  }
0x11a: {  	[tilespmem:s12], [sflag:$0x2] =	stream.indirect.gather [hbm4b:s3+s9], $0x80, s28, s9, $0xb8;
	[tilespmem:$0x10800] =	vst v63  }
0x11b: {  	_ = 	snop  }
0x11c: {  	[tilespmem:s13], [sflag:$0x2] =	stream.indirect.gather [hbm4b:s3+s9], $0x80, s16, s9, $0xb8;
	[tilespmem:$0x10800] =	vst v63  }
0x11d: {  	_ =	swait.ge [sflag:s14], $0x4000  }
0x11e: {  	[sflag:s14] =	ssyncset.done $0x0  }
0x11f: {  	[sflag:s14] =	ssyncadd.s32 $0xFFFFC000  }
0x120: {  	_ =	swait.ge [sflag:s14], $0x4000  }
0x121: {  	[sflag:s14] =	ssyncset.done $0x0  }
0x122: {  	s29 =	sadd.s32 $0x3000, s21;
	[sflag:s14] =	ssyncadd.s32 $0xFFFFC000  }
0x123: {  	[hbm4b:s29+s2] =	stream.linear.scatter [tilespmem:s10], [sflag:$0x3], $0x4000, $0x38;
	[tilespmem:$0x10800] =	vst v63  }
0x124: {  	_ =	swait.ge [sflag:s7], $0x4000  }
0x125: {  	[sflag:s7] =	ssyncset.done $0x0  }
0x126: {  	s30 =	sadd.s32 $0x3000, s22;
	[sflag:s7] =	ssyncadd.s32 $0xFFFFC000  }
0x127: {  	[hbm4b:s30+s2] =	stream.linear.scatter [tilespmem:s11], [sflag:$0x3], $0x4000, $0x38;
	[tilespmem:$0x10800] =	vst v63  }
0x128: {  	_ =	swait.ge [sflag:s7], $0x4000  }
0x129: {  	[sflag:s7] =	ssyncset.done $0x0  }
0x12a: {  	[sflag:s7] =	ssyncadd.s32 $0xFFFFC000  }
0x12b: {  	_ =	swait.ge [sflag:s15], $0x4000  }
0x12c: {  	[sflag:s15] =	ssyncset.done $0x0  }
0x12d: {  	[sflag:s15] =	ssyncadd.s32 $0xFFFFC000  }
0x12e: {  	_ =	swait.ge [sflag:s15], $0x4000  }
0x12f: {  	[sflag:s15] =	ssyncset.done $0x0  }
0x130: {  	s21 =	sadd.s32 $0x3800, s21;
	[sflag:s15] =	ssyncadd.s32 $0xFFFFC000  }
0x131: {  	[hbm4b:s21+s2] =	stream.linear.scatter [tilespmem:s12], [sflag:$0x3], $0x4000, $0x38;
	[tilespmem:$0x10800] =	vst v63  }
0x132: {  	p0 =	sne.s32 s18, $0x24000;
	_ =	swait.ge [sflag:s7], $0x4000  }
.Ltmp0:
0x133: {  	[sflag:s7] =	ssyncset.done $0x0;
	(pc) =	sbr.rel @p0 .LBB2_2-.Ltmp0, $4  }
0x134: {  	s31 =	sadd.s32 $0x3800, s22;
	[sflag:s7] =	ssyncadd.s32 $0xFFFFC000  }
0x135: {  	[hbm4b:s31+s2] =	stream.linear.scatter [tilespmem:s13], [sflag:$0x3], $0x4000, $0x38;
	[tilespmem:$0x10800] =	vst v63  }
0x136: {  	_ =	swait.ge [sflag:s7], $0x4000  }
0x137: {  	s18 =	sadd.s32 $0x4000, s18;
	[sflag:s7] =	ssyncset.done $0x0  }
0x138: {  	s17 =	sadd.s32 $0x1, s17  }
0x139: {  	p0 =	sne.s32 s17, s4  }
.Ltmp1:
0x13a: {  	_ = 	snop;
	(pc) =	sbr.rel @p0 .LBB2_1-.Ltmp1, $2  }
0x13b: {  	_ =	sdelay $0x2  }
0x13c: {  	[sflag:s7] =	ssyncadd.s32 $0xFFFFC000  }
0x13d: {  	_ =	sfence.sel $0x180000  }
0x13e: {  	[bflag:$0x0] =	sbarrier.arrive $0xFFFF  }
0x13f: {  	p0 =	sne.s32 s1, $0x0;
	_ =	strace $0x90000053  }
0x140: {  	s0 =	sadd.s32 @!p0 $0x100000, s0;
	[bflag:$0x2] =	sbarrier.arrive $0xFFFF  }
0x141: {  	[sflag:s0] =	ssyncadd.tile.s32 @!p0 $0x1;
	_ =	shalt  }
.Lfunc_end2:
_tile_overlayer_lowered:
.L_overlay_start_2:
0x142: {  	(tag) =	ssettag $0x2  }
0x143: {  	s0 =	rddreg [dreg:$0x0];
	s2 =	stileid.u32  }
0x144: {  	s1 =	rddreg [dreg:$0x1];
	p0 =	sne.s32 s2, $0x0  }
0x145: {  	s3 =	rddreg [dreg:$0x2];
	[bflag:$0x3] =	sbarrier.arrive $0xFFFF;
	s2 =	simm.s32 @!p0 $0x1C03  }
0x146: {  	[timem:s3], [sflag:s2] =	dma.local @!p0 [hbm:s0], s1  }
0x147: {  	s0 =	simm.s32 @!p0 $0x3  }
0x148: {  	_ =	swait.ge @!p0 [sflag:s0], s1  }
0x149: {  	s1 =	ssub.s32 @!p0 $0x0, s1;
	[sflag:s0] =	ssyncset.done @!p0 $0x0  }
0x14a: {  	[sflag:s0] =	ssyncadd.s32 @!p0 s1  }
0x14b: {  	[bflag:$0x3] =	sbarrier.arrive $0xFFFF  }
0x14c: {  	_ =	shalt  }

</sc_bundles>
